<compile_context>
chip_gen: v7x
topology: tpu7x:2x2x1
jax: 0.10.2.dev20260603
libtpu: 0.0.44.dev20260713+nightly
codegen_flags: <defaults>
</compile_context>

<pallas_src>
import functools

import jax
import jax.numpy as jnp
from jax import lax
from jax.experimental import pallas as pl
from jax.experimental.pallas import tpu as pltpu
from jax.experimental.pallas import tpu_sc as plsc

NC = 2
NS = 16
NW = NC * NS
L = 16
CHUNK = 128


def _leaky(x):
    return jnp.where(x >= 0, x, 0.01 * x)


def _rft_body(dst_feat_ref, wd_ref, bd_ref, out_ref):
    out_ref[:] = lax.dot_general(
        dst_feat_ref[:], wd_ref[:], (((1,), (1,)), ((), ())),
        preferred_element_type=jnp.float32) + bd_ref[:]


def _rft(dst_feat, Wd, bd):
    N, D = dst_feat.shape
    return pl.pallas_call(
        _rft_body,
        out_shape=jax.ShapeDtypeStruct((N, D), jnp.float32),
    )(dst_feat, Wd, bd.reshape(1, D))


GC = 256
SPW = 10


@functools.lru_cache(maxsize=None)
def _gather_kernel(e_tot, D):
    assert NW * SPW * GC == e_tot
    mesh = plsc.VectorSubcoreMesh(core_axis_name="c", subcore_axis_name="s")

    @functools.partial(
        pl.kernel, mesh=mesh,
        out_type=jax.ShapeDtypeStruct((e_tot // 2, 2 * D), jnp.int32),
        compiler_params=pltpu.CompilerParams(use_tc_tiling_on_sc=False),
        scratch_types=[
            pltpu.VMEM((SPW * GC,), jnp.int32),
            pltpu.VMEM((GC, D), jnp.int32),
            pltpu.VMEM((GC, D), jnp.int32),
            pltpu.SemaphoreType.DMA,
            pltpu.SemaphoreType.DMA,
            pltpu.SemaphoreType.DMA,
            pltpu.SemaphoreType.DMA,
        ],
    )
    def k(table_hbm, idx_hbm, out_hbm, idx_v, rows_a, rows_b, ga, gb, wa, wb):
        wid = lax.axis_index("c") * NS + lax.axis_index("s")
        first = wid * SPW * GC
        pltpu.sync_copy(idx_hbm.at[pl.ds(first, SPW * GC)], idx_v)

        bufs = (rows_a, rows_b)
        gsems = (ga, gb)
        wsems = (wa, wb)

        def gather_desc(j, b):
            return pltpu.make_async_copy(
                table_hbm.at[idx_v.at[pl.ds(j * GC, GC)]], bufs[b],
                gsems[b])

        def write_desc(j, b, half):
            return pltpu.make_async_copy(
                bufs[b].at[pl.ds(half * (GC // 2), GC // 2)],
                out_hbm.at[pl.ds((first + j * GC) // 2, GC // 2),
                           pl.ds(half * D, D)],
                wsems[b])

        gather_desc(0, 0).start()

        def body(r, carry):
            for b in (0, 1):
                j = 2 * r + b
                gather_desc(j, b).wait()

                @pl.when(j > 0)
                def _():
                    write_desc(j - 1, 1 - b, 0).wait()
                    write_desc(j - 1, 1 - b, 1).wait()

                @pl.when(j + 1 < SPW)
                def _():
                    gather_desc(j + 1, 1 - b).start()
                write_desc(j, b, 0).start()
                write_desc(j, b, 1).start()
            return carry

        lax.fori_loop(0, SPW // 2, body, 0)
        write_desc(SPW - 1, (SPW - 1) % 2, 0).wait()
        write_desc(SPW - 1, (SPW - 1) % 2, 1).wait()

    return k


def _gather(table, dst1d):
    return _gather_kernel(dst1d.shape[0], table.shape[1])(table, dst1d)


def _sc_warmup(dst2d):
    mesh = plsc.VectorSubcoreMesh(core_axis_name="c", subcore_axis_name="s")

    @functools.partial(
        pl.kernel, mesh=mesh,
        out_type=jax.ShapeDtypeStruct((8, CHUNK), jnp.int32),
        compiler_params=pltpu.CompilerParams(has_side_effects=True),
        scratch_types=[pltpu.VMEM((8, CHUNK), jnp.int32)],
    )
    def k(src_hbm, out_hbm, buf_v):
        wid = lax.axis_index("c") * NS + lax.axis_index("s")

        @pl.when(wid == 0)
        def _():
            pltpu.sync_copy(src_hbm.at[pl.ds(0, 8)], buf_v)
            pltpu.sync_copy(buf_v, out_hbm)

    return k(dst2d)


def _mlp_body(src_ref, g_ref, ws_ref, bs_ref, w1_ref, b1_ref, w2_ref, out_ref):
    gi = g_ref[:]
    parts = []
    for half in (gi[:, 0:64], gi[:, 64:128]):
        lo = lax.bitcast_convert_type(half << 16, jnp.float32)
        hi = lax.bitcast_convert_type(half & jnp.int32(-65536), jnp.float32)
        parts.append(jnp.concatenate([lo, hi], axis=1))
    gf = jnp.concatenate(parts, axis=0)
    score = lax.dot_general(
        src_ref[:], ws_ref[:], (((1,), (1,)), ((), ())),
        preferred_element_type=jnp.float32) + gf + bs_ref[:]
    h = lax.dot_general(
        _leaky(score), w1_ref[:], (((1,), (1,)), ((), ())),
        preferred_element_type=jnp.float32) + b1_ref[:]
    out_ref[:] = jnp.sum(_leaky(h) * w2_ref[:], axis=1).reshape(1, 1, -1)


def _mlp(src, g, Ws, bs, W1, b1, W2, blk0, nb):
    D = src.shape[1]
    B = 2560
    full = pl.BlockSpec((D, D), lambda i: (0, 0))
    row = pl.BlockSpec((1, D), lambda i: (0, 0))
    return pl.pallas_call(
        _mlp_body,
        grid=(nb,),
        in_specs=[
            pl.BlockSpec((B, D), lambda i: (i + blk0, 0)),
            pl.BlockSpec((B // 2, D), lambda i: (i, 0)),
            full, row, full, row, row,
        ],
        out_specs=pl.BlockSpec((1, 1, B), lambda i: (i, 0, 0)),
        out_shape=jax.ShapeDtypeStruct((nb, 1, B), jnp.float32),
    )(src, g, Ws, bs.reshape(1, D), W1, b1.reshape(1, D), W2).reshape(nb * B)


def _segsum(s2d, dst2d, npad):
    n_chunks = s2d.shape[0]
    cpc = n_chunks // NC
    cps = cpc // NS
    zslice = npad // NS
    mesh = plsc.VectorSubcoreMesh(core_axis_name="c", subcore_axis_name="s")

    @functools.partial(
        pl.kernel, mesh=mesh,
        out_type=jax.ShapeDtypeStruct((NC * npad,), jnp.float32),
        scratch_types=[
            pltpu.VMEM((cps, CHUNK), jnp.int32),
            pltpu.VMEM((cps, CHUNK), jnp.float32),
            pltpu.VMEM((zslice,), jnp.float32),
            pltpu.VMEM_SHARED((npad,), jnp.float32),
        ],
    )
    def k(s_hbm, dst_hbm, out_hbm, dst_v, ex_v, zero_v, acc):
        cid = lax.axis_index("c")
        sid = lax.axis_index("s")

        def zbody(i, carry):
            zero_v[pl.ds(i * L, L)] = jnp.zeros((L,), jnp.float32)
            return carry
        lax.fori_loop(0, zslice // L, zbody, 0)
        pltpu.sync_copy(zero_v, acc.at[pl.ds(sid * zslice, zslice)])
        plsc.subcore_barrier()

        first = cid * cpc + sid * cps
        pltpu.sync_copy(dst_hbm.at[pl.ds(first, cps)], dst_v)
        pltpu.sync_copy(s_hbm.at[pl.ds(first, cps)], ex_v)

        def ebody(i, carry):
            j = i // (CHUNK // L)
            o = (i % (CHUNK // L)) * L
            ex_v[j, pl.ds(o, L)] = jnp.exp(ex_v[j, pl.ds(o, L)])
            return carry
        lax.fori_loop(0, cps * (CHUNK // L), ebody, 0)

        def sbody(j, carry):
            pltpu.sync_copy(ex_v.at[j], acc.at[dst_v.at[j]], add=True)
            return carry
        lax.fori_loop(0, cps, sbody, 0)

        plsc.subcore_barrier()
        pltpu.sync_copy(acc.at[pl.ds(sid * zslice, zslice)], zero_v)
        pltpu.sync_copy(zero_v,
                        out_hbm.at[pl.ds(cid * npad + sid * zslice, zslice)])

    return k(s2d, dst2d)


def _normalize(s1d, dst1d, part, npad):
    e_tot = s1d.shape[0]
    epw = e_tot // NW
    mesh = plsc.VectorSubcoreMesh(core_axis_name="c", subcore_axis_name="s")

    @functools.partial(
        pl.kernel, mesh=mesh,
        out_type=jax.ShapeDtypeStruct((e_tot,), jnp.float32),
        compiler_params=pltpu.CompilerParams(needs_layout_passes=False),
        scratch_types=[
            pltpu.VMEM((epw,), jnp.int32),
            pltpu.VMEM((epw,), jnp.float32),
            pltpu.VMEM((epw,), jnp.float32),
            pltpu.VMEM((NC * npad,), jnp.float32),
            pltpu.VMEM((npad,), jnp.float32),
        ],
    )
    def k(s_hbm, dst_hbm, part_hbm, out_hbm, dst_v, s_v, att_v, p2_v, den_v):
        wid = lax.axis_index("c") * NS + lax.axis_index("s")
        first = wid * epw
        pltpu.sync_copy(dst_hbm.at[pl.ds(first, epw)], dst_v)
        pltpu.sync_copy(s_hbm.at[pl.ds(first, epw)], s_v)
        pltpu.sync_copy(part_hbm, p2_v)

        def dbody(i, carry):
            o = i * L
            den_v[pl.ds(o, L)] = p2_v[pl.ds(o, L)] + p2_v[pl.ds(npad + o, L)]
            return carry
        lax.fori_loop(0, npad // L, dbody, 0)

        def abody(i, carry):
            o = i * L
            idx = dst_v[pl.ds(o, L)]
            ex = jnp.exp(s_v[pl.ds(o, L)])
            den = plsc.load_gather(den_v, [idx])
            att_v[pl.ds(o, L)] = ex / den
            return carry
        lax.fori_loop(0, epw // L, abody, 0)

        pltpu.sync_copy(att_v, out_hbm.at[pl.ds(first, epw)])

    return k(s1d, dst1d, part)


def kernel(src_feat_with_epinions, dst_feat, edge_index, Ws, bs, Wd, bd,
           W1, b1, W2, b2):
    E, D = src_feat_with_epinions.shape
    N = dst_feat.shape[0]
    del b2
    npad = ((N + 255) // 256) * 256

    n_chunks = -(-E // (CHUNK * 8 * NW)) * 8 * NW
    e_pad = n_chunks * CHUNK - E

    dst1d = jnp.pad(edge_index[1].astype(jnp.int32), (0, e_pad))
    dst2d = dst1d.reshape(n_chunks, CHUNK)

    _sc_warmup(dst2d)

    r_ft = _rft(dst_feat, Wd, bd)
    table = jax.lax.bitcast_convert_type(
        r_ft.astype(jnp.bfloat16).reshape(N, D // 2, 2), jnp.int32)
    perm = jnp.concatenate(
        [jnp.arange(0, D, 2), jnp.arange(1, D, 2)])
    Ws_p = Ws[perm, :]
    bs_p = bs[perm]
    W1_p = W1[:, perm]

    H = 4
    B = 2560
    e_slice = (n_chunks * CHUNK) // H
    nb_total = E // B
    dst_pairs = dst1d.reshape(-1, 2, B // 256, 128).transpose(
        0, 2, 1, 3).reshape(-1)
    s_parts = []
    for h in range(H):
        g_h = _gather(table, lax.dynamic_slice(dst_pairs, (h * e_slice,),
                                               (e_slice,)))
        blk0 = h * (e_slice // B)
        nb = min(e_slice // B, nb_total - blk0)
        s_parts.append(
            _mlp(src_feat_with_epinions, g_h, Ws_p, bs_p, W1_p, b1, W2,
                 blk0, nb))
    s = jnp.concatenate(s_parts)
    s1d = jnp.pad(s, (0, e_pad), constant_values=-1e30)
    part = _segsum(s1d.reshape(n_chunks, CHUNK), dst2d, npad)
    att = _normalize(s1d, dst1d, part, npad)
    return att[:E].reshape(E, 1)

# --- scband reference (transcript-rebuilt; emitter-appended) ---
"""Pipeline reference for scband-attention-with-epinions-8392366096483 (READ-ONLY COPY).

The authoritative reference and input builder live on the scoring server;
editing this copy changes nothing except your own understanding.
"""

import jax, jax.numpy as jnp
import numpy as np

N_NODES = 10000
N_EDGES = 320000
D = 128


def leaky_relu(x, slope=0.01):
    return jnp.where(x >= 0, x, slope * x)


def setup_inputs(seed: int = 0) -> dict:
    key = jax.random.key(seed)
    ks = jax.random.split(key, 12)
    s = 1.0 / np.sqrt(D)
    src_feat_with_epinions = jax.random.normal(ks[0], (N_EDGES, D), dtype=jnp.float32)
    dst_feat = jax.random.normal(ks[1], (N_NODES, D), dtype=jnp.float32)
    edge_index = jax.random.randint(ks[2], (2, N_EDGES), 0, N_NODES, dtype=jnp.int64)
    Ws = jax.random.normal(ks[3], (D, D), dtype=jnp.float32) * s
    bs = jnp.zeros((D,), dtype=jnp.float32)
    Wd = jax.random.normal(ks[4], (D, D), dtype=jnp.float32) * s
    bd = jnp.zeros((D,), dtype=jnp.float32)
    W1 = jax.random.normal(ks[5], (D, D), dtype=jnp.float32) * s
    b1 = jnp.zeros((D,), dtype=jnp.float32)
    W2 = jax.random.normal(ks[6], (1, D), dtype=jnp.float32) * s
    b2 = jnp.zeros((1,), dtype=jnp.float32)
    return {
        'src_feat_with_epinions': src_feat_with_epinions,
        'dst_feat': dst_feat,
        'edge_index': edge_index,
        'Ws': Ws, 'bs': bs, 'Wd': Wd, 'bd': bd,
        'W1': W1, 'b1': b1, 'W2': W2, 'b2': b2,
    }


def reference(src_feat_with_epinions, dst_feat, edge_index, Ws, bs, Wd, bd, W1, b1, W2, b2):
    # dropout is identity in eval mode
    dst = edge_index[1]
    n_nodes = dst_feat.shape[0]
    # src_linear on per-edge features
    e_ft = src_feat_with_epinions @ Ws.T + bs          # (E, D)
    # dst_linear on dst node features
    r_ft = dst_feat @ Wd.T + bd                        # (N, D)
    # apply_edges: e_add_v -> edge feat + dst node feat gathered per edge
    score = e_ft + jnp.take(r_ft, dst, axis=0)         # (E, D)
    # final_mlp: LeakyReLU -> Dropout(id) -> Linear -> LeakyReLU -> Dropout(id) -> Linear(D->1)
    h = leaky_relu(score)
    h = h @ W1.T + b1
    h = leaky_relu(h)
    s = (h @ W2.T + b2).reshape(-1)                    # (E,)
    # edge_softmax over incoming edges of each dst node
    m = jax.ops.segment_max(s, dst, num_segments=n_nodes)
    ex = jnp.exp(s - jnp.take(m, dst, axis=0))
    denom = jax.ops.segment_sum(ex, dst, num_segments=n_nodes)
    att = ex / jnp.take(denom, dst, axis=0)
    return att.reshape(-1, 1)

if __name__ == "__main__":
    import jax
    _d = setup_inputs()
    print(jax.jit(kernel)(*tuple(_d.values())))

</pallas_src>

<mosaic_0001>
#map = affine_map<(d0, d1) -> (0, 0)>
#map1 = affine_map<(d0, d1) -> (0)>
module attributes {stable_mosaic.version = 14 : i64} {
  func.func @k(%arg0: i32, %arg1: i32, %arg2: memref<10000x64xi32, #tpu.memory_space<hbm>>, %arg3: memref<81920xi32, #tpu.memory_space<hbm>>, %arg4: memref<40960x128xi32, #tpu.memory_space<hbm>>, %arg5: memref<2560xi32, #tpu.memory_space<vmem>>, %arg6: memref<256x64xi32, #tpu.memory_space<vmem>>, %arg7: memref<256x64xi32, #tpu.memory_space<vmem>>, %arg8: memref<!tpu.dma_semaphore, #tpu.memory_space<semaphore_mem>>, %arg9: memref<!tpu.dma_semaphore, #tpu.memory_space<semaphore_mem>>, %arg10: memref<!tpu.dma_semaphore, #tpu.memory_space<semaphore_mem>>, %arg11: memref<!tpu.dma_semaphore, #tpu.memory_space<semaphore_mem>>) attributes {dimension_semantics = [#tpu.dimension_semantics<core_parallel>, #tpu.dimension_semantics<subcore_parallel>], iteration_bounds = array<i64: 2, 16>, scalar_prefetch = 0 : i64, scratch_operands = 7 : i64, tpu.core_type = #tpu.core_type<sc_vector_subcore>, window_params = [{transform_indices = #map}, {transform_indices = #map1}, {transform_indices = #map}]} {
    %mul3A = arith.constant 16 : i32
    %mul3A_0 = arith.muli %arg0, %mul3A : i32
    %add3A = arith.addi %mul3A_0, %arg1 : i32
    %mul3A_1 = arith.constant 10 : i32
    %mul3A_2 = arith.muli %add3A, %mul3A_1 : i32
    %mul3A_3 = arith.constant 256 : i32
    %mul3A_4 = arith.muli %mul3A_2, %mul3A_3 : i32
    "tpu.region"() ({
      %run_scoped3A = tpu.sem_alloc : memref<!tpu.dma_semaphore, #tpu.memory_space<semaphore_mem>>
      %dma_start3A_77 = tpu.memref_slice %arg3[%mul3A_4] : memref<81920xi32, #tpu.memory_space<hbm>> -> memref<2560xi32, #tpu.memory_space<hbm>>
      %dma_start3A_78 = tpu.memref_slice %arg3[%mul3A_4] : memref<81920xi32, #tpu.memory_space<hbm>> -> memref<2560xi32, #tpu.memory_space<hbm>>
      tpu.enqueue_dma source(%dma_start3A_78 : memref<2560xi32, #tpu.memory_space<hbm>>) target(%arg5 : memref<2560xi32, #tpu.memory_space<vmem>>) target_semaphore(%run_scoped3A : memref<!tpu.dma_semaphore, #tpu.memory_space<semaphore_mem>>)
      %dma_wait3A_79 = tpu.memref_slice %arg3[%mul3A_4] : memref<81920xi32, #tpu.memory_space<hbm>> -> memref<2560xi32, #tpu.memory_space<hbm>>
      %dma_wait3A_80 = tpu.memref_slice %arg3[%mul3A_4] : memref<81920xi32, #tpu.memory_space<hbm>> -> memref<2560xi32, #tpu.memory_space<hbm>>
      tpu.wait_dma2 semaphore(%run_scoped3A : memref<!tpu.dma_semaphore, #tpu.memory_space<semaphore_mem>>) src(%dma_wait3A_80 : memref<2560xi32, #tpu.memory_space<hbm>>) dst(%arg5 : memref<2560xi32, #tpu.memory_space<vmem>>)
      tpu.yield
    }) : () -> ()
    %dma_start3A = arith.constant 0 : i32
    %dma_start3A_5 = tpu.memref_slice %arg5[%dma_start3A] : memref<2560xi32, #tpu.memory_space<vmem>> -> memref<256xi32, #tpu.memory_space<vmem>>
    %dma_start3A_6 = arith.constant 0 : i32
    %dma_start3A_7 = arith.constant 0 : i32
    %dma_start3A_8 = tpu.memref_slice %arg2[%dma_start3A_6, %dma_start3A_7] : memref<10000x64xi32, #tpu.memory_space<hbm>> -> memref<10000x64xi32, #tpu.memory_space<hbm>>
    tpu.enqueue_indirect_dma source(%dma_start3A_8 : memref<10000x64xi32, #tpu.memory_space<hbm>>) target(%arg6 : memref<256x64xi32, #tpu.memory_space<vmem>>) offsets(%dma_start3A_5 : memref<256xi32, #tpu.memory_space<vmem>>) semaphore(%arg8 : memref<!tpu.dma_semaphore, #tpu.memory_space<semaphore_mem>>)
    %scan3A = arith.constant 0 : i32
    %scan3A_9 = arith.constant 0 : i32
    %scan3A_10 = arith.constant 5 : i32
    %scan3A_11 = arith.addi %scan3A_9, %scan3A_10 : i32
    %scan3A_12 = arith.constant 1 : i32
    scf.for %scan3A_77 = %scan3A_9 to %scan3A_11 step %scan3A_12  : i32 {
      %mul3A_78 = arith.constant 2 : i32
      %mul3A_79 = arith.muli %mul3A_78, %scan3A_77 : i32
      %add3A_80 = arith.constant 0 : i32
      %add3A_81 = arith.addi %mul3A_79, %add3A_80 : i32
      %mul3A_82 = arith.constant 256 : i32
      %mul3A_83 = arith.muli %add3A_81, %mul3A_82 : i32
      %dma_wait3A_84 = tpu.memref_slice %arg5[%mul3A_83] : memref<2560xi32, #tpu.memory_space<vmem>> -> memref<256xi32, #tpu.memory_space<vmem>>
      %dma_wait3A_85 = arith.constant 0 : i32
      %dma_wait3A_86 = arith.constant 0 : i32
      %dma_wait3A_87 = tpu.memref_slice %arg2[%dma_wait3A_85, %dma_wait3A_86] : memref<10000x64xi32, #tpu.memory_space<hbm>> -> memref<10000x64xi32, #tpu.memory_space<hbm>>
      tpu.wait_indirect_dma semaphore(%arg8 : memref<!tpu.dma_semaphore, #tpu.memory_space<semaphore_mem>>) src(%dma_wait3A_87 : memref<10000x64xi32, #tpu.memory_space<hbm>>) dst(%arg6 : memref<256x64xi32, #tpu.memory_space<vmem>>)
      %gt3A = arith.constant 0 : i32
      %gt3A_88 = arith.cmpi sgt, %add3A_81, %gt3A : i32
      %convert_element_type3A = arith.extui %gt3A_88 : i1 to i32
      %cond3A = arith.constant 0 : i32
      %cond3A_89 = arith.cmpi ne, %convert_element_type3A, %cond3A : i32
      scf.if %cond3A_89 {
        %sub3A_266 = arith.constant 1 : i32
        %sub3A_267 = arith.subi %add3A_81, %sub3A_266 : i32
        %mul3A_268 = arith.constant 256 : i32
        %mul3A_269 = arith.muli %sub3A_267, %mul3A_268 : i32
        %add3A_270 = arith.addi %mul3A_4, %mul3A_269 : i32
        %jit3A_271 = arith.constant 2 : i32
        %div3A_272 = arith.divsi %add3A_270, %jit3A_271 : i32
        %sign3A_273 = arith.constant 0 : i32
        %sign3A_274 = arith.cmpi sgt, %add3A_270, %sign3A_273 : i32
        %sign3A_275 = arith.extui %sign3A_274 : i1 to i32
        %sign3A_276 = arith.constant 0 : i32
        %sign3A_277 = arith.cmpi slt, %add3A_270, %sign3A_276 : i32
        %sign3A_278 = arith.extui %sign3A_277 : i1 to i32
        %sign3A_279 = arith.subi %sign3A_275, %sign3A_278 : i32
        %sign3A_280 = arith.constant 0 : i32
        %sign3A_281 = arith.cmpi sgt, %jit3A_271, %sign3A_280 : i32
        %sign3A_282 = arith.extui %sign3A_281 : i1 to i32
        %sign3A_283 = arith.constant 0 : i32
        %sign3A_284 = arith.cmpi slt, %jit3A_271, %sign3A_283 : i32
        %sign3A_285 = arith.extui %sign3A_284 : i1 to i32
        %sign3A_286 = arith.subi %sign3A_282, %sign3A_285 : i32
        %ne3A_287 = arith.cmpi ne, %sign3A_279, %sign3A_286 : i32
        %rem3A_288 = arith.remsi %add3A_270, %jit3A_271 : i32
        %ne3A_289 = arith.constant 0 : i32
        %ne3A_290 = arith.cmpi ne, %rem3A_288, %ne3A_289 : i32
        %and3A_291 = arith.andi %ne3A_287, %ne3A_290 : i1
        %sub3A_292 = arith.constant 1 : i32
        %sub3A_293 = arith.subi %div3A_272, %sub3A_292 : i32
        %select_n3A_294 = arith.select %and3A_291, %sub3A_293, %div3A_272 : i32
        %dma_wait3A_295 = arith.constant 0 : i32
        %dma_wait3A_296 = arith.constant 0 : i32
        %dma_wait3A_297 = tpu.memref_slice %arg7[%dma_wait3A_295, %dma_wait3A_296] : memref<256x64xi32, #tpu.memory_space<vmem>> -> memref<128x64xi32, #tpu.memory_space<vmem>>
        %dma_wait3A_298 = arith.constant 0 : i32
        %dma_wait3A_299 = tpu.memref_slice %arg4[%select_n3A_294, %dma_wait3A_298] : memref<40960x128xi32, #tpu.memory_space<hbm>> -> memref<128x64xi32, #tpu.memory_space<hbm>>
        %dma_wait3A_300 = arith.constant 0 : i32
        %dma_wait3A_301 = tpu.memref_slice %arg4[%select_n3A_294, %dma_wait3A_300] : memref<40960x128xi32, #tpu.memory_space<hbm>> -> memref<128x64xi32, #tpu.memory_space<hbm>>
        %dma_wait3A_302 = arith.constant 0 : i32
        %dma_wait3A_303 = arith.constant 0 : i32
        %dma_wait3A_304 = tpu.memref_slice %arg7[%dma_wait3A_302, %dma_wait3A_303] : memref<256x64xi32, #tpu.memory_space<vmem>> -> memref<128x64xi32, #tpu.memory_space<vmem>>
        tpu.wait_dma2 semaphore(%arg11 : memref<!tpu.dma_semaphore, #tpu.memory_space<semaphore_mem>>) src(%dma_wait3A_304 : memref<128x64xi32, #tpu.memory_space<vmem>>) dst(%dma_wait3A_301 : memref<128x64xi32, #tpu.memory_space<hbm>>)
        %sub3A_305 = arith.constant 1 : i32
        %sub3A_306 = arith.subi %add3A_81, %sub3A_305 : i32
        %mul3A_307 = arith.constant 256 : i32
        %mul3A_308 = arith.muli %sub3A_306, %mul3A_307 : i32
        %add3A_309 = arith.addi %mul3A_4, %mul3A_308 : i32
        %jit3A_310 = arith.constant 2 : i32
        %div3A_311 = arith.divsi %add3A_309, %jit3A_310 : i32
        %sign3A_312 = arith.constant 0 : i32
        %sign3A_313 = arith.cmpi sgt, %add3A_309, %sign3A_312 : i32
        %sign3A_314 = arith.extui %sign3A_313 : i1 to i32
        %sign3A_315 = arith.constant 0 : i32
        %sign3A_316 = arith.cmpi slt, %add3A_309, %sign3A_315 : i32
        %sign3A_317 = arith.extui %sign3A_316 : i1 to i32
        %sign3A_318 = arith.subi %sign3A_314, %sign3A_317 : i32
        %sign3A_319 = arith.constant 0 : i32
        %sign3A_320 = arith.cmpi sgt, %jit3A_310, %sign3A_319 : i32
        %sign3A_321 = arith.extui %sign3A_320 : i1 to i32
        %sign3A_322 = arith.constant 0 : i32
        %sign3A_323 = arith.cmpi slt, %jit3A_310, %sign3A_322 : i32
        %sign3A_324 = arith.extui %sign3A_323 : i1 to i32
        %sign3A_325 = arith.subi %sign3A_321, %sign3A_324 : i32
        %ne3A_326 = arith.cmpi ne, %sign3A_318, %sign3A_325 : i32
        %rem3A_327 = arith.remsi %add3A_309, %jit3A_310 : i32
        %ne3A_328 = arith.constant 0 : i32
        %ne3A_329 = arith.cmpi ne, %rem3A_327, %ne3A_328 : i32
        %and3A_330 = arith.andi %ne3A_326, %ne3A_329 : i1
        %sub3A_331 = arith.constant 1 : i32
        %sub3A_332 = arith.subi %div3A_311, %sub3A_331 : i32
        %select_n3A_333 = arith.select %and3A_330, %sub3A_332, %div3A_311 : i32
        %dma_wait3A_334 = arith.constant 128 : i32
        %dma_wait3A_335 = arith.constant 0 : i32
        %dma_wait3A_336 = tpu.memref_slice %arg7[%dma_wait3A_334, %dma_wait3A_335] : memref<256x64xi32, #tpu.memory_space<vmem>> -> memref<128x64xi32, #tpu.memory_space<vmem>>
        %dma_wait3A_337 = arith.constant 64 : i32
        %dma_wait3A_338 = tpu.memref_slice %arg4[%select_n3A_333, %dma_wait3A_337] : memref<40960x128xi32, #tpu.memory_space<hbm>> -> memref<128x64xi32, #tpu.memory_space<hbm>>
        %dma_wait3A_339 = arith.constant 64 : i32
        %dma_wait3A_340 = tpu.memref_slice %arg4[%select_n3A_333, %dma_wait3A_339] : memref<40960x128xi32, #tpu.memory_space<hbm>> -> memref<128x64xi32, #tpu.memory_space<hbm>>
        %dma_wait3A_341 = arith.constant 128 : i32
        %dma_wait3A_342 = arith.constant 0 : i32
        %dma_wait3A_343 = tpu.memref_slice %arg7[%dma_wait3A_341, %dma_wait3A_342] : memref<256x64xi32, #tpu.memory_space<vmem>> -> memref<128x64xi32, #tpu.memory_space<vmem>>
        tpu.wait_dma2 semaphore(%arg11 : memref<!tpu.dma_semaphore, #tpu.memory_space<semaphore_mem>>) src(%dma_wait3A_343 : memref<128x64xi32, #tpu.memory_space<vmem>>) dst(%dma_wait3A_340 : memref<128x64xi32, #tpu.memory_space<hbm>>)
      } else {
      }
      %add3A_90 = arith.constant 1 : i32
      %add3A_91 = arith.addi %add3A_81, %add3A_90 : i32
      %lt3A = arith.constant 10 : i32
      %lt3A_92 = arith.cmpi slt, %add3A_91, %lt3A : i32
      %convert_element_type3A_93 = arith.extui %lt3A_92 : i1 to i32
      %cond3A_94 = arith.constant 0 : i32
      %cond3A_95 = arith.cmpi ne, %convert_element_type3A_93, %cond3A_94 : i32
      scf.if %cond3A_95 {
        %add3A_266 = arith.constant 1 : i32
        %add3A_267 = arith.addi %add3A_81, %add3A_266 : i32
        %mul3A_268 = arith.constant 256 : i32
        %mul3A_269 = arith.muli %add3A_267, %mul3A_268 : i32
        %dma_start3A_270 = tpu.memref_slice %arg5[%mul3A_269] : memref<2560xi32, #tpu.memory_space<vmem>> -> memref<256xi32, #tpu.memory_space<vmem>>
        %dma_start3A_271 = arith.constant 0 : i32
        %dma_start3A_272 = arith.constant 0 : i32
        %dma_start3A_273 = tpu.memref_slice %arg2[%dma_start3A_271, %dma_start3A_272] : memref<10000x64xi32, #tpu.memory_space<hbm>> -> memref<10000x64xi32, #tpu.memory_space<hbm>>
        tpu.enqueue_indirect_dma source(%dma_start3A_273 : memref<10000x64xi32, #tpu.memory_space<hbm>>) target(%arg7 : memref<256x64xi32, #tpu.memory_space<vmem>>) offsets(%dma_start3A_270 : memref<256xi32, #tpu.memory_space<vmem>>) semaphore(%arg9 : memref<!tpu.dma_semaphore, #tpu.memory_space<semaphore_mem>>)
      } else {
      }
      %mul3A_96 = arith.constant 256 : i32
      %mul3A_97 = arith.muli %add3A_81, %mul3A_96 : i32
      %add3A_98 = arith.addi %mul3A_4, %mul3A_97 : i32
      %jit3A_99 = arith.constant 2 : i32
      %div3A_100 = arith.divsi %add3A_98, %jit3A_99 : i32
      %sign3A_101 = arith.constant 0 : i32
      %sign3A_102 = arith.cmpi sgt, %add3A_98, %sign3A_101 : i32
      %sign3A_103 = arith.extui %sign3A_102 : i1 to i32
      %sign3A_104 = arith.constant 0 : i32
      %sign3A_105 = arith.cmpi slt, %add3A_98, %sign3A_104 : i32
      %sign3A_106 = arith.extui %sign3A_105 : i1 to i32
      %sign3A_107 = arith.subi %sign3A_103, %sign3A_106 : i32
      %sign3A_108 = arith.constant 0 : i32
      %sign3A_109 = arith.cmpi sgt, %jit3A_99, %sign3A_108 : i32
      %sign3A_110 = arith.extui %sign3A_109 : i1 to i32
      %sign3A_111 = arith.constant 0 : i32
      %sign3A_112 = arith.cmpi slt, %jit3A_99, %sign3A_111 : i32
      %sign3A_113 = arith.extui %sign3A_112 : i1 to i32
      %sign3A_114 = arith.subi %sign3A_110, %sign3A_113 : i32
      %ne3A_115 = arith.cmpi ne, %sign3A_107, %sign3A_114 : i32
      %rem3A_116 = arith.remsi %add3A_98, %jit3A_99 : i32
      %ne3A_117 = arith.constant 0 : i32
      %ne3A_118 = arith.cmpi ne, %rem3A_116, %ne3A_117 : i32
      %and3A_119 = arith.andi %ne3A_115, %ne3A_118 : i1
      %sub3A_120 = arith.constant 1 : i32
      %sub3A_121 = arith.subi %div3A_100, %sub3A_120 : i32
      %select_n3A_122 = arith.select %and3A_119, %sub3A_121, %div3A_100 : i32
      %dma_start3A_123 = arith.constant 0 : i32
      %dma_start3A_124 = arith.constant 0 : i32
      %dma_start3A_125 = tpu.memref_slice %arg6[%dma_start3A_123, %dma_start3A_124] : memref<256x64xi32, #tpu.memory_space<vmem>> -> memref<128x64xi32, #tpu.memory_space<vmem>>
      %dma_start3A_126 = arith.constant 0 : i32
      %dma_start3A_127 = tpu.memref_slice %arg4[%select_n3A_122, %dma_start3A_126] : memref<40960x128xi32, #tpu.memory_space<hbm>> -> memref<128x64xi32, #tpu.memory_space<hbm>>
      %dma_start3A_128 = arith.constant 0 : i32
      %dma_start3A_129 = tpu.memref_slice %arg4[%select_n3A_122, %dma_start3A_128] : memref<40960x128xi32, #tpu.memory_space<hbm>> -> memref<128x64xi32, #tpu.memory_space<hbm>>
      %dma_start3A_130 = arith.constant 0 : i32
      %dma_start3A_131 = arith.constant 0 : i32
      %dma_start3A_132 = tpu.memref_slice %arg6[%dma_start3A_130, %dma_start3A_131] : memref<256x64xi32, #tpu.memory_space<vmem>> -> memref<128x64xi32, #tpu.memory_space<vmem>>
      tpu.enqueue_dma source(%dma_start3A_132 : memref<128x64xi32, #tpu.memory_space<vmem>>) target(%dma_start3A_129 : memref<128x64xi32, #tpu.memory_space<hbm>>) target_semaphore(%arg10 : memref<!tpu.dma_semaphore, #tpu.memory_space<semaphore_mem>>)
      %mul3A_133 = arith.constant 256 : i32
      %mul3A_134 = arith.muli %add3A_81, %mul3A_133 : i32
      %add3A_135 = arith.addi %mul3A_4, %mul3A_134 : i32
      %jit3A_136 = arith.constant 2 : i32
      %div3A_137 = arith.divsi %add3A_135, %jit3A_136 : i32
      %sign3A_138 = arith.constant 0 : i32
      %sign3A_139 = arith.cmpi sgt, %add3A_135, %sign3A_138 : i32
      %sign3A_140 = arith.extui %sign3A_139 : i1 to i32
      %sign3A_141 = arith.constant 0 : i32
      %sign3A_142 = arith.cmpi slt, %add3A_135, %sign3A_141 : i32
      %sign3A_143 = arith.extui %sign3A_142 : i1 to i32
      %sign3A_144 = arith.subi %sign3A_140, %sign3A_143 : i32
      %sign3A_145 = arith.constant 0 : i32
      %sign3A_146 = arith.cmpi sgt, %jit3A_136, %sign3A_145 : i32
      %sign3A_147 = arith.extui %sign3A_146 : i1 to i32
      %sign3A_148 = arith.constant 0 : i32
      %sign3A_149 = arith.cmpi slt, %jit3A_136, %sign3A_148 : i32
      %sign3A_150 = arith.extui %sign3A_149 : i1 to i32
      %sign3A_151 = arith.subi %sign3A_147, %sign3A_150 : i32
      %ne3A_152 = arith.cmpi ne, %sign3A_144, %sign3A_151 : i32
      %rem3A_153 = arith.remsi %add3A_135, %jit3A_136 : i32
      %ne3A_154 = arith.constant 0 : i32
      %ne3A_155 = arith.cmpi ne, %rem3A_153, %ne3A_154 : i32
      %and3A_156 = arith.andi %ne3A_152, %ne3A_155 : i1
      %sub3A_157 = arith.constant 1 : i32
      %sub3A_158 = arith.subi %div3A_137, %sub3A_157 : i32
      %select_n3A_159 = arith.select %and3A_156, %sub3A_158, %div3A_137 : i32
      %dma_start3A_160 = arith.constant 128 : i32
      %dma_start3A_161 = arith.constant 0 : i32
      %dma_start3A_162 = tpu.memref_slice %arg6[%dma_start3A_160, %dma_start3A_161] : memref<256x64xi32, #tpu.memory_space<vmem>> -> memref<128x64xi32, #tpu.memory_space<vmem>>
      %dma_start3A_163 = arith.constant 64 : i32
      %dma_start3A_164 = tpu.memref_slice %arg4[%select_n3A_159, %dma_start3A_163] : memref<40960x128xi32, #tpu.memory_space<hbm>> -> memref<128x64xi32, #tpu.memory_space<hbm>>
      %dma_start3A_165 = arith.constant 64 : i32
      %dma_start3A_166 = tpu.memref_slice %arg4[%select_n3A_159, %dma_start3A_165] : memref<40960x128xi32, #tpu.memory_space<hbm>> -> memref<128x64xi32, #tpu.memory_space<hbm>>
      %dma_start3A_167 = arith.constant 128 : i32
      %dma_start3A_168 = arith.constant 0 : i32
      %dma_start3A_169 = tpu.memref_slice %arg6[%dma_start3A_167, %dma_start3A_168] : memref<256x64xi32, #tpu.memory_space<vmem>> -> memref<128x64xi32, #tpu.memory_space<vmem>>
      tpu.enqueue_dma source(%dma_start3A_169 : memref<128x64xi32, #tpu.memory_space<vmem>>) target(%dma_start3A_166 : memref<128x64xi32, #tpu.memory_space<hbm>>) target_semaphore(%arg10 : memref<!tpu.dma_semaphore, #tpu.memory_space<semaphore_mem>>)
      %mul3A_170 = arith.constant 2 : i32
      %mul3A_171 = arith.muli %mul3A_170, %scan3A_77 : i32
      %add3A_172 = arith.constant 1 : i32
      %add3A_173 = arith.addi %mul3A_171, %add3A_172 : i32
      %mul3A_174 = arith.constant 256 : i32
      %mul3A_175 = arith.muli %add3A_173, %mul3A_174 : i32
      %dma_wait3A_176 = tpu.memref_slice %arg5[%mul3A_175] : memref<2560xi32, #tpu.memory_space<vmem>> -> memref<256xi32, #tpu.memory_space<vmem>>
      %dma_wait3A_177 = arith.constant 0 : i32
      %dma_wait3A_178 = arith.constant 0 : i32
      %dma_wait3A_179 = tpu.memref_slice %arg2[%dma_wait3A_177, %dma_wait3A_178] : memref<10000x64xi32, #tpu.memory_space<hbm>> -> memref<10000x64xi32, #tpu.memory_space<hbm>>
      tpu.wait_indirect_dma semaphore(%arg9 : memref<!tpu.dma_semaphore, #tpu.memory_space<semaphore_mem>>) src(%dma_wait3A_179 : memref<10000x64xi32, #tpu.memory_space<hbm>>) dst(%arg7 : memref<256x64xi32, #tpu.memory_space<vmem>>)
      %gt3A_180 = arith.constant 0 : i32
      %gt3A_181 = arith.cmpi sgt, %add3A_173, %gt3A_180 : i32
      %convert_element_type3A_182 = arith.extui %gt3A_181 : i1 to i32
      %cond3A_183 = arith.constant 0 : i32
      %cond3A_184 = arith.cmpi ne, %convert_element_type3A_182, %cond3A_183 : i32
      scf.if %cond3A_184 {
        %sub3A_266 = arith.constant 1 : i32
        %sub3A_267 = arith.subi %add3A_173, %sub3A_266 : i32
        %mul3A_268 = arith.constant 256 : i32
        %mul3A_269 = arith.muli %sub3A_267, %mul3A_268 : i32
        %add3A_270 = arith.addi %mul3A_4, %mul3A_269 : i32
        %jit3A_271 = arith.constant 2 : i32
        %div3A_272 = arith.divsi %add3A_270, %jit3A_271 : i32
        %sign3A_273 = arith.constant 0 : i32
        %sign3A_274 = arith.cmpi sgt, %add3A_270, %sign3A_273 : i32
        %sign3A_275 = arith.extui %sign3A_274 : i1 to i32
        %sign3A_276 = arith.constant 0 : i32
        %sign3A_277 = arith.cmpi slt, %add3A_270, %sign3A_276 : i32
        %sign3A_278 = arith.extui %sign3A_277 : i1 to i32
        %sign3A_279 = arith.subi %sign3A_275, %sign3A_278 : i32
        %sign3A_280 = arith.constant 0 : i32
        %sign3A_281 = arith.cmpi sgt, %jit3A_271, %sign3A_280 : i32
        %sign3A_282 = arith.extui %sign3A_281 : i1 to i32
        %sign3A_283 = arith.constant 0 : i32
        %sign3A_284 = arith.cmpi slt, %jit3A_271, %sign3A_283 : i32
        %sign3A_285 = arith.extui %sign3A_284 : i1 to i32
        %sign3A_286 = arith.subi %sign3A_282, %sign3A_285 : i32
        %ne3A_287 = arith.cmpi ne, %sign3A_279, %sign3A_286 : i32
        %rem3A_288 = arith.remsi %add3A_270, %jit3A_271 : i32
        %ne3A_289 = arith.constant 0 : i32
        %ne3A_290 = arith.cmpi ne, %rem3A_288, %ne3A_289 : i32
        %and3A_291 = arith.andi %ne3A_287, %ne3A_290 : i1
        %sub3A_292 = arith.constant 1 : i32
        %sub3A_293 = arith.subi %div3A_272, %sub3A_292 : i32
        %select_n3A_294 = arith.select %and3A_291, %sub3A_293, %div3A_272 : i32
        %dma_wait3A_295 = arith.constant 0 : i32
        %dma_wait3A_296 = arith.constant 0 : i32
        %dma_wait3A_297 = tpu.memref_slice %arg6[%dma_wait3A_295, %dma_wait3A_296] : memref<256x64xi32, #tpu.memory_space<vmem>> -> memref<128x64xi32, #tpu.memory_space<vmem>>
        %dma_wait3A_298 = arith.constant 0 : i32
        %dma_wait3A_299 = tpu.memref_slice %arg4[%select_n3A_294, %dma_wait3A_298] : memref<40960x128xi32, #tpu.memory_space<hbm>> -> memref<128x64xi32, #tpu.memory_space<hbm>>
        %dma_wait3A_300 = arith.constant 0 : i32
        %dma_wait3A_301 = tpu.memref_slice %arg4[%select_n3A_294, %dma_wait3A_300] : memref<40960x128xi32, #tpu.memory_space<hbm>> -> memref<128x64xi32, #tpu.memory_space<hbm>>
        %dma_wait3A_302 = arith.constant 0 : i32
        %dma_wait3A_303 = arith.constant 0 : i32
        %dma_wait3A_304 = tpu.memref_slice %arg6[%dma_wait3A_302, %dma_wait3A_303] : memref<256x64xi32, #tpu.memory_space<vmem>> -> memref<128x64xi32, #tpu.memory_space<vmem>>
        tpu.wait_dma2 semaphore(%arg10 : memref<!tpu.dma_semaphore, #tpu.memory_space<semaphore_mem>>) src(%dma_wait3A_304 : memref<128x64xi32, #tpu.memory_space<vmem>>) dst(%dma_wait3A_301 : memref<128x64xi32, #tpu.memory_space<hbm>>)
        %sub3A_305 = arith.constant 1 : i32
        %sub3A_306 = arith.subi %add3A_173, %sub3A_305 : i32
        %mul3A_307 = arith.constant 256 : i32
        %mul3A_308 = arith.muli %sub3A_306, %mul3A_307 : i32
        %add3A_309 = arith.addi %mul3A_4, %mul3A_308 : i32
        %jit3A_310 = arith.constant 2 : i32
        %div3A_311 = arith.divsi %add3A_309, %jit3A_310 : i32
        %sign3A_312 = arith.constant 0 : i32
        %sign3A_313 = arith.cmpi sgt, %add3A_309, %sign3A_312 : i32
        %sign3A_314 = arith.extui %sign3A_313 : i1 to i32
        %sign3A_315 = arith.constant 0 : i32
        %sign3A_316 = arith.cmpi slt, %add3A_309, %sign3A_315 : i32
        %sign3A_317 = arith.extui %sign3A_316 : i1 to i32
        %sign3A_318 = arith.subi %sign3A_314, %sign3A_317 : i32
        %sign3A_319 = arith.constant 0 : i32
        %sign3A_320 = arith.cmpi sgt, %jit3A_310, %sign3A_319 : i32
        %sign3A_321 = arith.extui %sign3A_320 : i1 to i32
        %sign3A_322 = arith.constant 0 : i32
        %sign3A_323 = arith.cmpi slt, %jit3A_310, %sign3A_322 : i32
        %sign3A_324 = arith.extui %sign3A_323 : i1 to i32
        %sign3A_325 = arith.subi %sign3A_321, %sign3A_324 : i32
        %ne3A_326 = arith.cmpi ne, %sign3A_318, %sign3A_325 : i32
        %rem3A_327 = arith.remsi %add3A_309, %jit3A_310 : i32
        %ne3A_328 = arith.constant 0 : i32
        %ne3A_329 = arith.cmpi ne, %rem3A_327, %ne3A_328 : i32
        %and3A_330 = arith.andi %ne3A_326, %ne3A_329 : i1
        %sub3A_331 = arith.constant 1 : i32
        %sub3A_332 = arith.subi %div3A_311, %sub3A_331 : i32
        %select_n3A_333 = arith.select %and3A_330, %sub3A_332, %div3A_311 : i32
        %dma_wait3A_334 = arith.constant 128 : i32
        %dma_wait3A_335 = arith.constant 0 : i32
        %dma_wait3A_336 = tpu.memref_slice %arg6[%dma_wait3A_334, %dma_wait3A_335] : memref<256x64xi32, #tpu.memory_space<vmem>> -> memref<128x64xi32, #tpu.memory_space<vmem>>
        %dma_wait3A_337 = arith.constant 64 : i32
        %dma_wait3A_338 = tpu.memref_slice %arg4[%select_n3A_333, %dma_wait3A_337] : memref<40960x128xi32, #tpu.memory_space<hbm>> -> memref<128x64xi32, #tpu.memory_space<hbm>>
        %dma_wait3A_339 = arith.constant 64 : i32
        %dma_wait3A_340 = tpu.memref_slice %arg4[%select_n3A_333, %dma_wait3A_339] : memref<40960x128xi32, #tpu.memory_space<hbm>> -> memref<128x64xi32, #tpu.memory_space<hbm>>
        %dma_wait3A_341 = arith.constant 128 : i32
        %dma_wait3A_342 = arith.constant 0 : i32
        %dma_wait3A_343 = tpu.memref_slice %arg6[%dma_wait3A_341, %dma_wait3A_342] : memref<256x64xi32, #tpu.memory_space<vmem>> -> memref<128x64xi32, #tpu.memory_space<vmem>>
        tpu.wait_dma2 semaphore(%arg10 : memref<!tpu.dma_semaphore, #tpu.memory_space<semaphore_mem>>) src(%dma_wait3A_343 : memref<128x64xi32, #tpu.memory_space<vmem>>) dst(%dma_wait3A_340 : memref<128x64xi32, #tpu.memory_space<hbm>>)
      } else {
      }
      %add3A_185 = arith.constant 1 : i32
      %add3A_186 = arith.addi %add3A_173, %add3A_185 : i32
      %lt3A_187 = arith.constant 10 : i32
      %lt3A_188 = arith.cmpi slt, %add3A_186, %lt3A_187 : i32
      %convert_element_type3A_189 = arith.extui %lt3A_188 : i1 to i32
      %cond3A_190 = arith.constant 0 : i32
      %cond3A_191 = arith.cmpi ne, %convert_element_type3A_189, %cond3A_190 : i32
      scf.if %cond3A_191 {
        %add3A_266 = arith.constant 1 : i32
        %add3A_267 = arith.addi %add3A_173, %add3A_266 : i32
        %mul3A_268 = arith.constant 256 : i32
        %mul3A_269 = arith.muli %add3A_267, %mul3A_268 : i32
        %dma_start3A_270 = tpu.memref_slice %arg5[%mul3A_269] : memref<2560xi32, #tpu.memory_space<vmem>> -> memref<256xi32, #tpu.memory_space<vmem>>
        %dma_start3A_271 = arith.constant 0 : i32
        %dma_start3A_272 = arith.constant 0 : i32
        %dma_start3A_273 = tpu.memref_slice %arg2[%dma_start3A_271, %dma_start3A_272] : memref<10000x64xi32, #tpu.memory_space<hbm>> -> memref<10000x64xi32, #tpu.memory_space<hbm>>
        tpu.enqueue_indirect_dma source(%dma_start3A_273 : memref<10000x64xi32, #tpu.memory_space<hbm>>) target(%arg6 : memref<256x64xi32, #tpu.memory_space<vmem>>) offsets(%dma_start3A_270 : memref<256xi32, #tpu.memory_space<vmem>>) semaphore(%arg8 : memref<!tpu.dma_semaphore, #tpu.memory_space<semaphore_mem>>)
      } else {
      }
      %mul3A_192 = arith.constant 256 : i32
      %mul3A_193 = arith.muli %add3A_173, %mul3A_192 : i32
      %add3A_194 = arith.addi %mul3A_4, %mul3A_193 : i32
      %jit3A_195 = arith.constant 2 : i32
      %div3A_196 = arith.divsi %add3A_194, %jit3A_195 : i32
      %sign3A_197 = arith.constant 0 : i32
      %sign3A_198 = arith.cmpi sgt, %add3A_194, %sign3A_197 : i32
      %sign3A_199 = arith.extui %sign3A_198 : i1 to i32
      %sign3A_200 = arith.constant 0 : i32
      %sign3A_201 = arith.cmpi slt, %add3A_194, %sign3A_200 : i32
      %sign3A_202 = arith.extui %sign3A_201 : i1 to i32
      %sign3A_203 = arith.subi %sign3A_199, %sign3A_202 : i32
      %sign3A_204 = arith.constant 0 : i32
      %sign3A_205 = arith.cmpi sgt, %jit3A_195, %sign3A_204 : i32
      %sign3A_206 = arith.extui %sign3A_205 : i1 to i32
      %sign3A_207 = arith.constant 0 : i32
      %sign3A_208 = arith.cmpi slt, %jit3A_195, %sign3A_207 : i32
      %sign3A_209 = arith.extui %sign3A_208 : i1 to i32
      %sign3A_210 = arith.subi %sign3A_206, %sign3A_209 : i32
      %ne3A_211 = arith.cmpi ne, %sign3A_203, %sign3A_210 : i32
      %rem3A_212 = arith.remsi %add3A_194, %jit3A_195 : i32
      %ne3A_213 = arith.constant 0 : i32
      %ne3A_214 = arith.cmpi ne, %rem3A_212, %ne3A_213 : i32
      %and3A_215 = arith.andi %ne3A_211, %ne3A_214 : i1
      %sub3A_216 = arith.constant 1 : i32
      %sub3A_217 = arith.subi %div3A_196, %sub3A_216 : i32
      %select_n3A_218 = arith.select %and3A_215, %sub3A_217, %div3A_196 : i32
      %dma_start3A_219 = arith.constant 0 : i32
      %dma_start3A_220 = arith.constant 0 : i32
      %dma_start3A_221 = tpu.memref_slice %arg7[%dma_start3A_219, %dma_start3A_220] : memref<256x64xi32, #tpu.memory_space<vmem>> -> memref<128x64xi32, #tpu.memory_space<vmem>>
      %dma_start3A_222 = arith.constant 0 : i32
      %dma_start3A_223 = tpu.memref_slice %arg4[%select_n3A_218, %dma_start3A_222] : memref<40960x128xi32, #tpu.memory_space<hbm>> -> memref<128x64xi32, #tpu.memory_space<hbm>>
      %dma_start3A_224 = arith.constant 0 : i32
      %dma_start3A_225 = tpu.memref_slice %arg4[%select_n3A_218, %dma_start3A_224] : memref<40960x128xi32, #tpu.memory_space<hbm>> -> memref<128x64xi32, #tpu.memory_space<hbm>>
      %dma_start3A_226 = arith.constant 0 : i32
      %dma_start3A_227 = arith.constant 0 : i32
      %dma_start3A_228 = tpu.memref_slice %arg7[%dma_start3A_226, %dma_start3A_227] : memref<256x64xi32, #tpu.memory_space<vmem>> -> memref<128x64xi32, #tpu.memory_space<vmem>>
      tpu.enqueue_dma source(%dma_start3A_228 : memref<128x64xi32, #tpu.memory_space<vmem>>) target(%dma_start3A_225 : memref<128x64xi32, #tpu.memory_space<hbm>>) target_semaphore(%arg11 : memref<!tpu.dma_semaphore, #tpu.memory_space<semaphore_mem>>)
      %mul3A_229 = arith.constant 256 : i32
      %mul3A_230 = arith.muli %add3A_173, %mul3A_229 : i32
      %add3A_231 = arith.addi %mul3A_4, %mul3A_230 : i32
      %jit3A_232 = arith.constant 2 : i32
      %div3A_233 = arith.divsi %add3A_231, %jit3A_232 : i32
      %sign3A_234 = arith.constant 0 : i32
      %sign3A_235 = arith.cmpi sgt, %add3A_231, %sign3A_234 : i32
      %sign3A_236 = arith.extui %sign3A_235 : i1 to i32
      %sign3A_237 = arith.constant 0 : i32
      %sign3A_238 = arith.cmpi slt, %add3A_231, %sign3A_237 : i32
      %sign3A_239 = arith.extui %sign3A_238 : i1 to i32
      %sign3A_240 = arith.subi %sign3A_236, %sign3A_239 : i32
      %sign3A_241 = arith.constant 0 : i32
      %sign3A_242 = arith.cmpi sgt, %jit3A_232, %sign3A_241 : i32
      %sign3A_243 = arith.extui %sign3A_242 : i1 to i32
      %sign3A_244 = arith.constant 0 : i32
      %sign3A_245 = arith.cmpi slt, %jit3A_232, %sign3A_244 : i32
      %sign3A_246 = arith.extui %sign3A_245 : i1 to i32
      %sign3A_247 = arith.subi %sign3A_243, %sign3A_246 : i32
      %ne3A_248 = arith.cmpi ne, %sign3A_240, %sign3A_247 : i32
      %rem3A_249 = arith.remsi %add3A_231, %jit3A_232 : i32
      %ne3A_250 = arith.constant 0 : i32
      %ne3A_251 = arith.cmpi ne, %rem3A_249, %ne3A_250 : i32
      %and3A_252 = arith.andi %ne3A_248, %ne3A_251 : i1
      %sub3A_253 = arith.constant 1 : i32
      %sub3A_254 = arith.subi %div3A_233, %sub3A_253 : i32
      %select_n3A_255 = arith.select %and3A_252, %sub3A_254, %div3A_233 : i32
      %dma_start3A_256 = arith.constant 128 : i32
      %dma_start3A_257 = arith.constant 0 : i32
      %dma_start3A_258 = tpu.memref_slice %arg7[%dma_start3A_256, %dma_start3A_257] : memref<256x64xi32, #tpu.memory_space<vmem>> -> memref<128x64xi32, #tpu.memory_space<vmem>>
      %dma_start3A_259 = arith.constant 64 : i32
      %dma_start3A_260 = tpu.memref_slice %arg4[%select_n3A_255, %dma_start3A_259] : memref<40960x128xi32, #tpu.memory_space<hbm>> -> memref<128x64xi32, #tpu.memory_space<hbm>>
      %dma_start3A_261 = arith.constant 64 : i32
      %dma_start3A_262 = tpu.memref_slice %arg4[%select_n3A_255, %dma_start3A_261] : memref<40960x128xi32, #tpu.memory_space<hbm>> -> memref<128x64xi32, #tpu.memory_space<hbm>>
      %dma_start3A_263 = arith.constant 128 : i32
      %dma_start3A_264 = arith.constant 0 : i32
      %dma_start3A_265 = tpu.memref_slice %arg7[%dma_start3A_263, %dma_start3A_264] : memref<256x64xi32, #tpu.memory_space<vmem>> -> memref<128x64xi32, #tpu.memory_space<vmem>>
      tpu.enqueue_dma source(%dma_start3A_265 : memref<128x64xi32, #tpu.memory_space<vmem>>) target(%dma_start3A_262 : memref<128x64xi32, #tpu.memory_space<hbm>>) target_semaphore(%arg11 : memref<!tpu.dma_semaphore, #tpu.memory_space<semaphore_mem>>)
    }
    %scan3A_13 = arith.constant 5 : i32
    %add3A_14 = arith.constant 2304 : i32
    %add3A_15 = arith.addi %mul3A_4, %add3A_14 : i32
    %jit3A = arith.constant 2 : i32
    %div3A = arith.divsi %add3A_15, %jit3A : i32
    %sign3A = arith.constant 0 : i32
    %sign3A_16 = arith.cmpi sgt, %add3A_15, %sign3A : i32
    %sign3A_17 = arith.extui %sign3A_16 : i1 to i32
    %sign3A_18 = arith.constant 0 : i32
    %sign3A_19 = arith.cmpi slt, %add3A_15, %sign3A_18 : i32
    %sign3A_20 = arith.extui %sign3A_19 : i1 to i32
    %sign3A_21 = arith.subi %sign3A_17, %sign3A_20 : i32
    %sign3A_22 = arith.constant 0 : i32
    %sign3A_23 = arith.cmpi sgt, %jit3A, %sign3A_22 : i32
    %sign3A_24 = arith.extui %sign3A_23 : i1 to i32
    %sign3A_25 = arith.constant 0 : i32
    %sign3A_26 = arith.cmpi slt, %jit3A, %sign3A_25 : i32
    %sign3A_27 = arith.extui %sign3A_26 : i1 to i32
    %sign3A_28 = arith.subi %sign3A_24, %sign3A_27 : i32
    %ne3A = arith.cmpi ne, %sign3A_21, %sign3A_28 : i32
    %rem3A = arith.remsi %add3A_15, %jit3A : i32
    %ne3A_29 = arith.constant 0 : i32
    %ne3A_30 = arith.cmpi ne, %rem3A, %ne3A_29 : i32
    %and3A = arith.andi %ne3A, %ne3A_30 : i1
    %sub3A = arith.constant 1 : i32
    %sub3A_31 = arith.subi %div3A, %sub3A : i32
    %select_n3A = arith.select %and3A, %sub3A_31, %div3A : i32
    %dma_wait3A = arith.constant 0 : i32
    %dma_wait3A_32 = arith.constant 0 : i32
    %dma_wait3A_33 = tpu.memref_slice %arg7[%dma_wait3A, %dma_wait3A_32] : memref<256x64xi32, #tpu.memory_space<vmem>> -> memref<128x64xi32, #tpu.memory_space<vmem>>
    %dma_wait3A_34 = arith.constant 0 : i32
    %dma_wait3A_35 = tpu.memref_slice %arg4[%select_n3A, %dma_wait3A_34] : memref<40960x128xi32, #tpu.memory_space<hbm>> -> memref<128x64xi32, #tpu.memory_space<hbm>>
    %dma_wait3A_36 = arith.constant 0 : i32
    %dma_wait3A_37 = tpu.memref_slice %arg4[%select_n3A, %dma_wait3A_36] : memref<40960x128xi32, #tpu.memory_space<hbm>> -> memref<128x64xi32, #tpu.memory_space<hbm>>
    %dma_wait3A_38 = arith.constant 0 : i32
    %dma_wait3A_39 = arith.constant 0 : i32
    %dma_wait3A_40 = tpu.memref_slice %arg7[%dma_wait3A_38, %dma_wait3A_39] : memref<256x64xi32, #tpu.memory_space<vmem>> -> memref<128x64xi32, #tpu.memory_space<vmem>>
    tpu.wait_dma2 semaphore(%arg11 : memref<!tpu.dma_semaphore, #tpu.memory_space<semaphore_mem>>) src(%dma_wait3A_40 : memref<128x64xi32, #tpu.memory_space<vmem>>) dst(%dma_wait3A_37 : memref<128x64xi32, #tpu.memory_space<hbm>>)
    %add3A_41 = arith.constant 2304 : i32
    %add3A_42 = arith.addi %mul3A_4, %add3A_41 : i32
    %jit3A_43 = arith.constant 2 : i32
    %div3A_44 = arith.divsi %add3A_42, %jit3A_43 : i32
    %sign3A_45 = arith.constant 0 : i32
    %sign3A_46 = arith.cmpi sgt, %add3A_42, %sign3A_45 : i32
    %sign3A_47 = arith.extui %sign3A_46 : i1 to i32
    %sign3A_48 = arith.constant 0 : i32
    %sign3A_49 = arith.cmpi slt, %add3A_42, %sign3A_48 : i32
    %sign3A_50 = arith.extui %sign3A_49 : i1 to i32
    %sign3A_51 = arith.subi %sign3A_47, %sign3A_50 : i32
    %sign3A_52 = arith.constant 0 : i32
    %sign3A_53 = arith.cmpi sgt, %jit3A_43, %sign3A_52 : i32
    %sign3A_54 = arith.extui %sign3A_53 : i1 to i32
    %sign3A_55 = arith.constant 0 : i32
    %sign3A_56 = arith.cmpi slt, %jit3A_43, %sign3A_55 : i32
    %sign3A_57 = arith.extui %sign3A_56 : i1 to i32
    %sign3A_58 = arith.subi %sign3A_54, %sign3A_57 : i32
    %ne3A_59 = arith.cmpi ne, %sign3A_51, %sign3A_58 : i32
    %rem3A_60 = arith.remsi %add3A_42, %jit3A_43 : i32
    %ne3A_61 = arith.constant 0 : i32
    %ne3A_62 = arith.cmpi ne, %rem3A_60, %ne3A_61 : i32
    %and3A_63 = arith.andi %ne3A_59, %ne3A_62 : i1
    %sub3A_64 = arith.constant 1 : i32
    %sub3A_65 = arith.subi %div3A_44, %sub3A_64 : i32
    %select_n3A_66 = arith.select %and3A_63, %sub3A_65, %div3A_44 : i32
    %dma_wait3A_67 = arith.constant 128 : i32
    %dma_wait3A_68 = arith.constant 0 : i32
    %dma_wait3A_69 = tpu.memref_slice %arg7[%dma_wait3A_67, %dma_wait3A_68] : memref<256x64xi32, #tpu.memory_space<vmem>> -> memref<128x64xi32, #tpu.memory_space<vmem>>
    %dma_wait3A_70 = arith.constant 64 : i32
    %dma_wait3A_71 = tpu.memref_slice %arg4[%select_n3A_66, %dma_wait3A_70] : memref<40960x128xi32, #tpu.memory_space<hbm>> -> memref<128x64xi32, #tpu.memory_space<hbm>>
    %dma_wait3A_72 = arith.constant 64 : i32
    %dma_wait3A_73 = tpu.memref_slice %arg4[%select_n3A_66, %dma_wait3A_72] : memref<40960x128xi32, #tpu.memory_space<hbm>> -> memref<128x64xi32, #tpu.memory_space<hbm>>
    %dma_wait3A_74 = arith.constant 128 : i32
    %dma_wait3A_75 = arith.constant 0 : i32
    %dma_wait3A_76 = tpu.memref_slice %arg7[%dma_wait3A_74, %dma_wait3A_75] : memref<256x64xi32, #tpu.memory_space<vmem>> -> memref<128x64xi32, #tpu.memory_space<vmem>>
    tpu.wait_dma2 semaphore(%arg11 : memref<!tpu.dma_semaphore, #tpu.memory_space<semaphore_mem>>) src(%dma_wait3A_76 : memref<128x64xi32, #tpu.memory_space<vmem>>) dst(%dma_wait3A_73 : memref<128x64xi32, #tpu.memory_space<hbm>>)
    return
  }
}

#map = affine_map<(d0, d1) -> (0, 0)>
#map1 = affine_map<(d0, d1) -> (0)>
module attributes {stable_mosaic.version = 14 : i64} {
  func.func @k(%arg0: i32, %arg1: i32, %arg2: memref<10000x64xi32, #tpu.memory_space<hbm>>, %arg3: memref<81920xi32, #tpu.memory_space<hbm>>, %arg4: memref<40960x128xi32, #tpu.memory_space<hbm>>, %arg5: memref<2560xi32, #tpu.memory_space<vmem>>, %arg6: memref<256x64xi32, #tpu.memory_space<vmem>>, %arg7: memref<256x64xi32, #tpu.memory_space<vmem>>, %arg8: memref<!tpu.dma_semaphore, #tpu.memory_space<semaphore_mem>>, %arg9: memref<!tpu.dma_semaphore, #tpu.memory_space<semaphore_mem>>, %arg10: memref<!tpu.dma_semaphore, #tpu.memory_space<semaphore_mem>>, %arg11: memref<!tpu.dma_semaphore, #tpu.memory_space<semaphore_mem>>) attributes {dimension_semantics = [#tpu.dimension_semantics<core_parallel>, #tpu.dimension_semantics<subcore_parallel>], iteration_bounds = array<i64: 2, 16>, scalar_prefetch = 0 : i64, scratch_operands = 7 : i64, tpu.core_type = #tpu.core_type<sc_vector_subcore>, window_params = [{transform_indices = #map}, {transform_indices = #map1}, {transform_indices = #map}]} {
    %mul3A = arith.constant 16 : i32
    %mul3A_0 = arith.muli %arg0, %mul3A : i32
    %add3A = arith.addi %mul3A_0, %arg1 : i32
    %mul3A_1 = arith.constant 10 : i32
    %mul3A_2 = arith.muli %add3A, %mul3A_1 : i32
    %mul3A_3 = arith.constant 256 : i32
    %mul3A_4 = arith.muli %mul3A_2, %mul3A_3 : i32
    "tpu.region"() ({
      %run_scoped3A = tpu.sem_alloc : memref<!tpu.dma_semaphore, #tpu.memory_space<semaphore_mem>>
      %dma_start3A_77 = tpu.memref_slice %arg3[%mul3A_4] : memref<81920xi32, #tpu.memory_space<hbm>> -> memref<2560xi32, #tpu.memory_space<hbm>>
      %dma_start3A_78 = tpu.memref_slice %arg3[%mul3A_4] : memref<81920xi32, #tpu.memory_space<hbm>> -> memref<2560xi32, #tpu.memory_space<hbm>>
      tpu.enqueue_dma source(%dma_start3A_78 : memref<2560xi32, #tpu.memory_space<hbm>>) target(%arg5 : memref<2560xi32, #tpu.memory_space<vmem>>) target_semaphore(%run_scoped3A : memref<!tpu.dma_semaphore, #tpu.memory_space<semaphore_mem>>)
      %dma_wait3A_79 = tpu.memref_slice %arg3[%mul3A_4] : memref<81920xi32, #tpu.memory_space<hbm>> -> memref<2560xi32, #tpu.memory_space<hbm>>
      %dma_wait3A_80 = tpu.memref_slice %arg3[%mul3A_4] : memref<81920xi32, #tpu.memory_space<hbm>> -> memref<2560xi32, #tpu.memory_space<hbm>>
      tpu.wait_dma2 semaphore(%run_scoped3A : memref<!tpu.dma_semaphore, #tpu.memory_space<semaphore_mem>>) src(%dma_wait3A_80 : memref<2560xi32, #tpu.memory_space<hbm>>) dst(%arg5 : memref<2560xi32, #tpu.memory_space<vmem>>)
      tpu.yield
    }) : () -> ()
    %dma_start3A = arith.constant 0 : i32
    %dma_start3A_5 = tpu.memref_slice %arg5[%dma_start3A] : memref<2560xi32, #tpu.memory_space<vmem>> -> memref<256xi32, #tpu.memory_space<vmem>>
    %dma_start3A_6 = arith.constant 0 : i32
    %dma_start3A_7 = arith.constant 0 : i32
    %dma_start3A_8 = tpu.memref_slice %arg2[%dma_start3A_6, %dma_start3A_7] : memref<10000x64xi32, #tpu.memory_space<hbm>> -> memref<10000x64xi32, #tpu.memory_space<hbm>>
    tpu.enqueue_indirect_dma source(%dma_start3A_8 : memref<10000x64xi32, #tpu.memory_space<hbm>>) target(%arg6 : memref<256x64xi32, #tpu.memory_space<vmem>>) offsets(%dma_start3A_5 : memref<256xi32, #tpu.memory_space<vmem>>) semaphore(%arg8 : memref<!tpu.dma_semaphore, #tpu.memory_space<semaphore_mem>>)
    %scan3A = arith.constant 0 : i32
    %scan3A_9 = arith.constant 0 : i32
    %scan3A_10 = arith.constant 5 : i32
    %scan3A_11 = arith.addi %scan3A_9, %scan3A_10 : i32
    %scan3A_12 = arith.constant 1 : i32
    scf.for %scan3A_77 = %scan3A_9 to %scan3A_11 step %scan3A_12  : i32 {
      %mul3A_78 = arith.constant 2 : i32
      %mul3A_79 = arith.muli %mul3A_78, %scan3A_77 : i32
      %add3A_80 = arith.constant 0 : i32
      %add3A_81 = arith.addi %mul3A_79, %add3A_80 : i32
      %mul3A_82 = arith.constant 256 : i32
      %mul3A_83 = arith.muli %add3A_81, %mul3A_82 : i32
      %dma_wait3A_84 = tpu.memref_slice %arg5[%mul3A_83] : memref<2560xi32, #tpu.memory_space<vmem>> -> memref<256xi32, #tpu.memory_space<vmem>>
      %dma_wait3A_85 = arith.constant 0 : i32
      %dma_wait3A_86 = arith.constant 0 : i32
      %dma_wait3A_87 = tpu.memref_slice %arg2[%dma_wait3A_85, %dma_wait3A_86] : memref<10000x64xi32, #tpu.memory_space<hbm>> -> memref<10000x64xi32, #tpu.memory_space<hbm>>
      tpu.wait_indirect_dma semaphore(%arg8 : memref<!tpu.dma_semaphore, #tpu.memory_space<semaphore_mem>>) src(%dma_wait3A_87 : memref<10000x64xi32, #tpu.memory_space<hbm>>) dst(%arg6 : memref<256x64xi32, #tpu.memory_space<vmem>>)
      %gt3A = arith.constant 0 : i32
      %gt3A_88 = arith.cmpi sgt, %add3A_81, %gt3A : i32
      %convert_element_type3A = arith.extui %gt3A_88 : i1 to i32
      %cond3A = arith.constant 0 : i32
      %cond3A_89 = arith.cmpi ne, %convert_element_type3A, %cond3A : i32
      scf.if %cond3A_89 {
        %sub3A_266 = arith.constant 1 : i32
        %sub3A_267 = arith.subi %add3A_81, %sub3A_266 : i32
        %mul3A_268 = arith.constant 256 : i32
        %mul3A_269 = arith.muli %sub3A_267, %mul3A_268 : i32
        %add3A_270 = arith.addi %mul3A_4, %mul3A_269 : i32
        %jit3A_271 = arith.constant 2 : i32
        %div3A_272 = arith.divsi %add3A_270, %jit3A_271 : i32
        %sign3A_273 = arith.constant 0 : i32
        %sign3A_274 = arith.cmpi sgt, %add3A_270, %sign3A_273 : i32
        %sign3A_275 = arith.extui %sign3A_274 : i1 to i32
        %sign3A_276 = arith.constant 0 : i32
        %sign3A_277 = arith.cmpi slt, %add3A_270, %sign3A_276 : i32
        %sign3A_278 = arith.extui %sign3A_277 : i1 to i32
        %sign3A_279 = arith.subi %sign3A_275, %sign3A_278 : i32
        %sign3A_280 = arith.constant 0 : i32
        %sign3A_281 = arith.cmpi sgt, %jit3A_271, %sign3A_280 : i32
        %sign3A_282 = arith.extui %sign3A_281 : i1 to i32
        %sign3A_283 = arith.constant 0 : i32
        %sign3A_284 = arith.cmpi slt, %jit3A_271, %sign3A_283 : i32
        %sign3A_285 = arith.extui %sign3A_284 : i1 to i32
        %sign3A_286 = arith.subi %sign3A_282, %sign3A_285 : i32
        %ne3A_287 = arith.cmpi ne, %sign3A_279, %sign3A_286 : i32
        %rem3A_288 = arith.remsi %add3A_270, %jit3A_271 : i32
        %ne3A_289 = arith.constant 0 : i32
        %ne3A_290 = arith.cmpi ne, %rem3A_288, %ne3A_289 : i32
        %and3A_291 = arith.andi %ne3A_287, %ne3A_290 : i1
        %sub3A_292 = arith.constant 1 : i32
        %sub3A_293 = arith.subi %div3A_272, %sub3A_292 : i32
        %select_n3A_294 = arith.select %and3A_291, %sub3A_293, %div3A_272 : i32
        %dma_wait3A_295 = arith.constant 0 : i32
        %dma_wait3A_296 = arith.constant 0 : i32
        %dma_wait3A_297 = tpu.memref_slice %arg7[%dma_wait3A_295, %dma_wait3A_296] : memref<256x64xi32, #tpu.memory_space<vmem>> -> memref<128x64xi32, #tpu.memory_space<vmem>>
        %dma_wait3A_298 = arith.constant 0 : i32
        %dma_wait3A_299 = tpu.memref_slice %arg4[%select_n3A_294, %dma_wait3A_298] : memref<40960x128xi32, #tpu.memory_space<hbm>> -> memref<128x64xi32, #tpu.memory_space<hbm>>
        %dma_wait3A_300 = arith.constant 0 : i32
        %dma_wait3A_301 = tpu.memref_slice %arg4[%select_n3A_294, %dma_wait3A_300] : memref<40960x128xi32, #tpu.memory_space<hbm>> -> memref<128x64xi32, #tpu.memory_space<hbm>>
        %dma_wait3A_302 = arith.constant 0 : i32
        %dma_wait3A_303 = arith.constant 0 : i32
        %dma_wait3A_304 = tpu.memref_slice %arg7[%dma_wait3A_302, %dma_wait3A_303] : memref<256x64xi32, #tpu.memory_space<vmem>> -> memref<128x64xi32, #tpu.memory_space<vmem>>
        tpu.wait_dma2 semaphore(%arg11 : memref<!tpu.dma_semaphore, #tpu.memory_space<semaphore_mem>>) src(%dma_wait3A_304 : memref<128x64xi32, #tpu.memory_space<vmem>>) dst(%dma_wait3A_301 : memref<128x64xi32, #tpu.memory_space<hbm>>)
        %sub3A_305 = arith.constant 1 : i32
        %sub3A_306 = arith.subi %add3A_81, %sub3A_305 : i32
        %mul3A_307 = arith.constant 256 : i32
        %mul3A_308 = arith.muli %sub3A_306, %mul3A_307 : i32
        %add3A_309 = arith.addi %mul3A_4, %mul3A_308 : i32
        %jit3A_310 = arith.constant 2 : i32
        %div3A_311 = arith.divsi %add3A_309, %jit3A_310 : i32
        %sign3A_312 = arith.constant 0 : i32
        %sign3A_313 = arith.cmpi sgt, %add3A_309, %sign3A_312 : i32
        %sign3A_314 = arith.extui %sign3A_313 : i1 to i32
        %sign3A_315 = arith.constant 0 : i32
        %sign3A_316 = arith.cmpi slt, %add3A_309, %sign3A_315 : i32
        %sign3A_317 = arith.extui %sign3A_316 : i1 to i32
        %sign3A_318 = arith.subi %sign3A_314, %sign3A_317 : i32
        %sign3A_319 = arith.constant 0 : i32
        %sign3A_320 = arith.cmpi sgt, %jit3A_310, %sign3A_319 : i32
        %sign3A_321 = arith.extui %sign3A_320 : i1 to i32
        %sign3A_322 = arith.constant 0 : i32
        %sign3A_323 = arith.cmpi slt, %jit3A_310, %sign3A_322 : i32
        %sign3A_324 = arith.extui %sign3A_323 : i1 to i32
        %sign3A_325 = arith.subi %sign3A_321, %sign3A_324 : i32
        %ne3A_326 = arith.cmpi ne, %sign3A_318, %sign3A_325 : i32
        %rem3A_327 = arith.remsi %add3A_309, %jit3A_310 : i32
        %ne3A_328 = arith.constant 0 : i32
        %ne3A_329 = arith.cmpi ne, %rem3A_327, %ne3A_328 : i32
        %and3A_330 = arith.andi %ne3A_326, %ne3A_329 : i1
        %sub3A_331 = arith.constant 1 : i32
        %sub3A_332 = arith.subi %div3A_311, %sub3A_331 : i32
        %select_n3A_333 = arith.select %and3A_330, %sub3A_332, %div3A_311 : i32
        %dma_wait3A_334 = arith.constant 128 : i32
        %dma_wait3A_335 = arith.constant 0 : i32
        %dma_wait3A_336 = tpu.memref_slice %arg7[%dma_wait3A_334, %dma_wait3A_335] : memref<256x64xi32, #tpu.memory_space<vmem>> -> memref<128x64xi32, #tpu.memory_space<vmem>>
        %dma_wait3A_337 = arith.constant 64 : i32
        %dma_wait3A_338 = tpu.memref_slice %arg4[%select_n3A_333, %dma_wait3A_337] : memref<40960x128xi32, #tpu.memory_space<hbm>> -> memref<128x64xi32, #tpu.memory_space<hbm>>
        %dma_wait3A_339 = arith.constant 64 : i32
        %dma_wait3A_340 = tpu.memref_slice %arg4[%select_n3A_333, %dma_wait3A_339] : memref<40960x128xi32, #tpu.memory_space<hbm>> -> memref<128x64xi32, #tpu.memory_space<hbm>>
        %dma_wait3A_341 = arith.constant 128 : i32
        %dma_wait3A_342 = arith.constant 0 : i32
        %dma_wait3A_343 = tpu.memref_slice %arg7[%dma_wait3A_341, %dma_wait3A_342] : memref<256x64xi32, #tpu.memory_space<vmem>> -> memref<128x64xi32, #tpu.memory_space<vmem>>
        tpu.wait_dma2 semaphore(%arg11 : memref<!tpu.dma_semaphore, #tpu.memory_space<semaphore_mem>>) src(%dma_wait3A_343 : memref<128x64xi32, #tpu.memory_space<vmem>>) dst(%dma_wait3A_340 : memref<128x64xi32, #tpu.memory_space<hbm>>)
      } else {
      }
      %add3A_90 = arith.constant 1 : i32
      %add3A_91 = arith.addi %add3A_81, %add3A_90 : i32
      %lt3A = arith.constant 10 : i32
      %lt3A_92 = arith.cmpi slt, %add3A_91, %lt3A : i32
      %convert_element_type3A_93 = arith.extui %lt3A_92 : i1 to i32
      %cond3A_94 = arith.constant 0 : i32
      %cond3A_95 = arith.cmpi ne, %convert_element_type3A_93, %cond3A_94 : i32
      scf.if %cond3A_95 {
        %add3A_266 = arith.constant 1 : i32
        %add3A_267 = arith.addi %add3A_81, %add3A_266 : i32
        %mul3A_268 = arith.constant 256 : i32
        %mul3A_269 = arith.muli %add3A_267, %mul3A_268 : i32
        %dma_start3A_270 = tpu.memref_slice %arg5[%mul3A_269] : memref<2560xi32, #tpu.memory_space<vmem>> -> memref<256xi32, #tpu.memory_space<vmem>>
        %dma_start3A_271 = arith.constant 0 : i32
        %dma_start3A_272 = arith.constant 0 : i32
        %dma_start3A_273 = tpu.memref_slice %arg2[%dma_start3A_271, %dma_start3A_272] : memref<10000x64xi32, #tpu.memory_space<hbm>> -> memref<10000x64xi32, #tpu.memory_space<hbm>>
        tpu.enqueue_indirect_dma source(%dma_start3A_273 : memref<10000x64xi32, #tpu.memory_space<hbm>>) target(%arg7 : memref<256x64xi32, #tpu.memory_space<vmem>>) offsets(%dma_start3A_270 : memref<256xi32, #tpu.memory_space<vmem>>) semaphore(%arg9 : memref<!tpu.dma_semaphore, #tpu.memory_space<semaphore_mem>>)
      } else {
      }
      %mul3A_96 = arith.constant 256 : i32
      %mul3A_97 = arith.muli %add3A_81, %mul3A_96 : i32
      %add3A_98 = arith.addi %mul3A_4, %mul3A_97 : i32
      %jit3A_99 = arith.constant 2 : i32
      %div3A_100 = arith.divsi %add3A_98, %jit3A_99 : i32
      %sign3A_101 = arith.constant 0 : i32
      %sign3A_102 = arith.cmpi sgt, %add3A_98, %sign3A_101 : i32
      %sign3A_103 = arith.extui %sign3A_102 : i1 to i32
      %sign3A_104 = arith.constant 0 : i32
      %sign3A_105 = arith.cmpi slt, %add3A_98, %sign3A_104 : i32
      %sign3A_106 = arith.extui %sign3A_105 : i1 to i32
      %sign3A_107 = arith.subi %sign3A_103, %sign3A_106 : i32
      %sign3A_108 = arith.constant 0 : i32
      %sign3A_109 = arith.cmpi sgt, %jit3A_99, %sign3A_108 : i32
      %sign3A_110 = arith.extui %sign3A_109 : i1 to i32
      %sign3A_111 = arith.constant 0 : i32
      %sign3A_112 = arith.cmpi slt, %jit3A_99, %sign3A_111 : i32
      %sign3A_113 = arith.extui %sign3A_112 : i1 to i32
      %sign3A_114 = arith.subi %sign3A_110, %sign3A_113 : i32
      %ne3A_115 = arith.cmpi ne, %sign3A_107, %sign3A_114 : i32
      %rem3A_116 = arith.remsi %add3A_98, %jit3A_99 : i32
      %ne3A_117 = arith.constant 0 : i32
      %ne3A_118 = arith.cmpi ne, %rem3A_116, %ne3A_117 : i32
      %and3A_119 = arith.andi %ne3A_115, %ne3A_118 : i1
      %sub3A_120 = arith.constant 1 : i32
      %sub3A_121 = arith.subi %div3A_100, %sub3A_120 : i32
      %select_n3A_122 = arith.select %and3A_119, %sub3A_121, %div3A_100 : i32
      %dma_start3A_123 = arith.constant 0 : i32
      %dma_start3A_124 = arith.constant 0 : i32
      %dma_start3A_125 = tpu.memref_slice %arg6[%dma_start3A_123, %dma_start3A_124] : memref<256x64xi32, #tpu.memory_space<vmem>> -> memref<128x64xi32, #tpu.memory_space<vmem>>
      %dma_start3A_126 = arith.constant 0 : i32
      %dma_start3A_127 = tpu.memref_slice %arg4[%select_n3A_122, %dma_start3A_126] : memref<40960x128xi32, #tpu.memory_space<hbm>> -> memref<128x64xi32, #tpu.memory_space<hbm>>
      %dma_start3A_128 = arith.constant 0 : i32
      %dma_start3A_129 = tpu.memref_slice %arg4[%select_n3A_122, %dma_start3A_128] : memref<40960x128xi32, #tpu.memory_space<hbm>> -> memref<128x64xi32, #tpu.memory_space<hbm>>
      %dma_start3A_130 = arith.constant 0 : i32
      %dma_start3A_131 = arith.constant 0 : i32
      %dma_start3A_132 = tpu.memref_slice %arg6[%dma_start3A_130, %dma_start3A_131] : memref<256x64xi32, #tpu.memory_space<vmem>> -> memref<128x64xi32, #tpu.memory_space<vmem>>
      tpu.enqueue_dma source(%dma_start3A_132 : memref<128x64xi32, #tpu.memory_space<vmem>>) target(%dma_start3A_129 : memref<128x64xi32, #tpu.memory_space<hbm>>) target_semaphore(%arg10 : memref<!tpu.dma_semaphore, #tpu.memory_space<semaphore_mem>>)
      %mul3A_133 = arith.constant 256 : i32
      %mul3A_134 = arith.muli %add3A_81, %mul3A_133 : i32
      %add3A_135 = arith.addi %mul3A_4, %mul3A_134 : i32
      %jit3A_136 = arith.constant 2 : i32
      %div3A_137 = arith.divsi %add3A_135, %jit3A_136 : i32
      %sign3A_138 = arith.constant 0 : i32
      %sign3A_139 = arith.cmpi sgt, %add3A_135, %sign3A_138 : i32
      %sign3A_140 = arith.extui %sign3A_139 : i1 to i32
      %sign3A_141 = arith.constant 0 : i32
      %sign3A_142 = arith.cmpi slt, %add3A_135, %sign3A_141 : i32
      %sign3A_143 = arith.extui %sign3A_142 : i1 to i32
      %sign3A_144 = arith.subi %sign3A_140, %sign3A_143 : i32
      %sign3A_145 = arith.constant 0 : i32
      %sign3A_146 = arith.cmpi sgt, %jit3A_136, %sign3A_145 : i32
      %sign3A_147 = arith.extui %sign3A_146 : i1 to i32
      %sign3A_148 = arith.constant 0 : i32
      %sign3A_149 = arith.cmpi slt, %jit3A_136, %sign3A_148 : i32
      %sign3A_150 = arith.extui %sign3A_149 : i1 to i32
      %sign3A_151 = arith.subi %sign3A_147, %sign3A_150 : i32
      %ne3A_152 = arith.cmpi ne, %sign3A_144, %sign3A_151 : i32
      %rem3A_153 = arith.remsi %add3A_135, %jit3A_136 : i32
      %ne3A_154 = arith.constant 0 : i32
      %ne3A_155 = arith.cmpi ne, %rem3A_153, %ne3A_154 : i32
      %and3A_156 = arith.andi %ne3A_152, %ne3A_155 : i1
      %sub3A_157 = arith.constant 1 : i32
      %sub3A_158 = arith.subi %div3A_137, %sub3A_157 : i32
      %select_n3A_159 = arith.select %and3A_156, %sub3A_158, %div3A_137 : i32
      %dma_start3A_160 = arith.constant 128 : i32
      %dma_start3A_161 = arith.constant 0 : i32
      %dma_start3A_162 = tpu.memref_slice %arg6[%dma_start3A_160, %dma_start3A_161] : memref<256x64xi32, #tpu.memory_space<vmem>> -> memref<128x64xi32, #tpu.memory_space<vmem>>
      %dma_start3A_163 = arith.constant 64 : i32
      %dma_start3A_164 = tpu.memref_slice %arg4[%select_n3A_159, %dma_start3A_163] : memref<40960x128xi32, #tpu.memory_space<hbm>> -> memref<128x64xi32, #tpu.memory_space<hbm>>
      %dma_start3A_165 = arith.constant 64 : i32
      %dma_start3A_166 = tpu.memref_slice %arg4[%select_n3A_159, %dma_start3A_165] : memref<40960x128xi32, #tpu.memory_space<hbm>> -> memref<128x64xi32, #tpu.memory_space<hbm>>
      %dma_start3A_167 = arith.constant 128 : i32
      %dma_start3A_168 = arith.constant 0 : i32
      %dma_start3A_169 = tpu.memref_slice %arg6[%dma_start3A_167, %dma_start3A_168] : memref<256x64xi32, #tpu.memory_space<vmem>> -> memref<128x64xi32, #tpu.memory_space<vmem>>
      tpu.enqueue_dma source(%dma_start3A_169 : memref<128x64xi32, #tpu.memory_space<vmem>>) target(%dma_start3A_166 : memref<128x64xi32, #tpu.memory_space<hbm>>) target_semaphore(%arg10 : memref<!tpu.dma_semaphore, #tpu.memory_space<semaphore_mem>>)
      %mul3A_170 = arith.constant 2 : i32
      %mul3A_171 = arith.muli %mul3A_170, %scan3A_77 : i32
      %add3A_172 = arith.constant 1 : i32
      %add3A_173 = arith.addi %mul3A_171, %add3A_172 : i32
      %mul3A_174 = arith.constant 256 : i32
      %mul3A_175 = arith.muli %add3A_173, %mul3A_174 : i32
      %dma_wait3A_176 = tpu.memref_slice %arg5[%mul3A_175] : memref<2560xi32, #tpu.memory_space<vmem>> -> memref<256xi32, #tpu.memory_space<vmem>>
      %dma_wait3A_177 = arith.constant 0 : i32
      %dma_wait3A_178 = arith.constant 0 : i32
      %dma_wait3A_179 = tpu.memref_slice %arg2[%dma_wait3A_177, %dma_wait3A_178] : memref<10000x64xi32, #tpu.memory_space<hbm>> -> memref<10000x64xi32, #tpu.memory_space<hbm>>
      tpu.wait_indirect_dma semaphore(%arg9 : memref<!tpu.dma_semaphore, #tpu.memory_space<semaphore_mem>>) src(%dma_wait3A_179 : memref<10000x64xi32, #tpu.memory_space<hbm>>) dst(%arg7 : memref<256x64xi32, #tpu.memory_space<vmem>>)
      %gt3A_180 = arith.constant 0 : i32
      %gt3A_181 = arith.cmpi sgt, %add3A_173, %gt3A_180 : i32
      %convert_element_type3A_182 = arith.extui %gt3A_181 : i1 to i32
      %cond3A_183 = arith.constant 0 : i32
      %cond3A_184 = arith.cmpi ne, %convert_element_type3A_182, %cond3A_183 : i32
      scf.if %cond3A_184 {
        %sub3A_266 = arith.constant 1 : i32
        %sub3A_267 = arith.subi %add3A_173, %sub3A_266 : i32
        %mul3A_268 = arith.constant 256 : i32
        %mul3A_269 = arith.muli %sub3A_267, %mul3A_268 : i32
        %add3A_270 = arith.addi %mul3A_4, %mul3A_269 : i32
        %jit3A_271 = arith.constant 2 : i32
        %div3A_272 = arith.divsi %add3A_270, %jit3A_271 : i32
        %sign3A_273 = arith.constant 0 : i32
        %sign3A_274 = arith.cmpi sgt, %add3A_270, %sign3A_273 : i32
        %sign3A_275 = arith.extui %sign3A_274 : i1 to i32
        %sign3A_276 = arith.constant 0 : i32
        %sign3A_277 = arith.cmpi slt, %add3A_270, %sign3A_276 : i32
        %sign3A_278 = arith.extui %sign3A_277 : i1 to i32
        %sign3A_279 = arith.subi %sign3A_275, %sign3A_278 : i32
        %sign3A_280 = arith.constant 0 : i32
        %sign3A_281 = arith.cmpi sgt, %jit3A_271, %sign3A_280 : i32
        %sign3A_282 = arith.extui %sign3A_281 : i1 to i32
        %sign3A_283 = arith.constant 0 : i32
        %sign3A_284 = arith.cmpi slt, %jit3A_271, %sign3A_283 : i32
        %sign3A_285 = arith.extui %sign3A_284 : i1 to i32
        %sign3A_286 = arith.subi %sign3A_282, %sign3A_285 : i32
        %ne3A_287 = arith.cmpi ne, %sign3A_279, %sign3A_286 : i32
        %rem3A_288 = arith.remsi %add3A_270, %jit3A_271 : i32
        %ne3A_289 = arith.constant 0 : i32
        %ne3A_290 = arith.cmpi ne, %rem3A_288, %ne3A_289 : i32
        %and3A_291 = arith.andi %ne3A_287, %ne3A_290 : i1
        %sub3A_292 = arith.constant 1 : i32
        %sub3A_293 = arith.subi %div3A_272, %sub3A_292 : i32
        %select_n3A_294 = arith.select %and3A_291, %sub3A_293, %div3A_272 : i32
        %dma_wait3A_295 = arith.constant 0 : i32
        %dma_wait3A_296 = arith.constant 0 : i32
        %dma_wait3A_297 = tpu.memref_slice %arg6[%dma_wait3A_295, %dma_wait3A_296] : memref<256x64xi32, #tpu.memory_space<vmem>> -> memref<128x64xi32, #tpu.memory_space<vmem>>
        %dma_wait3A_298 = arith.constant 0 : i32
        %dma_wait3A_299 = tpu.memref_slice %arg4[%select_n3A_294, %dma_wait3A_298] : memref<40960x128xi32, #tpu.memory_space<hbm>> -> memref<128x64xi32, #tpu.memory_space<hbm>>
        %dma_wait3A_300 = arith.constant 0 : i32
        %dma_wait3A_301 = tpu.memref_slice %arg4[%select_n3A_294, %dma_wait3A_300] : memref<40960x128xi32, #tpu.memory_space<hbm>> -> memref<128x64xi32, #tpu.memory_space<hbm>>
        %dma_wait3A_302 = arith.constant 0 : i32
        %dma_wait3A_303 = arith.constant 0 : i32
        %dma_wait3A_304 = tpu.memref_slice %arg6[%dma_wait3A_302, %dma_wait3A_303] : memref<256x64xi32, #tpu.memory_space<vmem>> -> memref<128x64xi32, #tpu.memory_space<vmem>>
        tpu.wait_dma2 semaphore(%arg10 : memref<!tpu.dma_semaphore, #tpu.memory_space<semaphore_mem>>) src(%dma_wait3A_304 : memref<128x64xi32, #tpu.memory_space<vmem>>) dst(%dma_wait3A_301 : memref<128x64xi32, #tpu.memory_space<hbm>>)
        %sub3A_305 = arith.constant 1 : i32
        %sub3A_306 = arith.subi %add3A_173, %sub3A_305 : i32
        %mul3A_307 = arith.constant 256 : i32
        %mul3A_308 = arith.muli %sub3A_306, %mul3A_307 : i32
        %add3A_309 = arith.addi %mul3A_4, %mul3A_308 : i32
        %jit3A_310 = arith.constant 2 : i32
        %div3A_311 = arith.divsi %add3A_309, %jit3A_310 : i32
        %sign3A_312 = arith.constant 0 : i32
        %sign3A_313 = arith.cmpi sgt, %add3A_309, %sign3A_312 : i32
        %sign3A_314 = arith.extui %sign3A_313 : i1 to i32
        %sign3A_315 = arith.constant 0 : i32
        %sign3A_316 = arith.cmpi slt, %add3A_309, %sign3A_315 : i32
        %sign3A_317 = arith.extui %sign3A_316 : i1 to i32
        %sign3A_318 = arith.subi %sign3A_314, %sign3A_317 : i32
        %sign3A_319 = arith.constant 0 : i32
        %sign3A_320 = arith.cmpi sgt, %jit3A_310, %sign3A_319 : i32
        %sign3A_321 = arith.extui %sign3A_320 : i1 to i32
        %sign3A_322 = arith.constant 0 : i32
        %sign3A_323 = arith.cmpi slt, %jit3A_310, %sign3A_322 : i32
        %sign3A_324 = arith.extui %sign3A_323 : i1 to i32
        %sign3A_325 = arith.subi %sign3A_321, %sign3A_324 : i32
        %ne3A_326 = arith.cmpi ne, %sign3A_318, %sign3A_325 : i32
        %rem3A_327 = arith.remsi %add3A_309, %jit3A_310 : i32
        %ne3A_328 = arith.constant 0 : i32
        %ne3A_329 = arith.cmpi ne, %rem3A_327, %ne3A_328 : i32
        %and3A_330 = arith.andi %ne3A_326, %ne3A_329 : i1
        %sub3A_331 = arith.constant 1 : i32
        %sub3A_332 = arith.subi %div3A_311, %sub3A_331 : i32
        %select_n3A_333 = arith.select %and3A_330, %sub3A_332, %div3A_311 : i32
        %dma_wait3A_334 = arith.constant 128 : i32
        %dma_wait3A_335 = arith.constant 0 : i32
        %dma_wait3A_336 = tpu.memref_slice %arg6[%dma_wait3A_334, %dma_wait3A_335] : memref<256x64xi32, #tpu.memory_space<vmem>> -> memref<128x64xi32, #tpu.memory_space<vmem>>
        %dma_wait3A_337 = arith.constant 64 : i32
        %dma_wait3A_338 = tpu.memref_slice %arg4[%select_n3A_333, %dma_wait3A_337] : memref<40960x128xi32, #tpu.memory_space<hbm>> -> memref<128x64xi32, #tpu.memory_space<hbm>>
        %dma_wait3A_339 = arith.constant 64 : i32
        %dma_wait3A_340 = tpu.memref_slice %arg4[%select_n3A_333, %dma_wait3A_339] : memref<40960x128xi32, #tpu.memory_space<hbm>> -> memref<128x64xi32, #tpu.memory_space<hbm>>
        %dma_wait3A_341 = arith.constant 128 : i32
        %dma_wait3A_342 = arith.constant 0 : i32
        %dma_wait3A_343 = tpu.memref_slice %arg6[%dma_wait3A_341, %dma_wait3A_342] : memref<256x64xi32, #tpu.memory_space<vmem>> -> memref<128x64xi32, #tpu.memory_space<vmem>>
        tpu.wait_dma2 semaphore(%arg10 : memref<!tpu.dma_semaphore, #tpu.memory_space<semaphore_mem>>) src(%dma_wait3A_343 : memref<128x64xi32, #tpu.memory_space<vmem>>) dst(%dma_wait3A_340 : memref<128x64xi32, #tpu.memory_space<hbm>>)
      } else {
      }
      %add3A_185 = arith.constant 1 : i32
      %add3A_186 = arith.addi %add3A_173, %add3A_185 : i32
      %lt3A_187 = arith.constant 10 : i32
      %lt3A_188 = arith.cmpi slt, %add3A_186, %lt3A_187 : i32
      %convert_element_type3A_189 = arith.extui %lt3A_188 : i1 to i32
      %cond3A_190 = arith.constant 0 : i32
      %cond3A_191 = arith.cmpi ne, %convert_element_type3A_189, %cond3A_190 : i32
      scf.if %cond3A_191 {
        %add3A_266 = arith.constant 1 : i32
        %add3A_267 = arith.addi %add3A_173, %add3A_266 : i32
        %mul3A_268 = arith.constant 256 : i32
        %mul3A_269 = arith.muli %add3A_267, %mul3A_268 : i32
        %dma_start3A_270 = tpu.memref_slice %arg5[%mul3A_269] : memref<2560xi32, #tpu.memory_space<vmem>> -> memref<256xi32, #tpu.memory_space<vmem>>
        %dma_start3A_271 = arith.constant 0 : i32
        %dma_start3A_272 = arith.constant 0 : i32
        %dma_start3A_273 = tpu.memref_slice %arg2[%dma_start3A_271, %dma_start3A_272] : memref<10000x64xi32, #tpu.memory_space<hbm>> -> memref<10000x64xi32, #tpu.memory_space<hbm>>
        tpu.enqueue_indirect_dma source(%dma_start3A_273 : memref<10000x64xi32, #tpu.memory_space<hbm>>) target(%arg6 : memref<256x64xi32, #tpu.memory_space<vmem>>) offsets(%dma_start3A_270 : memref<256xi32, #tpu.memory_space<vmem>>) semaphore(%arg8 : memref<!tpu.dma_semaphore, #tpu.memory_space<semaphore_mem>>)
      } else {
      }
      %mul3A_192 = arith.constant 256 : i32
      %mul3A_193 = arith.muli %add3A_173, %mul3A_192 : i32
      %add3A_194 = arith.addi %mul3A_4, %mul3A_193 : i32
      %jit3A_195 = arith.constant 2 : i32
      %div3A_196 = arith.divsi %add3A_194, %jit3A_195 : i32
      %sign3A_197 = arith.constant 0 : i32
      %sign3A_198 = arith.cmpi sgt, %add3A_194, %sign3A_197 : i32
      %sign3A_199 = arith.extui %sign3A_198 : i1 to i32
      %sign3A_200 = arith.constant 0 : i32
      %sign3A_201 = arith.cmpi slt, %add3A_194, %sign3A_200 : i32
      %sign3A_202 = arith.extui %sign3A_201 : i1 to i32
      %sign3A_203 = arith.subi %sign3A_199, %sign3A_202 : i32
      %sign3A_204 = arith.constant 0 : i32
      %sign3A_205 = arith.cmpi sgt, %jit3A_195, %sign3A_204 : i32
      %sign3A_206 = arith.extui %sign3A_205 : i1 to i32
      %sign3A_207 = arith.constant 0 : i32
      %sign3A_208 = arith.cmpi slt, %jit3A_195, %sign3A_207 : i32
      %sign3A_209 = arith.extui %sign3A_208 : i1 to i32
      %sign3A_210 = arith.subi %sign3A_206, %sign3A_209 : i32
      %ne3A_211 = arith.cmpi ne, %sign3A_203, %sign3A_210 : i32
      %rem3A_212 = arith.remsi %add3A_194, %jit3A_195 : i32
      %ne3A_213 = arith.constant 0 : i32
      %ne3A_214 = arith.cmpi ne, %rem3A_212, %ne3A_213 : i32
      %and3A_215 = arith.andi %ne3A_211, %ne3A_214 : i1
      %sub3A_216 = arith.constant 1 : i32
      %sub3A_217 = arith.subi %div3A_196, %sub3A_216 : i32
      %select_n3A_218 = arith.select %and3A_215, %sub3A_217, %div3A_196 : i32
      %dma_start3A_219 = arith.constant 0 : i32
      %dma_start3A_220 = arith.constant 0 : i32
      %dma_start3A_221 = tpu.memref_slice %arg7[%dma_start3A_219, %dma_start3A_220] : memref<256x64xi32, #tpu.memory_space<vmem>> -> memref<128x64xi32, #tpu.memory_space<vmem>>
      %dma_start3A_222 = arith.constant 0 : i32
      %dma_start3A_223 = tpu.memref_slice %arg4[%select_n3A_218, %dma_start3A_222] : memref<40960x128xi32, #tpu.memory_space<hbm>> -> memref<128x64xi32, #tpu.memory_space<hbm>>
      %dma_start3A_224 = arith.constant 0 : i32
      %dma_start3A_225 = tpu.memref_slice %arg4[%select_n3A_218, %dma_start3A_224] : memref<40960x128xi32, #tpu.memory_space<hbm>> -> memref<128x64xi32, #tpu.memory_space<hbm>>
      %dma_start3A_226 = arith.constant 0 : i32
      %dma_start3A_227 = arith.constant 0 : i32
      %dma_start3A_228 = tpu.memref_slice %arg7[%dma_start3A_226, %dma_start3A_227] : memref<256x64xi32, #tpu.memory_space<vmem>> -> memref<128x64xi32, #tpu.memory_space<vmem>>
      tpu.enqueue_dma source(%dma_start3A_228 : memref<128x64xi32, #tpu.memory_space<vmem>>) target(%dma_start3A_225 : memref<128x64xi32, #tpu.memory_space<hbm>>) target_semaphore(%arg11 : memref<!tpu.dma_semaphore, #tpu.memory_space<semaphore_mem>>)
      %mul3A_229 = arith.constant 256 : i32
      %mul3A_230 = arith.muli %add3A_173, %mul3A_229 : i32
      %add3A_231 = arith.addi %mul3A_4, %mul3A_230 : i32
      %jit3A_232 = arith.constant 2 : i32
      %div3A_233 = arith.divsi %add3A_231, %jit3A_232 : i32
      %sign3A_234 = arith.constant 0 : i32
      %sign3A_235 = arith.cmpi sgt, %add3A_231, %sign3A_234 : i32
      %sign3A_236 = arith.extui %sign3A_235 : i1 to i32
      %sign3A_237 = arith.constant 0 : i32
      %sign3A_238 = arith.cmpi slt, %add3A_231, %sign3A_237 : i32
      %sign3A_239 = arith.extui %sign3A_238 : i1 to i32
      %sign3A_240 = arith.subi %sign3A_236, %sign3A_239 : i32
      %sign3A_241 = arith.constant 0 : i32
      %sign3A_242 = arith.cmpi sgt, %jit3A_232, %sign3A_241 : i32
      %sign3A_243 = arith.extui %sign3A_242 : i1 to i32
      %sign3A_244 = arith.constant 0 : i32
      %sign3A_245 = arith.cmpi slt, %jit3A_232, %sign3A_244 : i32
      %sign3A_246 = arith.extui %sign3A_245 : i1 to i32
      %sign3A_247 = arith.subi %sign3A_243, %sign3A_246 : i32
      %ne3A_248 = arith.cmpi ne, %sign3A_240, %sign3A_247 : i32
      %rem3A_249 = arith.remsi %add3A_231, %jit3A_232 : i32
      %ne3A_250 = arith.constant 0 : i32
      %ne3A_251 = arith.cmpi ne, %rem3A_249, %ne3A_250 : i32
      %and3A_252 = arith.andi %ne3A_248, %ne3A_251 : i1
      %sub3A_253 = arith.constant 1 : i32
      %sub3A_254 = arith.subi %div3A_233, %sub3A_253 : i32
      %select_n3A_255 = arith.select %and3A_252, %sub3A_254, %div3A_233 : i32
      %dma_start3A_256 = arith.constant 128 : i32
      %dma_start3A_257 = arith.constant 0 : i32
      %dma_start3A_258 = tpu.memref_slice %arg7[%dma_start3A_256, %dma_start3A_257] : memref<256x64xi32, #tpu.memory_space<vmem>> -> memref<128x64xi32, #tpu.memory_space<vmem>>
      %dma_start3A_259 = arith.constant 64 : i32
      %dma_start3A_260 = tpu.memref_slice %arg4[%select_n3A_255, %dma_start3A_259] : memref<40960x128xi32, #tpu.memory_space<hbm>> -> memref<128x64xi32, #tpu.memory_space<hbm>>
      %dma_start3A_261 = arith.constant 64 : i32
      %dma_start3A_262 = tpu.memref_slice %arg4[%select_n3A_255, %dma_start3A_261] : memref<40960x128xi32, #tpu.memory_space<hbm>> -> memref<128x64xi32, #tpu.memory_space<hbm>>
      %dma_start3A_263 = arith.constant 128 : i32
      %dma_start3A_264 = arith.constant 0 : i32
      %dma_start3A_265 = tpu.memref_slice %arg7[%dma_start3A_263, %dma_start3A_264] : memref<256x64xi32, #tpu.memory_space<vmem>> -> memref<128x64xi32, #tpu.memory_space<vmem>>
      tpu.enqueue_dma source(%dma_start3A_265 : memref<128x64xi32, #tpu.memory_space<vmem>>) target(%dma_start3A_262 : memref<128x64xi32, #tpu.memory_space<hbm>>) target_semaphore(%arg11 : memref<!tpu.dma_semaphore, #tpu.memory_space<semaphore_mem>>)
    }
    %scan3A_13 = arith.constant 5 : i32
    %add3A_14 = arith.constant 2304 : i32
    %add3A_15 = arith.addi %mul3A_4, %add3A_14 : i32
    %jit3A = arith.constant 2 : i32
    %div3A = arith.divsi %add3A_15, %jit3A : i32
    %sign3A = arith.constant 0 : i32
    %sign3A_16 = arith.cmpi sgt, %add3A_15, %sign3A : i32
    %sign3A_17 = arith.extui %sign3A_16 : i1 to i32
    %sign3A_18 = arith.constant 0 : i32
    %sign3A_19 = arith.cmpi slt, %add3A_15, %sign3A_18 : i32
    %sign3A_20 = arith.extui %sign3A_19 : i1 to i32
    %sign3A_21 = arith.subi %sign3A_17, %sign3A_20 : i32
    %sign3A_22 = arith.constant 0 : i32
    %sign3A_23 = arith.cmpi sgt, %jit3A, %sign3A_22 : i32
    %sign3A_24 = arith.extui %sign3A_23 : i1 to i32
    %sign3A_25 = arith.constant 0 : i32
    %sign3A_26 = arith.cmpi slt, %jit3A, %sign3A_25 : i32
    %sign3A_27 = arith.extui %sign3A_26 : i1 to i32
    %sign3A_28 = arith.subi %sign3A_24, %sign3A_27 : i32
    %ne3A = arith.cmpi ne, %sign3A_21, %sign3A_28 : i32
    %rem3A = arith.remsi %add3A_15, %jit3A : i32
    %ne3A_29 = arith.constant 0 : i32
    %ne3A_30 = arith.cmpi ne, %rem3A, %ne3A_29 : i32
    %and3A = arith.andi %ne3A, %ne3A_30 : i1
    %sub3A = arith.constant 1 : i32
    %sub3A_31 = arith.subi %div3A, %sub3A : i32
    %select_n3A = arith.select %and3A, %sub3A_31, %div3A : i32
    %dma_wait3A = arith.constant 0 : i32
    %dma_wait3A_32 = arith.constant 0 : i32
    %dma_wait3A_33 = tpu.memref_slice %arg7[%dma_wait3A, %dma_wait3A_32] : memref<256x64xi32, #tpu.memory_space<vmem>> -> memref<128x64xi32, #tpu.memory_space<vmem>>
    %dma_wait3A_34 = arith.constant 0 : i32
    %dma_wait3A_35 = tpu.memref_slice %arg4[%select_n3A, %dma_wait3A_34] : memref<40960x128xi32, #tpu.memory_space<hbm>> -> memref<128x64xi32, #tpu.memory_space<hbm>>
    %dma_wait3A_36 = arith.constant 0 : i32
    %dma_wait3A_37 = tpu.memref_slice %arg4[%select_n3A, %dma_wait3A_36] : memref<40960x128xi32, #tpu.memory_space<hbm>> -> memref<128x64xi32, #tpu.memory_space<hbm>>
    %dma_wait3A_38 = arith.constant 0 : i32
    %dma_wait3A_39 = arith.constant 0 : i32
    %dma_wait3A_40 = tpu.memref_slice %arg7[%dma_wait3A_38, %dma_wait3A_39] : memref<256x64xi32, #tpu.memory_space<vmem>> -> memref<128x64xi32, #tpu.memory_space<vmem>>
    tpu.wait_dma2 semaphore(%arg11 : memref<!tpu.dma_semaphore, #tpu.memory_space<semaphore_mem>>) src(%dma_wait3A_40 : memref<128x64xi32, #tpu.memory_space<vmem>>) dst(%dma_wait3A_37 : memref<128x64xi32, #tpu.memory_space<hbm>>)
    %add3A_41 = arith.constant 2304 : i32
    %add3A_42 = arith.addi %mul3A_4, %add3A_41 : i32
    %jit3A_43 = arith.constant 2 : i32
    %div3A_44 = arith.divsi %add3A_42, %jit3A_43 : i32
    %sign3A_45 = arith.constant 0 : i32
    %sign3A_46 = arith.cmpi sgt, %add3A_42, %sign3A_45 : i32
    %sign3A_47 = arith.extui %sign3A_46 : i1 to i32
    %sign3A_48 = arith.constant 0 : i32
    %sign3A_49 = arith.cmpi slt, %add3A_42, %sign3A_48 : i32
    %sign3A_50 = arith.extui %sign3A_49 : i1 to i32
    %sign3A_51 = arith.subi %sign3A_47, %sign3A_50 : i32
    %sign3A_52 = arith.constant 0 : i32
    %sign3A_53 = arith.cmpi sgt, %jit3A_43, %sign3A_52 : i32
    %sign3A_54 = arith.extui %sign3A_53 : i1 to i32
    %sign3A_55 = arith.constant 0 : i32
    %sign3A_56 = arith.cmpi slt, %jit3A_43, %sign3A_55 : i32
    %sign3A_57 = arith.extui %sign3A_56 : i1 to i32
    %sign3A_58 = arith.subi %sign3A_54, %sign3A_57 : i32
    %ne3A_59 = arith.cmpi ne, %sign3A_51, %sign3A_58 : i32
    %rem3A_60 = arith.remsi %add3A_42, %jit3A_43 : i32
    %ne3A_61 = arith.constant 0 : i32
    %ne3A_62 = arith.cmpi ne, %rem3A_60, %ne3A_61 : i32
    %and3A_63 = arith.andi %ne3A_59, %ne3A_62 : i1
    %sub3A_64 = arith.constant 1 : i32
    %sub3A_65 = arith.subi %div3A_44, %sub3A_64 : i32
    %select_n3A_66 = arith.select %and3A_63, %sub3A_65, %div3A_44 : i32
    %dma_wait3A_67 = arith.constant 128 : i32
    %dma_wait3A_68 = arith.constant 0 : i32
    %dma_wait3A_69 = tpu.memref_slice %arg7[%dma_wait3A_67, %dma_wait3A_68] : memref<256x64xi32, #tpu.memory_space<vmem>> -> memref<128x64xi32, #tpu.memory_space<vmem>>
    %dma_wait3A_70 = arith.constant 64 : i32
    %dma_wait3A_71 = tpu.memref_slice %arg4[%select_n3A_66, %dma_wait3A_70] : memref<40960x128xi32, #tpu.memory_space<hbm>> -> memref<128x64xi32, #tpu.memory_space<hbm>>
    %dma_wait3A_72 = arith.constant 64 : i32
    %dma_wait3A_73 = tpu.memref_slice %arg4[%select_n3A_66, %dma_wait3A_72] : memref<40960x128xi32, #tpu.memory_space<hbm>> -> memref<128x64xi32, #tpu.memory_space<hbm>>
    %dma_wait3A_74 = arith.constant 128 : i32
    %dma_wait3A_75 = arith.constant 0 : i32
    %dma_wait3A_76 = tpu.memref_slice %arg7[%dma_wait3A_74, %dma_wait3A_75] : memref<256x64xi32, #tpu.memory_space<vmem>> -> memref<128x64xi32, #tpu.memory_space<vmem>>
    tpu.wait_dma2 semaphore(%arg11 : memref<!tpu.dma_semaphore, #tpu.memory_space<semaphore_mem>>) src(%dma_wait3A_76 : memref<128x64xi32, #tpu.memory_space<vmem>>) dst(%dma_wait3A_73 : memref<128x64xi32, #tpu.memory_space<hbm>>)
    return
  }
}

#map = affine_map<(d0, d1) -> (0, 0)>
#map1 = affine_map<(d0, d1) -> (0)>
module attributes {stable_mosaic.version = 14 : i64} {
  func.func @k(%arg0: i32, %arg1: i32, %arg2: memref<10000x64xi32, #tpu.memory_space<hbm>>, %arg3: memref<81920xi32, #tpu.memory_space<hbm>>, %arg4: memref<40960x128xi32, #tpu.memory_space<hbm>>, %arg5: memref<2560xi32, #tpu.memory_space<vmem>>, %arg6: memref<256x64xi32, #tpu.memory_space<vmem>>, %arg7: memref<256x64xi32, #tpu.memory_space<vmem>>, %arg8: memref<!tpu.dma_semaphore, #tpu.memory_space<semaphore_mem>>, %arg9: memref<!tpu.dma_semaphore, #tpu.memory_space<semaphore_mem>>, %arg10: memref<!tpu.dma_semaphore, #tpu.memory_space<semaphore_mem>>, %arg11: memref<!tpu.dma_semaphore, #tpu.memory_space<semaphore_mem>>) attributes {dimension_semantics = [#tpu.dimension_semantics<core_parallel>, #tpu.dimension_semantics<subcore_parallel>], iteration_bounds = array<i64: 2, 16>, scalar_prefetch = 0 : i64, scratch_operands = 7 : i64, tpu.core_type = #tpu.core_type<sc_vector_subcore>, window_params = [{transform_indices = #map}, {transform_indices = #map1}, {transform_indices = #map}]} {
    %mul3A = arith.constant 16 : i32
    %mul3A_0 = arith.muli %arg0, %mul3A : i32
    %add3A = arith.addi %mul3A_0, %arg1 : i32
    %mul3A_1 = arith.constant 10 : i32
    %mul3A_2 = arith.muli %add3A, %mul3A_1 : i32
    %mul3A_3 = arith.constant 256 : i32
    %mul3A_4 = arith.muli %mul3A_2, %mul3A_3 : i32
    "tpu.region"() ({
      %run_scoped3A = tpu.sem_alloc : memref<!tpu.dma_semaphore, #tpu.memory_space<semaphore_mem>>
      %dma_start3A_77 = tpu.memref_slice %arg3[%mul3A_4] : memref<81920xi32, #tpu.memory_space<hbm>> -> memref<2560xi32, #tpu.memory_space<hbm>>
      %dma_start3A_78 = tpu.memref_slice %arg3[%mul3A_4] : memref<81920xi32, #tpu.memory_space<hbm>> -> memref<2560xi32, #tpu.memory_space<hbm>>
      tpu.enqueue_dma source(%dma_start3A_78 : memref<2560xi32, #tpu.memory_space<hbm>>) target(%arg5 : memref<2560xi32, #tpu.memory_space<vmem>>) target_semaphore(%run_scoped3A : memref<!tpu.dma_semaphore, #tpu.memory_space<semaphore_mem>>)
      %dma_wait3A_79 = tpu.memref_slice %arg3[%mul3A_4] : memref<81920xi32, #tpu.memory_space<hbm>> -> memref<2560xi32, #tpu.memory_space<hbm>>
      %dma_wait3A_80 = tpu.memref_slice %arg3[%mul3A_4] : memref<81920xi32, #tpu.memory_space<hbm>> -> memref<2560xi32, #tpu.memory_space<hbm>>
      tpu.wait_dma2 semaphore(%run_scoped3A : memref<!tpu.dma_semaphore, #tpu.memory_space<semaphore_mem>>) src(%dma_wait3A_80 : memref<2560xi32, #tpu.memory_space<hbm>>) dst(%arg5 : memref<2560xi32, #tpu.memory_space<vmem>>)
      tpu.yield
    }) : () -> ()
    %dma_start3A = arith.constant 0 : i32
    %dma_start3A_5 = tpu.memref_slice %arg5[%dma_start3A] : memref<2560xi32, #tpu.memory_space<vmem>> -> memref<256xi32, #tpu.memory_space<vmem>>
    %dma_start3A_6 = arith.constant 0 : i32
    %dma_start3A_7 = arith.constant 0 : i32
    %dma_start3A_8 = tpu.memref_slice %arg2[%dma_start3A_6, %dma_start3A_7] : memref<10000x64xi32, #tpu.memory_space<hbm>> -> memref<10000x64xi32, #tpu.memory_space<hbm>>
    tpu.enqueue_indirect_dma source(%dma_start3A_8 : memref<10000x64xi32, #tpu.memory_space<hbm>>) target(%arg6 : memref<256x64xi32, #tpu.memory_space<vmem>>) offsets(%dma_start3A_5 : memref<256xi32, #tpu.memory_space<vmem>>) semaphore(%arg8 : memref<!tpu.dma_semaphore, #tpu.memory_space<semaphore_mem>>)
    %scan3A = arith.constant 0 : i32
    %scan3A_9 = arith.constant 0 : i32
    %scan3A_10 = arith.constant 5 : i32
    %scan3A_11 = arith.addi %scan3A_9, %scan3A_10 : i32
    %scan3A_12 = arith.constant 1 : i32
    scf.for %scan3A_77 = %scan3A_9 to %scan3A_11 step %scan3A_12  : i32 {
      %mul3A_78 = arith.constant 2 : i32
      %mul3A_79 = arith.muli %mul3A_78, %scan3A_77 : i32
      %add3A_80 = arith.constant 0 : i32
      %add3A_81 = arith.addi %mul3A_79, %add3A_80 : i32
      %mul3A_82 = arith.constant 256 : i32
      %mul3A_83 = arith.muli %add3A_81, %mul3A_82 : i32
      %dma_wait3A_84 = tpu.memref_slice %arg5[%mul3A_83] : memref<2560xi32, #tpu.memory_space<vmem>> -> memref<256xi32, #tpu.memory_space<vmem>>
      %dma_wait3A_85 = arith.constant 0 : i32
      %dma_wait3A_86 = arith.constant 0 : i32
      %dma_wait3A_87 = tpu.memref_slice %arg2[%dma_wait3A_85, %dma_wait3A_86] : memref<10000x64xi32, #tpu.memory_space<hbm>> -> memref<10000x64xi32, #tpu.memory_space<hbm>>
      tpu.wait_indirect_dma semaphore(%arg8 : memref<!tpu.dma_semaphore, #tpu.memory_space<semaphore_mem>>) src(%dma_wait3A_87 : memref<10000x64xi32, #tpu.memory_space<hbm>>) dst(%arg6 : memref<256x64xi32, #tpu.memory_space<vmem>>)
      %gt3A = arith.constant 0 : i32
      %gt3A_88 = arith.cmpi sgt, %add3A_81, %gt3A : i32
      %convert_element_type3A = arith.extui %gt3A_88 : i1 to i32
      %cond3A = arith.constant 0 : i32
      %cond3A_89 = arith.cmpi ne, %convert_element_type3A, %cond3A : i32
      scf.if %cond3A_89 {
        %sub3A_266 = arith.constant 1 : i32
        %sub3A_267 = arith.subi %add3A_81, %sub3A_266 : i32
        %mul3A_268 = arith.constant 256 : i32
        %mul3A_269 = arith.muli %sub3A_267, %mul3A_268 : i32
        %add3A_270 = arith.addi %mul3A_4, %mul3A_269 : i32
        %jit3A_271 = arith.constant 2 : i32
        %div3A_272 = arith.divsi %add3A_270, %jit3A_271 : i32
        %sign3A_273 = arith.constant 0 : i32
        %sign3A_274 = arith.cmpi sgt, %add3A_270, %sign3A_273 : i32
        %sign3A_275 = arith.extui %sign3A_274 : i1 to i32
        %sign3A_276 = arith.constant 0 : i32
        %sign3A_277 = arith.cmpi slt, %add3A_270, %sign3A_276 : i32
        %sign3A_278 = arith.extui %sign3A_277 : i1 to i32
        %sign3A_279 = arith.subi %sign3A_275, %sign3A_278 : i32
        %sign3A_280 = arith.constant 0 : i32
        %sign3A_281 = arith.cmpi sgt, %jit3A_271, %sign3A_280 : i32
        %sign3A_282 = arith.extui %sign3A_281 : i1 to i32
        %sign3A_283 = arith.constant 0 : i32
        %sign3A_284 = arith.cmpi slt, %jit3A_271, %sign3A_283 : i32
        %sign3A_285 = arith.extui %sign3A_284 : i1 to i32
        %sign3A_286 = arith.subi %sign3A_282, %sign3A_285 : i32
        %ne3A_287 = arith.cmpi ne, %sign3A_279, %sign3A_286 : i32
        %rem3A_288 = arith.remsi %add3A_270, %jit3A_271 : i32
        %ne3A_289 = arith.constant 0 : i32
        %ne3A_290 = arith.cmpi ne, %rem3A_288, %ne3A_289 : i32
        %and3A_291 = arith.andi %ne3A_287, %ne3A_290 : i1
        %sub3A_292 = arith.constant 1 : i32
        %sub3A_293 = arith.subi %div3A_272, %sub3A_292 : i32
        %select_n3A_294 = arith.select %and3A_291, %sub3A_293, %div3A_272 : i32
        %dma_wait3A_295 = arith.constant 0 : i32
        %dma_wait3A_296 = arith.constant 0 : i32
        %dma_wait3A_297 = tpu.memref_slice %arg7[%dma_wait3A_295, %dma_wait3A_296] : memref<256x64xi32, #tpu.memory_space<vmem>> -> memref<128x64xi32, #tpu.memory_space<vmem>>
        %dma_wait3A_298 = arith.constant 0 : i32
        %dma_wait3A_299 = tpu.memref_slice %arg4[%select_n3A_294, %dma_wait3A_298] : memref<40960x128xi32, #tpu.memory_space<hbm>> -> memref<128x64xi32, #tpu.memory_space<hbm>>
        %dma_wait3A_300 = arith.constant 0 : i32
        %dma_wait3A_301 = tpu.memref_slice %arg4[%select_n3A_294, %dma_wait3A_300] : memref<40960x128xi32, #tpu.memory_space<hbm>> -> memref<128x64xi32, #tpu.memory_space<hbm>>
        %dma_wait3A_302 = arith.constant 0 : i32
        %dma_wait3A_303 = arith.constant 0 : i32
        %dma_wait3A_304 = tpu.memref_slice %arg7[%dma_wait3A_302, %dma_wait3A_303] : memref<256x64xi32, #tpu.memory_space<vmem>> -> memref<128x64xi32, #tpu.memory_space<vmem>>
        tpu.wait_dma2 semaphore(%arg11 : memref<!tpu.dma_semaphore, #tpu.memory_space<semaphore_mem>>) src(%dma_wait3A_304 : memref<128x64xi32, #tpu.memory_space<vmem>>) dst(%dma_wait3A_301 : memref<128x64xi32, #tpu.memory_space<hbm>>)
        %sub3A_305 = arith.constant 1 : i32
        %sub3A_306 = arith.subi %add3A_81, %sub3A_305 : i32
        %mul3A_307 = arith.constant 256 : i32
        %mul3A_308 = arith.muli %sub3A_306, %mul3A_307 : i32
        %add3A_309 = arith.addi %mul3A_4, %mul3A_308 : i32
        %jit3A_310 = arith.constant 2 : i32
        %div3A_311 = arith.divsi %add3A_309, %jit3A_310 : i32
        %sign3A_312 = arith.constant 0 : i32
        %sign3A_313 = arith.cmpi sgt, %add3A_309, %sign3A_312 : i32
        %sign3A_314 = arith.extui %sign3A_313 : i1 to i32
        %sign3A_315 = arith.constant 0 : i32
        %sign3A_316 = arith.cmpi slt, %add3A_309, %sign3A_315 : i32
        %sign3A_317 = arith.extui %sign3A_316 : i1 to i32
        %sign3A_318 = arith.subi %sign3A_314, %sign3A_317 : i32
        %sign3A_319 = arith.constant 0 : i32
        %sign3A_320 = arith.cmpi sgt, %jit3A_310, %sign3A_319 : i32
        %sign3A_321 = arith.extui %sign3A_320 : i1 to i32
        %sign3A_322 = arith.constant 0 : i32
        %sign3A_323 = arith.cmpi slt, %jit3A_310, %sign3A_322 : i32
        %sign3A_324 = arith.extui %sign3A_323 : i1 to i32
        %sign3A_325 = arith.subi %sign3A_321, %sign3A_324 : i32
        %ne3A_326 = arith.cmpi ne, %sign3A_318, %sign3A_325 : i32
        %rem3A_327 = arith.remsi %add3A_309, %jit3A_310 : i32
        %ne3A_328 = arith.constant 0 : i32
        %ne3A_329 = arith.cmpi ne, %rem3A_327, %ne3A_328 : i32
        %and3A_330 = arith.andi %ne3A_326, %ne3A_329 : i1
        %sub3A_331 = arith.constant 1 : i32
        %sub3A_332 = arith.subi %div3A_311, %sub3A_331 : i32
        %select_n3A_333 = arith.select %and3A_330, %sub3A_332, %div3A_311 : i32
        %dma_wait3A_334 = arith.constant 128 : i32
        %dma_wait3A_335 = arith.constant 0 : i32
        %dma_wait3A_336 = tpu.memref_slice %arg7[%dma_wait3A_334, %dma_wait3A_335] : memref<256x64xi32, #tpu.memory_space<vmem>> -> memref<128x64xi32, #tpu.memory_space<vmem>>
        %dma_wait3A_337 = arith.constant 64 : i32
        %dma_wait3A_338 = tpu.memref_slice %arg4[%select_n3A_333, %dma_wait3A_337] : memref<40960x128xi32, #tpu.memory_space<hbm>> -> memref<128x64xi32, #tpu.memory_space<hbm>>
        %dma_wait3A_339 = arith.constant 64 : i32
        %dma_wait3A_340 = tpu.memref_slice %arg4[%select_n3A_333, %dma_wait3A_339] : memref<40960x128xi32, #tpu.memory_space<hbm>> -> memref<128x64xi32, #tpu.memory_space<hbm>>
        %dma_wait3A_341 = arith.constant 128 : i32
        %dma_wait3A_342 = arith.constant 0 : i32
        %dma_wait3A_343 = tpu.memref_slice %arg7[%dma_wait3A_341, %dma_wait3A_342] : memref<256x64xi32, #tpu.memory_space<vmem>> -> memref<128x64xi32, #tpu.memory_space<vmem>>
        tpu.wait_dma2 semaphore(%arg11 : memref<!tpu.dma_semaphore, #tpu.memory_space<semaphore_mem>>) src(%dma_wait3A_343 : memref<128x64xi32, #tpu.memory_space<vmem>>) dst(%dma_wait3A_340 : memref<128x64xi32, #tpu.memory_space<hbm>>)
      } else {
      }
      %add3A_90 = arith.constant 1 : i32
      %add3A_91 = arith.addi %add3A_81, %add3A_90 : i32
      %lt3A = arith.constant 10 : i32
      %lt3A_92 = arith.cmpi slt, %add3A_91, %lt3A : i32
      %convert_element_type3A_93 = arith.extui %lt3A_92 : i1 to i32
      %cond3A_94 = arith.constant 0 : i32
      %cond3A_95 = arith.cmpi ne, %convert_element_type3A_93, %cond3A_94 : i32
      scf.if %cond3A_95 {
        %add3A_266 = arith.constant 1 : i32
        %add3A_267 = arith.addi %add3A_81, %add3A_266 : i32
        %mul3A_268 = arith.constant 256 : i32
        %mul3A_269 = arith.muli %add3A_267, %mul3A_268 : i32
        %dma_start3A_270 = tpu.memref_slice %arg5[%mul3A_269] : memref<2560xi32, #tpu.memory_space<vmem>> -> memref<256xi32, #tpu.memory_space<vmem>>
        %dma_start3A_271 = arith.constant 0 : i32
        %dma_start3A_272 = arith.constant 0 : i32
        %dma_start3A_273 = tpu.memref_slice %arg2[%dma_start3A_271, %dma_start3A_272] : memref<10000x64xi32, #tpu.memory_space<hbm>> -> memref<10000x64xi32, #tpu.memory_space<hbm>>
        tpu.enqueue_indirect_dma source(%dma_start3A_273 : memref<10000x64xi32, #tpu.memory_space<hbm>>) target(%arg7 : memref<256x64xi32, #tpu.memory_space<vmem>>) offsets(%dma_start3A_270 : memref<256xi32, #tpu.memory_space<vmem>>) semaphore(%arg9 : memref<!tpu.dma_semaphore, #tpu.memory_space<semaphore_mem>>)
      } else {
      }
      %mul3A_96 = arith.constant 256 : i32
      %mul3A_97 = arith.muli %add3A_81, %mul3A_96 : i32
      %add3A_98 = arith.addi %mul3A_4, %mul3A_97 : i32
      %jit3A_99 = arith.constant 2 : i32
      %div3A_100 = arith.divsi %add3A_98, %jit3A_99 : i32
      %sign3A_101 = arith.constant 0 : i32
      %sign3A_102 = arith.cmpi sgt, %add3A_98, %sign3A_101 : i32
      %sign3A_103 = arith.extui %sign3A_102 : i1 to i32
      %sign3A_104 = arith.constant 0 : i32
      %sign3A_105 = arith.cmpi slt, %add3A_98, %sign3A_104 : i32
      %sign3A_106 = arith.extui %sign3A_105 : i1 to i32
      %sign3A_107 = arith.subi %sign3A_103, %sign3A_106 : i32
      %sign3A_108 = arith.constant 0 : i32
      %sign3A_109 = arith.cmpi sgt, %jit3A_99, %sign3A_108 : i32
      %sign3A_110 = arith.extui %sign3A_109 : i1 to i32
      %sign3A_111 = arith.constant 0 : i32
      %sign3A_112 = arith.cmpi slt, %jit3A_99, %sign3A_111 : i32
      %sign3A_113 = arith.extui %sign3A_112 : i1 to i32
      %sign3A_114 = arith.subi %sign3A_110, %sign3A_113 : i32
      %ne3A_115 = arith.cmpi ne, %sign3A_107, %sign3A_114 : i32
      %rem3A_116 = arith.remsi %add3A_98, %jit3A_99 : i32
      %ne3A_117 = arith.constant 0 : i32
      %ne3A_118 = arith.cmpi ne, %rem3A_116, %ne3A_117 : i32
      %and3A_119 = arith.andi %ne3A_115, %ne3A_118 : i1
      %sub3A_120 = arith.constant 1 : i32
      %sub3A_121 = arith.subi %div3A_100, %sub3A_120 : i32
      %select_n3A_122 = arith.select %and3A_119, %sub3A_121, %div3A_100 : i32
      %dma_start3A_123 = arith.constant 0 : i32
      %dma_start3A_124 = arith.constant 0 : i32
      %dma_start3A_125 = tpu.memref_slice %arg6[%dma_start3A_123, %dma_start3A_124] : memref<256x64xi32, #tpu.memory_space<vmem>> -> memref<128x64xi32, #tpu.memory_space<vmem>>
      %dma_start3A_126 = arith.constant 0 : i32
      %dma_start3A_127 = tpu.memref_slice %arg4[%select_n3A_122, %dma_start3A_126] : memref<40960x128xi32, #tpu.memory_space<hbm>> -> memref<128x64xi32, #tpu.memory_space<hbm>>
      %dma_start3A_128 = arith.constant 0 : i32
      %dma_start3A_129 = tpu.memref_slice %arg4[%select_n3A_122, %dma_start3A_128] : memref<40960x128xi32, #tpu.memory_space<hbm>> -> memref<128x64xi32, #tpu.memory_space<hbm>>
      %dma_start3A_130 = arith.constant 0 : i32
      %dma_start3A_131 = arith.constant 0 : i32
      %dma_start3A_132 = tpu.memref_slice %arg6[%dma_start3A_130, %dma_start3A_131] : memref<256x64xi32, #tpu.memory_space<vmem>> -> memref<128x64xi32, #tpu.memory_space<vmem>>
      tpu.enqueue_dma source(%dma_start3A_132 : memref<128x64xi32, #tpu.memory_space<vmem>>) target(%dma_start3A_129 : memref<128x64xi32, #tpu.memory_space<hbm>>) target_semaphore(%arg10 : memref<!tpu.dma_semaphore, #tpu.memory_space<semaphore_mem>>)
      %mul3A_133 = arith.constant 256 : i32
      %mul3A_134 = arith.muli %add3A_81, %mul3A_133 : i32
      %add3A_135 = arith.addi %mul3A_4, %mul3A_134 : i32
      %jit3A_136 = arith.constant 2 : i32
      %div3A_137 = arith.divsi %add3A_135, %jit3A_136 : i32
      %sign3A_138 = arith.constant 0 : i32
      %sign3A_139 = arith.cmpi sgt, %add3A_135, %sign3A_138 : i32
      %sign3A_140 = arith.extui %sign3A_139 : i1 to i32
      %sign3A_141 = arith.constant 0 : i32
      %sign3A_142 = arith.cmpi slt, %add3A_135, %sign3A_141 : i32
      %sign3A_143 = arith.extui %sign3A_142 : i1 to i32
      %sign3A_144 = arith.subi %sign3A_140, %sign3A_143 : i32
      %sign3A_145 = arith.constant 0 : i32
      %sign3A_146 = arith.cmpi sgt, %jit3A_136, %sign3A_145 : i32
      %sign3A_147 = arith.extui %sign3A_146 : i1 to i32
      %sign3A_148 = arith.constant 0 : i32
      %sign3A_149 = arith.cmpi slt, %jit3A_136, %sign3A_148 : i32
      %sign3A_150 = arith.extui %sign3A_149 : i1 to i32
      %sign3A_151 = arith.subi %sign3A_147, %sign3A_150 : i32
      %ne3A_152 = arith.cmpi ne, %sign3A_144, %sign3A_151 : i32
      %rem3A_153 = arith.remsi %add3A_135, %jit3A_136 : i32
      %ne3A_154 = arith.constant 0 : i32
      %ne3A_155 = arith.cmpi ne, %rem3A_153, %ne3A_154 : i32
      %and3A_156 = arith.andi %ne3A_152, %ne3A_155 : i1
      %sub3A_157 = arith.constant 1 : i32
      %sub3A_158 = arith.subi %div3A_137, %sub3A_157 : i32
      %select_n3A_159 = arith.select %and3A_156, %sub3A_158, %div3A_137 : i32
      %dma_start3A_160 = arith.constant 128 : i32
      %dma_start3A_161 = arith.constant 0 : i32
      %dma_start3A_162 = tpu.memref_slice %arg6[%dma_start3A_160, %dma_start3A_161] : memref<256x64xi32, #tpu.memory_space<vmem>> -> memref<128x64xi32, #tpu.memory_space<vmem>>
      %dma_start3A_163 = arith.constant 64 : i32
      %dma_start3A_164 = tpu.memref_slice %arg4[%select_n3A_159, %dma_start3A_163] : memref<40960x128xi32, #tpu.memory_space<hbm>> -> memref<128x64xi32, #tpu.memory_space<hbm>>
      %dma_start3A_165 = arith.constant 64 : i32
      %dma_start3A_166 = tpu.memref_slice %arg4[%select_n3A_159, %dma_start3A_165] : memref<40960x128xi32, #tpu.memory_space<hbm>> -> memref<128x64xi32, #tpu.memory_space<hbm>>
      %dma_start3A_167 = arith.constant 128 : i32
      %dma_start3A_168 = arith.constant 0 : i32
      %dma_start3A_169 = tpu.memref_slice %arg6[%dma_start3A_167, %dma_start3A_168] : memref<256x64xi32, #tpu.memory_space<vmem>> -> memref<128x64xi32, #tpu.memory_space<vmem>>
      tpu.enqueue_dma source(%dma_start3A_169 : memref<128x64xi32, #tpu.memory_space<vmem>>) target(%dma_start3A_166 : memref<128x64xi32, #tpu.memory_space<hbm>>) target_semaphore(%arg10 : memref<!tpu.dma_semaphore, #tpu.memory_space<semaphore_mem>>)
      %mul3A_170 = arith.constant 2 : i32
      %mul3A_171 = arith.muli %mul3A_170, %scan3A_77 : i32
      %add3A_172 = arith.constant 1 : i32
      %add3A_173 = arith.addi %mul3A_171, %add3A_172 : i32
      %mul3A_174 = arith.constant 256 : i32
      %mul3A_175 = arith.muli %add3A_173, %mul3A_174 : i32
      %dma_wait3A_176 = tpu.memref_slice %arg5[%mul3A_175] : memref<2560xi32, #tpu.memory_space<vmem>> -> memref<256xi32, #tpu.memory_space<vmem>>
      %dma_wait3A_177 = arith.constant 0 : i32
      %dma_wait3A_178 = arith.constant 0 : i32
      %dma_wait3A_179 = tpu.memref_slice %arg2[%dma_wait3A_177, %dma_wait3A_178] : memref<10000x64xi32, #tpu.memory_space<hbm>> -> memref<10000x64xi32, #tpu.memory_space<hbm>>
      tpu.wait_indirect_dma semaphore(%arg9 : memref<!tpu.dma_semaphore, #tpu.memory_space<semaphore_mem>>) src(%dma_wait3A_179 : memref<10000x64xi32, #tpu.memory_space<hbm>>) dst(%arg7 : memref<256x64xi32, #tpu.memory_space<vmem>>)
      %gt3A_180 = arith.constant 0 : i32
      %gt3A_181 = arith.cmpi sgt, %add3A_173, %gt3A_180 : i32
      %convert_element_type3A_182 = arith.extui %gt3A_181 : i1 to i32
      %cond3A_183 = arith.constant 0 : i32
      %cond3A_184 = arith.cmpi ne, %convert_element_type3A_182, %cond3A_183 : i32
      scf.if %cond3A_184 {
        %sub3A_266 = arith.constant 1 : i32
        %sub3A_267 = arith.subi %add3A_173, %sub3A_266 : i32
        %mul3A_268 = arith.constant 256 : i32
        %mul3A_269 = arith.muli %sub3A_267, %mul3A_268 : i32
        %add3A_270 = arith.addi %mul3A_4, %mul3A_269 : i32
        %jit3A_271 = arith.constant 2 : i32
        %div3A_272 = arith.divsi %add3A_270, %jit3A_271 : i32
        %sign3A_273 = arith.constant 0 : i32
        %sign3A_274 = arith.cmpi sgt, %add3A_270, %sign3A_273 : i32
        %sign3A_275 = arith.extui %sign3A_274 : i1 to i32
        %sign3A_276 = arith.constant 0 : i32
        %sign3A_277 = arith.cmpi slt, %add3A_270, %sign3A_276 : i32
        %sign3A_278 = arith.extui %sign3A_277 : i1 to i32
        %sign3A_279 = arith.subi %sign3A_275, %sign3A_278 : i32
        %sign3A_280 = arith.constant 0 : i32
        %sign3A_281 = arith.cmpi sgt, %jit3A_271, %sign3A_280 : i32
        %sign3A_282 = arith.extui %sign3A_281 : i1 to i32
        %sign3A_283 = arith.constant 0 : i32
        %sign3A_284 = arith.cmpi slt, %jit3A_271, %sign3A_283 : i32
        %sign3A_285 = arith.extui %sign3A_284 : i1 to i32
        %sign3A_286 = arith.subi %sign3A_282, %sign3A_285 : i32
        %ne3A_287 = arith.cmpi ne, %sign3A_279, %sign3A_286 : i32
        %rem3A_288 = arith.remsi %add3A_270, %jit3A_271 : i32
        %ne3A_289 = arith.constant 0 : i32
        %ne3A_290 = arith.cmpi ne, %rem3A_288, %ne3A_289 : i32
        %and3A_291 = arith.andi %ne3A_287, %ne3A_290 : i1
        %sub3A_292 = arith.constant 1 : i32
        %sub3A_293 = arith.subi %div3A_272, %sub3A_292 : i32
        %select_n3A_294 = arith.select %and3A_291, %sub3A_293, %div3A_272 : i32
        %dma_wait3A_295 = arith.constant 0 : i32
        %dma_wait3A_296 = arith.constant 0 : i32
        %dma_wait3A_297 = tpu.memref_slice %arg6[%dma_wait3A_295, %dma_wait3A_296] : memref<256x64xi32, #tpu.memory_space<vmem>> -> memref<128x64xi32, #tpu.memory_space<vmem>>
        %dma_wait3A_298 = arith.constant 0 : i32
        %dma_wait3A_299 = tpu.memref_slice %arg4[%select_n3A_294, %dma_wait3A_298] : memref<40960x128xi32, #tpu.memory_space<hbm>> -> memref<128x64xi32, #tpu.memory_space<hbm>>
        %dma_wait3A_300 = arith.constant 0 : i32
        %dma_wait3A_301 = tpu.memref_slice %arg4[%select_n3A_294, %dma_wait3A_300] : memref<40960x128xi32, #tpu.memory_space<hbm>> -> memref<128x64xi32, #tpu.memory_space<hbm>>
        %dma_wait3A_302 = arith.constant 0 : i32
        %dma_wait3A_303 = arith.constant 0 : i32
        %dma_wait3A_304 = tpu.memref_slice %arg6[%dma_wait3A_302, %dma_wait3A_303] : memref<256x64xi32, #tpu.memory_space<vmem>> -> memref<128x64xi32, #tpu.memory_space<vmem>>
        tpu.wait_dma2 semaphore(%arg10 : memref<!tpu.dma_semaphore, #tpu.memory_space<semaphore_mem>>) src(%dma_wait3A_304 : memref<128x64xi32, #tpu.memory_space<vmem>>) dst(%dma_wait3A_301 : memref<128x64xi32, #tpu.memory_space<hbm>>)
        %sub3A_305 = arith.constant 1 : i32
        %sub3A_306 = arith.subi %add3A_173, %sub3A_305 : i32
        %mul3A_307 = arith.constant 256 : i32
        %mul3A_308 = arith.muli %sub3A_306, %mul3A_307 : i32
        %add3A_309 = arith.addi %mul3A_4, %mul3A_308 : i32
        %jit3A_310 = arith.constant 2 : i32
        %div3A_311 = arith.divsi %add3A_309, %jit3A_310 : i32
        %sign3A_312 = arith.constant 0 : i32
        %sign3A_313 = arith.cmpi sgt, %add3A_309, %sign3A_312 : i32
        %sign3A_314 = arith.extui %sign3A_313 : i1 to i32
        %sign3A_315 = arith.constant 0 : i32
        %sign3A_316 = arith.cmpi slt, %add3A_309, %sign3A_315 : i32
        %sign3A_317 = arith.extui %sign3A_316 : i1 to i32
        %sign3A_318 = arith.subi %sign3A_314, %sign3A_317 : i32
        %sign3A_319 = arith.constant 0 : i32
        %sign3A_320 = arith.cmpi sgt, %jit3A_310, %sign3A_319 : i32
        %sign3A_321 = arith.extui %sign3A_320 : i1 to i32
        %sign3A_322 = arith.constant 0 : i32
        %sign3A_323 = arith.cmpi slt, %jit3A_310, %sign3A_322 : i32
        %sign3A_324 = arith.extui %sign3A_323 : i1 to i32
        %sign3A_325 = arith.subi %sign3A_321, %sign3A_324 : i32
        %ne3A_326 = arith.cmpi ne, %sign3A_318, %sign3A_325 : i32
        %rem3A_327 = arith.remsi %add3A_309, %jit3A_310 : i32
        %ne3A_328 = arith.constant 0 : i32
        %ne3A_329 = arith.cmpi ne, %rem3A_327, %ne3A_328 : i32
        %and3A_330 = arith.andi %ne3A_326, %ne3A_329 : i1
        %sub3A_331 = arith.constant 1 : i32
        %sub3A_332 = arith.subi %div3A_311, %sub3A_331 : i32
        %select_n3A_333 = arith.select %and3A_330, %sub3A_332, %div3A_311 : i32
        %dma_wait3A_334 = arith.constant 128 : i32
        %dma_wait3A_335 = arith.constant 0 : i32
        %dma_wait3A_336 = tpu.memref_slice %arg6[%dma_wait3A_334, %dma_wait3A_335] : memref<256x64xi32, #tpu.memory_space<vmem>> -> memref<128x64xi32, #tpu.memory_space<vmem>>
        %dma_wait3A_337 = arith.constant 64 : i32
        %dma_wait3A_338 = tpu.memref_slice %arg4[%select_n3A_333, %dma_wait3A_337] : memref<40960x128xi32, #tpu.memory_space<hbm>> -> memref<128x64xi32, #tpu.memory_space<hbm>>
        %dma_wait3A_339 = arith.constant 64 : i32
        %dma_wait3A_340 = tpu.memref_slice %arg4[%select_n3A_333, %dma_wait3A_339] : memref<40960x128xi32, #tpu.memory_space<hbm>> -> memref<128x64xi32, #tpu.memory_space<hbm>>
        %dma_wait3A_341 = arith.constant 128 : i32
        %dma_wait3A_342 = arith.constant 0 : i32
        %dma_wait3A_343 = tpu.memref_slice %arg6[%dma_wait3A_341, %dma_wait3A_342] : memref<256x64xi32, #tpu.memory_space<vmem>> -> memref<128x64xi32, #tpu.memory_space<vmem>>
        tpu.wait_dma2 semaphore(%arg10 : memref<!tpu.dma_semaphore, #tpu.memory_space<semaphore_mem>>) src(%dma_wait3A_343 : memref<128x64xi32, #tpu.memory_space<vmem>>) dst(%dma_wait3A_340 : memref<128x64xi32, #tpu.memory_space<hbm>>)
      } else {
      }
      %add3A_185 = arith.constant 1 : i32
      %add3A_186 = arith.addi %add3A_173, %add3A_185 : i32
      %lt3A_187 = arith.constant 10 : i32
      %lt3A_188 = arith.cmpi slt, %add3A_186, %lt3A_187 : i32
      %convert_element_type3A_189 = arith.extui %lt3A_188 : i1 to i32
      %cond3A_190 = arith.constant 0 : i32
      %cond3A_191 = arith.cmpi ne, %convert_element_type3A_189, %cond3A_190 : i32
      scf.if %cond3A_191 {
        %add3A_266 = arith.constant 1 : i32
        %add3A_267 = arith.addi %add3A_173, %add3A_266 : i32
        %mul3A_268 = arith.constant 256 : i32
        %mul3A_269 = arith.muli %add3A_267, %mul3A_268 : i32
        %dma_start3A_270 = tpu.memref_slice %arg5[%mul3A_269] : memref<2560xi32, #tpu.memory_space<vmem>> -> memref<256xi32, #tpu.memory_space<vmem>>
        %dma_start3A_271 = arith.constant 0 : i32
        %dma_start3A_272 = arith.constant 0 : i32
        %dma_start3A_273 = tpu.memref_slice %arg2[%dma_start3A_271, %dma_start3A_272] : memref<10000x64xi32, #tpu.memory_space<hbm>> -> memref<10000x64xi32, #tpu.memory_space<hbm>>
        tpu.enqueue_indirect_dma source(%dma_start3A_273 : memref<10000x64xi32, #tpu.memory_space<hbm>>) target(%arg6 : memref<256x64xi32, #tpu.memory_space<vmem>>) offsets(%dma_start3A_270 : memref<256xi32, #tpu.memory_space<vmem>>) semaphore(%arg8 : memref<!tpu.dma_semaphore, #tpu.memory_space<semaphore_mem>>)
      } else {
      }
      %mul3A_192 = arith.constant 256 : i32
      %mul3A_193 = arith.muli %add3A_173, %mul3A_192 : i32
      %add3A_194 = arith.addi %mul3A_4, %mul3A_193 : i32
      %jit3A_195 = arith.constant 2 : i32
      %div3A_196 = arith.divsi %add3A_194, %jit3A_195 : i32
      %sign3A_197 = arith.constant 0 : i32
      %sign3A_198 = arith.cmpi sgt, %add3A_194, %sign3A_197 : i32
      %sign3A_199 = arith.extui %sign3A_198 : i1 to i32
      %sign3A_200 = arith.constant 0 : i32
      %sign3A_201 = arith.cmpi slt, %add3A_194, %sign3A_200 : i32
      %sign3A_202 = arith.extui %sign3A_201 : i1 to i32
      %sign3A_203 = arith.subi %sign3A_199, %sign3A_202 : i32
      %sign3A_204 = arith.constant 0 : i32
      %sign3A_205 = arith.cmpi sgt, %jit3A_195, %sign3A_204 : i32
      %sign3A_206 = arith.extui %sign3A_205 : i1 to i32
      %sign3A_207 = arith.constant 0 : i32
      %sign3A_208 = arith.cmpi slt, %jit3A_195, %sign3A_207 : i32
      %sign3A_209 = arith.extui %sign3A_208 : i1 to i32
      %sign3A_210 = arith.subi %sign3A_206, %sign3A_209 : i32
      %ne3A_211 = arith.cmpi ne, %sign3A_203, %sign3A_210 : i32
      %rem3A_212 = arith.remsi %add3A_194, %jit3A_195 : i32
      %ne3A_213 = arith.constant 0 : i32
      %ne3A_214 = arith.cmpi ne, %rem3A_212, %ne3A_213 : i32
      %and3A_215 = arith.andi %ne3A_211, %ne3A_214 : i1
      %sub3A_216 = arith.constant 1 : i32
      %sub3A_217 = arith.subi %div3A_196, %sub3A_216 : i32
      %select_n3A_218 = arith.select %and3A_215, %sub3A_217, %div3A_196 : i32
      %dma_start3A_219 = arith.constant 0 : i32
      %dma_start3A_220 = arith.constant 0 : i32
      %dma_start3A_221 = tpu.memref_slice %arg7[%dma_start3A_219, %dma_start3A_220] : memref<256x64xi32, #tpu.memory_space<vmem>> -> memref<128x64xi32, #tpu.memory_space<vmem>>
      %dma_start3A_222 = arith.constant 0 : i32
      %dma_start3A_223 = tpu.memref_slice %arg4[%select_n3A_218, %dma_start3A_222] : memref<40960x128xi32, #tpu.memory_space<hbm>> -> memref<128x64xi32, #tpu.memory_space<hbm>>
      %dma_start3A_224 = arith.constant 0 : i32
      %dma_start3A_225 = tpu.memref_slice %arg4[%select_n3A_218, %dma_start3A_224] : memref<40960x128xi32, #tpu.memory_space<hbm>> -> memref<128x64xi32, #tpu.memory_space<hbm>>
      %dma_start3A_226 = arith.constant 0 : i32
      %dma_start3A_227 = arith.constant 0 : i32
      %dma_start3A_228 = tpu.memref_slice %arg7[%dma_start3A_226, %dma_start3A_227] : memref<256x64xi32, #tpu.memory_space<vmem>> -> memref<128x64xi32, #tpu.memory_space<vmem>>
      tpu.enqueue_dma source(%dma_start3A_228 : memref<128x64xi32, #tpu.memory_space<vmem>>) target(%dma_start3A_225 : memref<128x64xi32, #tpu.memory_space<hbm>>) target_semaphore(%arg11 : memref<!tpu.dma_semaphore, #tpu.memory_space<semaphore_mem>>)
      %mul3A_229 = arith.constant 256 : i32
      %mul3A_230 = arith.muli %add3A_173, %mul3A_229 : i32
      %add3A_231 = arith.addi %mul3A_4, %mul3A_230 : i32
      %jit3A_232 = arith.constant 2 : i32
      %div3A_233 = arith.divsi %add3A_231, %jit3A_232 : i32
      %sign3A_234 = arith.constant 0 : i32
      %sign3A_235 = arith.cmpi sgt, %add3A_231, %sign3A_234 : i32
      %sign3A_236 = arith.extui %sign3A_235 : i1 to i32
      %sign3A_237 = arith.constant 0 : i32
      %sign3A_238 = arith.cmpi slt, %add3A_231, %sign3A_237 : i32
      %sign3A_239 = arith.extui %sign3A_238 : i1 to i32
      %sign3A_240 = arith.subi %sign3A_236, %sign3A_239 : i32
      %sign3A_241 = arith.constant 0 : i32
      %sign3A_242 = arith.cmpi sgt, %jit3A_232, %sign3A_241 : i32
      %sign3A_243 = arith.extui %sign3A_242 : i1 to i32
      %sign3A_244 = arith.constant 0 : i32
      %sign3A_245 = arith.cmpi slt, %jit3A_232, %sign3A_244 : i32
      %sign3A_246 = arith.extui %sign3A_245 : i1 to i32
      %sign3A_247 = arith.subi %sign3A_243, %sign3A_246 : i32
      %ne3A_248 = arith.cmpi ne, %sign3A_240, %sign3A_247 : i32
      %rem3A_249 = arith.remsi %add3A_231, %jit3A_232 : i32
      %ne3A_250 = arith.constant 0 : i32
      %ne3A_251 = arith.cmpi ne, %rem3A_249, %ne3A_250 : i32
      %and3A_252 = arith.andi %ne3A_248, %ne3A_251 : i1
      %sub3A_253 = arith.constant 1 : i32
      %sub3A_254 = arith.subi %div3A_233, %sub3A_253 : i32
      %select_n3A_255 = arith.select %and3A_252, %sub3A_254, %div3A_233 : i32
      %dma_start3A_256 = arith.constant 128 : i32
      %dma_start3A_257 = arith.constant 0 : i32
      %dma_start3A_258 = tpu.memref_slice %arg7[%dma_start3A_256, %dma_start3A_257] : memref<256x64xi32, #tpu.memory_space<vmem>> -> memref<128x64xi32, #tpu.memory_space<vmem>>
      %dma_start3A_259 = arith.constant 64 : i32
      %dma_start3A_260 = tpu.memref_slice %arg4[%select_n3A_255, %dma_start3A_259] : memref<40960x128xi32, #tpu.memory_space<hbm>> -> memref<128x64xi32, #tpu.memory_space<hbm>>
      %dma_start3A_261 = arith.constant 64 : i32
      %dma_start3A_262 = tpu.memref_slice %arg4[%select_n3A_255, %dma_start3A_261] : memref<40960x128xi32, #tpu.memory_space<hbm>> -> memref<128x64xi32, #tpu.memory_space<hbm>>
      %dma_start3A_263 = arith.constant 128 : i32
      %dma_start3A_264 = arith.constant 0 : i32
      %dma_start3A_265 = tpu.memref_slice %arg7[%dma_start3A_263, %dma_start3A_264] : memref<256x64xi32, #tpu.memory_space<vmem>> -> memref<128x64xi32, #tpu.memory_space<vmem>>
      tpu.enqueue_dma source(%dma_start3A_265 : memref<128x64xi32, #tpu.memory_space<vmem>>) target(%dma_start3A_262 : memref<128x64xi32, #tpu.memory_space<hbm>>) target_semaphore(%arg11 : memref<!tpu.dma_semaphore, #tpu.memory_space<semaphore_mem>>)
    }
    %scan3A_13 = arith.constant 5 : i32
    %add3A_14 = arith.constant 2304 : i32
    %add3A_15 = arith.addi %mul3A_4, %add3A_14 : i32
    %jit3A = arith.constant 2 : i32
    %div3A = arith.divsi %add3A_15, %jit3A : i32
    %sign3A = arith.constant 0 : i32
    %sign3A_16 = arith.cmpi sgt, %add3A_15, %sign3A : i32
    %sign3A_17 = arith.extui %sign3A_16 : i1 to i32
    %sign3A_18 = arith.constant 0 : i32
    %sign3A_19 = arith.cmpi slt, %add3A_15, %sign3A_18 : i32
    %sign3A_20 = arith.extui %sign3A_19 : i1 to i32
    %sign3A_21 = arith.subi %sign3A_17, %sign3A_20 : i32
    %sign3A_22 = arith.constant 0 : i32
    %sign3A_23 = arith.cmpi sgt, %jit3A, %sign3A_22 : i32
    %sign3A_24 = arith.extui %sign3A_23 : i1 to i32
    %sign3A_25 = arith.constant 0 : i32
    %sign3A_26 = arith.cmpi slt, %jit3A, %sign3A_25 : i32
    %sign3A_27 = arith.extui %sign3A_26 : i1 to i32
    %sign3A_28 = arith.subi %sign3A_24, %sign3A_27 : i32
    %ne3A = arith.cmpi ne, %sign3A_21, %sign3A_28 : i32
    %rem3A = arith.remsi %add3A_15, %jit3A : i32
    %ne3A_29 = arith.constant 0 : i32
    %ne3A_30 = arith.cmpi ne, %rem3A, %ne3A_29 : i32
    %and3A = arith.andi %ne3A, %ne3A_30 : i1
    %sub3A = arith.constant 1 : i32
    %sub3A_31 = arith.subi %div3A, %sub3A : i32
    %select_n3A = arith.select %and3A, %sub3A_31, %div3A : i32
    %dma_wait3A = arith.constant 0 : i32
    %dma_wait3A_32 = arith.constant 0 : i32
    %dma_wait3A_33 = tpu.memref_slice %arg7[%dma_wait3A, %dma_wait3A_32] : memref<256x64xi32, #tpu.memory_space<vmem>> -> memref<128x64xi32, #tpu.memory_space<vmem>>
    %dma_wait3A_34 = arith.constant 0 : i32
    %dma_wait3A_35 = tpu.memref_slice %arg4[%select_n3A, %dma_wait3A_34] : memref<40960x128xi32, #tpu.memory_space<hbm>> -> memref<128x64xi32, #tpu.memory_space<hbm>>
    %dma_wait3A_36 = arith.constant 0 : i32
    %dma_wait3A_37 = tpu.memref_slice %arg4[%select_n3A, %dma_wait3A_36] : memref<40960x128xi32, #tpu.memory_space<hbm>> -> memref<128x64xi32, #tpu.memory_space<hbm>>
    %dma_wait3A_38 = arith.constant 0 : i32
    %dma_wait3A_39 = arith.constant 0 : i32
    %dma_wait3A_40 = tpu.memref_slice %arg7[%dma_wait3A_38, %dma_wait3A_39] : memref<256x64xi32, #tpu.memory_space<vmem>> -> memref<128x64xi32, #tpu.memory_space<vmem>>
    tpu.wait_dma2 semaphore(%arg11 : memref<!tpu.dma_semaphore, #tpu.memory_space<semaphore_mem>>) src(%dma_wait3A_40 : memref<128x64xi32, #tpu.memory_space<vmem>>) dst(%dma_wait3A_37 : memref<128x64xi32, #tpu.memory_space<hbm>>)
    %add3A_41 = arith.constant 2304 : i32
    %add3A_42 = arith.addi %mul3A_4, %add3A_41 : i32
    %jit3A_43 = arith.constant 2 : i32
    %div3A_44 = arith.divsi %add3A_42, %jit3A_43 : i32
    %sign3A_45 = arith.constant 0 : i32
    %sign3A_46 = arith.cmpi sgt, %add3A_42, %sign3A_45 : i32
    %sign3A_47 = arith.extui %sign3A_46 : i1 to i32
    %sign3A_48 = arith.constant 0 : i32
    %sign3A_49 = arith.cmpi slt, %add3A_42, %sign3A_48 : i32
    %sign3A_50 = arith.extui %sign3A_49 : i1 to i32
    %sign3A_51 = arith.subi %sign3A_47, %sign3A_50 : i32
    %sign3A_52 = arith.constant 0 : i32
    %sign3A_53 = arith.cmpi sgt, %jit3A_43, %sign3A_52 : i32
    %sign3A_54 = arith.extui %sign3A_53 : i1 to i32
    %sign3A_55 = arith.constant 0 : i32
    %sign3A_56 = arith.cmpi slt, %jit3A_43, %sign3A_55 : i32
    %sign3A_57 = arith.extui %sign3A_56 : i1 to i32
    %sign3A_58 = arith.subi %sign3A_54, %sign3A_57 : i32
    %ne3A_59 = arith.cmpi ne, %sign3A_51, %sign3A_58 : i32
    %rem3A_60 = arith.remsi %add3A_42, %jit3A_43 : i32
    %ne3A_61 = arith.constant 0 : i32
    %ne3A_62 = arith.cmpi ne, %rem3A_60, %ne3A_61 : i32
    %and3A_63 = arith.andi %ne3A_59, %ne3A_62 : i1
    %sub3A_64 = arith.constant 1 : i32
    %sub3A_65 = arith.subi %div3A_44, %sub3A_64 : i32
    %select_n3A_66 = arith.select %and3A_63, %sub3A_65, %div3A_44 : i32
    %dma_wait3A_67 = arith.constant 128 : i32
    %dma_wait3A_68 = arith.constant 0 : i32
    %dma_wait3A_69 = tpu.memref_slice %arg7[%dma_wait3A_67, %dma_wait3A_68] : memref<256x64xi32, #tpu.memory_space<vmem>> -> memref<128x64xi32, #tpu.memory_space<vmem>>
    %dma_wait3A_70 = arith.constant 64 : i32
    %dma_wait3A_71 = tpu.memref_slice %arg4[%select_n3A_66, %dma_wait3A_70] : memref<40960x128xi32, #tpu.memory_space<hbm>> -> memref<128x64xi32, #tpu.memory_space<hbm>>
    %dma_wait3A_72 = arith.constant 64 : i32
    %dma_wait3A_73 = tpu.memref_slice %arg4[%select_n3A_66, %dma_wait3A_72] : memref<40960x128xi32, #tpu.memory_space<hbm>> -> memref<128x64xi32, #tpu.memory_space<hbm>>
    %dma_wait3A_74 = arith.constant 128 : i32
    %dma_wait3A_75 = arith.constant 0 : i32
    %dma_wait3A_76 = tpu.memref_slice %arg7[%dma_wait3A_74, %dma_wait3A_75] : memref<256x64xi32, #tpu.memory_space<vmem>> -> memref<128x64xi32, #tpu.memory_space<vmem>>
    tpu.wait_dma2 semaphore(%arg11 : memref<!tpu.dma_semaphore, #tpu.memory_space<semaphore_mem>>) src(%dma_wait3A_76 : memref<128x64xi32, #tpu.memory_space<vmem>>) dst(%dma_wait3A_73 : memref<128x64xi32, #tpu.memory_space<hbm>>)
    return
  }
}

#map = affine_map<(d0, d1) -> (0, 0)>
#map1 = affine_map<(d0, d1) -> (0)>
module attributes {stable_mosaic.version = 14 : i64} {
  func.func @k(%arg0: i32, %arg1: i32, %arg2: memref<10000x64xi32, #tpu.memory_space<hbm>>, %arg3: memref<81920xi32, #tpu.memory_space<hbm>>, %arg4: memref<40960x128xi32, #tpu.memory_space<hbm>>, %arg5: memref<2560xi32, #tpu.memory_space<vmem>>, %arg6: memref<256x64xi32, #tpu.memory_space<vmem>>, %arg7: memref<256x64xi32, #tpu.memory_space<vmem>>, %arg8: memref<!tpu.dma_semaphore, #tpu.memory_space<semaphore_mem>>, %arg9: memref<!tpu.dma_semaphore, #tpu.memory_space<semaphore_mem>>, %arg10: memref<!tpu.dma_semaphore, #tpu.memory_space<semaphore_mem>>, %arg11: memref<!tpu.dma_semaphore, #tpu.memory_space<semaphore_mem>>) attributes {dimension_semantics = [#tpu.dimension_semantics<core_parallel>, #tpu.dimension_semantics<subcore_parallel>], iteration_bounds = array<i64: 2, 16>, scalar_prefetch = 0 : i64, scratch_operands = 7 : i64, tpu.core_type = #tpu.core_type<sc_vector_subcore>, window_params = [{transform_indices = #map}, {transform_indices = #map1}, {transform_indices = #map}]} {
    %mul3A = arith.constant 16 : i32
    %mul3A_0 = arith.muli %arg0, %mul3A : i32
    %add3A = arith.addi %mul3A_0, %arg1 : i32
    %mul3A_1 = arith.constant 10 : i32
    %mul3A_2 = arith.muli %add3A, %mul3A_1 : i32
    %mul3A_3 = arith.constant 256 : i32
    %mul3A_4 = arith.muli %mul3A_2, %mul3A_3 : i32
    "tpu.region"() ({
      %run_scoped3A = tpu.sem_alloc : memref<!tpu.dma_semaphore, #tpu.memory_space<semaphore_mem>>
      %dma_start3A_77 = tpu.memref_slice %arg3[%mul3A_4] : memref<81920xi32, #tpu.memory_space<hbm>> -> memref<2560xi32, #tpu.memory_space<hbm>>
      %dma_start3A_78 = tpu.memref_slice %arg3[%mul3A_4] : memref<81920xi32, #tpu.memory_space<hbm>> -> memref<2560xi32, #tpu.memory_space<hbm>>
      tpu.enqueue_dma source(%dma_start3A_78 : memref<2560xi32, #tpu.memory_space<hbm>>) target(%arg5 : memref<2560xi32, #tpu.memory_space<vmem>>) target_semaphore(%run_scoped3A : memref<!tpu.dma_semaphore, #tpu.memory_space<semaphore_mem>>)
      %dma_wait3A_79 = tpu.memref_slice %arg3[%mul3A_4] : memref<81920xi32, #tpu.memory_space<hbm>> -> memref<2560xi32, #tpu.memory_space<hbm>>
      %dma_wait3A_80 = tpu.memref_slice %arg3[%mul3A_4] : memref<81920xi32, #tpu.memory_space<hbm>> -> memref<2560xi32, #tpu.memory_space<hbm>>
      tpu.wait_dma2 semaphore(%run_scoped3A : memref<!tpu.dma_semaphore, #tpu.memory_space<semaphore_mem>>) src(%dma_wait3A_80 : memref<2560xi32, #tpu.memory_space<hbm>>) dst(%arg5 : memref<2560xi32, #tpu.memory_space<vmem>>)
      tpu.yield
    }) : () -> ()
    %dma_start3A = arith.constant 0 : i32
    %dma_start3A_5 = tpu.memref_slice %arg5[%dma_start3A] : memref<2560xi32, #tpu.memory_space<vmem>> -> memref<256xi32, #tpu.memory_space<vmem>>
    %dma_start3A_6 = arith.constant 0 : i32
    %dma_start3A_7 = arith.constant 0 : i32
    %dma_start3A_8 = tpu.memref_slice %arg2[%dma_start3A_6, %dma_start3A_7] : memref<10000x64xi32, #tpu.memory_space<hbm>> -> memref<10000x64xi32, #tpu.memory_space<hbm>>
    tpu.enqueue_indirect_dma source(%dma_start3A_8 : memref<10000x64xi32, #tpu.memory_space<hbm>>) target(%arg6 : memref<256x64xi32, #tpu.memory_space<vmem>>) offsets(%dma_start3A_5 : memref<256xi32, #tpu.memory_space<vmem>>) semaphore(%arg8 : memref<!tpu.dma_semaphore, #tpu.memory_space<semaphore_mem>>)
    %scan3A = arith.constant 0 : i32
    %scan3A_9 = arith.constant 0 : i32
    %scan3A_10 = arith.constant 5 : i32
    %scan3A_11 = arith.addi %scan3A_9, %scan3A_10 : i32
    %scan3A_12 = arith.constant 1 : i32
    scf.for %scan3A_77 = %scan3A_9 to %scan3A_11 step %scan3A_12  : i32 {
      %mul3A_78 = arith.constant 2 : i32
      %mul3A_79 = arith.muli %mul3A_78, %scan3A_77 : i32
      %add3A_80 = arith.constant 0 : i32
      %add3A_81 = arith.addi %mul3A_79, %add3A_80 : i32
      %mul3A_82 = arith.constant 256 : i32
      %mul3A_83 = arith.muli %add3A_81, %mul3A_82 : i32
      %dma_wait3A_84 = tpu.memref_slice %arg5[%mul3A_83] : memref<2560xi32, #tpu.memory_space<vmem>> -> memref<256xi32, #tpu.memory_space<vmem>>
      %dma_wait3A_85 = arith.constant 0 : i32
      %dma_wait3A_86 = arith.constant 0 : i32
      %dma_wait3A_87 = tpu.memref_slice %arg2[%dma_wait3A_85, %dma_wait3A_86] : memref<10000x64xi32, #tpu.memory_space<hbm>> -> memref<10000x64xi32, #tpu.memory_space<hbm>>
      tpu.wait_indirect_dma semaphore(%arg8 : memref<!tpu.dma_semaphore, #tpu.memory_space<semaphore_mem>>) src(%dma_wait3A_87 : memref<10000x64xi32, #tpu.memory_space<hbm>>) dst(%arg6 : memref<256x64xi32, #tpu.memory_space<vmem>>)
      %gt3A = arith.constant 0 : i32
      %gt3A_88 = arith.cmpi sgt, %add3A_81, %gt3A : i32
      %convert_element_type3A = arith.extui %gt3A_88 : i1 to i32
      %cond3A = arith.constant 0 : i32
      %cond3A_89 = arith.cmpi ne, %convert_element_type3A, %cond3A : i32
      scf.if %cond3A_89 {
        %sub3A_266 = arith.constant 1 : i32
        %sub3A_267 = arith.subi %add3A_81, %sub3A_266 : i32
        %mul3A_268 = arith.constant 256 : i32
        %mul3A_269 = arith.muli %sub3A_267, %mul3A_268 : i32
        %add3A_270 = arith.addi %mul3A_4, %mul3A_269 : i32
        %jit3A_271 = arith.constant 2 : i32
        %div3A_272 = arith.divsi %add3A_270, %jit3A_271 : i32
        %sign3A_273 = arith.constant 0 : i32
        %sign3A_274 = arith.cmpi sgt, %add3A_270, %sign3A_273 : i32
        %sign3A_275 = arith.extui %sign3A_274 : i1 to i32
        %sign3A_276 = arith.constant 0 : i32
        %sign3A_277 = arith.cmpi slt, %add3A_270, %sign3A_276 : i32
        %sign3A_278 = arith.extui %sign3A_277 : i1 to i32
        %sign3A_279 = arith.subi %sign3A_275, %sign3A_278 : i32
        %sign3A_280 = arith.constant 0 : i32
        %sign3A_281 = arith.cmpi sgt, %jit3A_271, %sign3A_280 : i32
        %sign3A_282 = arith.extui %sign3A_281 : i1 to i32
        %sign3A_283 = arith.constant 0 : i32
        %sign3A_284 = arith.cmpi slt, %jit3A_271, %sign3A_283 : i32
        %sign3A_285 = arith.extui %sign3A_284 : i1 to i32
        %sign3A_286 = arith.subi %sign3A_282, %sign3A_285 : i32
        %ne3A_287 = arith.cmpi ne, %sign3A_279, %sign3A_286 : i32
        %rem3A_288 = arith.remsi %add3A_270, %jit3A_271 : i32
        %ne3A_289 = arith.constant 0 : i32
        %ne3A_290 = arith.cmpi ne, %rem3A_288, %ne3A_289 : i32
        %and3A_291 = arith.andi %ne3A_287, %ne3A_290 : i1
        %sub3A_292 = arith.constant 1 : i32
        %sub3A_293 = arith.subi %div3A_272, %sub3A_292 : i32
        %select_n3A_294 = arith.select %and3A_291, %sub3A_293, %div3A_272 : i32
        %dma_wait3A_295 = arith.constant 0 : i32
        %dma_wait3A_296 = arith.constant 0 : i32
        %dma_wait3A_297 = tpu.memref_slice %arg7[%dma_wait3A_295, %dma_wait3A_296] : memref<256x64xi32, #tpu.memory_space<vmem>> -> memref<128x64xi32, #tpu.memory_space<vmem>>
        %dma_wait3A_298 = arith.constant 0 : i32
        %dma_wait3A_299 = tpu.memref_slice %arg4[%select_n3A_294, %dma_wait3A_298] : memref<40960x128xi32, #tpu.memory_space<hbm>> -> memref<128x64xi32, #tpu.memory_space<hbm>>
        %dma_wait3A_300 = arith.constant 0 : i32
        %dma_wait3A_301 = tpu.memref_slice %arg4[%select_n3A_294, %dma_wait3A_300] : memref<40960x128xi32, #tpu.memory_space<hbm>> -> memref<128x64xi32, #tpu.memory_space<hbm>>
        %dma_wait3A_302 = arith.constant 0 : i32
        %dma_wait3A_303 = arith.constant 0 : i32
        %dma_wait3A_304 = tpu.memref_slice %arg7[%dma_wait3A_302, %dma_wait3A_303] : memref<256x64xi32, #tpu.memory_space<vmem>> -> memref<128x64xi32, #tpu.memory_space<vmem>>
        tpu.wait_dma2 semaphore(%arg11 : memref<!tpu.dma_semaphore, #tpu.memory_space<semaphore_mem>>) src(%dma_wait3A_304 : memref<128x64xi32, #tpu.memory_space<vmem>>) dst(%dma_wait3A_301 : memref<128x64xi32, #tpu.memory_space<hbm>>)
        %sub3A_305 = arith.constant 1 : i32
        %sub3A_306 = arith.subi %add3A_81, %sub3A_305 : i32
        %mul3A_307 = arith.constant 256 : i32
        %mul3A_308 = arith.muli %sub3A_306, %mul3A_307 : i32
        %add3A_309 = arith.addi %mul3A_4, %mul3A_308 : i32
        %jit3A_310 = arith.constant 2 : i32
        %div3A_311 = arith.divsi %add3A_309, %jit3A_310 : i32
        %sign3A_312 = arith.constant 0 : i32
        %sign3A_313 = arith.cmpi sgt, %add3A_309, %sign3A_312 : i32
        %sign3A_314 = arith.extui %sign3A_313 : i1 to i32
        %sign3A_315 = arith.constant 0 : i32
        %sign3A_316 = arith.cmpi slt, %add3A_309, %sign3A_315 : i32
        %sign3A_317 = arith.extui %sign3A_316 : i1 to i32
        %sign3A_318 = arith.subi %sign3A_314, %sign3A_317 : i32
        %sign3A_319 = arith.constant 0 : i32
        %sign3A_320 = arith.cmpi sgt, %jit3A_310, %sign3A_319 : i32
        %sign3A_321 = arith.extui %sign3A_320 : i1 to i32
        %sign3A_322 = arith.constant 0 : i32
        %sign3A_323 = arith.cmpi slt, %jit3A_310, %sign3A_322 : i32
        %sign3A_324 = arith.extui %sign3A_323 : i1 to i32
        %sign3A_325 = arith.subi %sign3A_321, %sign3A_324 : i32
        %ne3A_326 = arith.cmpi ne, %sign3A_318, %sign3A_325 : i32
        %rem3A_327 = arith.remsi %add3A_309, %jit3A_310 : i32
        %ne3A_328 = arith.constant 0 : i32
        %ne3A_329 = arith.cmpi ne, %rem3A_327, %ne3A_328 : i32
        %and3A_330 = arith.andi %ne3A_326, %ne3A_329 : i1
        %sub3A_331 = arith.constant 1 : i32
        %sub3A_332 = arith.subi %div3A_311, %sub3A_331 : i32
        %select_n3A_333 = arith.select %and3A_330, %sub3A_332, %div3A_311 : i32
        %dma_wait3A_334 = arith.constant 128 : i32
        %dma_wait3A_335 = arith.constant 0 : i32
        %dma_wait3A_336 = tpu.memref_slice %arg7[%dma_wait3A_334, %dma_wait3A_335] : memref<256x64xi32, #tpu.memory_space<vmem>> -> memref<128x64xi32, #tpu.memory_space<vmem>>
        %dma_wait3A_337 = arith.constant 64 : i32
        %dma_wait3A_338 = tpu.memref_slice %arg4[%select_n3A_333, %dma_wait3A_337] : memref<40960x128xi32, #tpu.memory_space<hbm>> -> memref<128x64xi32, #tpu.memory_space<hbm>>
        %dma_wait3A_339 = arith.constant 64 : i32
        %dma_wait3A_340 = tpu.memref_slice %arg4[%select_n3A_333, %dma_wait3A_339] : memref<40960x128xi32, #tpu.memory_space<hbm>> -> memref<128x64xi32, #tpu.memory_space<hbm>>
        %dma_wait3A_341 = arith.constant 128 : i32
        %dma_wait3A_342 = arith.constant 0 : i32
        %dma_wait3A_343 = tpu.memref_slice %arg7[%dma_wait3A_341, %dma_wait3A_342] : memref<256x64xi32, #tpu.memory_space<vmem>> -> memref<128x64xi32, #tpu.memory_space<vmem>>
        tpu.wait_dma2 semaphore(%arg11 : memref<!tpu.dma_semaphore, #tpu.memory_space<semaphore_mem>>) src(%dma_wait3A_343 : memref<128x64xi32, #tpu.memory_space<vmem>>) dst(%dma_wait3A_340 : memref<128x64xi32, #tpu.memory_space<hbm>>)
      } else {
      }
      %add3A_90 = arith.constant 1 : i32
      %add3A_91 = arith.addi %add3A_81, %add3A_90 : i32
      %lt3A = arith.constant 10 : i32
      %lt3A_92 = arith.cmpi slt, %add3A_91, %lt3A : i32
      %convert_element_type3A_93 = arith.extui %lt3A_92 : i1 to i32
      %cond3A_94 = arith.constant 0 : i32
      %cond3A_95 = arith.cmpi ne, %convert_element_type3A_93, %cond3A_94 : i32
      scf.if %cond3A_95 {
        %add3A_266 = arith.constant 1 : i32
        %add3A_267 = arith.addi %add3A_81, %add3A_266 : i32
        %mul3A_268 = arith.constant 256 : i32
        %mul3A_269 = arith.muli %add3A_267, %mul3A_268 : i32
        %dma_start3A_270 = tpu.memref_slice %arg5[%mul3A_269] : memref<2560xi32, #tpu.memory_space<vmem>> -> memref<256xi32, #tpu.memory_space<vmem>>
        %dma_start3A_271 = arith.constant 0 : i32
        %dma_start3A_272 = arith.constant 0 : i32
        %dma_start3A_273 = tpu.memref_slice %arg2[%dma_start3A_271, %dma_start3A_272] : memref<10000x64xi32, #tpu.memory_space<hbm>> -> memref<10000x64xi32, #tpu.memory_space<hbm>>
        tpu.enqueue_indirect_dma source(%dma_start3A_273 : memref<10000x64xi32, #tpu.memory_space<hbm>>) target(%arg7 : memref<256x64xi32, #tpu.memory_space<vmem>>) offsets(%dma_start3A_270 : memref<256xi32, #tpu.memory_space<vmem>>) semaphore(%arg9 : memref<!tpu.dma_semaphore, #tpu.memory_space<semaphore_mem>>)
      } else {
      }
      %mul3A_96 = arith.constant 256 : i32
      %mul3A_97 = arith.muli %add3A_81, %mul3A_96 : i32
      %add3A_98 = arith.addi %mul3A_4, %mul3A_97 : i32
      %jit3A_99 = arith.constant 2 : i32
      %div3A_100 = arith.divsi %add3A_98, %jit3A_99 : i32
      %sign3A_101 = arith.constant 0 : i32
      %sign3A_102 = arith.cmpi sgt, %add3A_98, %sign3A_101 : i32
      %sign3A_103 = arith.extui %sign3A_102 : i1 to i32
      %sign3A_104 = arith.constant 0 : i32
      %sign3A_105 = arith.cmpi slt, %add3A_98, %sign3A_104 : i32
      %sign3A_106 = arith.extui %sign3A_105 : i1 to i32
      %sign3A_107 = arith.subi %sign3A_103, %sign3A_106 : i32
      %sign3A_108 = arith.constant 0 : i32
      %sign3A_109 = arith.cmpi sgt, %jit3A_99, %sign3A_108 : i32
      %sign3A_110 = arith.extui %sign3A_109 : i1 to i32
      %sign3A_111 = arith.constant 0 : i32
      %sign3A_112 = arith.cmpi slt, %jit3A_99, %sign3A_111 : i32
      %sign3A_113 = arith.extui %sign3A_112 : i1 to i32
      %sign3A_114 = arith.subi %sign3A_110, %sign3A_113 : i32
      %ne3A_115 = arith.cmpi ne, %sign3A_107, %sign3A_114 : i32
      %rem3A_116 = arith.remsi %add3A_98, %jit3A_99 : i32
      %ne3A_117 = arith.constant 0 : i32
      %ne3A_118 = arith.cmpi ne, %rem3A_116, %ne3A_117 : i32
      %and3A_119 = arith.andi %ne3A_115, %ne3A_118 : i1
      %sub3A_120 = arith.constant 1 : i32
      %sub3A_121 = arith.subi %div3A_100, %sub3A_120 : i32
      %select_n3A_122 = arith.select %and3A_119, %sub3A_121, %div3A_100 : i32
      %dma_start3A_123 = arith.constant 0 : i32
      %dma_start3A_124 = arith.constant 0 : i32
      %dma_start3A_125 = tpu.memref_slice %arg6[%dma_start3A_123, %dma_start3A_124] : memref<256x64xi32, #tpu.memory_space<vmem>> -> memref<128x64xi32, #tpu.memory_space<vmem>>
      %dma_start3A_126 = arith.constant 0 : i32
      %dma_start3A_127 = tpu.memref_slice %arg4[%select_n3A_122, %dma_start3A_126] : memref<40960x128xi32, #tpu.memory_space<hbm>> -> memref<128x64xi32, #tpu.memory_space<hbm>>
      %dma_start3A_128 = arith.constant 0 : i32
      %dma_start3A_129 = tpu.memref_slice %arg4[%select_n3A_122, %dma_start3A_128] : memref<40960x128xi32, #tpu.memory_space<hbm>> -> memref<128x64xi32, #tpu.memory_space<hbm>>
      %dma_start3A_130 = arith.constant 0 : i32
      %dma_start3A_131 = arith.constant 0 : i32
      %dma_start3A_132 = tpu.memref_slice %arg6[%dma_start3A_130, %dma_start3A_131] : memref<256x64xi32, #tpu.memory_space<vmem>> -> memref<128x64xi32, #tpu.memory_space<vmem>>
      tpu.enqueue_dma source(%dma_start3A_132 : memref<128x64xi32, #tpu.memory_space<vmem>>) target(%dma_start3A_129 : memref<128x64xi32, #tpu.memory_space<hbm>>) target_semaphore(%arg10 : memref<!tpu.dma_semaphore, #tpu.memory_space<semaphore_mem>>)
      %mul3A_133 = arith.constant 256 : i32
      %mul3A_134 = arith.muli %add3A_81, %mul3A_133 : i32
      %add3A_135 = arith.addi %mul3A_4, %mul3A_134 : i32
      %jit3A_136 = arith.constant 2 : i32
      %div3A_137 = arith.divsi %add3A_135, %jit3A_136 : i32
      %sign3A_138 = arith.constant 0 : i32
      %sign3A_139 = arith.cmpi sgt, %add3A_135, %sign3A_138 : i32
      %sign3A_140 = arith.extui %sign3A_139 : i1 to i32
      %sign3A_141 = arith.constant 0 : i32
      %sign3A_142 = arith.cmpi slt, %add3A_135, %sign3A_141 : i32
      %sign3A_143 = arith.extui %sign3A_142 : i1 to i32
      %sign3A_144 = arith.subi %sign3A_140, %sign3A_143 : i32
      %sign3A_145 = arith.constant 0 : i32
      %sign3A_146 = arith.cmpi sgt, %jit3A_136, %sign3A_145 : i32
      %sign3A_147 = arith.extui %sign3A_146 : i1 to i32
      %sign3A_148 = arith.constant 0 : i32
      %sign3A_149 = arith.cmpi slt, %jit3A_136, %sign3A_148 : i32
      %sign3A_150 = arith.extui %sign3A_149 : i1 to i32
      %sign3A_151 = arith.subi %sign3A_147, %sign3A_150 : i32
      %ne3A_152 = arith.cmpi ne, %sign3A_144, %sign3A_151 : i32
      %rem3A_153 = arith.remsi %add3A_135, %jit3A_136 : i32
      %ne3A_154 = arith.constant 0 : i32
      %ne3A_155 = arith.cmpi ne, %rem3A_153, %ne3A_154 : i32
      %and3A_156 = arith.andi %ne3A_152, %ne3A_155 : i1
      %sub3A_157 = arith.constant 1 : i32
      %sub3A_158 = arith.subi %div3A_137, %sub3A_157 : i32
      %select_n3A_159 = arith.select %and3A_156, %sub3A_158, %div3A_137 : i32
      %dma_start3A_160 = arith.constant 128 : i32
      %dma_start3A_161 = arith.constant 0 : i32
      %dma_start3A_162 = tpu.memref_slice %arg6[%dma_start3A_160, %dma_start3A_161] : memref<256x64xi32, #tpu.memory_space<vmem>> -> memref<128x64xi32, #tpu.memory_space<vmem>>
      %dma_start3A_163 = arith.constant 64 : i32
      %dma_start3A_164 = tpu.memref_slice %arg4[%select_n3A_159, %dma_start3A_163] : memref<40960x128xi32, #tpu.memory_space<hbm>> -> memref<128x64xi32, #tpu.memory_space<hbm>>
      %dma_start3A_165 = arith.constant 64 : i32
      %dma_start3A_166 = tpu.memref_slice %arg4[%select_n3A_159, %dma_start3A_165] : memref<40960x128xi32, #tpu.memory_space<hbm>> -> memref<128x64xi32, #tpu.memory_space<hbm>>
      %dma_start3A_167 = arith.constant 128 : i32
      %dma_start3A_168 = arith.constant 0 : i32
      %dma_start3A_169 = tpu.memref_slice %arg6[%dma_start3A_167, %dma_start3A_168] : memref<256x64xi32, #tpu.memory_space<vmem>> -> memref<128x64xi32, #tpu.memory_space<vmem>>
      tpu.enqueue_dma source(%dma_start3A_169 : memref<128x64xi32, #tpu.memory_space<vmem>>) target(%dma_start3A_166 : memref<128x64xi32, #tpu.memory_space<hbm>>) target_semaphore(%arg10 : memref<!tpu.dma_semaphore, #tpu.memory_space<semaphore_mem>>)
      %mul3A_170 = arith.constant 2 : i32
      %mul3A_171 = arith.muli %mul3A_170, %scan3A_77 : i32
      %add3A_172 = arith.constant 1 : i32
      %add3A_173 = arith.addi %mul3A_171, %add3A_172 : i32
      %mul3A_174 = arith.constant 256 : i32
      %mul3A_175 = arith.muli %add3A_173, %mul3A_174 : i32
      %dma_wait3A_176 = tpu.memref_slice %arg5[%mul3A_175] : memref<2560xi32, #tpu.memory_space<vmem>> -> memref<256xi32, #tpu.memory_space<vmem>>
      %dma_wait3A_177 = arith.constant 0 : i32
      %dma_wait3A_178 = arith.constant 0 : i32
      %dma_wait3A_179 = tpu.memref_slice %arg2[%dma_wait3A_177, %dma_wait3A_178] : memref<10000x64xi32, #tpu.memory_space<hbm>> -> memref<10000x64xi32, #tpu.memory_space<hbm>>
      tpu.wait_indirect_dma semaphore(%arg9 : memref<!tpu.dma_semaphore, #tpu.memory_space<semaphore_mem>>) src(%dma_wait3A_179 : memref<10000x64xi32, #tpu.memory_space<hbm>>) dst(%arg7 : memref<256x64xi32, #tpu.memory_space<vmem>>)
      %gt3A_180 = arith.constant 0 : i32
      %gt3A_181 = arith.cmpi sgt, %add3A_173, %gt3A_180 : i32
      %convert_element_type3A_182 = arith.extui %gt3A_181 : i1 to i32
      %cond3A_183 = arith.constant 0 : i32
      %cond3A_184 = arith.cmpi ne, %convert_element_type3A_182, %cond3A_183 : i32
      scf.if %cond3A_184 {
        %sub3A_266 = arith.constant 1 : i32
        %sub3A_267 = arith.subi %add3A_173, %sub3A_266 : i32
        %mul3A_268 = arith.constant 256 : i32
        %mul3A_269 = arith.muli %sub3A_267, %mul3A_268 : i32
        %add3A_270 = arith.addi %mul3A_4, %mul3A_269 : i32
        %jit3A_271 = arith.constant 2 : i32
        %div3A_272 = arith.divsi %add3A_270, %jit3A_271 : i32
        %sign3A_273 = arith.constant 0 : i32
        %sign3A_274 = arith.cmpi sgt, %add3A_270, %sign3A_273 : i32
        %sign3A_275 = arith.extui %sign3A_274 : i1 to i32
        %sign3A_276 = arith.constant 0 : i32
        %sign3A_277 = arith.cmpi slt, %add3A_270, %sign3A_276 : i32
        %sign3A_278 = arith.extui %sign3A_277 : i1 to i32
        %sign3A_279 = arith.subi %sign3A_275, %sign3A_278 : i32
        %sign3A_280 = arith.constant 0 : i32
        %sign3A_281 = arith.cmpi sgt, %jit3A_271, %sign3A_280 : i32
        %sign3A_282 = arith.extui %sign3A_281 : i1 to i32
        %sign3A_283 = arith.constant 0 : i32
        %sign3A_284 = arith.cmpi slt, %jit3A_271, %sign3A_283 : i32
        %sign3A_285 = arith.extui %sign3A_284 : i1 to i32
        %sign3A_286 = arith.subi %sign3A_282, %sign3A_285 : i32
        %ne3A_287 = arith.cmpi ne, %sign3A_279, %sign3A_286 : i32
        %rem3A_288 = arith.remsi %add3A_270, %jit3A_271 : i32
        %ne3A_289 = arith.constant 0 : i32
        %ne3A_290 = arith.cmpi ne, %rem3A_288, %ne3A_289 : i32
        %and3A_291 = arith.andi %ne3A_287, %ne3A_290 : i1
        %sub3A_292 = arith.constant 1 : i32
        %sub3A_293 = arith.subi %div3A_272, %sub3A_292 : i32
        %select_n3A_294 = arith.select %and3A_291, %sub3A_293, %div3A_272 : i32
        %dma_wait3A_295 = arith.constant 0 : i32
        %dma_wait3A_296 = arith.constant 0 : i32
        %dma_wait3A_297 = tpu.memref_slice %arg6[%dma_wait3A_295, %dma_wait3A_296] : memref<256x64xi32, #tpu.memory_space<vmem>> -> memref<128x64xi32, #tpu.memory_space<vmem>>
        %dma_wait3A_298 = arith.constant 0 : i32
        %dma_wait3A_299 = tpu.memref_slice %arg4[%select_n3A_294, %dma_wait3A_298] : memref<40960x128xi32, #tpu.memory_space<hbm>> -> memref<128x64xi32, #tpu.memory_space<hbm>>
        %dma_wait3A_300 = arith.constant 0 : i32
        %dma_wait3A_301 = tpu.memref_slice %arg4[%select_n3A_294, %dma_wait3A_300] : memref<40960x128xi32, #tpu.memory_space<hbm>> -> memref<128x64xi32, #tpu.memory_space<hbm>>
        %dma_wait3A_302 = arith.constant 0 : i32
        %dma_wait3A_303 = arith.constant 0 : i32
        %dma_wait3A_304 = tpu.memref_slice %arg6[%dma_wait3A_302, %dma_wait3A_303] : memref<256x64xi32, #tpu.memory_space<vmem>> -> memref<128x64xi32, #tpu.memory_space<vmem>>
        tpu.wait_dma2 semaphore(%arg10 : memref<!tpu.dma_semaphore, #tpu.memory_space<semaphore_mem>>) src(%dma_wait3A_304 : memref<128x64xi32, #tpu.memory_space<vmem>>) dst(%dma_wait3A_301 : memref<128x64xi32, #tpu.memory_space<hbm>>)
        %sub3A_305 = arith.constant 1 : i32
        %sub3A_306 = arith.subi %add3A_173, %sub3A_305 : i32
        %mul3A_307 = arith.constant 256 : i32
        %mul3A_308 = arith.muli %sub3A_306, %mul3A_307 : i32
        %add3A_309 = arith.addi %mul3A_4, %mul3A_308 : i32
        %jit3A_310 = arith.constant 2 : i32
        %div3A_311 = arith.divsi %add3A_309, %jit3A_310 : i32
        %sign3A_312 = arith.constant 0 : i32
        %sign3A_313 = arith.cmpi sgt, %add3A_309, %sign3A_312 : i32
        %sign3A_314 = arith.extui %sign3A_313 : i1 to i32
        %sign3A_315 = arith.constant 0 : i32
        %sign3A_316 = arith.cmpi slt, %add3A_309, %sign3A_315 : i32
        %sign3A_317 = arith.extui %sign3A_316 : i1 to i32
        %sign3A_318 = arith.subi %sign3A_314, %sign3A_317 : i32
        %sign3A_319 = arith.constant 0 : i32
        %sign3A_320 = arith.cmpi sgt, %jit3A_310, %sign3A_319 : i32
        %sign3A_321 = arith.extui %sign3A_320 : i1 to i32
        %sign3A_322 = arith.constant 0 : i32
        %sign3A_323 = arith.cmpi slt, %jit3A_310, %sign3A_322 : i32
        %sign3A_324 = arith.extui %sign3A_323 : i1 to i32
        %sign3A_325 = arith.subi %sign3A_321, %sign3A_324 : i32
        %ne3A_326 = arith.cmpi ne, %sign3A_318, %sign3A_325 : i32
        %rem3A_327 = arith.remsi %add3A_309, %jit3A_310 : i32
        %ne3A_328 = arith.constant 0 : i32
        %ne3A_329 = arith.cmpi ne, %rem3A_327, %ne3A_328 : i32
        %and3A_330 = arith.andi %ne3A_326, %ne3A_329 : i1
        %sub3A_331 = arith.constant 1 : i32
        %sub3A_332 = arith.subi %div3A_311, %sub3A_331 : i32
        %select_n3A_333 = arith.select %and3A_330, %sub3A_332, %div3A_311 : i32
        %dma_wait3A_334 = arith.constant 128 : i32
        %dma_wait3A_335 = arith.constant 0 : i32
        %dma_wait3A_336 = tpu.memref_slice %arg6[%dma_wait3A_334, %dma_wait3A_335] : memref<256x64xi32, #tpu.memory_space<vmem>> -> memref<128x64xi32, #tpu.memory_space<vmem>>
        %dma_wait3A_337 = arith.constant 64 : i32
        %dma_wait3A_338 = tpu.memref_slice %arg4[%select_n3A_333, %dma_wait3A_337] : memref<40960x128xi32, #tpu.memory_space<hbm>> -> memref<128x64xi32, #tpu.memory_space<hbm>>
        %dma_wait3A_339 = arith.constant 64 : i32
        %dma_wait3A_340 = tpu.memref_slice %arg4[%select_n3A_333, %dma_wait3A_339] : memref<40960x128xi32, #tpu.memory_space<hbm>> -> memref<128x64xi32, #tpu.memory_space<hbm>>
        %dma_wait3A_341 = arith.constant 128 : i32
        %dma_wait3A_342 = arith.constant 0 : i32
        %dma_wait3A_343 = tpu.memref_slice %arg6[%dma_wait3A_341, %dma_wait3A_342] : memref<256x64xi32, #tpu.memory_space<vmem>> -> memref<128x64xi32, #tpu.memory_space<vmem>>
        tpu.wait_dma2 semaphore(%arg10 : memref<!tpu.dma_semaphore, #tpu.memory_space<semaphore_mem>>) src(%dma_wait3A_343 : memref<128x64xi32, #tpu.memory_space<vmem>>) dst(%dma_wait3A_340 : memref<128x64xi32, #tpu.memory_space<hbm>>)
      } else {
      }
      %add3A_185 = arith.constant 1 : i32
      %add3A_186 = arith.addi %add3A_173, %add3A_185 : i32
      %lt3A_187 = arith.constant 10 : i32
      %lt3A_188 = arith.cmpi slt, %add3A_186, %lt3A_187 : i32
      %convert_element_type3A_189 = arith.extui %lt3A_188 : i1 to i32
      %cond3A_190 = arith.constant 0 : i32
      %cond3A_191 = arith.cmpi ne, %convert_element_type3A_189, %cond3A_190 : i32
      scf.if %cond3A_191 {
        %add3A_266 = arith.constant 1 : i32
        %add3A_267 = arith.addi %add3A_173, %add3A_266 : i32
        %mul3A_268 = arith.constant 256 : i32
        %mul3A_269 = arith.muli %add3A_267, %mul3A_268 : i32
        %dma_start3A_270 = tpu.memref_slice %arg5[%mul3A_269] : memref<2560xi32, #tpu.memory_space<vmem>> -> memref<256xi32, #tpu.memory_space<vmem>>
        %dma_start3A_271 = arith.constant 0 : i32
        %dma_start3A_272 = arith.constant 0 : i32
        %dma_start3A_273 = tpu.memref_slice %arg2[%dma_start3A_271, %dma_start3A_272] : memref<10000x64xi32, #tpu.memory_space<hbm>> -> memref<10000x64xi32, #tpu.memory_space<hbm>>
        tpu.enqueue_indirect_dma source(%dma_start3A_273 : memref<10000x64xi32, #tpu.memory_space<hbm>>) target(%arg6 : memref<256x64xi32, #tpu.memory_space<vmem>>) offsets(%dma_start3A_270 : memref<256xi32, #tpu.memory_space<vmem>>) semaphore(%arg8 : memref<!tpu.dma_semaphore, #tpu.memory_space<semaphore_mem>>)
      } else {
      }
      %mul3A_192 = arith.constant 256 : i32
      %mul3A_193 = arith.muli %add3A_173, %mul3A_192 : i32
      %add3A_194 = arith.addi %mul3A_4, %mul3A_193 : i32
      %jit3A_195 = arith.constant 2 : i32
      %div3A_196 = arith.divsi %add3A_194, %jit3A_195 : i32
      %sign3A_197 = arith.constant 0 : i32
      %sign3A_198 = arith.cmpi sgt, %add3A_194, %sign3A_197 : i32
      %sign3A_199 = arith.extui %sign3A_198 : i1 to i32
      %sign3A_200 = arith.constant 0 : i32
      %sign3A_201 = arith.cmpi slt, %add3A_194, %sign3A_200 : i32
      %sign3A_202 = arith.extui %sign3A_201 : i1 to i32
      %sign3A_203 = arith.subi %sign3A_199, %sign3A_202 : i32
      %sign3A_204 = arith.constant 0 : i32
      %sign3A_205 = arith.cmpi sgt, %jit3A_195, %sign3A_204 : i32
      %sign3A_206 = arith.extui %sign3A_205 : i1 to i32
      %sign3A_207 = arith.constant 0 : i32
      %sign3A_208 = arith.cmpi slt, %jit3A_195, %sign3A_207 : i32
      %sign3A_209 = arith.extui %sign3A_208 : i1 to i32
      %sign3A_210 = arith.subi %sign3A_206, %sign3A_209 : i32
      %ne3A_211 = arith.cmpi ne, %sign3A_203, %sign3A_210 : i32
      %rem3A_212 = arith.remsi %add3A_194, %jit3A_195 : i32
      %ne3A_213 = arith.constant 0 : i32
      %ne3A_214 = arith.cmpi ne, %rem3A_212, %ne3A_213 : i32
      %and3A_215 = arith.andi %ne3A_211, %ne3A_214 : i1
      %sub3A_216 = arith.constant 1 : i32
      %sub3A_217 = arith.subi %div3A_196, %sub3A_216 : i32
      %select_n3A_218 = arith.select %and3A_215, %sub3A_217, %div3A_196 : i32
      %dma_start3A_219 = arith.constant 0 : i32
      %dma_start3A_220 = arith.constant 0 : i32
      %dma_start3A_221 = tpu.memref_slice %arg7[%dma_start3A_219, %dma_start3A_220] : memref<256x64xi32, #tpu.memory_space<vmem>> -> memref<128x64xi32, #tpu.memory_space<vmem>>
      %dma_start3A_222 = arith.constant 0 : i32
      %dma_start3A_223 = tpu.memref_slice %arg4[%select_n3A_218, %dma_start3A_222] : memref<40960x128xi32, #tpu.memory_space<hbm>> -> memref<128x64xi32, #tpu.memory_space<hbm>>
      %dma_start3A_224 = arith.constant 0 : i32
      %dma_start3A_225 = tpu.memref_slice %arg4[%select_n3A_218, %dma_start3A_224] : memref<40960x128xi32, #tpu.memory_space<hbm>> -> memref<128x64xi32, #tpu.memory_space<hbm>>
      %dma_start3A_226 = arith.constant 0 : i32
      %dma_start3A_227 = arith.constant 0 : i32
      %dma_start3A_228 = tpu.memref_slice %arg7[%dma_start3A_226, %dma_start3A_227] : memref<256x64xi32, #tpu.memory_space<vmem>> -> memref<128x64xi32, #tpu.memory_space<vmem>>
      tpu.enqueue_dma source(%dma_start3A_228 : memref<128x64xi32, #tpu.memory_space<vmem>>) target(%dma_start3A_225 : memref<128x64xi32, #tpu.memory_space<hbm>>) target_semaphore(%arg11 : memref<!tpu.dma_semaphore, #tpu.memory_space<semaphore_mem>>)
      %mul3A_229 = arith.constant 256 : i32
      %mul3A_230 = arith.muli %add3A_173, %mul3A_229 : i32
      %add3A_231 = arith.addi %mul3A_4, %mul3A_230 : i32
      %jit3A_232 = arith.constant 2 : i32
      %div3A_233 = arith.divsi %add3A_231, %jit3A_232 : i32
      %sign3A_234 = arith.constant 0 : i32
      %sign3A_235 = arith.cmpi sgt, %add3A_231, %sign3A_234 : i32
      %sign3A_236 = arith.extui %sign3A_235 : i1 to i32
      %sign3A_237 = arith.constant 0 : i32
      %sign3A_238 = arith.cmpi slt, %add3A_231, %sign3A_237 : i32
      %sign3A_239 = arith.extui %sign3A_238 : i1 to i32
      %sign3A_240 = arith.subi %sign3A_236, %sign3A_239 : i32
      %sign3A_241 = arith.constant 0 : i32
      %sign3A_242 = arith.cmpi sgt, %jit3A_232, %sign3A_241 : i32
      %sign3A_243 = arith.extui %sign3A_242 : i1 to i32
      %sign3A_244 = arith.constant 0 : i32
      %sign3A_245 = arith.cmpi slt, %jit3A_232, %sign3A_244 : i32
      %sign3A_246 = arith.extui %sign3A_245 : i1 to i32
      %sign3A_247 = arith.subi %sign3A_243, %sign3A_246 : i32
      %ne3A_248 = arith.cmpi ne, %sign3A_240, %sign3A_247 : i32
      %rem3A_249 = arith.remsi %add3A_231, %jit3A_232 : i32
      %ne3A_250 = arith.constant 0 : i32
      %ne3A_251 = arith.cmpi ne, %rem3A_249, %ne3A_250 : i32
      %and3A_252 = arith.andi %ne3A_248, %ne3A_251 : i1
      %sub3A_253 = arith.constant 1 : i32
      %sub3A_254 = arith.subi %div3A_233, %sub3A_253 : i32
      %select_n3A_255 = arith.select %and3A_252, %sub3A_254, %div3A_233 : i32
      %dma_start3A_256 = arith.constant 128 : i32
      %dma_start3A_257 = arith.constant 0 : i32
      %dma_start3A_258 = tpu.memref_slice %arg7[%dma_start3A_256, %dma_start3A_257] : memref<256x64xi32, #tpu.memory_space<vmem>> -> memref<128x64xi32, #tpu.memory_space<vmem>>
      %dma_start3A_259 = arith.constant 64 : i32
      %dma_start3A_260 = tpu.memref_slice %arg4[%select_n3A_255, %dma_start3A_259] : memref<40960x128xi32, #tpu.memory_space<hbm>> -> memref<128x64xi32, #tpu.memory_space<hbm>>
      %dma_start3A_261 = arith.constant 64 : i32
      %dma_start3A_262 = tpu.memref_slice %arg4[%select_n3A_255, %dma_start3A_261] : memref<40960x128xi32, #tpu.memory_space<hbm>> -> memref<128x64xi32, #tpu.memory_space<hbm>>
      %dma_start3A_263 = arith.constant 128 : i32
      %dma_start3A_264 = arith.constant 0 : i32
      %dma_start3A_265 = tpu.memref_slice %arg7[%dma_start3A_263, %dma_start3A_264] : memref<256x64xi32, #tpu.memory_space<vmem>> -> memref<128x64xi32, #tpu.memory_space<vmem>>
      tpu.enqueue_dma source(%dma_start3A_265 : memref<128x64xi32, #tpu.memory_space<vmem>>) target(%dma_start3A_262 : memref<128x64xi32, #tpu.memory_space<hbm>>) target_semaphore(%arg11 : memref<!tpu.dma_semaphore, #tpu.memory_space<semaphore_mem>>)
    }
    %scan3A_13 = arith.constant 5 : i32
    %add3A_14 = arith.constant 2304 : i32
    %add3A_15 = arith.addi %mul3A_4, %add3A_14 : i32
    %jit3A = arith.constant 2 : i32
    %div3A = arith.divsi %add3A_15, %jit3A : i32
    %sign3A = arith.constant 0 : i32
    %sign3A_16 = arith.cmpi sgt, %add3A_15, %sign3A : i32
    %sign3A_17 = arith.extui %sign3A_16 : i1 to i32
    %sign3A_18 = arith.constant 0 : i32
    %sign3A_19 = arith.cmpi slt, %add3A_15, %sign3A_18 : i32
    %sign3A_20 = arith.extui %sign3A_19 : i1 to i32
    %sign3A_21 = arith.subi %sign3A_17, %sign3A_20 : i32
    %sign3A_22 = arith.constant 0 : i32
    %sign3A_23 = arith.cmpi sgt, %jit3A, %sign3A_22 : i32
    %sign3A_24 = arith.extui %sign3A_23 : i1 to i32
    %sign3A_25 = arith.constant 0 : i32
    %sign3A_26 = arith.cmpi slt, %jit3A, %sign3A_25 : i32
    %sign3A_27 = arith.extui %sign3A_26 : i1 to i32
    %sign3A_28 = arith.subi %sign3A_24, %sign3A_27 : i32
    %ne3A = arith.cmpi ne, %sign3A_21, %sign3A_28 : i32
    %rem3A = arith.remsi %add3A_15, %jit3A : i32
    %ne3A_29 = arith.constant 0 : i32
    %ne3A_30 = arith.cmpi ne, %rem3A, %ne3A_29 : i32
    %and3A = arith.andi %ne3A, %ne3A_30 : i1
    %sub3A = arith.constant 1 : i32
    %sub3A_31 = arith.subi %div3A, %sub3A : i32
    %select_n3A = arith.select %and3A, %sub3A_31, %div3A : i32
    %dma_wait3A = arith.constant 0 : i32
    %dma_wait3A_32 = arith.constant 0 : i32
    %dma_wait3A_33 = tpu.memref_slice %arg7[%dma_wait3A, %dma_wait3A_32] : memref<256x64xi32, #tpu.memory_space<vmem>> -> memref<128x64xi32, #tpu.memory_space<vmem>>
    %dma_wait3A_34 = arith.constant 0 : i32
    %dma_wait3A_35 = tpu.memref_slice %arg4[%select_n3A, %dma_wait3A_34] : memref<40960x128xi32, #tpu.memory_space<hbm>> -> memref<128x64xi32, #tpu.memory_space<hbm>>
    %dma_wait3A_36 = arith.constant 0 : i32
    %dma_wait3A_37 = tpu.memref_slice %arg4[%select_n3A, %dma_wait3A_36] : memref<40960x128xi32, #tpu.memory_space<hbm>> -> memref<128x64xi32, #tpu.memory_space<hbm>>
    %dma_wait3A_38 = arith.constant 0 : i32
    %dma_wait3A_39 = arith.constant 0 : i32
    %dma_wait3A_40 = tpu.memref_slice %arg7[%dma_wait3A_38, %dma_wait3A_39] : memref<256x64xi32, #tpu.memory_space<vmem>> -> memref<128x64xi32, #tpu.memory_space<vmem>>
    tpu.wait_dma2 semaphore(%arg11 : memref<!tpu.dma_semaphore, #tpu.memory_space<semaphore_mem>>) src(%dma_wait3A_40 : memref<128x64xi32, #tpu.memory_space<vmem>>) dst(%dma_wait3A_37 : memref<128x64xi32, #tpu.memory_space<hbm>>)
    %add3A_41 = arith.constant 2304 : i32
    %add3A_42 = arith.addi %mul3A_4, %add3A_41 : i32
    %jit3A_43 = arith.constant 2 : i32
    %div3A_44 = arith.divsi %add3A_42, %jit3A_43 : i32
    %sign3A_45 = arith.constant 0 : i32
    %sign3A_46 = arith.cmpi sgt, %add3A_42, %sign3A_45 : i32
    %sign3A_47 = arith.extui %sign3A_46 : i1 to i32
    %sign3A_48 = arith.constant 0 : i32
    %sign3A_49 = arith.cmpi slt, %add3A_42, %sign3A_48 : i32
    %sign3A_50 = arith.extui %sign3A_49 : i1 to i32
    %sign3A_51 = arith.subi %sign3A_47, %sign3A_50 : i32
    %sign3A_52 = arith.constant 0 : i32
    %sign3A_53 = arith.cmpi sgt, %jit3A_43, %sign3A_52 : i32
    %sign3A_54 = arith.extui %sign3A_53 : i1 to i32
    %sign3A_55 = arith.constant 0 : i32
    %sign3A_56 = arith.cmpi slt, %jit3A_43, %sign3A_55 : i32
    %sign3A_57 = arith.extui %sign3A_56 : i1 to i32
    %sign3A_58 = arith.subi %sign3A_54, %sign3A_57 : i32
    %ne3A_59 = arith.cmpi ne, %sign3A_51, %sign3A_58 : i32
    %rem3A_60 = arith.remsi %add3A_42, %jit3A_43 : i32
    %ne3A_61 = arith.constant 0 : i32
    %ne3A_62 = arith.cmpi ne, %rem3A_60, %ne3A_61 : i32
    %and3A_63 = arith.andi %ne3A_59, %ne3A_62 : i1
    %sub3A_64 = arith.constant 1 : i32
    %sub3A_65 = arith.subi %div3A_44, %sub3A_64 : i32
    %select_n3A_66 = arith.select %and3A_63, %sub3A_65, %div3A_44 : i32
    %dma_wait3A_67 = arith.constant 128 : i32
    %dma_wait3A_68 = arith.constant 0 : i32
    %dma_wait3A_69 = tpu.memref_slice %arg7[%dma_wait3A_67, %dma_wait3A_68] : memref<256x64xi32, #tpu.memory_space<vmem>> -> memref<128x64xi32, #tpu.memory_space<vmem>>
    %dma_wait3A_70 = arith.constant 64 : i32
    %dma_wait3A_71 = tpu.memref_slice %arg4[%select_n3A_66, %dma_wait3A_70] : memref<40960x128xi32, #tpu.memory_space<hbm>> -> memref<128x64xi32, #tpu.memory_space<hbm>>
    %dma_wait3A_72 = arith.constant 64 : i32
    %dma_wait3A_73 = tpu.memref_slice %arg4[%select_n3A_66, %dma_wait3A_72] : memref<40960x128xi32, #tpu.memory_space<hbm>> -> memref<128x64xi32, #tpu.memory_space<hbm>>
    %dma_wait3A_74 = arith.constant 128 : i32
    %dma_wait3A_75 = arith.constant 0 : i32
    %dma_wait3A_76 = tpu.memref_slice %arg7[%dma_wait3A_74, %dma_wait3A_75] : memref<256x64xi32, #tpu.memory_space<vmem>> -> memref<128x64xi32, #tpu.memory_space<vmem>>
    tpu.wait_dma2 semaphore(%arg11 : memref<!tpu.dma_semaphore, #tpu.memory_space<semaphore_mem>>) src(%dma_wait3A_76 : memref<128x64xi32, #tpu.memory_space<vmem>>) dst(%dma_wait3A_73 : memref<128x64xi32, #tpu.memory_space<hbm>>)
    return
  }
}

#map = affine_map<(d0, d1) -> (0, 0)>
#map1 = affine_map<(d0, d1) -> (0)>
module attributes {stable_mosaic.version = 14 : i64} {
  func.func @k(%arg0: i32, %arg1: i32, %arg2: memref<2560x128xf32, #tpu.memory_space<hbm>>, %arg3: memref<2560x128xi32, #tpu.memory_space<hbm>>, %arg4: memref<20480xf32, #tpu.memory_space<hbm>>, %arg5: memref<80x128xi32, #tpu.memory_space<vmem>>, %arg6: memref<80x128xf32, #tpu.memory_space<vmem>>, %arg7: memref<640xf32, #tpu.memory_space<vmem>>, %arg8: memref<10240xf32, #tpu.memory_space<vmem_shared>>) attributes {dimension_semantics = [#tpu.dimension_semantics<core_parallel>, #tpu.dimension_semantics<subcore_parallel>], iteration_bounds = array<i64: 2, 16>, scalar_prefetch = 0 : i64, scratch_operands = 4 : i64, tpu.core_type = #tpu.core_type<sc_vector_subcore>, window_params = [{transform_indices = #map}, {transform_indices = #map}, {transform_indices = #map1}]} {
    %scan3A = arith.constant 0 : i32
    %scan3A_0 = arith.constant 0 : i32
    %scan3A_1 = arith.constant 40 : i32
    %scan3A_2 = arith.addi %scan3A_0, %scan3A_1 : i32
    %scan3A_3 = arith.constant 1 : i32
    scf.for %scan3A_30 = %scan3A_0 to %scan3A_2 step %scan3A_3  : i32 {
      %broadcast_in_dim3A = arith.constant 0.000000e+00 : f32
      %broadcast_in_dim3A_31 = vector.broadcast %broadcast_in_dim3A : f32 to vector<16xf32>
      %mul3A_32 = arith.constant 16 : i32
      %mul3A_33 = arith.muli %scan3A_30, %mul3A_32 : i32
      %swap3A = arith.index_cast %mul3A_33 : i32 to index
      %swap3A_34 = tpu.vector_load %arg7[%swap3A] {strides = array<i32>} : memref<640xf32, #tpu.memory_space<vmem>>, vector<16xf32>,
      %swap3A_35 = vector.shape_cast %swap3A_34 : vector<16xf32> to vector<16xf32>
      %swap3A_36 = vector.shape_cast %broadcast_in_dim3A_31 : vector<16xf32> to vector<16xf32>
      tpu.vector_store %arg7[%swap3A], %swap3A_36 {strides = array<i32>} : memref<640xf32, #tpu.memory_space<vmem>>, vector<16xf32>,
    }
    %scan3A_4 = arith.constant 40 : i32
    %mul3A = arith.constant 640 : i32
    %mul3A_5 = arith.muli %arg1, %mul3A : i32
    "tpu.region"() ({
      %run_scoped3A = tpu.sem_alloc : memref<!tpu.dma_semaphore, #tpu.memory_space<semaphore_mem>>
      %dma_start3A = tpu.memref_slice %arg8[%mul3A_5] : memref<10240xf32, #tpu.memory_space<vmem_shared>> -> memref<640xf32, #tpu.memory_space<vmem_shared>>
      %dma_start3A_30 = tpu.memref_slice %arg8[%mul3A_5] : memref<10240xf32, #tpu.memory_space<vmem_shared>> -> memref<640xf32, #tpu.memory_space<vmem_shared>>
      tpu.enqueue_dma source(%arg7 : memref<640xf32, #tpu.memory_space<vmem>>) target(%dma_start3A_30 : memref<640xf32, #tpu.memory_space<vmem_shared>>) target_semaphore(%run_scoped3A : memref<!tpu.dma_semaphore, #tpu.memory_space<semaphore_mem>>)
      %dma_wait3A = tpu.memref_slice %arg8[%mul3A_5] : memref<10240xf32, #tpu.memory_space<vmem_shared>> -> memref<640xf32, #tpu.memory_space<vmem_shared>>
      %dma_wait3A_31 = tpu.memref_slice %arg8[%mul3A_5] : memref<10240xf32, #tpu.memory_space<vmem_shared>> -> memref<640xf32, #tpu.memory_space<vmem_shared>>
      tpu.wait_dma2 semaphore(%run_scoped3A : memref<!tpu.dma_semaphore, #tpu.memory_space<semaphore_mem>>) src(%arg7 : memref<640xf32, #tpu.memory_space<vmem>>) dst(%dma_wait3A_31 : memref<640xf32, #tpu.memory_space<vmem_shared>>)
      tpu.yield
    }) : () -> ()
    %barrier3A = arith.constant 0 : index
    tpu.barrier barrier_id(%barrier3A)
    %mul3A_6 = arith.constant 1280 : i32
    %mul3A_7 = arith.muli %arg0, %mul3A_6 : i32
    %mul3A_8 = arith.constant 80 : i32
    %mul3A_9 = arith.muli %arg1, %mul3A_8 : i32
    %add3A = arith.addi %mul3A_7, %mul3A_9 : i32
    "tpu.region"() ({
      %run_scoped3A = tpu.sem_alloc : memref<!tpu.dma_semaphore, #tpu.memory_space<semaphore_mem>>
      %dma_start3A = arith.constant 0 : i32
      %dma_start3A_30 = tpu.memref_slice %arg3[%add3A, %dma_start3A] : memref<2560x128xi32, #tpu.memory_space<hbm>> -> memref<80x128xi32, #tpu.memory_space<hbm>>
      %dma_start3A_31 = arith.constant 0 : i32
      %dma_start3A_32 = tpu.memref_slice %arg3[%add3A, %dma_start3A_31] : memref<2560x128xi32, #tpu.memory_space<hbm>> -> memref<80x128xi32, #tpu.memory_space<hbm>>
      tpu.enqueue_dma source(%dma_start3A_32 : memref<80x128xi32, #tpu.memory_space<hbm>>) target(%arg5 : memref<80x128xi32, #tpu.memory_space<vmem>>) target_semaphore(%run_scoped3A : memref<!tpu.dma_semaphore, #tpu.memory_space<semaphore_mem>>)
      %dma_wait3A = arith.constant 0 : i32
      %dma_wait3A_33 = tpu.memref_slice %arg3[%add3A, %dma_wait3A] : memref<2560x128xi32, #tpu.memory_space<hbm>> -> memref<80x128xi32, #tpu.memory_space<hbm>>
      %dma_wait3A_34 = arith.constant 0 : i32
      %dma_wait3A_35 = tpu.memref_slice %arg3[%add3A, %dma_wait3A_34] : memref<2560x128xi32, #tpu.memory_space<hbm>> -> memref<80x128xi32, #tpu.memory_space<hbm>>
      tpu.wait_dma2 semaphore(%run_scoped3A : memref<!tpu.dma_semaphore, #tpu.memory_space<semaphore_mem>>) src(%dma_wait3A_35 : memref<80x128xi32, #tpu.memory_space<hbm>>) dst(%arg5 : memref<80x128xi32, #tpu.memory_space<vmem>>)
      tpu.yield
    }) : () -> ()
    "tpu.region"() ({
      %run_scoped3A = tpu.sem_alloc : memref<!tpu.dma_semaphore, #tpu.memory_space<semaphore_mem>>
      %dma_start3A = arith.constant 0 : i32
      %dma_start3A_30 = tpu.memref_slice %arg2[%add3A, %dma_start3A] : memref<2560x128xf32, #tpu.memory_space<hbm>> -> memref<80x128xf32, #tpu.memory_space<hbm>>
      %dma_start3A_31 = arith.constant 0 : i32
      %dma_start3A_32 = tpu.memref_slice %arg2[%add3A, %dma_start3A_31] : memref<2560x128xf32, #tpu.memory_space<hbm>> -> memref<80x128xf32, #tpu.memory_space<hbm>>
      tpu.enqueue_dma source(%dma_start3A_32 : memref<80x128xf32, #tpu.memory_space<hbm>>) target(%arg6 : memref<80x128xf32, #tpu.memory_space<vmem>>) target_semaphore(%run_scoped3A : memref<!tpu.dma_semaphore, #tpu.memory_space<semaphore_mem>>)
      %dma_wait3A = arith.constant 0 : i32
      %dma_wait3A_33 = tpu.memref_slice %arg2[%add3A, %dma_wait3A] : memref<2560x128xf32, #tpu.memory_space<hbm>> -> memref<80x128xf32, #tpu.memory_space<hbm>>
      %dma_wait3A_34 = arith.constant 0 : i32
      %dma_wait3A_35 = tpu.memref_slice %arg2[%add3A, %dma_wait3A_34] : memref<2560x128xf32, #tpu.memory_space<hbm>> -> memref<80x128xf32, #tpu.memory_space<hbm>>
      tpu.wait_dma2 semaphore(%run_scoped3A : memref<!tpu.dma_semaphore, #tpu.memory_space<semaphore_mem>>) src(%dma_wait3A_35 : memref<80x128xf32, #tpu.memory_space<hbm>>) dst(%arg6 : memref<80x128xf32, #tpu.memory_space<vmem>>)
      tpu.yield
    }) : () -> ()
    %scan3A_10 = arith.constant 0 : i32
    %scan3A_11 = arith.constant 0 : i32
    %scan3A_12 = arith.constant 640 : i32
    %scan3A_13 = arith.addi %scan3A_11, %scan3A_12 : i32
    %scan3A_14 = arith.constant 1 : i32
    scf.for %scan3A_30 = %scan3A_11 to %scan3A_13 step %scan3A_14  : i32 {
      %jit3A = arith.constant 8 : i32
      %div3A = arith.divsi %scan3A_30, %jit3A : i32
      %sign3A = arith.constant 0 : i32
      %sign3A_31 = arith.cmpi sgt, %scan3A_30, %sign3A : i32
      %sign3A_32 = arith.extui %sign3A_31 : i1 to i32
      %sign3A_33 = arith.constant 0 : i32
      %sign3A_34 = arith.cmpi slt, %scan3A_30, %sign3A_33 : i32
      %sign3A_35 = arith.extui %sign3A_34 : i1 to i32
      %sign3A_36 = arith.subi %sign3A_32, %sign3A_35 : i32
      %sign3A_37 = arith.constant 0 : i32
      %sign3A_38 = arith.cmpi sgt, %jit3A, %sign3A_37 : i32
      %sign3A_39 = arith.extui %sign3A_38 : i1 to i32
      %sign3A_40 = arith.constant 0 : i32
      %sign3A_41 = arith.cmpi slt, %jit3A, %sign3A_40 : i32
      %sign3A_42 = arith.extui %sign3A_41 : i1 to i32
      %sign3A_43 = arith.subi %sign3A_39, %sign3A_42 : i32
      %ne3A = arith.cmpi ne, %sign3A_36, %sign3A_43 : i32
      %rem3A = arith.remsi %scan3A_30, %jit3A : i32
      %ne3A_44 = arith.constant 0 : i32
      %ne3A_45 = arith.cmpi ne, %rem3A, %ne3A_44 : i32
      %and3A = arith.andi %ne3A, %ne3A_45 : i1
      %sub3A = arith.constant 1 : i32
      %sub3A_46 = arith.subi %div3A, %sub3A : i32
      %select_n3A = arith.select %and3A, %sub3A_46, %div3A : i32
      %jit3A_47 = arith.constant 8 : i32
      %eq3A = arith.constant 0 : i32
      %eq3A_48 = arith.cmpi eq, %jit3A_47, %eq3A : i32
      %jit3A_49 = arith.constant 1 : i32
      %select_n3A_50 = arith.select %eq3A_48, %jit3A_49, %jit3A_47 : i32
      %rem3A_51 = arith.remsi %scan3A_30, %select_n3A_50 : i32
      %ne3A_52 = arith.constant 0 : i32
      %ne3A_53 = arith.cmpi ne, %rem3A_51, %ne3A_52 : i32
      %lt3A = arith.constant 0 : i32
      %lt3A_54 = arith.cmpi slt, %rem3A_51, %lt3A : i32
      %lt3A_55 = arith.constant 0 : i32
      %lt3A_56 = arith.cmpi slt, %select_n3A_50, %lt3A_55 : i32
      %ne3A_57 = arith.xori %lt3A_54, %lt3A_56 : i1
      %and3A_58 = arith.andi %ne3A_57, %ne3A_53 : i1
      %add3A_59 = arith.addi %rem3A_51, %select_n3A_50 : i32
      %select_n3A_60 = arith.select %and3A_58, %add3A_59, %rem3A_51 : i32
      %mul3A_61 = arith.constant 16 : i32
      %mul3A_62 = arith.muli %select_n3A_60, %mul3A_61 : i32
      %get3A = arith.index_cast %select_n3A : i32 to index
      %get3A_63 = arith.index_cast %mul3A_62 : i32 to index
      %get3A_64 = tpu.vector_load %arg6[%get3A, %get3A_63] {strides = array<i32>} : memref<80x128xf32, #tpu.memory_space<vmem>>, vector<1x16xf32>,
      %get3A_65 = vector.shape_cast %get3A_64 : vector<1x16xf32> to vector<16xf32>
      %exp3A = math.exp %get3A_65 : vector<16xf32>
      %swap3A = arith.index_cast %select_n3A : i32 to index
      %swap3A_66 = arith.index_cast %mul3A_62 : i32 to index
      %swap3A_67 = tpu.vector_load %arg6[%swap3A, %swap3A_66] {strides = array<i32>} : memref<80x128xf32, #tpu.memory_space<vmem>>, vector<1x16xf32>,
      %swap3A_68 = vector.shape_cast %swap3A_67 : vector<1x16xf32> to vector<16xf32>
      %swap3A_69 = vector.shape_cast %exp3A : vector<16xf32> to vector<1x16xf32>
      tpu.vector_store %arg6[%swap3A, %swap3A_66], %swap3A_69 {strides = array<i32>} : memref<80x128xf32, #tpu.memory_space<vmem>>, vector<1x16xf32>,
    }
    %scan3A_15 = arith.constant 640 : i32
    %scan3A_16 = arith.constant 0 : i32
    %scan3A_17 = arith.constant 0 : i32
    %scan3A_18 = arith.constant 80 : i32
    %scan3A_19 = arith.addi %scan3A_17, %scan3A_18 : i32
    %scan3A_20 = arith.constant 1 : i32
    scf.for %scan3A_30 = %scan3A_17 to %scan3A_19 step %scan3A_20  : i32 {
      "tpu.region"() ({
        %run_scoped3A = tpu.sem_alloc : memref<!tpu.dma_semaphore, #tpu.memory_space<semaphore_mem>>
        %dma_start3A = arith.constant 0 : i32
        %dma_start3A_31 = tpu.memref_slice %arg6[%scan3A_30, %dma_start3A] : memref<80x128xf32, #tpu.memory_space<vmem>> -> memref<1x128xf32, #tpu.memory_space<vmem>>
        %dma_start3A_32 = tpu.memref_squeeze %dma_start3A_31 : memref<1x128xf32, #tpu.memory_space<vmem>> -> memref<128xf32, #tpu.memory_space<vmem>>
        %dma_start3A_33 = arith.constant 0 : i32
        %dma_start3A_34 = tpu.memref_slice %arg5[%scan3A_30, %dma_start3A_33] : memref<80x128xi32, #tpu.memory_space<vmem>> -> memref<1x128xi32, #tpu.memory_space<vmem>>
        %dma_start3A_35 = tpu.memref_squeeze %dma_start3A_34 : memref<1x128xi32, #tpu.memory_space<vmem>> -> memref<128xi32, #tpu.memory_space<vmem>>
        %dma_start3A_36 = arith.constant 0 : i32
        %dma_start3A_37 = tpu.memref_slice %arg8[%dma_start3A_36] : memref<10240xf32, #tpu.memory_space<vmem_shared>> -> memref<10240xf32, #tpu.memory_space<vmem_shared>>
        tpu.enqueue_indirect_dma source(%dma_start3A_32 : memref<128xf32, #tpu.memory_space<vmem>>) target(%dma_start3A_37 : memref<10240xf32, #tpu.memory_space<vmem_shared>>) offsets(%dma_start3A_35 : memref<128xi32, #tpu.memory_space<vmem>>) semaphore(%run_scoped3A : memref<!tpu.dma_semaphore, #tpu.memory_space<semaphore_mem>>) {add = true}
        %dma_wait3A = arith.constant 0 : i32
        %dma_wait3A_38 = tpu.memref_slice %arg6[%scan3A_30, %dma_wait3A] : memref<80x128xf32, #tpu.memory_space<vmem>> -> memref<1x128xf32, #tpu.memory_space<vmem>>
        %dma_wait3A_39 = tpu.memref_squeeze %dma_wait3A_38 : memref<1x128xf32, #tpu.memory_space<vmem>> -> memref<128xf32, #tpu.memory_space<vmem>>
        %dma_wait3A_40 = arith.constant 0 : i32
        %dma_wait3A_41 = tpu.memref_slice %arg5[%scan3A_30, %dma_wait3A_40] : memref<80x128xi32, #tpu.memory_space<vmem>> -> memref<1x128xi32, #tpu.memory_space<vmem>>
        %dma_wait3A_42 = tpu.memref_squeeze %dma_wait3A_41 : memref<1x128xi32, #tpu.memory_space<vmem>> -> memref<128xi32, #tpu.memory_space<vmem>>
        %dma_wait3A_43 = arith.constant 0 : i32
        %dma_wait3A_44 = tpu.memref_slice %arg8[%dma_wait3A_43] : memref<10240xf32, #tpu.memory_space<vmem_shared>> -> memref<10240xf32, #tpu.memory_space<vmem_shared>>
        tpu.wait_indirect_dma semaphore(%run_scoped3A : memref<!tpu.dma_semaphore, #tpu.memory_space<semaphore_mem>>) src(%dma_wait3A_39 : memref<128xf32, #tpu.memory_space<vmem>>) dst(%dma_wait3A_44 : memref<10240xf32, #tpu.memory_space<vmem_shared>>)
        tpu.yield
      }) : () -> ()
    }
    %scan3A_21 = arith.constant 80 : i32
    %barrier3A_22 = arith.constant 0 : index
    tpu.barrier barrier_id(%barrier3A_22)
    %mul3A_23 = arith.constant 640 : i32
    %mul3A_24 = arith.muli %arg1, %mul3A_23 : i32
    "tpu.region"() ({
      %run_scoped3A = tpu.sem_alloc : memref<!tpu.dma_semaphore, #tpu.memory_space<semaphore_mem>>
      %dma_start3A = tpu.memref_slice %arg8[%mul3A_24] : memref<10240xf32, #tpu.memory_space<vmem_shared>> -> memref<640xf32, #tpu.memory_space<vmem_shared>>
      %dma_start3A_30 = tpu.memref_slice %arg8[%mul3A_24] : memref<10240xf32, #tpu.memory_space<vmem_shared>> -> memref<640xf32, #tpu.memory_space<vmem_shared>>
      tpu.enqueue_dma source(%dma_start3A_30 : memref<640xf32, #tpu.memory_space<vmem_shared>>) target(%arg7 : memref<640xf32, #tpu.memory_space<vmem>>) target_semaphore(%run_scoped3A : memref<!tpu.dma_semaphore, #tpu.memory_space<semaphore_mem>>)
      %dma_wait3A = tpu.memref_slice %arg8[%mul3A_24] : memref<10240xf32, #tpu.memory_space<vmem_shared>> -> memref<640xf32, #tpu.memory_space<vmem_shared>>
      %dma_wait3A_31 = tpu.memref_slice %arg8[%mul3A_24] : memref<10240xf32, #tpu.memory_space<vmem_shared>> -> memref<640xf32, #tpu.memory_space<vmem_shared>>
      tpu.wait_dma2 semaphore(%run_scoped3A : memref<!tpu.dma_semaphore, #tpu.memory_space<semaphore_mem>>) src(%dma_wait3A_31 : memref<640xf32, #tpu.memory_space<vmem_shared>>) dst(%arg7 : memref<640xf32, #tpu.memory_space<vmem>>)
      tpu.yield
    }) : () -> ()
    %mul3A_25 = arith.constant 10240 : i32
    %mul3A_26 = arith.muli %arg0, %mul3A_25 : i32
    %mul3A_27 = arith.constant 640 : i32
    %mul3A_28 = arith.muli %arg1, %mul3A_27 : i32
    %add3A_29 = arith.addi %mul3A_26, %mul3A_28 : i32
    "tpu.region"() ({
      %run_scoped3A = tpu.sem_alloc : memref<!tpu.dma_semaphore, #tpu.memory_space<semaphore_mem>>
      %dma_start3A = tpu.memref_slice %arg4[%add3A_29] : memref<20480xf32, #tpu.memory_space<hbm>> -> memref<640xf32, #tpu.memory_space<hbm>>
      %dma_start3A_30 = tpu.memref_slice %arg4[%add3A_29] : memref<20480xf32, #tpu.memory_space<hbm>> -> memref<640xf32, #tpu.memory_space<hbm>>
      tpu.enqueue_dma source(%arg7 : memref<640xf32, #tpu.memory_space<vmem>>) target(%dma_start3A_30 : memref<640xf32, #tpu.memory_space<hbm>>) target_semaphore(%run_scoped3A : memref<!tpu.dma_semaphore, #tpu.memory_space<semaphore_mem>>)
      %dma_wait3A = tpu.memref_slice %arg4[%add3A_29] : memref<20480xf32, #tpu.memory_space<hbm>> -> memref<640xf32, #tpu.memory_space<hbm>>
      %dma_wait3A_31 = tpu.memref_slice %arg4[%add3A_29] : memref<20480xf32, #tpu.memory_space<hbm>> -> memref<640xf32, #tpu.memory_space<hbm>>
      tpu.wait_dma2 semaphore(%run_scoped3A : memref<!tpu.dma_semaphore, #tpu.memory_space<semaphore_mem>>) src(%arg7 : memref<640xf32, #tpu.memory_space<vmem>>) dst(%dma_wait3A_31 : memref<640xf32, #tpu.memory_space<hbm>>)
      tpu.yield
    }) : () -> ()
    return
  }
}

#map = affine_map<(d0, d1) -> (0, 0)>
module attributes {stable_mosaic.version = 14 : i64} {
  func.func @k(%arg0: i32, %arg1: i32, %arg2: memref<2560x128xi32, #tpu.memory_space<hbm>>, %arg3: memref<8x128xi32, #tpu.memory_space<hbm>>, %arg4: memref<8x128xi32, #tpu.memory_space<vmem>>) attributes {dimension_semantics = [#tpu.dimension_semantics<core_parallel>, #tpu.dimension_semantics<subcore_parallel>], iteration_bounds = array<i64: 2, 16>, scalar_prefetch = 0 : i64, scratch_operands = 1 : i64, tpu.core_type = #tpu.core_type<sc_vector_subcore>, window_params = [{transform_indices = #map}, {transform_indices = #map}]} {
    %mul3A = arith.constant 16 : i32
    %mul3A_0 = arith.muli %arg0, %mul3A : i32
    %add3A = arith.addi %mul3A_0, %arg1 : i32
    %eq3A = arith.constant 0 : i32
    %eq3A_1 = arith.cmpi eq, %add3A, %eq3A : i32
    %convert_element_type3A = arith.extui %eq3A_1 : i1 to i32
    %cond3A = arith.constant 0 : i32
    %cond3A_2 = arith.cmpi ne, %convert_element_type3A, %cond3A : i32
    scf.if %cond3A_2 {
      "tpu.region"() ({
        %run_scoped3A = tpu.sem_alloc : memref<!tpu.dma_semaphore, #tpu.memory_space<semaphore_mem>>
        %dma_start3A = arith.constant 0 : i32
        %dma_start3A_3 = arith.constant 0 : i32
        %dma_start3A_4 = tpu.memref_slice %arg2[%dma_start3A, %dma_start3A_3] : memref<2560x128xi32, #tpu.memory_space<hbm>> -> memref<8x128xi32, #tpu.memory_space<hbm>>
        %dma_start3A_5 = arith.constant 0 : i32
        %dma_start3A_6 = arith.constant 0 : i32
        %dma_start3A_7 = tpu.memref_slice %arg2[%dma_start3A_5, %dma_start3A_6] : memref<2560x128xi32, #tpu.memory_space<hbm>> -> memref<8x128xi32, #tpu.memory_space<hbm>>
        tpu.enqueue_dma source(%dma_start3A_7 : memref<8x128xi32, #tpu.memory_space<hbm>>) target(%arg4 : memref<8x128xi32, #tpu.memory_space<vmem>>) target_semaphore(%run_scoped3A : memref<!tpu.dma_semaphore, #tpu.memory_space<semaphore_mem>>)
        %dma_wait3A = arith.constant 0 : i32
        %dma_wait3A_8 = arith.constant 0 : i32
        %dma_wait3A_9 = tpu.memref_slice %arg2[%dma_wait3A, %dma_wait3A_8] : memref<2560x128xi32, #tpu.memory_space<hbm>> -> memref<8x128xi32, #tpu.memory_space<hbm>>
        %dma_wait3A_10 = arith.constant 0 : i32
        %dma_wait3A_11 = arith.constant 0 : i32
        %dma_wait3A_12 = tpu.memref_slice %arg2[%dma_wait3A_10, %dma_wait3A_11] : memref<2560x128xi32, #tpu.memory_space<hbm>> -> memref<8x128xi32, #tpu.memory_space<hbm>>
        tpu.wait_dma2 semaphore(%run_scoped3A : memref<!tpu.dma_semaphore, #tpu.memory_space<semaphore_mem>>) src(%dma_wait3A_12 : memref<8x128xi32, #tpu.memory_space<hbm>>) dst(%arg4 : memref<8x128xi32, #tpu.memory_space<vmem>>)
        tpu.yield
      }) : () -> ()
      "tpu.region"() ({
        %run_scoped3A = tpu.sem_alloc : memref<!tpu.dma_semaphore, #tpu.memory_space<semaphore_mem>>
        tpu.enqueue_dma source(%arg4 : memref<8x128xi32, #tpu.memory_space<vmem>>) target(%arg3 : memref<8x128xi32, #tpu.memory_space<hbm>>) target_semaphore(%run_scoped3A : memref<!tpu.dma_semaphore, #tpu.memory_space<semaphore_mem>>)
        tpu.wait_dma2 semaphore(%run_scoped3A : memref<!tpu.dma_semaphore, #tpu.memory_space<semaphore_mem>>) src(%arg4 : memref<8x128xi32, #tpu.memory_space<vmem>>) dst(%arg3 : memref<8x128xi32, #tpu.memory_space<hbm>>)
        tpu.yield
      }) : () -> ()
    } else {
    }
    return
  }
}

#map = affine_map<(d0, d1) -> (0)>
module attributes {stable_mosaic.version = 14 : i64} {
  func.func @k(%arg0: i32, %arg1: i32, %arg2: memref<327680xf32, #tpu.memory_space<hbm>>, %arg3: memref<327680xi32, #tpu.memory_space<hbm>>, %arg4: memref<20480xf32, #tpu.memory_space<hbm>>, %arg5: memref<327680xf32, #tpu.memory_space<hbm>>, %arg6: memref<10240xi32, #tpu.memory_space<vmem>>, %arg7: memref<10240xf32, #tpu.memory_space<vmem>>, %arg8: memref<10240xf32, #tpu.memory_space<vmem>>, %arg9: memref<20480xf32, #tpu.memory_space<vmem>>, %arg10: memref<10240xf32, #tpu.memory_space<vmem>>) attributes {dimension_semantics = [#tpu.dimension_semantics<core_parallel>, #tpu.dimension_semantics<subcore_parallel>], iteration_bounds = array<i64: 2, 16>, scalar_prefetch = 0 : i64, scratch_operands = 5 : i64, tpu.core_type = #tpu.core_type<sc_vector_subcore>, window_params = [{transform_indices = #map}, {transform_indices = #map}, {transform_indices = #map}, {transform_indices = #map}]} {
    %mul3A = arith.constant 16 : i32
    %mul3A_0 = arith.muli %arg0, %mul3A : i32
    %add3A = arith.addi %mul3A_0, %arg1 : i32
    %mul3A_1 = arith.constant 10240 : i32
    %mul3A_2 = arith.muli %add3A, %mul3A_1 : i32
    "tpu.region"() ({
      %run_scoped3A = tpu.sem_alloc : memref<!tpu.dma_semaphore, #tpu.memory_space<semaphore_mem>>
      %dma_start3A = tpu.memref_slice %arg3[%mul3A_2] : memref<327680xi32, #tpu.memory_space<hbm>> -> memref<10240xi32, #tpu.memory_space<hbm>>
      %dma_start3A_14 = tpu.memref_slice %arg3[%mul3A_2] : memref<327680xi32, #tpu.memory_space<hbm>> -> memref<10240xi32, #tpu.memory_space<hbm>>
      tpu.enqueue_dma source(%dma_start3A_14 : memref<10240xi32, #tpu.memory_space<hbm>>) target(%arg6 : memref<10240xi32, #tpu.memory_space<vmem>>) target_semaphore(%run_scoped3A : memref<!tpu.dma_semaphore, #tpu.memory_space<semaphore_mem>>)
      %dma_wait3A = tpu.memref_slice %arg3[%mul3A_2] : memref<327680xi32, #tpu.memory_space<hbm>> -> memref<10240xi32, #tpu.memory_space<hbm>>
      %dma_wait3A_15 = tpu.memref_slice %arg3[%mul3A_2] : memref<327680xi32, #tpu.memory_space<hbm>> -> memref<10240xi32, #tpu.memory_space<hbm>>
      tpu.wait_dma2 semaphore(%run_scoped3A : memref<!tpu.dma_semaphore, #tpu.memory_space<semaphore_mem>>) src(%dma_wait3A_15 : memref<10240xi32, #tpu.memory_space<hbm>>) dst(%arg6 : memref<10240xi32, #tpu.memory_space<vmem>>)
      tpu.yield
    }) : () -> ()
    "tpu.region"() ({
      %run_scoped3A = tpu.sem_alloc : memref<!tpu.dma_semaphore, #tpu.memory_space<semaphore_mem>>
      %dma_start3A = tpu.memref_slice %arg2[%mul3A_2] : memref<327680xf32, #tpu.memory_space<hbm>> -> memref<10240xf32, #tpu.memory_space<hbm>>
      %dma_start3A_14 = tpu.memref_slice %arg2[%mul3A_2] : memref<327680xf32, #tpu.memory_space<hbm>> -> memref<10240xf32, #tpu.memory_space<hbm>>
      tpu.enqueue_dma source(%dma_start3A_14 : memref<10240xf32, #tpu.memory_space<hbm>>) target(%arg7 : memref<10240xf32, #tpu.memory_space<vmem>>) target_semaphore(%run_scoped3A : memref<!tpu.dma_semaphore, #tpu.memory_space<semaphore_mem>>)
      %dma_wait3A = tpu.memref_slice %arg2[%mul3A_2] : memref<327680xf32, #tpu.memory_space<hbm>> -> memref<10240xf32, #tpu.memory_space<hbm>>
      %dma_wait3A_15 = tpu.memref_slice %arg2[%mul3A_2] : memref<327680xf32, #tpu.memory_space<hbm>> -> memref<10240xf32, #tpu.memory_space<hbm>>
      tpu.wait_dma2 semaphore(%run_scoped3A : memref<!tpu.dma_semaphore, #tpu.memory_space<semaphore_mem>>) src(%dma_wait3A_15 : memref<10240xf32, #tpu.memory_space<hbm>>) dst(%arg7 : memref<10240xf32, #tpu.memory_space<vmem>>)
      tpu.yield
    }) : () -> ()
    "tpu.region"() ({
      %run_scoped3A = tpu.sem_alloc : memref<!tpu.dma_semaphore, #tpu.memory_space<semaphore_mem>>
      tpu.enqueue_dma source(%arg4 : memref<20480xf32, #tpu.memory_space<hbm>>) target(%arg9 : memref<20480xf32, #tpu.memory_space<vmem>>) target_semaphore(%run_scoped3A : memref<!tpu.dma_semaphore, #tpu.memory_space<semaphore_mem>>)
      tpu.wait_dma2 semaphore(%run_scoped3A : memref<!tpu.dma_semaphore, #tpu.memory_space<semaphore_mem>>) src(%arg4 : memref<20480xf32, #tpu.memory_space<hbm>>) dst(%arg9 : memref<20480xf32, #tpu.memory_space<vmem>>)
      tpu.yield
    }) : () -> ()
    %scan3A = arith.constant 0 : i32
    %scan3A_3 = arith.constant 0 : i32
    %scan3A_4 = arith.constant 640 : i32
    %scan3A_5 = arith.addi %scan3A_3, %scan3A_4 : i32
    %scan3A_6 = arith.constant 1 : i32
    scf.for %scan3A_14 = %scan3A_3 to %scan3A_5 step %scan3A_6  : i32 {
      %mul3A_15 = arith.constant 16 : i32
      %mul3A_16 = arith.muli %scan3A_14, %mul3A_15 : i32
      %get3A = arith.index_cast %mul3A_16 : i32 to index
      %get3A_17 = tpu.vector_load %arg9[%get3A] {strides = array<i32>} : memref<20480xf32, #tpu.memory_space<vmem>>, vector<16xf32>,
      %add3A_18 = arith.constant 10240 : i32
      %add3A_19 = arith.addi %add3A_18, %mul3A_16 : i32
      %get3A_20 = arith.index_cast %add3A_19 : i32 to index
      %get3A_21 = tpu.vector_load %arg9[%get3A_20] {strides = array<i32>} : memref<20480xf32, #tpu.memory_space<vmem>>, vector<16xf32>,
      %add3A_22 = arith.addf %get3A_17, %get3A_21 : vector<16xf32>
      %swap3A = arith.index_cast %mul3A_16 : i32 to index
      %swap3A_23 = tpu.vector_load %arg10[%swap3A] {strides = array<i32>} : memref<10240xf32, #tpu.memory_space<vmem>>, vector<16xf32>,
      tpu.vector_store %arg10[%swap3A], %add3A_22 {strides = array<i32>} : memref<10240xf32, #tpu.memory_space<vmem>>, vector<16xf32>,
    }
    %scan3A_7 = arith.constant 640 : i32
    %scan3A_8 = arith.constant 0 : i32
    %scan3A_9 = arith.constant 0 : i32
    %scan3A_10 = arith.constant 640 : i32
    %scan3A_11 = arith.addi %scan3A_9, %scan3A_10 : i32
    %scan3A_12 = arith.constant 1 : i32
    scf.for %scan3A_14 = %scan3A_9 to %scan3A_11 step %scan3A_12  : i32 {
      %mul3A_15 = arith.constant 16 : i32
      %mul3A_16 = arith.muli %scan3A_14, %mul3A_15 : i32
      %get3A = arith.index_cast %mul3A_16 : i32 to index
      %get3A_17 = tpu.vector_load %arg6[%get3A] {strides = array<i32>} : memref<10240xi32, #tpu.memory_space<vmem>>, vector<16xi32>,
      %get3A_18 = arith.index_cast %mul3A_16 : i32 to index
      %get3A_19 = tpu.vector_load %arg7[%get3A_18] {strides = array<i32>} : memref<10240xf32, #tpu.memory_space<vmem>>, vector<16xf32>,
      %exp3A = math.exp %get3A_19 : vector<16xf32>
      %gather3A = tpu.vector_load_idx %arg10[%get3A_17] : memref<10240xf32, #tpu.memory_space<vmem>>[vector<16xi32>], vector<16xf32>,
      %div3A = arith.divf %exp3A, %gather3A : vector<16xf32>
      %swap3A = arith.index_cast %mul3A_16 : i32 to index
      %swap3A_20 = tpu.vector_load %arg8[%swap3A] {strides = array<i32>} : memref<10240xf32, #tpu.memory_space<vmem>>, vector<16xf32>,
      tpu.vector_store %arg8[%swap3A], %div3A {strides = array<i32>} : memref<10240xf32, #tpu.memory_space<vmem>>, vector<16xf32>,
    }
    %scan3A_13 = arith.constant 640 : i32
    "tpu.region"() ({
      %run_scoped3A = tpu.sem_alloc : memref<!tpu.dma_semaphore, #tpu.memory_space<semaphore_mem>>
      %dma_start3A = tpu.memref_slice %arg5[%mul3A_2] : memref<327680xf32, #tpu.memory_space<hbm>> -> memref<10240xf32, #tpu.memory_space<hbm>>
      %dma_start3A_14 = tpu.memref_slice %arg5[%mul3A_2] : memref<327680xf32, #tpu.memory_space<hbm>> -> memref<10240xf32, #tpu.memory_space<hbm>>
      tpu.enqueue_dma source(%arg8 : memref<10240xf32, #tpu.memory_space<vmem>>) target(%dma_start3A_14 : memref<10240xf32, #tpu.memory_space<hbm>>) target_semaphore(%run_scoped3A : memref<!tpu.dma_semaphore, #tpu.memory_space<semaphore_mem>>)
      %dma_wait3A = tpu.memref_slice %arg5[%mul3A_2] : memref<327680xf32, #tpu.memory_space<hbm>> -> memref<10240xf32, #tpu.memory_space<hbm>>
      %dma_wait3A_15 = tpu.memref_slice %arg5[%mul3A_2] : memref<327680xf32, #tpu.memory_space<hbm>> -> memref<10240xf32, #tpu.memory_space<hbm>>
      tpu.wait_dma2 semaphore(%run_scoped3A : memref<!tpu.dma_semaphore, #tpu.memory_space<semaphore_mem>>) src(%arg8 : memref<10240xf32, #tpu.memory_space<vmem>>) dst(%dma_wait3A_15 : memref<10240xf32, #tpu.memory_space<hbm>>)
      tpu.yield
    }) : () -> ()
    return
  }
}

module attributes {stable_mosaic.version = 14 : i64} {
  func.func @_rft_body(%arg0: memref<10000x128xf32, #tpu.memory_space<vmem>>, %arg1: memref<128x128xf32, #tpu.memory_space<vmem>>, %arg2: memref<1x128xf32, #tpu.memory_space<vmem>>, %arg3: memref<10000x128xf32, #tpu.memory_space<vmem>>) attributes {dimension_semantics = [], scalar_prefetch = 0 : i64, scratch_operands = 0 : i64, tpu.core_type = #tpu.core_type<tc>} {
    %get3A = arith.constant 0 : index
    %get3A_0 = arith.constant 0 : index
    %get3A_1 = vector.load %arg0[%get3A, %get3A_0] : memref<10000x128xf32, #tpu.memory_space<vmem>>, vector<10000x128xf32>
    %get3A_2 = arith.constant 0 : index
    %get3A_3 = arith.constant 0 : index
    %get3A_4 = vector.load %arg1[%get3A_2, %get3A_3] : memref<128x128xf32, #tpu.memory_space<vmem>>, vector<128x128xf32>
    %dot_general3A = arith.constant dense<0.000000e+00> : vector<10000x128xf32>
    %dot_general3A_5 = tpu.matmul %get3A_1, %get3A_4, %dot_general3A {dimension_numbers = #tpu.dot_dimension_numbers<[1], [1], [0], [0], [0, 0, 1, 0], [], []>, transpose_lhs_hint = false} : vector<10000x128xf32>, vector<128x128xf32>, vector<10000x128xf32> -> vector<10000x128xf32>
    %get3A_6 = arith.constant 0 : index
    %get3A_7 = arith.constant 0 : index
    %get3A_8 = vector.load %arg2[%get3A_6, %get3A_7] : memref<1x128xf32, #tpu.memory_space<vmem>>, vector<1x128xf32>
    %add3A = vector.broadcast %get3A_8 : vector<1x128xf32> to vector<10000x128xf32>
    %add3A_9 = arith.addf %dot_general3A_5, %add3A : vector<10000x128xf32>
    %swap3A = arith.constant 0 : index
    %swap3A_10 = arith.constant 0 : index
    %swap3A_11 = vector.load %arg3[%swap3A, %swap3A_10] : memref<10000x128xf32, #tpu.memory_space<vmem>>, vector<10000x128xf32>
    tpu.vector_store %arg3[%swap3A, %swap3A_10], %add3A_9 {strides = array<i32>} : memref<10000x128xf32, #tpu.memory_space<vmem>>, vector<10000x128xf32>,
    return
  }
}

module attributes {stable_mosaic.version = 14 : i64} {
  func.func @_mlp_body(%arg0: i32, %arg1: memref<2560x128xf32, #tpu.memory_space<vmem>>, %arg2: memref<1280x128xi32, #tpu.memory_space<vmem>>, %arg3: memref<128x128xf32, #tpu.memory_space<vmem>>, %arg4: memref<1x128xf32, #tpu.memory_space<vmem>>, %arg5: memref<128x128xf32, #tpu.memory_space<vmem>>, %arg6: memref<1x128xf32, #tpu.memory_space<vmem>>, %arg7: memref<1x128xf32, #tpu.memory_space<vmem>>, %arg8: memref<1x1x2560xf32, #tpu.memory_space<vmem>>) attributes {dimension_semantics = [#tpu.dimension_semantics<arbitrary>], iteration_bounds = array<i64: 29>, scalar_prefetch = 0 : i64, scratch_operands = 0 : i64, tpu.core_type = #tpu.core_type<tc>, window_params = [{transform_indices = @transform_0, window_bounds = array<i64: 2560, 128>}, {transform_indices = @transform_1, window_bounds = array<i64: 1280, 128>}, {pipeline_mode = #tpu.pipeline_mode<synchronous>, transform_indices = @transform_2, window_bounds = array<i64: 128, 128>}, {pipeline_mode = #tpu.pipeline_mode<synchronous>, transform_indices = @transform_3, window_bounds = array<i64: 1, 128>}, {pipeline_mode = #tpu.pipeline_mode<synchronous>, transform_indices = @transform_4, window_bounds = array<i64: 128, 128>}, {pipeline_mode = #tpu.pipeline_mode<synchronous>, transform_indices = @transform_5, window_bounds = array<i64: 1, 128>}, {pipeline_mode = #tpu.pipeline_mode<synchronous>, transform_indices = @transform_6, window_bounds = array<i64: 1, 128>}, {transform_indices = @transform_7, window_bounds = array<i64: 1, 1, 2560>}]} {
    %get3A = arith.constant 0 : index
    %get3A_0 = arith.constant 0 : index
    %get3A_1 = vector.load %arg2[%get3A, %get3A_0] : memref<1280x128xi32, #tpu.memory_space<vmem>>, vector<1280x128xi32>
    %slice3A = vector.extract_strided_slice %get3A_1 {offsets = [0, 0], sizes = [1280, 64], strides = [1, 1]} : vector<1280x128xi32> to vector<1280x64xi32>
    %slice3A_2 = vector.extract_strided_slice %get3A_1 {offsets = [0, 64], sizes = [1280, 64], strides = [1, 1]} : vector<1280x128xi32> to vector<1280x64xi32>
    %shift_left3A = arith.constant 16 : i32
    %shift_left3A_3 = vector.broadcast %shift_left3A : i32 to vector<1280x64xi32>
    %shift_left3A_4 = arith.shli %slice3A, %shift_left3A_3 : vector<1280x64xi32>
    %bitcast_convert_type3A = tpu.bitcast %shift_left3A_4 : vector<1280x64xi32> -> vector<1280x64xf32>
    %and3A = arith.constant -65536 : i32
    %and3A_5 = vector.broadcast %and3A : i32 to vector<1280x64xi32>
    %and3A_6 = arith.andi %slice3A, %and3A_5 : vector<1280x64xi32>
    %bitcast_convert_type3A_7 = tpu.bitcast %and3A_6 : vector<1280x64xi32> -> vector<1280x64xf32>
    %concatenate3A = tpu.concatenate %bitcast_convert_type3A, %bitcast_convert_type3A_7 in 1 : vector<1280x64xf32>, vector<1280x64xf32> -> vector<1280x128xf32>
    %shift_left3A_8 = arith.constant 16 : i32
    %shift_left3A_9 = vector.broadcast %shift_left3A_8 : i32 to vector<1280x64xi32>
    %shift_left3A_10 = arith.shli %slice3A_2, %shift_left3A_9 : vector<1280x64xi32>
    %bitcast_convert_type3A_11 = tpu.bitcast %shift_left3A_10 : vector<1280x64xi32> -> vector<1280x64xf32>
    %and3A_12 = arith.constant -65536 : i32
    %and3A_13 = vector.broadcast %and3A_12 : i32 to vector<1280x64xi32>
    %and3A_14 = arith.andi %slice3A_2, %and3A_13 : vector<1280x64xi32>
    %bitcast_convert_type3A_15 = tpu.bitcast %and3A_14 : vector<1280x64xi32> -> vector<1280x64xf32>
    %concatenate3A_16 = tpu.concatenate %bitcast_convert_type3A_11, %bitcast_convert_type3A_15 in 1 : vector<1280x64xf32>, vector<1280x64xf32> -> vector<1280x128xf32>
    %concatenate3A_17 = tpu.concatenate %concatenate3A, %concatenate3A_16 in 0 : vector<1280x128xf32>, vector<1280x128xf32> -> vector<2560x128xf32>
    %get3A_18 = arith.constant 0 : index
    %get3A_19 = arith.constant 0 : index
    %get3A_20 = vector.load %arg1[%get3A_18, %get3A_19] : memref<2560x128xf32, #tpu.memory_space<vmem>>, vector<2560x128xf32>
    %get3A_21 = arith.constant 0 : index
    %get3A_22 = arith.constant 0 : index
    %get3A_23 = vector.load %arg3[%get3A_21, %get3A_22] : memref<128x128xf32, #tpu.memory_space<vmem>>, vector<128x128xf32>
    %dot_general3A = arith.constant dense<0.000000e+00> : vector<2560x128xf32>
    %dot_general3A_24 = tpu.matmul %get3A_20, %get3A_23, %dot_general3A {dimension_numbers = #tpu.dot_dimension_numbers<[1], [1], [0], [0], [0, 0, 1, 0], [], []>, transpose_lhs_hint = false} : vector<2560x128xf32>, vector<128x128xf32>, vector<2560x128xf32> -> vector<2560x128xf32>
    %add3A = arith.addf %dot_general3A_24, %concatenate3A_17 : vector<2560x128xf32>
    %get3A_25 = arith.constant 0 : index
    %get3A_26 = arith.constant 0 : index
    %get3A_27 = vector.load %arg4[%get3A_25, %get3A_26] : memref<1x128xf32, #tpu.memory_space<vmem>>, vector<1x128xf32>
    %add3A_28 = vector.broadcast %get3A_27 : vector<1x128xf32> to vector<2560x128xf32>
    %add3A_29 = arith.addf %add3A, %add3A_28 : vector<2560x128xf32>
    %ge3A = arith.constant 0.000000e+00 : f32
    %ge3A_30 = vector.broadcast %ge3A : f32 to vector<2560x128xf32>
    %ge3A_31 = arith.cmpf oge, %add3A_29, %ge3A_30 : vector<2560x128xf32>
    %mul3A = arith.constant 0.00999999977 : f32
    %mul3A_32 = vector.broadcast %mul3A : f32 to vector<2560x128xf32>
    %mul3A_33 = arith.mulf %mul3A_32, %add3A_29 : vector<2560x128xf32>
    %select_n3A = arith.select %ge3A_31, %add3A_29, %mul3A_33 : vector<2560x128xi1>, vector<2560x128xf32>
    %get3A_34 = arith.constant 0 : index
    %get3A_35 = arith.constant 0 : index
    %get3A_36 = vector.load %arg5[%get3A_34, %get3A_35] : memref<128x128xf32, #tpu.memory_space<vmem>>, vector<128x128xf32>
    %dot_general3A_37 = arith.constant dense<0.000000e+00> : vector<2560x128xf32>
    %dot_general3A_38 = tpu.matmul %select_n3A, %get3A_36, %dot_general3A_37 {dimension_numbers = #tpu.dot_dimension_numbers<[1], [1], [0], [0], [0, 0, 1, 0], [], []>, transpose_lhs_hint = false} : vector<2560x128xf32>, vector<128x128xf32>, vector<2560x128xf32> -> vector<2560x128xf32>
    %get3A_39 = arith.constant 0 : index
    %get3A_40 = arith.constant 0 : index
    %get3A_41 = vector.load %arg6[%get3A_39, %get3A_40] : memref<1x128xf32, #tpu.memory_space<vmem>>, vector<1x128xf32>
    %add3A_42 = vector.broadcast %get3A_41 : vector<1x128xf32> to vector<2560x128xf32>
    %add3A_43 = arith.addf %dot_general3A_38, %add3A_42 : vector<2560x128xf32>
    %ge3A_44 = arith.constant 0.000000e+00 : f32
    %ge3A_45 = vector.broadcast %ge3A_44 : f32 to vector<2560x128xf32>
    %ge3A_46 = arith.cmpf oge, %add3A_43, %ge3A_45 : vector<2560x128xf32>
    %mul3A_47 = arith.constant 0.00999999977 : f32
    %mul3A_48 = vector.broadcast %mul3A_47 : f32 to vector<2560x128xf32>
    %mul3A_49 = arith.mulf %mul3A_48, %add3A_43 : vector<2560x128xf32>
    %select_n3A_50 = arith.select %ge3A_46, %add3A_43, %mul3A_49 : vector<2560x128xi1>, vector<2560x128xf32>
    %get3A_51 = arith.constant 0 : index
    %get3A_52 = arith.constant 0 : index
    %get3A_53 = vector.load %arg7[%get3A_51, %get3A_52] : memref<1x128xf32, #tpu.memory_space<vmem>>, vector<1x128xf32>
    %mul3A_54 = vector.broadcast %get3A_53 : vector<1x128xf32> to vector<2560x128xf32>
    %mul3A_55 = arith.mulf %select_n3A_50, %mul3A_54 : vector<2560x128xf32>
    %reduce_sum3A = arith.constant dense<0.000000e+00> : vector<2560xf32>
    %reduce_sum3A_56 = vector.multi_reduction <add>, %mul3A_55, %reduce_sum3A [1] : vector<2560x128xf32> to vector<2560xf32>
    %reshape3A = vector.shape_cast %reduce_sum3A_56 : vector<2560xf32> to vector<1x1x2560xf32>
    %swap3A = arith.constant 0 : index
    %swap3A_57 = arith.constant 0 : index
    %swap3A_58 = arith.constant 0 : index
    %swap3A_59 = vector.load %arg8[%swap3A, %swap3A_57, %swap3A_58] : memref<1x1x2560xf32, #tpu.memory_space<vmem>>, vector<1x1x2560xf32>
    tpu.vector_store %arg8[%swap3A, %swap3A_57, %swap3A_58], %reshape3A {strides = array<i32>} : memref<1x1x2560xf32, #tpu.memory_space<vmem>>, vector<1x1x2560xf32>,
    return
  }
  func.func @transform_0(%arg0: i32) -> (i32, i32) {
    %add3A = arith.constant 96 : i32
    %add3A_0 = arith.addi %arg0, %add3A : i32
    %c0_i32 = arith.constant 0 : i32
    %c0_i32_1 = arith.constant 0 : i32
    return %add3A_0, %c0_i32 : i32, i32
  }
  func.func @transform_1(%arg0: i32) -> (i32, i32) {
    %c0_i32 = arith.constant 0 : i32
    %c0_i32_0 = arith.constant 0 : i32
    return %arg0, %c0_i32 : i32, i32
  }
  func.func @transform_2(%arg0: i32) -> (i32, i32) {
    %c0_i32 = arith.constant 0 : i32
    %c0_i32_0 = arith.constant 0 : i32
    %c0_i32_1 = arith.constant 0 : i32
    return %c0_i32, %c0_i32_0 : i32, i32
  }
  func.func @transform_3(%arg0: i32) -> (i32, i32) {
    %c0_i32 = arith.constant 0 : i32
    %c0_i32_0 = arith.constant 0 : i32
    %c0_i32_1 = arith.constant 0 : i32
    return %c0_i32, %c0_i32_0 : i32, i32
  }
  func.func @transform_4(%arg0: i32) -> (i32, i32) {
    %c0_i32 = arith.constant 0 : i32
    %c0_i32_0 = arith.constant 0 : i32
    %c0_i32_1 = arith.constant 0 : i32
    return %c0_i32, %c0_i32_0 : i32, i32
  }
  func.func @transform_5(%arg0: i32) -> (i32, i32) {
    %c0_i32 = arith.constant 0 : i32
    %c0_i32_0 = arith.constant 0 : i32
    %c0_i32_1 = arith.constant 0 : i32
    return %c0_i32, %c0_i32_0 : i32, i32
  }
  func.func @transform_6(%arg0: i32) -> (i32, i32) {
    %c0_i32 = arith.constant 0 : i32
    %c0_i32_0 = arith.constant 0 : i32
    %c0_i32_1 = arith.constant 0 : i32
    return %c0_i32, %c0_i32_0 : i32, i32
  }
  func.func @transform_7(%arg0: i32) -> (i32, i32, i32) {
    %c0_i32 = arith.constant 0 : i32
    %c0_i32_0 = arith.constant 0 : i32
    %c0_i32_1 = arith.constant 0 : i32
    return %arg0, %c0_i32, %c0_i32_0 : i32, i32, i32
  }
}

module attributes {stable_mosaic.version = 14 : i64} {
  func.func @_mlp_body(%arg0: i32, %arg1: memref<2560x128xf32, #tpu.memory_space<vmem>>, %arg2: memref<1280x128xi32, #tpu.memory_space<vmem>>, %arg3: memref<128x128xf32, #tpu.memory_space<vmem>>, %arg4: memref<1x128xf32, #tpu.memory_space<vmem>>, %arg5: memref<128x128xf32, #tpu.memory_space<vmem>>, %arg6: memref<1x128xf32, #tpu.memory_space<vmem>>, %arg7: memref<1x128xf32, #tpu.memory_space<vmem>>, %arg8: memref<1x1x2560xf32, #tpu.memory_space<vmem>>) attributes {dimension_semantics = [#tpu.dimension_semantics<arbitrary>], iteration_bounds = array<i64: 32>, scalar_prefetch = 0 : i64, scratch_operands = 0 : i64, tpu.core_type = #tpu.core_type<tc>, window_params = [{transform_indices = @transform_0, window_bounds = array<i64: 2560, 128>}, {transform_indices = @transform_1, window_bounds = array<i64: 1280, 128>}, {pipeline_mode = #tpu.pipeline_mode<synchronous>, transform_indices = @transform_2, window_bounds = array<i64: 128, 128>}, {pipeline_mode = #tpu.pipeline_mode<synchronous>, transform_indices = @transform_3, window_bounds = array<i64: 1, 128>}, {pipeline_mode = #tpu.pipeline_mode<synchronous>, transform_indices = @transform_4, window_bounds = array<i64: 128, 128>}, {pipeline_mode = #tpu.pipeline_mode<synchronous>, transform_indices = @transform_5, window_bounds = array<i64: 1, 128>}, {pipeline_mode = #tpu.pipeline_mode<synchronous>, transform_indices = @transform_6, window_bounds = array<i64: 1, 128>}, {transform_indices = @transform_7, window_bounds = array<i64: 1, 1, 2560>}]} {
    %get3A = arith.constant 0 : index
    %get3A_0 = arith.constant 0 : index
    %get3A_1 = vector.load %arg2[%get3A, %get3A_0] : memref<1280x128xi32, #tpu.memory_space<vmem>>, vector<1280x128xi32>
    %slice3A = vector.extract_strided_slice %get3A_1 {offsets = [0, 0], sizes = [1280, 64], strides = [1, 1]} : vector<1280x128xi32> to vector<1280x64xi32>
    %slice3A_2 = vector.extract_strided_slice %get3A_1 {offsets = [0, 64], sizes = [1280, 64], strides = [1, 1]} : vector<1280x128xi32> to vector<1280x64xi32>
    %shift_left3A = arith.constant 16 : i32
    %shift_left3A_3 = vector.broadcast %shift_left3A : i32 to vector<1280x64xi32>
    %shift_left3A_4 = arith.shli %slice3A, %shift_left3A_3 : vector<1280x64xi32>
    %bitcast_convert_type3A = tpu.bitcast %shift_left3A_4 : vector<1280x64xi32> -> vector<1280x64xf32>
    %and3A = arith.constant -65536 : i32
    %and3A_5 = vector.broadcast %and3A : i32 to vector<1280x64xi32>
    %and3A_6 = arith.andi %slice3A, %and3A_5 : vector<1280x64xi32>
    %bitcast_convert_type3A_7 = tpu.bitcast %and3A_6 : vector<1280x64xi32> -> vector<1280x64xf32>
    %concatenate3A = tpu.concatenate %bitcast_convert_type3A, %bitcast_convert_type3A_7 in 1 : vector<1280x64xf32>, vector<1280x64xf32> -> vector<1280x128xf32>
    %shift_left3A_8 = arith.constant 16 : i32
    %shift_left3A_9 = vector.broadcast %shift_left3A_8 : i32 to vector<1280x64xi32>
    %shift_left3A_10 = arith.shli %slice3A_2, %shift_left3A_9 : vector<1280x64xi32>
    %bitcast_convert_type3A_11 = tpu.bitcast %shift_left3A_10 : vector<1280x64xi32> -> vector<1280x64xf32>
    %and3A_12 = arith.constant -65536 : i32
    %and3A_13 = vector.broadcast %and3A_12 : i32 to vector<1280x64xi32>
    %and3A_14 = arith.andi %slice3A_2, %and3A_13 : vector<1280x64xi32>
    %bitcast_convert_type3A_15 = tpu.bitcast %and3A_14 : vector<1280x64xi32> -> vector<1280x64xf32>
    %concatenate3A_16 = tpu.concatenate %bitcast_convert_type3A_11, %bitcast_convert_type3A_15 in 1 : vector<1280x64xf32>, vector<1280x64xf32> -> vector<1280x128xf32>
    %concatenate3A_17 = tpu.concatenate %concatenate3A, %concatenate3A_16 in 0 : vector<1280x128xf32>, vector<1280x128xf32> -> vector<2560x128xf32>
    %get3A_18 = arith.constant 0 : index
    %get3A_19 = arith.constant 0 : index
    %get3A_20 = vector.load %arg1[%get3A_18, %get3A_19] : memref<2560x128xf32, #tpu.memory_space<vmem>>, vector<2560x128xf32>
    %get3A_21 = arith.constant 0 : index
    %get3A_22 = arith.constant 0 : index
    %get3A_23 = vector.load %arg3[%get3A_21, %get3A_22] : memref<128x128xf32, #tpu.memory_space<vmem>>, vector<128x128xf32>
    %dot_general3A = arith.constant dense<0.000000e+00> : vector<2560x128xf32>
    %dot_general3A_24 = tpu.matmul %get3A_20, %get3A_23, %dot_general3A {dimension_numbers = #tpu.dot_dimension_numbers<[1], [1], [0], [0], [0, 0, 1, 0], [], []>, transpose_lhs_hint = false} : vector<2560x128xf32>, vector<128x128xf32>, vector<2560x128xf32> -> vector<2560x128xf32>
    %add3A = arith.addf %dot_general3A_24, %concatenate3A_17 : vector<2560x128xf32>
    %get3A_25 = arith.constant 0 : index
    %get3A_26 = arith.constant 0 : index
    %get3A_27 = vector.load %arg4[%get3A_25, %get3A_26] : memref<1x128xf32, #tpu.memory_space<vmem>>, vector<1x128xf32>
    %add3A_28 = vector.broadcast %get3A_27 : vector<1x128xf32> to vector<2560x128xf32>
    %add3A_29 = arith.addf %add3A, %add3A_28 : vector<2560x128xf32>
    %ge3A = arith.constant 0.000000e+00 : f32
    %ge3A_30 = vector.broadcast %ge3A : f32 to vector<2560x128xf32>
    %ge3A_31 = arith.cmpf oge, %add3A_29, %ge3A_30 : vector<2560x128xf32>
    %mul3A = arith.constant 0.00999999977 : f32
    %mul3A_32 = vector.broadcast %mul3A : f32 to vector<2560x128xf32>
    %mul3A_33 = arith.mulf %mul3A_32, %add3A_29 : vector<2560x128xf32>
    %select_n3A = arith.select %ge3A_31, %add3A_29, %mul3A_33 : vector<2560x128xi1>, vector<2560x128xf32>
    %get3A_34 = arith.constant 0 : index
    %get3A_35 = arith.constant 0 : index
    %get3A_36 = vector.load %arg5[%get3A_34, %get3A_35] : memref<128x128xf32, #tpu.memory_space<vmem>>, vector<128x128xf32>
    %dot_general3A_37 = arith.constant dense<0.000000e+00> : vector<2560x128xf32>
    %dot_general3A_38 = tpu.matmul %select_n3A, %get3A_36, %dot_general3A_37 {dimension_numbers = #tpu.dot_dimension_numbers<[1], [1], [0], [0], [0, 0, 1, 0], [], []>, transpose_lhs_hint = false} : vector<2560x128xf32>, vector<128x128xf32>, vector<2560x128xf32> -> vector<2560x128xf32>
    %get3A_39 = arith.constant 0 : index
    %get3A_40 = arith.constant 0 : index
    %get3A_41 = vector.load %arg6[%get3A_39, %get3A_40] : memref<1x128xf32, #tpu.memory_space<vmem>>, vector<1x128xf32>
    %add3A_42 = vector.broadcast %get3A_41 : vector<1x128xf32> to vector<2560x128xf32>
    %add3A_43 = arith.addf %dot_general3A_38, %add3A_42 : vector<2560x128xf32>
    %ge3A_44 = arith.constant 0.000000e+00 : f32
    %ge3A_45 = vector.broadcast %ge3A_44 : f32 to vector<2560x128xf32>
    %ge3A_46 = arith.cmpf oge, %add3A_43, %ge3A_45 : vector<2560x128xf32>
    %mul3A_47 = arith.constant 0.00999999977 : f32
    %mul3A_48 = vector.broadcast %mul3A_47 : f32 to vector<2560x128xf32>
    %mul3A_49 = arith.mulf %mul3A_48, %add3A_43 : vector<2560x128xf32>
    %select_n3A_50 = arith.select %ge3A_46, %add3A_43, %mul3A_49 : vector<2560x128xi1>, vector<2560x128xf32>
    %get3A_51 = arith.constant 0 : index
    %get3A_52 = arith.constant 0 : index
    %get3A_53 = vector.load %arg7[%get3A_51, %get3A_52] : memref<1x128xf32, #tpu.memory_space<vmem>>, vector<1x128xf32>
    %mul3A_54 = vector.broadcast %get3A_53 : vector<1x128xf32> to vector<2560x128xf32>
    %mul3A_55 = arith.mulf %select_n3A_50, %mul3A_54 : vector<2560x128xf32>
    %reduce_sum3A = arith.constant dense<0.000000e+00> : vector<2560xf32>
    %reduce_sum3A_56 = vector.multi_reduction <add>, %mul3A_55, %reduce_sum3A [1] : vector<2560x128xf32> to vector<2560xf32>
    %reshape3A = vector.shape_cast %reduce_sum3A_56 : vector<2560xf32> to vector<1x1x2560xf32>
    %swap3A = arith.constant 0 : index
    %swap3A_57 = arith.constant 0 : index
    %swap3A_58 = arith.constant 0 : index
    %swap3A_59 = vector.load %arg8[%swap3A, %swap3A_57, %swap3A_58] : memref<1x1x2560xf32, #tpu.memory_space<vmem>>, vector<1x1x2560xf32>
    tpu.vector_store %arg8[%swap3A, %swap3A_57, %swap3A_58], %reshape3A {strides = array<i32>} : memref<1x1x2560xf32, #tpu.memory_space<vmem>>, vector<1x1x2560xf32>,
    return
  }
  func.func @transform_0(%arg0: i32) -> (i32, i32) {
    %add3A = arith.constant 64 : i32
    %add3A_0 = arith.addi %arg0, %add3A : i32
    %c0_i32 = arith.constant 0 : i32
    %c0_i32_1 = arith.constant 0 : i32
    return %add3A_0, %c0_i32 : i32, i32
  }
  func.func @transform_1(%arg0: i32) -> (i32, i32) {
    %c0_i32 = arith.constant 0 : i32
    %c0_i32_0 = arith.constant 0 : i32
    return %arg0, %c0_i32 : i32, i32
  }
  func.func @transform_2(%arg0: i32) -> (i32, i32) {
    %c0_i32 = arith.constant 0 : i32
    %c0_i32_0 = arith.constant 0 : i32
    %c0_i32_1 = arith.constant 0 : i32
    return %c0_i32, %c0_i32_0 : i32, i32
  }
  func.func @transform_3(%arg0: i32) -> (i32, i32) {
    %c0_i32 = arith.constant 0 : i32
    %c0_i32_0 = arith.constant 0 : i32
    %c0_i32_1 = arith.constant 0 : i32
    return %c0_i32, %c0_i32_0 : i32, i32
  }
  func.func @transform_4(%arg0: i32) -> (i32, i32) {
    %c0_i32 = arith.constant 0 : i32
    %c0_i32_0 = arith.constant 0 : i32
    %c0_i32_1 = arith.constant 0 : i32
    return %c0_i32, %c0_i32_0 : i32, i32
  }
  func.func @transform_5(%arg0: i32) -> (i32, i32) {
    %c0_i32 = arith.constant 0 : i32
    %c0_i32_0 = arith.constant 0 : i32
    %c0_i32_1 = arith.constant 0 : i32
    return %c0_i32, %c0_i32_0 : i32, i32
  }
  func.func @transform_6(%arg0: i32) -> (i32, i32) {
    %c0_i32 = arith.constant 0 : i32
    %c0_i32_0 = arith.constant 0 : i32
    %c0_i32_1 = arith.constant 0 : i32
    return %c0_i32, %c0_i32_0 : i32, i32
  }
  func.func @transform_7(%arg0: i32) -> (i32, i32, i32) {
    %c0_i32 = arith.constant 0 : i32
    %c0_i32_0 = arith.constant 0 : i32
    %c0_i32_1 = arith.constant 0 : i32
    return %arg0, %c0_i32, %c0_i32_0 : i32, i32, i32
  }
}

module attributes {stable_mosaic.version = 14 : i64} {
  func.func @_mlp_body(%arg0: i32, %arg1: memref<2560x128xf32, #tpu.memory_space<vmem>>, %arg2: memref<1280x128xi32, #tpu.memory_space<vmem>>, %arg3: memref<128x128xf32, #tpu.memory_space<vmem>>, %arg4: memref<1x128xf32, #tpu.memory_space<vmem>>, %arg5: memref<128x128xf32, #tpu.memory_space<vmem>>, %arg6: memref<1x128xf32, #tpu.memory_space<vmem>>, %arg7: memref<1x128xf32, #tpu.memory_space<vmem>>, %arg8: memref<1x1x2560xf32, #tpu.memory_space<vmem>>) attributes {dimension_semantics = [#tpu.dimension_semantics<arbitrary>], iteration_bounds = array<i64: 32>, scalar_prefetch = 0 : i64, scratch_operands = 0 : i64, tpu.core_type = #tpu.core_type<tc>, window_params = [{transform_indices = @transform_0, window_bounds = array<i64: 2560, 128>}, {transform_indices = @transform_1, window_bounds = array<i64: 1280, 128>}, {pipeline_mode = #tpu.pipeline_mode<synchronous>, transform_indices = @transform_2, window_bounds = array<i64: 128, 128>}, {pipeline_mode = #tpu.pipeline_mode<synchronous>, transform_indices = @transform_3, window_bounds = array<i64: 1, 128>}, {pipeline_mode = #tpu.pipeline_mode<synchronous>, transform_indices = @transform_4, window_bounds = array<i64: 128, 128>}, {pipeline_mode = #tpu.pipeline_mode<synchronous>, transform_indices = @transform_5, window_bounds = array<i64: 1, 128>}, {pipeline_mode = #tpu.pipeline_mode<synchronous>, transform_indices = @transform_6, window_bounds = array<i64: 1, 128>}, {transform_indices = @transform_7, window_bounds = array<i64: 1, 1, 2560>}]} {
    %get3A = arith.constant 0 : index
    %get3A_0 = arith.constant 0 : index
    %get3A_1 = vector.load %arg2[%get3A, %get3A_0] : memref<1280x128xi32, #tpu.memory_space<vmem>>, vector<1280x128xi32>
    %slice3A = vector.extract_strided_slice %get3A_1 {offsets = [0, 0], sizes = [1280, 64], strides = [1, 1]} : vector<1280x128xi32> to vector<1280x64xi32>
    %slice3A_2 = vector.extract_strided_slice %get3A_1 {offsets = [0, 64], sizes = [1280, 64], strides = [1, 1]} : vector<1280x128xi32> to vector<1280x64xi32>
    %shift_left3A = arith.constant 16 : i32
    %shift_left3A_3 = vector.broadcast %shift_left3A : i32 to vector<1280x64xi32>
    %shift_left3A_4 = arith.shli %slice3A, %shift_left3A_3 : vector<1280x64xi32>
    %bitcast_convert_type3A = tpu.bitcast %shift_left3A_4 : vector<1280x64xi32> -> vector<1280x64xf32>
    %and3A = arith.constant -65536 : i32
    %and3A_5 = vector.broadcast %and3A : i32 to vector<1280x64xi32>
    %and3A_6 = arith.andi %slice3A, %and3A_5 : vector<1280x64xi32>
    %bitcast_convert_type3A_7 = tpu.bitcast %and3A_6 : vector<1280x64xi32> -> vector<1280x64xf32>
    %concatenate3A = tpu.concatenate %bitcast_convert_type3A, %bitcast_convert_type3A_7 in 1 : vector<1280x64xf32>, vector<1280x64xf32> -> vector<1280x128xf32>
    %shift_left3A_8 = arith.constant 16 : i32
    %shift_left3A_9 = vector.broadcast %shift_left3A_8 : i32 to vector<1280x64xi32>
    %shift_left3A_10 = arith.shli %slice3A_2, %shift_left3A_9 : vector<1280x64xi32>
    %bitcast_convert_type3A_11 = tpu.bitcast %shift_left3A_10 : vector<1280x64xi32> -> vector<1280x64xf32>
    %and3A_12 = arith.constant -65536 : i32
    %and3A_13 = vector.broadcast %and3A_12 : i32 to vector<1280x64xi32>
    %and3A_14 = arith.andi %slice3A_2, %and3A_13 : vector<1280x64xi32>
    %bitcast_convert_type3A_15 = tpu.bitcast %and3A_14 : vector<1280x64xi32> -> vector<1280x64xf32>
    %concatenate3A_16 = tpu.concatenate %bitcast_convert_type3A_11, %bitcast_convert_type3A_15 in 1 : vector<1280x64xf32>, vector<1280x64xf32> -> vector<1280x128xf32>
    %concatenate3A_17 = tpu.concatenate %concatenate3A, %concatenate3A_16 in 0 : vector<1280x128xf32>, vector<1280x128xf32> -> vector<2560x128xf32>
    %get3A_18 = arith.constant 0 : index
    %get3A_19 = arith.constant 0 : index
    %get3A_20 = vector.load %arg1[%get3A_18, %get3A_19] : memref<2560x128xf32, #tpu.memory_space<vmem>>, vector<2560x128xf32>
    %get3A_21 = arith.constant 0 : index
    %get3A_22 = arith.constant 0 : index
    %get3A_23 = vector.load %arg3[%get3A_21, %get3A_22] : memref<128x128xf32, #tpu.memory_space<vmem>>, vector<128x128xf32>
    %dot_general3A = arith.constant dense<0.000000e+00> : vector<2560x128xf32>
    %dot_general3A_24 = tpu.matmul %get3A_20, %get3A_23, %dot_general3A {dimension_numbers = #tpu.dot_dimension_numbers<[1], [1], [0], [0], [0, 0, 1, 0], [], []>, transpose_lhs_hint = false} : vector<2560x128xf32>, vector<128x128xf32>, vector<2560x128xf32> -> vector<2560x128xf32>
    %add3A = arith.addf %dot_general3A_24, %concatenate3A_17 : vector<2560x128xf32>
    %get3A_25 = arith.constant 0 : index
    %get3A_26 = arith.constant 0 : index
    %get3A_27 = vector.load %arg4[%get3A_25, %get3A_26] : memref<1x128xf32, #tpu.memory_space<vmem>>, vector<1x128xf32>
    %add3A_28 = vector.broadcast %get3A_27 : vector<1x128xf32> to vector<2560x128xf32>
    %add3A_29 = arith.addf %add3A, %add3A_28 : vector<2560x128xf32>
    %ge3A = arith.constant 0.000000e+00 : f32
    %ge3A_30 = vector.broadcast %ge3A : f32 to vector<2560x128xf32>
    %ge3A_31 = arith.cmpf oge, %add3A_29, %ge3A_30 : vector<2560x128xf32>
    %mul3A = arith.constant 0.00999999977 : f32
    %mul3A_32 = vector.broadcast %mul3A : f32 to vector<2560x128xf32>
    %mul3A_33 = arith.mulf %mul3A_32, %add3A_29 : vector<2560x128xf32>
    %select_n3A = arith.select %ge3A_31, %add3A_29, %mul3A_33 : vector<2560x128xi1>, vector<2560x128xf32>
    %get3A_34 = arith.constant 0 : index
    %get3A_35 = arith.constant 0 : index
    %get3A_36 = vector.load %arg5[%get3A_34, %get3A_35] : memref<128x128xf32, #tpu.memory_space<vmem>>, vector<128x128xf32>
    %dot_general3A_37 = arith.constant dense<0.000000e+00> : vector<2560x128xf32>
    %dot_general3A_38 = tpu.matmul %select_n3A, %get3A_36, %dot_general3A_37 {dimension_numbers = #tpu.dot_dimension_numbers<[1], [1], [0], [0], [0, 0, 1, 0], [], []>, transpose_lhs_hint = false} : vector<2560x128xf32>, vector<128x128xf32>, vector<2560x128xf32> -> vector<2560x128xf32>
    %get3A_39 = arith.constant 0 : index
    %get3A_40 = arith.constant 0 : index
    %get3A_41 = vector.load %arg6[%get3A_39, %get3A_40] : memref<1x128xf32, #tpu.memory_space<vmem>>, vector<1x128xf32>
    %add3A_42 = vector.broadcast %get3A_41 : vector<1x128xf32> to vector<2560x128xf32>
    %add3A_43 = arith.addf %dot_general3A_38, %add3A_42 : vector<2560x128xf32>
    %ge3A_44 = arith.constant 0.000000e+00 : f32
    %ge3A_45 = vector.broadcast %ge3A_44 : f32 to vector<2560x128xf32>
    %ge3A_46 = arith.cmpf oge, %add3A_43, %ge3A_45 : vector<2560x128xf32>
    %mul3A_47 = arith.constant 0.00999999977 : f32
    %mul3A_48 = vector.broadcast %mul3A_47 : f32 to vector<2560x128xf32>
    %mul3A_49 = arith.mulf %mul3A_48, %add3A_43 : vector<2560x128xf32>
    %select_n3A_50 = arith.select %ge3A_46, %add3A_43, %mul3A_49 : vector<2560x128xi1>, vector<2560x128xf32>
    %get3A_51 = arith.constant 0 : index
    %get3A_52 = arith.constant 0 : index
    %get3A_53 = vector.load %arg7[%get3A_51, %get3A_52] : memref<1x128xf32, #tpu.memory_space<vmem>>, vector<1x128xf32>
    %mul3A_54 = vector.broadcast %get3A_53 : vector<1x128xf32> to vector<2560x128xf32>
    %mul3A_55 = arith.mulf %select_n3A_50, %mul3A_54 : vector<2560x128xf32>
    %reduce_sum3A = arith.constant dense<0.000000e+00> : vector<2560xf32>
    %reduce_sum3A_56 = vector.multi_reduction <add>, %mul3A_55, %reduce_sum3A [1] : vector<2560x128xf32> to vector<2560xf32>
    %reshape3A = vector.shape_cast %reduce_sum3A_56 : vector<2560xf32> to vector<1x1x2560xf32>
    %swap3A = arith.constant 0 : index
    %swap3A_57 = arith.constant 0 : index
    %swap3A_58 = arith.constant 0 : index
    %swap3A_59 = vector.load %arg8[%swap3A, %swap3A_57, %swap3A_58] : memref<1x1x2560xf32, #tpu.memory_space<vmem>>, vector<1x1x2560xf32>
    tpu.vector_store %arg8[%swap3A, %swap3A_57, %swap3A_58], %reshape3A {strides = array<i32>} : memref<1x1x2560xf32, #tpu.memory_space<vmem>>, vector<1x1x2560xf32>,
    return
  }
  func.func @transform_0(%arg0: i32) -> (i32, i32) {
    %add3A = arith.constant 32 : i32
    %add3A_0 = arith.addi %arg0, %add3A : i32
    %c0_i32 = arith.constant 0 : i32
    %c0_i32_1 = arith.constant 0 : i32
    return %add3A_0, %c0_i32 : i32, i32
  }
  func.func @transform_1(%arg0: i32) -> (i32, i32) {
    %c0_i32 = arith.constant 0 : i32
    %c0_i32_0 = arith.constant 0 : i32
    return %arg0, %c0_i32 : i32, i32
  }
  func.func @transform_2(%arg0: i32) -> (i32, i32) {
    %c0_i32 = arith.constant 0 : i32
    %c0_i32_0 = arith.constant 0 : i32
    %c0_i32_1 = arith.constant 0 : i32
    return %c0_i32, %c0_i32_0 : i32, i32
  }
  func.func @transform_3(%arg0: i32) -> (i32, i32) {
    %c0_i32 = arith.constant 0 : i32
    %c0_i32_0 = arith.constant 0 : i32
    %c0_i32_1 = arith.constant 0 : i32
    return %c0_i32, %c0_i32_0 : i32, i32
  }
  func.func @transform_4(%arg0: i32) -> (i32, i32) {
    %c0_i32 = arith.constant 0 : i32
    %c0_i32_0 = arith.constant 0 : i32
    %c0_i32_1 = arith.constant 0 : i32
    return %c0_i32, %c0_i32_0 : i32, i32
  }
  func.func @transform_5(%arg0: i32) -> (i32, i32) {
    %c0_i32 = arith.constant 0 : i32
    %c0_i32_0 = arith.constant 0 : i32
    %c0_i32_1 = arith.constant 0 : i32
    return %c0_i32, %c0_i32_0 : i32, i32
  }
  func.func @transform_6(%arg0: i32) -> (i32, i32) {
    %c0_i32 = arith.constant 0 : i32
    %c0_i32_0 = arith.constant 0 : i32
    %c0_i32_1 = arith.constant 0 : i32
    return %c0_i32, %c0_i32_0 : i32, i32
  }
  func.func @transform_7(%arg0: i32) -> (i32, i32, i32) {
    %c0_i32 = arith.constant 0 : i32
    %c0_i32_0 = arith.constant 0 : i32
    %c0_i32_1 = arith.constant 0 : i32
    return %arg0, %c0_i32, %c0_i32_0 : i32, i32, i32
  }
}

module attributes {stable_mosaic.version = 14 : i64} {
  func.func @_mlp_body(%arg0: i32, %arg1: memref<2560x128xf32, #tpu.memory_space<vmem>>, %arg2: memref<1280x128xi32, #tpu.memory_space<vmem>>, %arg3: memref<128x128xf32, #tpu.memory_space<vmem>>, %arg4: memref<1x128xf32, #tpu.memory_space<vmem>>, %arg5: memref<128x128xf32, #tpu.memory_space<vmem>>, %arg6: memref<1x128xf32, #tpu.memory_space<vmem>>, %arg7: memref<1x128xf32, #tpu.memory_space<vmem>>, %arg8: memref<1x1x2560xf32, #tpu.memory_space<vmem>>) attributes {dimension_semantics = [#tpu.dimension_semantics<arbitrary>], iteration_bounds = array<i64: 32>, scalar_prefetch = 0 : i64, scratch_operands = 0 : i64, tpu.core_type = #tpu.core_type<tc>, window_params = [{transform_indices = @transform_0, window_bounds = array<i64: 2560, 128>}, {transform_indices = @transform_1, window_bounds = array<i64: 1280, 128>}, {pipeline_mode = #tpu.pipeline_mode<synchronous>, transform_indices = @transform_2, window_bounds = array<i64: 128, 128>}, {pipeline_mode = #tpu.pipeline_mode<synchronous>, transform_indices = @transform_3, window_bounds = array<i64: 1, 128>}, {pipeline_mode = #tpu.pipeline_mode<synchronous>, transform_indices = @transform_4, window_bounds = array<i64: 128, 128>}, {pipeline_mode = #tpu.pipeline_mode<synchronous>, transform_indices = @transform_5, window_bounds = array<i64: 1, 128>}, {pipeline_mode = #tpu.pipeline_mode<synchronous>, transform_indices = @transform_6, window_bounds = array<i64: 1, 128>}, {transform_indices = @transform_7, window_bounds = array<i64: 1, 1, 2560>}]} {
    %get3A = arith.constant 0 : index
    %get3A_0 = arith.constant 0 : index
    %get3A_1 = vector.load %arg2[%get3A, %get3A_0] : memref<1280x128xi32, #tpu.memory_space<vmem>>, vector<1280x128xi32>
    %slice3A = vector.extract_strided_slice %get3A_1 {offsets = [0, 0], sizes = [1280, 64], strides = [1, 1]} : vector<1280x128xi32> to vector<1280x64xi32>
    %slice3A_2 = vector.extract_strided_slice %get3A_1 {offsets = [0, 64], sizes = [1280, 64], strides = [1, 1]} : vector<1280x128xi32> to vector<1280x64xi32>
    %shift_left3A = arith.constant 16 : i32
    %shift_left3A_3 = vector.broadcast %shift_left3A : i32 to vector<1280x64xi32>
    %shift_left3A_4 = arith.shli %slice3A, %shift_left3A_3 : vector<1280x64xi32>
    %bitcast_convert_type3A = tpu.bitcast %shift_left3A_4 : vector<1280x64xi32> -> vector<1280x64xf32>
    %and3A = arith.constant -65536 : i32
    %and3A_5 = vector.broadcast %and3A : i32 to vector<1280x64xi32>
    %and3A_6 = arith.andi %slice3A, %and3A_5 : vector<1280x64xi32>
    %bitcast_convert_type3A_7 = tpu.bitcast %and3A_6 : vector<1280x64xi32> -> vector<1280x64xf32>
    %concatenate3A = tpu.concatenate %bitcast_convert_type3A, %bitcast_convert_type3A_7 in 1 : vector<1280x64xf32>, vector<1280x64xf32> -> vector<1280x128xf32>
    %shift_left3A_8 = arith.constant 16 : i32
    %shift_left3A_9 = vector.broadcast %shift_left3A_8 : i32 to vector<1280x64xi32>
    %shift_left3A_10 = arith.shli %slice3A_2, %shift_left3A_9 : vector<1280x64xi32>
    %bitcast_convert_type3A_11 = tpu.bitcast %shift_left3A_10 : vector<1280x64xi32> -> vector<1280x64xf32>
    %and3A_12 = arith.constant -65536 : i32
    %and3A_13 = vector.broadcast %and3A_12 : i32 to vector<1280x64xi32>
    %and3A_14 = arith.andi %slice3A_2, %and3A_13 : vector<1280x64xi32>
    %bitcast_convert_type3A_15 = tpu.bitcast %and3A_14 : vector<1280x64xi32> -> vector<1280x64xf32>
    %concatenate3A_16 = tpu.concatenate %bitcast_convert_type3A_11, %bitcast_convert_type3A_15 in 1 : vector<1280x64xf32>, vector<1280x64xf32> -> vector<1280x128xf32>
    %concatenate3A_17 = tpu.concatenate %concatenate3A, %concatenate3A_16 in 0 : vector<1280x128xf32>, vector<1280x128xf32> -> vector<2560x128xf32>
    %get3A_18 = arith.constant 0 : index
    %get3A_19 = arith.constant 0 : index
    %get3A_20 = vector.load %arg1[%get3A_18, %get3A_19] : memref<2560x128xf32, #tpu.memory_space<vmem>>, vector<2560x128xf32>
    %get3A_21 = arith.constant 0 : index
    %get3A_22 = arith.constant 0 : index
    %get3A_23 = vector.load %arg3[%get3A_21, %get3A_22] : memref<128x128xf32, #tpu.memory_space<vmem>>, vector<128x128xf32>
    %dot_general3A = arith.constant dense<0.000000e+00> : vector<2560x128xf32>
    %dot_general3A_24 = tpu.matmul %get3A_20, %get3A_23, %dot_general3A {dimension_numbers = #tpu.dot_dimension_numbers<[1], [1], [0], [0], [0, 0, 1, 0], [], []>, transpose_lhs_hint = false} : vector<2560x128xf32>, vector<128x128xf32>, vector<2560x128xf32> -> vector<2560x128xf32>
    %add3A = arith.addf %dot_general3A_24, %concatenate3A_17 : vector<2560x128xf32>
    %get3A_25 = arith.constant 0 : index
    %get3A_26 = arith.constant 0 : index
    %get3A_27 = vector.load %arg4[%get3A_25, %get3A_26] : memref<1x128xf32, #tpu.memory_space<vmem>>, vector<1x128xf32>
    %add3A_28 = vector.broadcast %get3A_27 : vector<1x128xf32> to vector<2560x128xf32>
    %add3A_29 = arith.addf %add3A, %add3A_28 : vector<2560x128xf32>
    %ge3A = arith.constant 0.000000e+00 : f32
    %ge3A_30 = vector.broadcast %ge3A : f32 to vector<2560x128xf32>
    %ge3A_31 = arith.cmpf oge, %add3A_29, %ge3A_30 : vector<2560x128xf32>
    %mul3A = arith.constant 0.00999999977 : f32
    %mul3A_32 = vector.broadcast %mul3A : f32 to vector<2560x128xf32>
    %mul3A_33 = arith.mulf %mul3A_32, %add3A_29 : vector<2560x128xf32>
    %select_n3A = arith.select %ge3A_31, %add3A_29, %mul3A_33 : vector<2560x128xi1>, vector<2560x128xf32>
    %get3A_34 = arith.constant 0 : index
    %get3A_35 = arith.constant 0 : index
    %get3A_36 = vector.load %arg5[%get3A_34, %get3A_35] : memref<128x128xf32, #tpu.memory_space<vmem>>, vector<128x128xf32>
    %dot_general3A_37 = arith.constant dense<0.000000e+00> : vector<2560x128xf32>
    %dot_general3A_38 = tpu.matmul %select_n3A, %get3A_36, %dot_general3A_37 {dimension_numbers = #tpu.dot_dimension_numbers<[1], [1], [0], [0], [0, 0, 1, 0], [], []>, transpose_lhs_hint = false} : vector<2560x128xf32>, vector<128x128xf32>, vector<2560x128xf32> -> vector<2560x128xf32>
    %get3A_39 = arith.constant 0 : index
    %get3A_40 = arith.constant 0 : index
    %get3A_41 = vector.load %arg6[%get3A_39, %get3A_40] : memref<1x128xf32, #tpu.memory_space<vmem>>, vector<1x128xf32>
    %add3A_42 = vector.broadcast %get3A_41 : vector<1x128xf32> to vector<2560x128xf32>
    %add3A_43 = arith.addf %dot_general3A_38, %add3A_42 : vector<2560x128xf32>
    %ge3A_44 = arith.constant 0.000000e+00 : f32
    %ge3A_45 = vector.broadcast %ge3A_44 : f32 to vector<2560x128xf32>
    %ge3A_46 = arith.cmpf oge, %add3A_43, %ge3A_45 : vector<2560x128xf32>
    %mul3A_47 = arith.constant 0.00999999977 : f32
    %mul3A_48 = vector.broadcast %mul3A_47 : f32 to vector<2560x128xf32>
    %mul3A_49 = arith.mulf %mul3A_48, %add3A_43 : vector<2560x128xf32>
    %select_n3A_50 = arith.select %ge3A_46, %add3A_43, %mul3A_49 : vector<2560x128xi1>, vector<2560x128xf32>
    %get3A_51 = arith.constant 0 : index
    %get3A_52 = arith.constant 0 : index
    %get3A_53 = vector.load %arg7[%get3A_51, %get3A_52] : memref<1x128xf32, #tpu.memory_space<vmem>>, vector<1x128xf32>
    %mul3A_54 = vector.broadcast %get3A_53 : vector<1x128xf32> to vector<2560x128xf32>
    %mul3A_55 = arith.mulf %select_n3A_50, %mul3A_54 : vector<2560x128xf32>
    %reduce_sum3A = arith.constant dense<0.000000e+00> : vector<2560xf32>
    %reduce_sum3A_56 = vector.multi_reduction <add>, %mul3A_55, %reduce_sum3A [1] : vector<2560x128xf32> to vector<2560xf32>
    %reshape3A = vector.shape_cast %reduce_sum3A_56 : vector<2560xf32> to vector<1x1x2560xf32>
    %swap3A = arith.constant 0 : index
    %swap3A_57 = arith.constant 0 : index
    %swap3A_58 = arith.constant 0 : index
    %swap3A_59 = vector.load %arg8[%swap3A, %swap3A_57, %swap3A_58] : memref<1x1x2560xf32, #tpu.memory_space<vmem>>, vector<1x1x2560xf32>
    tpu.vector_store %arg8[%swap3A, %swap3A_57, %swap3A_58], %reshape3A {strides = array<i32>} : memref<1x1x2560xf32, #tpu.memory_space<vmem>>, vector<1x1x2560xf32>,
    return
  }
  func.func @transform_0(%arg0: i32) -> (i32, i32) {
    %add3A = arith.constant 0 : i32
    %add3A_0 = arith.addi %arg0, %add3A : i32
    %c0_i32 = arith.constant 0 : i32
    %c0_i32_1 = arith.constant 0 : i32
    return %add3A_0, %c0_i32 : i32, i32
  }
  func.func @transform_1(%arg0: i32) -> (i32, i32) {
    %c0_i32 = arith.constant 0 : i32
    %c0_i32_0 = arith.constant 0 : i32
    return %arg0, %c0_i32 : i32, i32
  }
  func.func @transform_2(%arg0: i32) -> (i32, i32) {
    %c0_i32 = arith.constant 0 : i32
    %c0_i32_0 = arith.constant 0 : i32
    %c0_i32_1 = arith.constant 0 : i32
    return %c0_i32, %c0_i32_0 : i32, i32
  }
  func.func @transform_3(%arg0: i32) -> (i32, i32) {
    %c0_i32 = arith.constant 0 : i32
    %c0_i32_0 = arith.constant 0 : i32
    %c0_i32_1 = arith.constant 0 : i32
    return %c0_i32, %c0_i32_0 : i32, i32
  }
  func.func @transform_4(%arg0: i32) -> (i32, i32) {
    %c0_i32 = arith.constant 0 : i32
    %c0_i32_0 = arith.constant 0 : i32
    %c0_i32_1 = arith.constant 0 : i32
    return %c0_i32, %c0_i32_0 : i32, i32
  }
  func.func @transform_5(%arg0: i32) -> (i32, i32) {
    %c0_i32 = arith.constant 0 : i32
    %c0_i32_0 = arith.constant 0 : i32
    %c0_i32_1 = arith.constant 0 : i32
    return %c0_i32, %c0_i32_0 : i32, i32
  }
  func.func @transform_6(%arg0: i32) -> (i32, i32) {
    %c0_i32 = arith.constant 0 : i32
    %c0_i32_0 = arith.constant 0 : i32
    %c0_i32_1 = arith.constant 0 : i32
    return %c0_i32, %c0_i32_0 : i32, i32
  }
  func.func @transform_7(%arg0: i32) -> (i32, i32, i32) {
    %c0_i32 = arith.constant 0 : i32
    %c0_i32_0 = arith.constant 0 : i32
    %c0_i32_1 = arith.constant 0 : i32
    return %arg0, %c0_i32, %c0_i32_0 : i32, i32, i32
  }
}

</mosaic_0001>

<sc_bundles>
// kernel: kernel.14.cloned.1.call-start
scs
__scs_entry_jumppad:
0x0: {  	(pc) =	sbr.rel $0x88, $3  }
0x1: {  	(tag) =	ssettag $0x0;
	lr =	simm.s32 $0x1  }
0x2: {  	[smem:$0x3F97] =	sst lr;
	_ =	strace $0xD0000000  }
0x3: {  	_ = 	snop  }
0x4: {  	_ = 	snop  }
0x5: {  	_ = 	snop  }
0x6: {  	_ = 	snop  }
0x7: {  	_ = 	snop  }
__scs_overlays_trampoline_lowered:
0x8: {  	[smem:$0x3FA6] =	sst s0  }
0x9: {  	[smem:$0x3FA7] =	sst s1  }
0xa: {  	[smem:$0x3FA8] =	sst s2  }
0xb: {  	[smem:$0x3FA9] =	sst s3  }
0xc: {  	[smem:$0x3FAA] =	sst s4  }
0xd: {  	[smem:$0x3FAB] =	sst s5  }
0xe: {  	[smem:$0x3FAC] =	sst s6  }
0xf: {  	[smem:$0x3FAD] =	sst s7  }
0x10: {  	[smem:$0x3FAE] =	sst s8  }
0x11: {  	[smem:$0x3FAF] =	sst s9;
	s0 =	simm.s32 @!p0 $0x0  }
0x12: {  	s1 =	sld [smem:$0x3F95];
	s0 =	simm.s32 @p0 $0x1  }
0x13: {  	[smem:$0x3FB0] =	sst s0;
	s0 =	simm.s32 @!p1 $0x0  }
0x14: {  	s2 =	sld [smem:$0x3F94];
	s0 =	simm.s32 @p1 $0x1  }
0x15: {  	[smem:$0x3FB1] =	sst s0;
	s0 =	simm.s32 @!p2 $0x0  }
0x16: {  	s3 =	sld [smem:$0x3FDB];
	s0 =	simm.s32 @p2 $0x1  }
0x17: {  	s4 =	simm.s32 $0x1BF5;
	[smem:$0x3FB3] =	sst s0  }
0x18: {  	s0 =	sld [smem:$0x3F96];
	_ =	swait.ge [sflag:s4], $0x0  }
0x19: {  	s7 =	sld [smem:$0x3F97]  }
0x1a: {  	s8 =	sadd.s32 $0xFFFFE003, lr  }
0x1b: {  	s9 =	sadd.s32 $0xFFFFFEF7, lr;
	s5 =	simm.s32 $0xFFFFFFFF;
	p2 =	slt.u32 s8, $0xFFFFF086  }
0x1c: {  	p1 =	slt.u32 s9, $0xF7A;
	s5 =	simm.s32 @!p2 $0x0  }
0x1d: {  	s5 =	simm.s32 @p1 $0x1;
	p0 =	seq.s32 s7, s2  }
0x1e: {  	s7 =	smul.u32 @!p0 $0xF7A, s2;
	p2 =	seq.s32 @!p0 s5, $0x0  }
0x1f: {  	s9 =	smul.u32 $0xF7A, s1;
	s8 =	simm.s32 @!p0 $0x1BF5;
	p2 =	por !p2, p0  }
0x20: {  	[sflag:s8] =	ssyncset.s32 @!p0 $0xFFFFF086;
	s6 =	sadd.s32 @!p0 s3, s7;
	s7 =	simm.s32 @!p0 $0x108  }
0x21: {  	s3 =	sadd.s32 s3, s9;
	s6 =	sadd.s32 @!p0 $0x88, s6;
	s7 =	simm.s32 @p2 $0x1082  }
0x22: {  	[simem:s7], [sflag:s8] =	dma.local @!p0 [hbm:s6], $0xF7A  }
0x23: {  	s9 =	sor.u32 $0xD0000000, s2;
	s6 =	simm.s32 $0x108;
	_ =	swait.ge @!p0 [sflag:s8], $0x0  }
0x24: {  	s3 =	sadd.s32 $0x88, s3;
	s6 =	simm.s32 @!p1 $0x1082;
	[sflag:s4] =	ssyncset.s32 $0xFFFFF086  }
0x25: {  	[simem:s6], [sflag:s4] =	dma.local [hbm:s3], $0xF7A  }
0x26: {  	[smem:$0x3F97] =	sst s1;
	(tag) =	ssettag s2;
	_ =	strace s9  }
0x27: {  	s1 =	sld [smem:$0x3FA7]  }
0x28: {  	s2 =	sld [smem:$0x3FA8]  }
0x29: {  	s4 =	sld [smem:$0x3FAA]  }
0x2a: {  	p0 =	seq.s32 s5, $0x0;
	s5 =	sld [smem:$0x3FAB]  }
0x2b: {  	s6 =	sld [smem:$0x3FAC]  }
0x2c: {  	s7 =	sld [smem:$0x3FAD]  }
0x2d: {  	s3 =	simm.s32 $0x108;
	s8 =	sld [smem:$0x3FAE]  }
0x2e: {  	s3 =	simm.s32 @!p0 $0x1082;
	s9 =	sld [smem:$0x3FAF]  }
0x2f: {  	lr =	sadd.s32 s0, s3;
	s0 =	sld [smem:$0x3FA6]  }
0x30: {  	s3 =	sld [smem:$0x3FA9]  }
0x31: {  	[smem:$0x3FB2] =	sst s10  }
0x32: {  	s10 =	sld [smem:$0x3FB0];
	_ =	sdelay $0x3  }
0x33: {  	p0 =	seq.s32 s10, $0x1;
	s10 =	sld [smem:$0x3FB2];
	_ =	sdelay $0x3  }
0x34: {  	[smem:$0x3FB2] =	sst s10  }
0x35: {  	s10 =	sld [smem:$0x3FB1];
	_ =	sdelay $0x3  }
0x36: {  	p1 =	seq.s32 s10, $0x1;
	s10 =	sld [smem:$0x3FB2];
	_ =	sdelay $0x3  }
0x37: {  	[smem:$0x3FB2] =	sst s10  }
0x38: {  	s10 =	sld [smem:$0x3FB3]  }
0x39: {  	_ = 	snop;
	(pc) =	sbr.ind lr, $3  }
0x3a: {  	_ = 	snop  }
0x3b: {  	_ = 	snop  }
0x3c: {  	p2 =	seq.s32 s10, $0x1;
	s10 =	sld [smem:$0x3FB2]  }
0x3d: {  	_ =	shalt  }
0x3e: {  	_ =	shalt  }
0x3f: {  	_ =	shalt  }
0x40: {  	_ =	shalt  }
0x41: {  	_ =	shalt  }
0x42: {  	_ =	shalt  }
0x43: {  	_ =	shalt  }
0x44: {  	_ =	shalt  }
0x45: {  	_ =	shalt  }
0x46: {  	_ =	shalt  }
0x47: {  	_ =	shalt  }
0x48: {  	_ =	shalt  }
0x49: {  	_ =	shalt  }
0x4a: {  	_ =	shalt  }
0x4b: {  	_ =	shalt  }
0x4c: {  	_ =	shalt  }
0x4d: {  	_ =	shalt  }
0x4e: {  	_ =	shalt  }
0x4f: {  	_ =	shalt  }
0x50: {  	_ =	shalt  }
0x51: {  	_ =	shalt  }
0x52: {  	_ =	shalt  }
0x53: {  	_ =	shalt  }
0x54: {  	_ =	shalt  }
0x55: {  	_ =	shalt  }
0x56: {  	_ =	shalt  }
0x57: {  	_ =	shalt  }
0x58: {  	_ =	shalt  }
0x59: {  	_ =	shalt  }
0x5a: {  	_ =	shalt  }
0x5b: {  	_ =	shalt  }
0x5c: {  	_ =	shalt  }
0x5d: {  	_ =	shalt  }
0x5e: {  	_ =	shalt  }
0x5f: {  	_ =	shalt  }
0x60: {  	_ =	shalt  }
0x61: {  	_ =	shalt  }
0x62: {  	_ =	shalt  }
0x63: {  	_ =	shalt  }
0x64: {  	_ =	shalt  }
0x65: {  	_ =	shalt  }
0x66: {  	_ =	shalt  }
0x67: {  	_ =	shalt  }
0x68: {  	_ =	shalt  }
0x69: {  	_ =	shalt  }
0x6a: {  	_ =	shalt  }
0x6b: {  	_ =	shalt  }
0x6c: {  	_ =	shalt  }
0x6d: {  	_ =	shalt  }
0x6e: {  	_ =	shalt  }
0x6f: {  	_ =	shalt  }
0x70: {  	_ =	shalt  }
0x71: {  	_ =	shalt  }
0x72: {  	_ =	shalt  }
0x73: {  	_ =	shalt  }
0x74: {  	_ =	shalt  }
0x75: {  	_ =	shalt  }
0x76: {  	_ =	shalt  }
0x77: {  	_ =	shalt  }
0x78: {  	_ =	shalt  }
0x79: {  	_ =	shalt  }
0x7a: {  	_ =	shalt  }
0x7b: {  	_ =	shalt  }
0x7c: {  	_ =	shalt  }
0x7d: {  	_ =	shalt  }
0x7e: {  	_ =	shalt  }
0x7f: {  	_ =	shalt  }
0x80: {  	_ =	shalt  }
0x81: {  	_ =	shalt  }
0x82: {  	_ =	shalt  }
0x83: {  	_ =	shalt  }
0x84: {  	_ =	shalt  }
0x85: {  	_ =	shalt  }
0x86: {  	_ =	shalt  }
0x87: {  	_ =	shalt  }
.Lfunc_end0:
.L_simem_size_0:
called_computation_lowered:
.L_overlay_start_0:
0x88: {  	s2 =	sld [smem:$0x3FD9]  }
0x89: {  	s3 =	sld [smem:$0x3FFE];
	_ =	sdelay $0x1  }
0x8a: {  	s1 =	srdreg.scid  }
0x8b: {  	s0 =	sand.u32 $0x1, s1  }
0x8c: {  	s17 =	sshll.u32 s0, $0xA;
	s2 =	sadd.s32 s3, s2  }
0x8d: {  	s2 =	sadd.s32 s2, s17  }
0x8e: {  	[smem:$0x3FBE] =	sst s2  }
0x8f: {  	_ = 	snop  }
0x90: {  	(tm) =	ssettm $0x1  }
0x91: {  	s18 =	sld [smem:$0x3FFB];
	_ =	sdelay $0x3  }
0x92: {  	_ =	strace s18  }
0x93: {  	s2 =	sld [smem:$0x3FFC];
	_ =	sdelay $0x3  }
0x94: {  	_ =	strace s2  }
0x95: {  	s2 =	sld [smem:$0x3FFD];
	_ =	sdelay $0x3  }
0x96: {  	_ =	strace s2  }
0x97: {  	_ =	strace $0x8FFFFFFF  }
0x98: {  	s19 =	sld [smem:$0x3FDB];
	_ =	sdelay $0x1  }
0x99: {  	s20 =	simm.s32 $_scs_section_size  }
0x9a: {  	s4 =	simm.s32 $_size__tile_overlayer_lowered;
	s5 =	simm.s32 $_tile_overlayer_lowered  }
0x9b: {  	s6 =	simm.s32 $0x1BFF;
	s21 =	sshll.u32 s5, $0x1;
	s3 =	sadd.s32 s20, s19  }
0x9c: {  	s22 =	simm.s32 $0x0;
	s4 =	sshll.u32 s4, $0x1;
	s5 =	sadd.s32 s21, s3  }
0x9d: {  	[timem:s22], [sflag:s6] =	dma.local [hbm:s5], s4  }
0x9e: {  	_ =	swait.ge [sflag:s6], s4  }
0x9f: {  	s4 =	ssub.s32 $0x0, s4;
	[sflag:s6] =	ssyncset.done $0x0  }
0xa0: {  	[sflag:s6] =	ssyncadd.s32 s4;
	_ =	sdelay $0x1  }
0xa1: {  	s23 =	simm.s32 $0x1B8B  }
0xa2: {  	_ =	swait.ge [sflag:s23], $0x1  }
0xa3: {  	[sflag:s23] =	ssyncset.done $0x0  }
0xa4: {  	[sflag:s23] =	ssyncadd.s32 $0xFFFFFFFF  }
0xa5: {  	s4 =	sld [smem:$0x0]  }
0xa6: {  	s5 =	sand.u32 $0xFFFFFFFE, s1  }
0xa7: {  	p0 =	sne.s32 s1, s5  }
0xa8: {  	s5 =	sshll.u32 @p0 s5, $0xE  }
0xa9: {  	s5 =	sadd.s32 @p0 $0x11B8D, s5;
	s6 =	sshll.u32 @p0 s4, $0x11  }
0xaa: {  	s5 =	sor.u32 @p0 s6, s5  }
0xab: {  	[sflag:s5] =	ssyncadd.remote.s32 @p0 $0x1;
	_ =	sdelay $0x1  }
0xac: {  	s5 =	simm.s32 @p0 $0x1B8D  }
0xad: {  	_ =	swait.eq @p0 [sflag:s5], $0x1  }
0xae: {  	[sflag:s5] =	ssyncadd.s32 @p0 $0xFFFFFFFF  }
0xaf: {  	s6 =	sshll.u32 @!p0 s1, $0xE  }
0xb0: {  	s6 =	sor.u32 @!p0 $0x4000, s6;
	s5 =	simm.s32 @!p0 $0x1B8D  }
0xb1: {  	s4 =	sshll.u32 @!p0 s4, $0x11;
	s6 =	sadd.s32 @!p0 $0x11B8D, s6;
	_ =	swait.eq @!p0 [sflag:s5], $0x1  }
0xb2: {  	s4 =	sor.u32 @!p0 s4, s6;
	[sflag:s5] =	ssyncadd.s32 @!p0 $0xFFFFFFFF  }
0xb3: {  	s25 =	simm.s32 $0x1B8E;
	s24 =	sld [smem:$0x3FFE];
	[sflag:s4] =	ssyncadd.remote.s32 @!p0 $0x1  }
0xb4: {  	s26 =	simm.s32 $execute0_lowered;
	[smem:$0x3FD2] =	sst s25  }
0xb5: {  	s5 =	sshll.u32 s26, $0x1;
	_ =	strace $0x80000058;
	[dreg:$0x1] =	wrdreg $0xFFFFFFFF  }
0xb6: {  	s28 =	simm.s32 $_size_execute0_lowered;
	s3 =	sadd.s32 s3, s5;
	[dreg:$0x0] =	wrdreg $0x0  }
0xb7: {  	s5 =	sshll.u32 s28, $0x1;
	[dreg:$0x2] =	wrdreg s3  }
0xb8: {  	[dreg:$0x3] =	wrdreg s5  }
0xb9: {  	[dreg:$0x4] =	wrdreg $0xC0  }
0xba: {  	_ =	task [dreg:s22], $0x5FFFF  }
0xbb: {  	[dreg:$0x1] =	wrdreg $0xFFFFFFFF  }
0xbc: {  	[dreg:$0x0] =	wrdreg $0x60  }
0xbd: {  	[dreg:$0x2] =	wrdreg s24  }
0xbe: {  	[dreg:$0x3] =	wrdreg $0x9  }
0xbf: {  	_ =	task.clear_ibuf [dreg:s22], $0x4FFFF;
	_ =	strace $0x90000058  }
0xc0: {  	s29 =	simm.s32 $0x9;
	_ =	strace $0x8000005A  }
0xc1: {  	_ =	swait.ge [sflag:s29], $0x1  }
0xc2: {  	[sflag:s29] =	ssyncadd.s32 $0xFFFFFFFF  }
0xc3: {  	_ =	strace $0x9000005A  }
0xc4: {  	_ =	sfence  }
0xc5: {  	s30 =	sld [smem:$0x0];
	_ =	sdelay $0x2  }
0xc6: {  	s31 =	sshll.u32 s1, $0xD;
	s1 =	sshrl.u32 s1, $0x2  }
0xc7: {  	s4 =	sand.u32 $0x4000, s31;
	s1 =	sadd.s32 s1, s30  }
0xc8: {  	s0 =	sor.u32 s4, s0;
	s1 =	sshll.u32 s1, $0x11  }
0xc9: {  	s0 =	sor.u32 s1, s0  }
0xca: {  	s0 =	sadd.s32 $0x8F2B, s0  }
0xcb: {  	[sflag:s0] =	ssyncadd.remote.s32 $0x1  }
0xcc: {  	_ =	sfence.sel $0xFFFF  }
0xcd: {  	[dreg:$0x0] =	wrdreg $0xFFFFFFFF;
	(pc) =	sbr.abs _section_cstart, $3  }
0xce: {  	[dreg:$0x1] =	wrdreg $0xFFFFFFFF  }
0xcf: {  	_ =	task.clear_ibuf [dreg:s22], $0x2FFFF;
	_ =	strace $0x9FFFFFFF  }
0xd0: {  	(tm) =	ssettm $0x7FFFFFFF  }
0xd1: {  	_ =	shalt  }
tec
execute0_lowered:
.L_overlay_start_1:
0x0: {  	(tag) =	ssettag $0x1  }
0x1: {  	s1 =	srdreg.scid  }
0x2: {  	s4 =	sand.u32 $0x1, s1;
	s1 =	stileid.u32  }
0x3: {  	s3 =	sshll.u32 s4, $0x4;
	s6 =	ssub.s32 $0x0, s1  }
0x4: {  	p0 =	sne.s32 s3, s6  }
.Ltmp0:
0x5: {  	_ = 	snop;
	(pc) =	sbr.rel @p0 .LBB2_4-.Ltmp0, $4  }
0x6: {  	_ = 	snop  }
0x7: {  	s5 =	rddreg [dreg:$0x0];
	s2 =	simm.s32 $0x0  }
0x8: {  	[smem:$0x7FF] =	sst s2  }
0x9: {  	s0 =	rddreg [dreg:$0x1];
	_ =	strace $0x80000059  }
0xa: {  	s3 =	sadd.s32 $0x3C00, s5;
	s6 =	ssub.s32 $0x2, s4  }
0xb: {  	[tilespmem:s2], [sflag:$0x1] =	stream.linear.gather [hbm4b:s3+s2], $0x400, $0x38;
	[tilespmem:$0x400] =	vst v63  }
0xc: {  	s7 =	sshrl.u32 s6, $0x1  }
0xd: {  	s6 =	ssub.s32 s6, s7  }
0xe: {  	s4 =	simm.s32 $0x1;
	s6 =	smax.u32 s6, $0x1  }
0xf: {  	_ =	swait.ge [sflag:s4], $0x400;
	p0 =	sne.s32 s6, $0x1  }
.Ltmp1:
0x10: {  	[sflag:s4] =	ssyncset.done $0x0;
	(pc) =	sbr.rel @!p0 .LBB2_3-.Ltmp1, $4  }
0x11: {  	s5 =	sadd.s32 $0x2BC00, s5;
	[sflag:s4] =	ssyncadd.s32 $0xFFFFFC00  }
0x12: {  	[hbm4b:s5+s2] =	stream.linear.scatter [tilespmem:s2], [sflag:$0x1], $0x400, $0x38;
	[tilespmem:$0x400] =	vst v63  }
0x13: {  	_ =	swait.ge [sflag:s4], $0x400  }
0x14: {  	s6 =	sadd.s32 $0xFFFFFFFF, s6;
	[sflag:s4] =	ssyncset.done $0x0  }
.LBB2_2:
0x15: {  	p0 =	sne.s32 s6, $0x1;
	s6 =	sadd.s32 $0xFFFFFFFF, s6;
	[sflag:s4] =	ssyncadd.s32 $0xFFFFFC00  }
0x16: {  	[tilespmem:s2], [sflag:$0x1] =	stream.linear.gather [hbm4b:s3+s2], $0x400, $0x38;
	[tilespmem:$0x400] =	vst v63  }
0x17: {  	_ =	swait.ge [sflag:s4], $0x400  }
.Ltmp2:
0x18: {  	[sflag:s4] =	ssyncset.done $0x0;
	(pc) =	sbr.rel @p0 .LBB2_2-.Ltmp2, $4  }
0x19: {  	[sflag:s4] =	ssyncadd.s32 $0xFFFFFC00  }
0x1a: {  	[hbm4b:s5+s2] =	stream.linear.scatter [tilespmem:s2], [sflag:$0x1], $0x400, $0x38;
	[tilespmem:$0x400] =	vst v63  }
0x1b: {  	_ =	swait.ge [sflag:s4], $0x400  }
0x1c: {  	[sflag:s4] =	ssyncset.done $0x0  }
.LBB2_3:
0x1d: {  	[sflag:s4] =	ssyncadd.s32 $0xFFFFFC00  }
.LBB2_4:
0x1e: {  	_ =	sfence.sel $0x180000  }
0x1f: {  	[bflag:$0x0] =	sbarrier.arrive $0xFFFF  }
0x20: {  	p0 =	sne.s32 s1, $0x0;
	_ =	strace $0x90000059  }
0x21: {  	s0 =	sadd.s32 @!p0 $0x100000, s0;
	[bflag:$0x2] =	sbarrier.arrive $0xFFFF  }
0x22: {  	[sflag:s0] =	ssyncadd.tile.s32 @!p0 $0x1;
	_ =	shalt  }
.Lfunc_end2:
_tile_overlayer_lowered:
.L_overlay_start_2:
0x23: {  	(tag) =	ssettag $0x2  }
0x24: {  	s0 =	rddreg [dreg:$0x0];
	s2 =	stileid.u32  }
0x25: {  	s1 =	rddreg [dreg:$0x1];
	p0 =	sne.s32 s2, $0x0  }
0x26: {  	s3 =	rddreg [dreg:$0x2];
	[bflag:$0x3] =	sbarrier.arrive $0xFFFF;
	s2 =	simm.s32 @!p0 $0x1C01  }
0x27: {  	[timem:s3], [sflag:s2] =	dma.local @!p0 [hbm:s0], s1  }
0x28: {  	s0 =	simm.s32 @!p0 $0x1  }
0x29: {  	_ =	swait.ge @!p0 [sflag:s0], s1  }
0x2a: {  	s1 =	ssub.s32 @!p0 $0x0, s1;
	[sflag:s0] =	ssyncset.done @!p0 $0x0  }
0x2b: {  	[sflag:s0] =	ssyncadd.s32 @!p0 s1  }
0x2c: {  	[bflag:$0x3] =	sbarrier.arrive $0xFFFF  }
0x2d: {  	_ =	shalt  }

// kernel: kernel.17.cloned.1.call-start
scs
__scs_entry_jumppad:
0x0: {  	(pc) =	sbr.rel $0x88, $3  }
0x1: {  	(tag) =	ssettag $0x0;
	lr =	simm.s32 $0x1  }
0x2: {  	[smem:$0x3F97] =	sst lr;
	_ =	strace $0xD0000000  }
0x3: {  	_ = 	snop  }
0x4: {  	_ = 	snop  }
0x5: {  	_ = 	snop  }
0x6: {  	_ = 	snop  }
0x7: {  	_ = 	snop  }
__scs_overlays_trampoline_lowered:
0x8: {  	[smem:$0x3FA6] =	sst s0  }
0x9: {  	[smem:$0x3FA7] =	sst s1  }
0xa: {  	[smem:$0x3FA8] =	sst s2  }
0xb: {  	[smem:$0x3FA9] =	sst s3  }
0xc: {  	[smem:$0x3FAA] =	sst s4  }
0xd: {  	[smem:$0x3FAB] =	sst s5  }
0xe: {  	[smem:$0x3FAC] =	sst s6  }
0xf: {  	[smem:$0x3FAD] =	sst s7  }
0x10: {  	[smem:$0x3FAE] =	sst s8  }
0x11: {  	[smem:$0x3FAF] =	sst s9;
	s0 =	simm.s32 @!p0 $0x0  }
0x12: {  	s1 =	sld [smem:$0x3F95];
	s0 =	simm.s32 @p0 $0x1  }
0x13: {  	[smem:$0x3FB0] =	sst s0;
	s0 =	simm.s32 @!p1 $0x0  }
0x14: {  	s2 =	sld [smem:$0x3F94];
	s0 =	simm.s32 @p1 $0x1  }
0x15: {  	[smem:$0x3FB1] =	sst s0;
	s0 =	simm.s32 @!p2 $0x0  }
0x16: {  	s3 =	sld [smem:$0x3FDB];
	s0 =	simm.s32 @p2 $0x1  }
0x17: {  	s4 =	simm.s32 $0x1BF5;
	[smem:$0x3FB3] =	sst s0  }
0x18: {  	s0 =	sld [smem:$0x3F96];
	_ =	swait.ge [sflag:s4], $0x0  }
0x19: {  	s7 =	sld [smem:$0x3F97]  }
0x1a: {  	s8 =	sadd.s32 $0xFFFFE003, lr  }
0x1b: {  	s9 =	sadd.s32 $0xFFFFFEF7, lr;
	s5 =	simm.s32 $0xFFFFFFFF;
	p2 =	slt.u32 s8, $0xFFFFF086  }
0x1c: {  	p1 =	slt.u32 s9, $0xF7A;
	s5 =	simm.s32 @!p2 $0x0  }
0x1d: {  	s5 =	simm.s32 @p1 $0x1;
	p0 =	seq.s32 s7, s2  }
0x1e: {  	s7 =	smul.u32 @!p0 $0xF7A, s2;
	p2 =	seq.s32 @!p0 s5, $0x0  }
0x1f: {  	s9 =	smul.u32 $0xF7A, s1;
	s8 =	simm.s32 @!p0 $0x1BF5;
	p2 =	por !p2, p0  }
0x20: {  	[sflag:s8] =	ssyncset.s32 @!p0 $0xFFFFF086;
	s6 =	sadd.s32 @!p0 s3, s7;
	s7 =	simm.s32 @!p0 $0x108  }
0x21: {  	s3 =	sadd.s32 s3, s9;
	s6 =	sadd.s32 @!p0 $0x88, s6;
	s7 =	simm.s32 @p2 $0x1082  }
0x22: {  	[simem:s7], [sflag:s8] =	dma.local @!p0 [hbm:s6], $0xF7A  }
0x23: {  	s9 =	sor.u32 $0xD0000000, s2;
	s6 =	simm.s32 $0x108;
	_ =	swait.ge @!p0 [sflag:s8], $0x0  }
0x24: {  	s3 =	sadd.s32 $0x88, s3;
	s6 =	simm.s32 @!p1 $0x1082;
	[sflag:s4] =	ssyncset.s32 $0xFFFFF086  }
0x25: {  	[simem:s6], [sflag:s4] =	dma.local [hbm:s3], $0xF7A  }
0x26: {  	[smem:$0x3F97] =	sst s1;
	(tag) =	ssettag s2;
	_ =	strace s9  }
0x27: {  	s1 =	sld [smem:$0x3FA7]  }
0x28: {  	s2 =	sld [smem:$0x3FA8]  }
0x29: {  	s4 =	sld [smem:$0x3FAA]  }
0x2a: {  	p0 =	seq.s32 s5, $0x0;
	s5 =	sld [smem:$0x3FAB]  }
0x2b: {  	s6 =	sld [smem:$0x3FAC]  }
0x2c: {  	s7 =	sld [smem:$0x3FAD]  }
0x2d: {  	s3 =	simm.s32 $0x108;
	s8 =	sld [smem:$0x3FAE]  }
0x2e: {  	s3 =	simm.s32 @!p0 $0x1082;
	s9 =	sld [smem:$0x3FAF]  }
0x2f: {  	lr =	sadd.s32 s0, s3;
	s0 =	sld [smem:$0x3FA6]  }
0x30: {  	s3 =	sld [smem:$0x3FA9]  }
0x31: {  	[smem:$0x3FB2] =	sst s10  }
0x32: {  	s10 =	sld [smem:$0x3FB0];
	_ =	sdelay $0x3  }
0x33: {  	p0 =	seq.s32 s10, $0x1;
	s10 =	sld [smem:$0x3FB2];
	_ =	sdelay $0x3  }
0x34: {  	[smem:$0x3FB2] =	sst s10  }
0x35: {  	s10 =	sld [smem:$0x3FB1];
	_ =	sdelay $0x3  }
0x36: {  	p1 =	seq.s32 s10, $0x1;
	s10 =	sld [smem:$0x3FB2];
	_ =	sdelay $0x3  }
0x37: {  	[smem:$0x3FB2] =	sst s10  }
0x38: {  	s10 =	sld [smem:$0x3FB3]  }
0x39: {  	_ = 	snop;
	(pc) =	sbr.ind lr, $3  }
0x3a: {  	_ = 	snop  }
0x3b: {  	_ = 	snop  }
0x3c: {  	p2 =	seq.s32 s10, $0x1;
	s10 =	sld [smem:$0x3FB2]  }
0x3d: {  	_ =	shalt  }
0x3e: {  	_ =	shalt  }
0x3f: {  	_ =	shalt  }
0x40: {  	_ =	shalt  }
0x41: {  	_ =	shalt  }
0x42: {  	_ =	shalt  }
0x43: {  	_ =	shalt  }
0x44: {  	_ =	shalt  }
0x45: {  	_ =	shalt  }
0x46: {  	_ =	shalt  }
0x47: {  	_ =	shalt  }
0x48: {  	_ =	shalt  }
0x49: {  	_ =	shalt  }
0x4a: {  	_ =	shalt  }
0x4b: {  	_ =	shalt  }
0x4c: {  	_ =	shalt  }
0x4d: {  	_ =	shalt  }
0x4e: {  	_ =	shalt  }
0x4f: {  	_ =	shalt  }
0x50: {  	_ =	shalt  }
0x51: {  	_ =	shalt  }
0x52: {  	_ =	shalt  }
0x53: {  	_ =	shalt  }
0x54: {  	_ =	shalt  }
0x55: {  	_ =	shalt  }
0x56: {  	_ =	shalt  }
0x57: {  	_ =	shalt  }
0x58: {  	_ =	shalt  }
0x59: {  	_ =	shalt  }
0x5a: {  	_ =	shalt  }
0x5b: {  	_ =	shalt  }
0x5c: {  	_ =	shalt  }
0x5d: {  	_ =	shalt  }
0x5e: {  	_ =	shalt  }
0x5f: {  	_ =	shalt  }
0x60: {  	_ =	shalt  }
0x61: {  	_ =	shalt  }
0x62: {  	_ =	shalt  }
0x63: {  	_ =	shalt  }
0x64: {  	_ =	shalt  }
0x65: {  	_ =	shalt  }
0x66: {  	_ =	shalt  }
0x67: {  	_ =	shalt  }
0x68: {  	_ =	shalt  }
0x69: {  	_ =	shalt  }
0x6a: {  	_ =	shalt  }
0x6b: {  	_ =	shalt  }
0x6c: {  	_ =	shalt  }
0x6d: {  	_ =	shalt  }
0x6e: {  	_ =	shalt  }
0x6f: {  	_ =	shalt  }
0x70: {  	_ =	shalt  }
0x71: {  	_ =	shalt  }
0x72: {  	_ =	shalt  }
0x73: {  	_ =	shalt  }
0x74: {  	_ =	shalt  }
0x75: {  	_ =	shalt  }
0x76: {  	_ =	shalt  }
0x77: {  	_ =	shalt  }
0x78: {  	_ =	shalt  }
0x79: {  	_ =	shalt  }
0x7a: {  	_ =	shalt  }
0x7b: {  	_ =	shalt  }
0x7c: {  	_ =	shalt  }
0x7d: {  	_ =	shalt  }
0x7e: {  	_ =	shalt  }
0x7f: {  	_ =	shalt  }
0x80: {  	_ =	shalt  }
0x81: {  	_ =	shalt  }
0x82: {  	_ =	shalt  }
0x83: {  	_ =	shalt  }
0x84: {  	_ =	shalt  }
0x85: {  	_ =	shalt  }
0x86: {  	_ =	shalt  }
0x87: {  	_ =	shalt  }
.Lfunc_end0:
.L_simem_size_0:
called_computation.1_lowered:
.L_overlay_start_0:
0x88: {  	s2 =	sld [smem:$0x3FD9]  }
0x89: {  	s3 =	sld [smem:$0x3FFE];
	_ =	sdelay $0x1  }
0x8a: {  	s1 =	srdreg.scid  }
0x8b: {  	s0 =	sand.u32 $0x1, s1  }
0x8c: {  	s17 =	sshll.u32 s0, $0xA;
	s2 =	sadd.s32 s3, s2  }
0x8d: {  	s2 =	sadd.s32 s2, s17  }
0x8e: {  	[smem:$0x3FBE] =	sst s2  }
0x8f: {  	_ = 	snop  }
0x90: {  	(tm) =	ssettm $0x1  }
0x91: {  	s18 =	sld [smem:$0x3FFB];
	_ =	sdelay $0x3  }
0x92: {  	_ =	strace s18  }
0x93: {  	s2 =	sld [smem:$0x3FFC];
	_ =	sdelay $0x3  }
0x94: {  	_ =	strace s2  }
0x95: {  	s2 =	sld [smem:$0x3FFD];
	_ =	sdelay $0x3  }
0x96: {  	_ =	strace s2  }
0x97: {  	_ =	strace $0x8FFFFFFF  }
0x98: {  	s19 =	sld [smem:$0x3FDB];
	_ =	sdelay $0x1  }
0x99: {  	s20 =	simm.s32 $_scs_section_size  }
0x9a: {  	s4 =	simm.s32 $_size__tile_overlayer_lowered;
	s5 =	simm.s32 $_tile_overlayer_lowered  }
0x9b: {  	s6 =	simm.s32 $0x1BFF;
	s21 =	sshll.u32 s5, $0x1;
	s3 =	sadd.s32 s20, s19  }
0x9c: {  	s22 =	simm.s32 $0x0;
	s4 =	sshll.u32 s4, $0x1;
	s5 =	sadd.s32 s21, s3  }
0x9d: {  	[timem:s22], [sflag:s6] =	dma.local [hbm:s5], s4  }
0x9e: {  	_ =	swait.ge [sflag:s6], s4  }
0x9f: {  	s4 =	ssub.s32 $0x0, s4;
	[sflag:s6] =	ssyncset.done $0x0  }
0xa0: {  	[sflag:s6] =	ssyncadd.s32 s4;
	_ =	sdelay $0x1  }
0xa1: {  	s23 =	simm.s32 $0x1B8B  }
0xa2: {  	_ =	swait.ge [sflag:s23], $0x1  }
0xa3: {  	[sflag:s23] =	ssyncset.done $0x0  }
0xa4: {  	[sflag:s23] =	ssyncadd.s32 $0xFFFFFFFF  }
0xa5: {  	s4 =	sld [smem:$0x0]  }
0xa6: {  	s5 =	sand.u32 $0xFFFFFFFE, s1  }
0xa7: {  	p0 =	sne.s32 s1, s5  }
0xa8: {  	s5 =	sshll.u32 @p0 s5, $0xE  }
0xa9: {  	s5 =	sadd.s32 @p0 $0x11B8D, s5;
	s6 =	sshll.u32 @p0 s4, $0x11  }
0xaa: {  	s5 =	sor.u32 @p0 s6, s5  }
0xab: {  	[sflag:s5] =	ssyncadd.remote.s32 @p0 $0x1;
	_ =	sdelay $0x1  }
0xac: {  	s5 =	simm.s32 @p0 $0x1B8D  }
0xad: {  	_ =	swait.eq @p0 [sflag:s5], $0x1  }
0xae: {  	[sflag:s5] =	ssyncadd.s32 @p0 $0xFFFFFFFF  }
0xaf: {  	s6 =	sshll.u32 @!p0 s1, $0xE  }
0xb0: {  	s6 =	sor.u32 @!p0 $0x4000, s6;
	s5 =	simm.s32 @!p0 $0x1B8D  }
0xb1: {  	s4 =	sshll.u32 @!p0 s4, $0x11;
	s6 =	sadd.s32 @!p0 $0x11B8D, s6;
	_ =	swait.eq @!p0 [sflag:s5], $0x1  }
0xb2: {  	s4 =	sor.u32 @!p0 s4, s6;
	[sflag:s5] =	ssyncadd.s32 @!p0 $0xFFFFFFFF  }
0xb3: {  	s25 =	simm.s32 $0x1B8E;
	s24 =	sld [smem:$0x3FFE];
	[sflag:s4] =	ssyncadd.remote.s32 @!p0 $0x1  }
0xb4: {  	s26 =	simm.s32 $execute0_lowered;
	[smem:$0x3FD2] =	sst s25  }
0xb5: {  	s5 =	sshll.u32 s26, $0x1;
	_ =	strace $0x8000004F;
	[dreg:$0x1] =	wrdreg $0xFFFFFFFF  }
0xb6: {  	s28 =	simm.s32 $_size_execute0_lowered;
	s3 =	sadd.s32 s3, s5;
	[dreg:$0x0] =	wrdreg $0x0  }
0xb7: {  	s5 =	sshll.u32 s28, $0x1;
	[dreg:$0x2] =	wrdreg s3  }
0xb8: {  	[dreg:$0x3] =	wrdreg s5  }
0xb9: {  	[dreg:$0x4] =	wrdreg $0xC0  }
0xba: {  	_ =	task [dreg:s22], $0x5FFFF  }
0xbb: {  	[dreg:$0x1] =	wrdreg $0xFFFFFFFF  }
0xbc: {  	[dreg:$0x0] =	wrdreg $0x60  }
0xbd: {  	[dreg:$0x2] =	wrdreg s24  }
0xbe: {  	[dreg:$0x3] =	wrdreg $0x9  }
0xbf: {  	_ =	task.clear_ibuf [dreg:s22], $0x4FFFF;
	_ =	strace $0x9000004F  }
0xc0: {  	s29 =	simm.s32 $0x9;
	_ =	strace $0x80000051  }
0xc1: {  	_ =	swait.ge [sflag:s29], $0x1  }
0xc2: {  	[sflag:s29] =	ssyncadd.s32 $0xFFFFFFFF  }
0xc3: {  	_ =	strace $0x90000051  }
0xc4: {  	_ =	sfence  }
0xc5: {  	s30 =	sld [smem:$0x0];
	_ =	sdelay $0x2  }
0xc6: {  	s31 =	sshll.u32 s1, $0xD;
	s1 =	sshrl.u32 s1, $0x2  }
0xc7: {  	s4 =	sand.u32 $0x4000, s31;
	s1 =	sadd.s32 s1, s30  }
0xc8: {  	s0 =	sor.u32 s4, s0;
	s1 =	sshll.u32 s1, $0x11  }
0xc9: {  	s0 =	sor.u32 s1, s0  }
0xca: {  	s0 =	sadd.s32 $0x8F2B, s0  }
0xcb: {  	[sflag:s0] =	ssyncadd.remote.s32 $0x1  }
0xcc: {  	_ =	sfence.sel $0xFFFF  }
0xcd: {  	[dreg:$0x0] =	wrdreg $0xFFFFFFFF;
	(pc) =	sbr.abs _section_cstart, $3  }
0xce: {  	[dreg:$0x1] =	wrdreg $0xFFFFFFFF  }
0xcf: {  	_ =	task.clear_ibuf [dreg:s22], $0x2FFFF;
	_ =	strace $0x9FFFFFFF  }
0xd0: {  	(tm) =	ssettm $0x7FFFFFFF  }
0xd1: {  	_ =	shalt  }
tec
execute0_lowered:
.L_overlay_start_1:
0x0: {  	(tag) =	ssettag $0x1  }
0x1: {  	s0 =	srdreg.scid  }
0x2: {  	s21 =	stileid.u32;
	s2 =	rddreg [dreg:$0x0];
	s0 =	sand.u32 $0x1, s0  }
0x3: {  	s24 =	simm.s32 $0x0;
	s31 =	simm.s32 $0x5;
	s1 =	sshll.u32 s0, $0x4  }
0x4: {  	s30 =	simm.s32 $0x300;
	p0 =	por $0x0, $0x0;
	s1 =	sor.u32 s21, s1  }
0x5: {  	s29 =	simm.s32 $0x400;
	s28 =	simm.s32 $0x500;
	s3 =	smul.u32 $0x140, s1  }
0x6: {  	[smem:$0x7FF] =	sst s24;
	s4 =	sadd.s32 $0x212E00, s2;
	s1 =	smul.u32 $0x28000, s1  }
0x7: {  	s5 =	sadd.s32 $0x212E08, s2;
	_ =	strace $0x80000050;
	s3 =	sadd.s32 s3, s2  }
0x8: {  	s0 =	ssub.s32 $0x2, s0;
	s1 =	sshrl.u32 s1, $0x3;
	s3 =	sadd.s32 $0x210600, s3  }
0x9: {  	s2 =	sadd.s32 $0x1CC00, s2;
	s25 =	sadd.s32 s4, s1;
	[dreg:$0x2] =	wrdreg s3  }
0xa: {  	s26 =	sadd.s32 s1, s5;
	s6 =	sor.u32 $0x800, s1;
	[dreg:$0x3] =	wrdreg s25  }
0xb: {  	s9 =	sadd.s32 $0x1000, s1;
	[dreg:$0x4] =	wrdreg s26;
	s7 =	sadd.s32 s4, s6  }
0xc: {  	s12 =	sadd.s32 $0x1800, s1;
	s8 =	sadd.s32 s6, s5;
	[dreg:$0x5] =	wrdreg s7  }
0xd: {  	s15 =	sadd.s32 $0x2000, s1;
	s10 =	sadd.s32 s4, s9;
	[dreg:$0x6] =	wrdreg s8  }
0xe: {  	s18 =	sadd.s32 $0x2800, s1;
	s11 =	sadd.s32 s9, s5;
	[dreg:$0x7] =	wrdreg s10  }
0xf: {  	s22 =	sadd.s32 $0x3000, s1;
	s13 =	sadd.s32 s4, s12;
	[dreg:$0x8] =	wrdreg s11  }
0x10: {  	s14 =	sadd.s32 s12, s5;
	s16 =	sadd.s32 s4, s15;
	[dreg:$0x9] =	wrdreg s13  }
0x11: {  	s17 =	sadd.s32 s15, s5;
	s19 =	sadd.s32 s4, s18;
	[dreg:$0xa] =	wrdreg s14  }
0x12: {  	s20 =	sadd.s32 s18, s5;
	s23 =	sadd.s32 s4, s22;
	[dreg:$0xb] =	wrdreg s16  }
0x13: {  	s25 =	sadd.s32 $0x3800, s1;
	s26 =	sadd.s32 $0x4000, s1;
	[dreg:$0xc] =	wrdreg s17  }
0x14: {  	s1 =	sadd.s32 $0x4800, s1;
	s6 =	simm.s32 $0x40;
	[dreg:$0xd] =	wrdreg s19  }
0x15: {  	s18 =	simm.s32 $0x2A00;
	s12 =	simm.s32 $0x6A00;
	[dreg:$0xe] =	wrdreg s20  }
0x16: {  	s7 =	sshrl.u32 s0, $0x1;
	[dreg:$0xf] =	wrdreg s23;
	s20 =	sadd.s32 s22, s5  }
0x17: {  	s15 =	sadd.s32 s4, s25;
	s17 =	sadd.s32 s25, s5;
	s0 =	ssub.s32 s0, s7  }
0x18: {  	s9 =	sadd.s32 s4, s26;
	s10 =	sadd.s32 s26, s5;
	s0 =	smax.u32 s0, $0x1  }
0x19: {  	s3 =	sadd.s32 s4, s1;
	s4 =	sadd.s32 s1, s5;
	p1 =	sne.s32 s0, $0x1  }
.Ltmp0:
0x1a: {  	s13 =	simm.s32 $0x100;
	s14 =	simm.s32 $0xA00;
	(pc) =	sbr.rel @!p1 .LBB2_1-.Ltmp0, $4  }
0x1b: {  	s19 =	simm.s32 $0x1;
	s5 =	simm.s32 $0x4A00;
	s16 =	simm.s32 $0x2  }
0x1c: {  	s11 =	simm.s32 $0x3;
	s8 =	simm.s32 $0x4;
	s26 =	simm.s32 $0x600  }
0x1d: {  	s25 =	simm.s32 $0x700;
	s23 =	simm.s32 $0x800;
	s22 =	simm.s32 $0x900  }
0x1e: {  	s7 =	simm.s32 $0x80;
	s1 =	sadd.s32 $0xFFFFFFFF, s0;
	s0 =	rddreg [dreg:$0x2]  }
0x1f: {  	[tilespmem:s24], [sflag:$0x5] =	stream.linear.gather [hbm4b:s0+s24], $0xA00, $0x38;
	[tilespmem:$0x8A00] =	vst v63  }
0x20: {  	_ =	swait.ge [sflag:s31], $0xA00  }
0x21: {  	[sflag:s31] =	ssyncset.done $0x0  }
0x22: {  	[sflag:s31] =	ssyncadd.s32 $0xFFFFF600  }
0x23: {  	[tilespmem:s14], [sflag:$0x1] =	stream.indirect.gather [hbm4b:s2+s13], $0x40, s24, s13, $0xb8;
	[tilespmem:$0x8A00] =	vst v63  }
0x24: {  	_ =	swait.ge [sflag:s19], $0x4000  }
0x25: {  	[sflag:s19] =	ssyncset.done $0x0  }
0x26: {  	[sflag:s19] =	ssyncadd.s32 $0xFFFFC000  }
0x27: {  	[tilespmem:s5], [sflag:$0x2] =	stream.indirect.gather [hbm4b:s2+s13], $0x40, s13, s13, $0xb8;
	[tilespmem:$0x8A00] =	vst v63  }
0x28: {  	s0 =	rddreg [dreg:$0x3]  }
0x29: {  	[hbm4b:s0+s6] =	stream.strided.scatter [tilespmem:s14], [sflag:$0x3], $0x2000, s7, s6, $0x38;
	[tilespmem:$0x8A00] =	vst v63  }
0x2a: {  	s21 =	smov.u32 s1;
	s1 =	rddreg [dreg:$0x4]  }
0x2b: {  	[hbm4b:s1+s6] =	stream.strided.scatter [tilespmem:s18], [sflag:$0x3], $0x2000, s7, s6, $0x38;
	[tilespmem:$0x8A00] =	vst v63  }
0x2c: {  	_ =	swait.ge [sflag:s16], $0x4000  }
0x2d: {  	[sflag:s16] =	ssyncset.done $0x0  }
0x2e: {  	[sflag:s16] =	ssyncadd.s32 $0xFFFFC000  }
0x2f: {  	_ =	swait.ge [sflag:s11], $0x2000  }
0x30: {  	[sflag:s11] =	ssyncset.done $0x0  }
0x31: {  	[sflag:s11] =	ssyncadd.s32 $0xFFFFE000  }
0x32: {  	_ =	swait.ge [sflag:s11], $0x2000  }
0x33: {  	[sflag:s11] =	ssyncset.done $0x0  }
0x34: {  	s1 =	simm.s32 $0x200;
	[sflag:s11] =	ssyncadd.s32 $0xFFFFE000  }
0x35: {  	[tilespmem:s14], [sflag:$0x1] =	stream.indirect.gather [hbm4b:s2+s13], $0x40, s1, s13, $0xb8;
	[tilespmem:$0x8A00] =	vst v63  }
0x36: {  	s0 =	rddreg [dreg:$0x5]  }
0x37: {  	[hbm4b:s0+s6] =	stream.strided.scatter [tilespmem:s5], [sflag:$0x4], $0x2000, s7, s6, $0x38;
	[tilespmem:$0x8A00] =	vst v63  }
0x38: {  	s1 =	rddreg [dreg:$0x6]  }
0x39: {  	[hbm4b:s1+s6] =	stream.strided.scatter [tilespmem:s12], [sflag:$0x4], $0x2000, s7, s6, $0x38;
	[tilespmem:$0x8A00] =	vst v63  }
0x3a: {  	_ =	swait.ge [sflag:s19], $0x4000  }
0x3b: {  	[sflag:s19] =	ssyncset.done $0x0  }
0x3c: {  	[sflag:s19] =	ssyncadd.s32 $0xFFFFC000  }
0x3d: {  	_ =	swait.ge [sflag:s8], $0x2000  }
0x3e: {  	[sflag:s8] =	ssyncset.done $0x0  }
0x3f: {  	[sflag:s8] =	ssyncadd.s32 $0xFFFFE000  }
0x40: {  	_ =	swait.ge [sflag:s8], $0x2000  }
0x41: {  	[sflag:s8] =	ssyncset.done $0x0  }
0x42: {  	[sflag:s8] =	ssyncadd.s32 $0xFFFFE000  }
0x43: {  	[tilespmem:s5], [sflag:$0x2] =	stream.indirect.gather [hbm4b:s2+s13], $0x40, s30, s13, $0xb8;
	[tilespmem:$0x8A00] =	vst v63  }
0x44: {  	s0 =	rddreg [dreg:$0x7]  }
0x45: {  	[hbm4b:s0+s6] =	stream.strided.scatter [tilespmem:s14], [sflag:$0x3], $0x2000, s7, s6, $0x38;
	[tilespmem:$0x8A00] =	vst v63  }
0x46: {  	s1 =	rddreg [dreg:$0x8]  }
0x47: {  	[hbm4b:s1+s6] =	stream.strided.scatter [tilespmem:s18], [sflag:$0x3], $0x2000, s7, s6, $0x38;
	[tilespmem:$0x8A00] =	vst v63  }
0x48: {  	_ =	swait.ge [sflag:s16], $0x4000  }
0x49: {  	[sflag:s16] =	ssyncset.done $0x0  }
0x4a: {  	[sflag:s16] =	ssyncadd.s32 $0xFFFFC000  }
0x4b: {  	_ =	swait.ge [sflag:s11], $0x2000  }
0x4c: {  	[sflag:s11] =	ssyncset.done $0x0  }
0x4d: {  	[sflag:s11] =	ssyncadd.s32 $0xFFFFE000  }
0x4e: {  	_ =	swait.ge [sflag:s11], $0x2000  }
0x4f: {  	[sflag:s11] =	ssyncset.done $0x0  }
0x50: {  	[sflag:s11] =	ssyncadd.s32 $0xFFFFE000  }
0x51: {  	[tilespmem:s14], [sflag:$0x1] =	stream.indirect.gather [hbm4b:s2+s13], $0x40, s29, s13, $0xb8;
	[tilespmem:$0x8A00] =	vst v63  }
0x52: {  	s0 =	rddreg [dreg:$0x9]  }
0x53: {  	[hbm4b:s0+s6] =	stream.strided.scatter [tilespmem:s5], [sflag:$0x4], $0x2000, s7, s6, $0x38;
	[tilespmem:$0x8A00] =	vst v63  }
0x54: {  	s1 =	rddreg [dreg:$0xa]  }
0x55: {  	[hbm4b:s1+s6] =	stream.strided.scatter [tilespmem:s12], [sflag:$0x4], $0x2000, s7, s6, $0x38;
	[tilespmem:$0x8A00] =	vst v63  }
0x56: {  	_ =	swait.ge [sflag:s19], $0x4000  }
0x57: {  	[sflag:s19] =	ssyncset.done $0x0  }
0x58: {  	[sflag:s19] =	ssyncadd.s32 $0xFFFFC000  }
0x59: {  	_ =	swait.ge [sflag:s8], $0x2000  }
0x5a: {  	[sflag:s8] =	ssyncset.done $0x0  }
0x5b: {  	[sflag:s8] =	ssyncadd.s32 $0xFFFFE000  }
0x5c: {  	_ =	swait.ge [sflag:s8], $0x2000  }
0x5d: {  	[sflag:s8] =	ssyncset.done $0x0  }
0x5e: {  	[sflag:s8] =	ssyncadd.s32 $0xFFFFE000  }
0x5f: {  	[tilespmem:s5], [sflag:$0x2] =	stream.indirect.gather [hbm4b:s2+s13], $0x40, s28, s13, $0xb8;
	[tilespmem:$0x8A00] =	vst v63  }
0x60: {  	s0 =	rddreg [dreg:$0xb]  }
0x61: {  	[hbm4b:s0+s6] =	stream.strided.scatter [tilespmem:s14], [sflag:$0x3], $0x2000, s7, s6, $0x38;
	[tilespmem:$0x8A00] =	vst v63  }
0x62: {  	s1 =	rddreg [dreg:$0xc]  }
0x63: {  	[hbm4b:s1+s6] =	stream.strided.scatter [tilespmem:s18], [sflag:$0x3], $0x2000, s7, s6, $0x38;
	[tilespmem:$0x8A00] =	vst v63  }
0x64: {  	_ =	swait.ge [sflag:s16], $0x4000  }
0x65: {  	[sflag:s16] =	ssyncset.done $0x0  }
0x66: {  	[sflag:s16] =	ssyncadd.s32 $0xFFFFC000  }
0x67: {  	_ =	swait.ge [sflag:s11], $0x2000  }
0x68: {  	[sflag:s11] =	ssyncset.done $0x0  }
0x69: {  	[sflag:s11] =	ssyncadd.s32 $0xFFFFE000  }
0x6a: {  	_ =	swait.ge [sflag:s11], $0x2000  }
0x6b: {  	[sflag:s11] =	ssyncset.done $0x0  }
0x6c: {  	[sflag:s11] =	ssyncadd.s32 $0xFFFFE000  }
0x6d: {  	[tilespmem:s14], [sflag:$0x1] =	stream.indirect.gather [hbm4b:s2+s13], $0x40, s26, s13, $0xb8;
	[tilespmem:$0x8A00] =	vst v63  }
0x6e: {  	s0 =	rddreg [dreg:$0xd]  }
0x6f: {  	[hbm4b:s0+s6] =	stream.strided.scatter [tilespmem:s5], [sflag:$0x4], $0x2000, s7, s6, $0x38;
	[tilespmem:$0x8A00] =	vst v63  }
0x70: {  	s1 =	rddreg [dreg:$0xe]  }
0x71: {  	[hbm4b:s1+s6] =	stream.strided.scatter [tilespmem:s12], [sflag:$0x4], $0x2000, s7, s6, $0x38;
	[tilespmem:$0x8A00] =	vst v63  }
0x72: {  	_ =	swait.ge [sflag:s19], $0x4000  }
0x73: {  	[sflag:s19] =	ssyncset.done $0x0  }
0x74: {  	[sflag:s19] =	ssyncadd.s32 $0xFFFFC000  }
0x75: {  	_ =	swait.ge [sflag:s8], $0x2000  }
0x76: {  	[sflag:s8] =	ssyncset.done $0x0  }
0x77: {  	[sflag:s8] =	ssyncadd.s32 $0xFFFFE000  }
0x78: {  	_ =	swait.ge [sflag:s8], $0x2000  }
0x79: {  	[sflag:s8] =	ssyncset.done $0x0  }
0x7a: {  	[sflag:s8] =	ssyncadd.s32 $0xFFFFE000  }
0x7b: {  	[tilespmem:s5], [sflag:$0x2] =	stream.indirect.gather [hbm4b:s2+s13], $0x40, s25, s13, $0xb8;
	[tilespmem:$0x8A00] =	vst v63  }
0x7c: {  	s1 =	rddreg [dreg:$0xf]  }
0x7d: {  	[hbm4b:s1+s6] =	stream.strided.scatter [tilespmem:s14], [sflag:$0x3], $0x2000, s7, s6, $0x38;
	[tilespmem:$0x8A00] =	vst v63  }
0x7e: {  	_ = 	snop  }
0x7f: {  	[hbm4b:s20+s6] =	stream.strided.scatter [tilespmem:s18], [sflag:$0x3], $0x2000, s7, s6, $0x38;
	[tilespmem:$0x8A00] =	vst v63  }
0x80: {  	_ =	swait.ge [sflag:s16], $0x4000  }
0x81: {  	[sflag:s16] =	ssyncset.done $0x0  }
0x82: {  	[sflag:s16] =	ssyncadd.s32 $0xFFFFC000  }
0x83: {  	_ =	swait.ge [sflag:s11], $0x2000  }
0x84: {  	[sflag:s11] =	ssyncset.done $0x0  }
0x85: {  	[sflag:s11] =	ssyncadd.s32 $0xFFFFE000  }
0x86: {  	_ =	swait.ge [sflag:s11], $0x2000  }
0x87: {  	[sflag:s11] =	ssyncset.done $0x0  }
0x88: {  	[sflag:s11] =	ssyncadd.s32 $0xFFFFE000  }
0x89: {  	[tilespmem:s14], [sflag:$0x1] =	stream.indirect.gather [hbm4b:s2+s13], $0x40, s23, s13, $0xb8;
	[tilespmem:$0x8A00] =	vst v63  }
0x8a: {  	_ = 	snop  }
0x8b: {  	[hbm4b:s15+s6] =	stream.strided.scatter [tilespmem:s5], [sflag:$0x4], $0x2000, s7, s6, $0x38;
	[tilespmem:$0x8A00] =	vst v63  }
0x8c: {  	_ = 	snop  }
0x8d: {  	[hbm4b:s17+s6] =	stream.strided.scatter [tilespmem:s12], [sflag:$0x4], $0x2000, s7, s6, $0x38;
	[tilespmem:$0x8A00] =	vst v63  }
0x8e: {  	_ =	swait.ge [sflag:s19], $0x4000  }
0x8f: {  	[sflag:s19] =	ssyncset.done $0x0  }
0x90: {  	[sflag:s19] =	ssyncadd.s32 $0xFFFFC000  }
0x91: {  	_ =	swait.ge [sflag:s8], $0x2000  }
0x92: {  	[sflag:s8] =	ssyncset.done $0x0  }
0x93: {  	[sflag:s8] =	ssyncadd.s32 $0xFFFFE000  }
0x94: {  	_ =	swait.ge [sflag:s8], $0x2000  }
0x95: {  	[sflag:s8] =	ssyncset.done $0x0  }
0x96: {  	[sflag:s8] =	ssyncadd.s32 $0xFFFFE000  }
0x97: {  	[tilespmem:s5], [sflag:$0x2] =	stream.indirect.gather [hbm4b:s2+s13], $0x40, s22, s13, $0xb8;
	[tilespmem:$0x8A00] =	vst v63  }
0x98: {  	_ = 	snop  }
0x99: {  	[hbm4b:s9+s6] =	stream.strided.scatter [tilespmem:s14], [sflag:$0x3], $0x2000, s7, s6, $0x38;
	[tilespmem:$0x8A00] =	vst v63  }
0x9a: {  	_ = 	snop  }
0x9b: {  	[hbm4b:s10+s6] =	stream.strided.scatter [tilespmem:s18], [sflag:$0x3], $0x2000, s7, s6, $0x38;
	[tilespmem:$0x8A00] =	vst v63  }
0x9c: {  	_ =	swait.ge [sflag:s16], $0x4000  }
0x9d: {  	[sflag:s16] =	ssyncset.done $0x0  }
0x9e: {  	[sflag:s16] =	ssyncadd.s32 $0xFFFFC000  }
0x9f: {  	_ =	swait.ge [sflag:s11], $0x2000  }
0xa0: {  	[sflag:s11] =	ssyncset.done $0x0  }
0xa1: {  	[sflag:s11] =	ssyncadd.s32 $0xFFFFE000  }
0xa2: {  	_ =	swait.ge [sflag:s11], $0x2000  }
0xa3: {  	[sflag:s11] =	ssyncset.done $0x0  }
0xa4: {  	[sflag:s11] =	ssyncadd.s32 $0xFFFFE000  }
0xa5: {  	[hbm4b:s3+s6] =	stream.strided.scatter [tilespmem:s5], [sflag:$0x4], $0x2000, s7, s6, $0x38;
	[tilespmem:$0x8A00] =	vst v63  }
0xa6: {  	p1 =	sne.s32 s21, $0x1  }
0xa7: {  	[hbm4b:s4+s6] =	stream.strided.scatter [tilespmem:s12], [sflag:$0x4], $0x2000, s7, s6, $0x38;
	[tilespmem:$0x8A00] =	vst v63  }
.Ltmp1:
0xa8: {  	_ =	swait.ge [sflag:s8], $0x2000;
	(pc) =	sbr.rel @!p1 .LBB2_3-.Ltmp1, $4  }
0xa9: {  	[sflag:s8] =	ssyncset.done $0x0  }
0xaa: {  	[sflag:s8] =	ssyncadd.s32 $0xFFFFE000  }
0xab: {  	p0 =	por $0x1, $0x1;
	_ =	swait.ge [sflag:s8], $0x2000  }
0xac: {  	s1 =	sadd.s32 $0xFFFFFFFF, s21;
	s0 =	rddreg [dreg:$0x2];
	[sflag:s8] =	ssyncset.done $0x0  }
.LBB2_4:
0xad: {  	[sflag:s8] =	ssyncadd.s32 $0xFFFFE000  }
0xae: {  	[tilespmem:s24], [sflag:$0x5] =	stream.linear.gather [hbm4b:s0+s24], $0xA00, $0x38;
	[tilespmem:$0x8A00] =	vst v63  }
0xaf: {  	_ =	swait.ge [sflag:s31], $0xA00  }
0xb0: {  	[sflag:s31] =	ssyncset.done $0x0  }
0xb1: {  	[sflag:s31] =	ssyncadd.s32 $0xFFFFF600  }
0xb2: {  	[tilespmem:s14], [sflag:$0x1] =	stream.indirect.gather [hbm4b:s2+s13], $0x40, s24, s13, $0xb8;
	[tilespmem:$0x8A00] =	vst v63  }
0xb3: {  	_ =	swait.ge [sflag:s19], $0x4000  }
0xb4: {  	[sflag:s19] =	ssyncset.done $0x0  }
0xb5: {  	[sflag:s19] =	ssyncadd.s32 $0xFFFFC000  }
0xb6: {  	[tilespmem:s5], [sflag:$0x2] =	stream.indirect.gather [hbm4b:s2+s13], $0x40, s13, s13, $0xb8;
	[tilespmem:$0x8A00] =	vst v63  }
0xb7: {  	s0 =	rddreg [dreg:$0x3]  }
0xb8: {  	[hbm4b:s0+s6] =	stream.strided.scatter [tilespmem:s14], [sflag:$0x3], $0x2000, s7, s6, $0x38;
	[tilespmem:$0x8A00] =	vst v63  }
0xb9: {  	s21 =	rddreg [dreg:$0x4]  }
0xba: {  	[hbm4b:s21+s6] =	stream.strided.scatter [tilespmem:s18], [sflag:$0x3], $0x2000, s7, s6, $0x38;
	[tilespmem:$0x8A00] =	vst v63  }
0xbb: {  	_ =	swait.ge [sflag:s16], $0x4000  }
0xbc: {  	[sflag:s16] =	ssyncset.done $0x0  }
0xbd: {  	[sflag:s16] =	ssyncadd.s32 $0xFFFFC000  }
0xbe: {  	_ =	swait.ge [sflag:s11], $0x2000  }
0xbf: {  	[sflag:s11] =	ssyncset.done $0x0  }
0xc0: {  	[sflag:s11] =	ssyncadd.s32 $0xFFFFE000  }
0xc1: {  	_ =	swait.ge [sflag:s11], $0x2000  }
0xc2: {  	[sflag:s11] =	ssyncset.done $0x0  }
0xc3: {  	s21 =	simm.s32 $0x200;
	[sflag:s11] =	ssyncadd.s32 $0xFFFFE000  }
0xc4: {  	[tilespmem:s14], [sflag:$0x1] =	stream.indirect.gather [hbm4b:s2+s13], $0x40, s21, s13, $0xb8;
	[tilespmem:$0x8A00] =	vst v63  }
0xc5: {  	s0 =	rddreg [dreg:$0x5]  }
0xc6: {  	[hbm4b:s0+s6] =	stream.strided.scatter [tilespmem:s5], [sflag:$0x4], $0x2000, s7, s6, $0x38;
	[tilespmem:$0x8A00] =	vst v63  }
0xc7: {  	s21 =	rddreg [dreg:$0x6]  }
0xc8: {  	[hbm4b:s21+s6] =	stream.strided.scatter [tilespmem:s12], [sflag:$0x4], $0x2000, s7, s6, $0x38;
	[tilespmem:$0x8A00] =	vst v63  }
0xc9: {  	_ =	swait.ge [sflag:s19], $0x4000  }
0xca: {  	[sflag:s19] =	ssyncset.done $0x0  }
0xcb: {  	[sflag:s19] =	ssyncadd.s32 $0xFFFFC000  }
0xcc: {  	_ =	swait.ge [sflag:s8], $0x2000  }
0xcd: {  	[sflag:s8] =	ssyncset.done $0x0  }
0xce: {  	[sflag:s8] =	ssyncadd.s32 $0xFFFFE000  }
0xcf: {  	_ =	swait.ge [sflag:s8], $0x2000  }
0xd0: {  	[sflag:s8] =	ssyncset.done $0x0  }
0xd1: {  	[sflag:s8] =	ssyncadd.s32 $0xFFFFE000  }
0xd2: {  	[tilespmem:s5], [sflag:$0x2] =	stream.indirect.gather [hbm4b:s2+s13], $0x40, s30, s13, $0xb8;
	[tilespmem:$0x8A00] =	vst v63  }
0xd3: {  	s0 =	rddreg [dreg:$0x7]  }
0xd4: {  	[hbm4b:s0+s6] =	stream.strided.scatter [tilespmem:s14], [sflag:$0x3], $0x2000, s7, s6, $0x38;
	[tilespmem:$0x8A00] =	vst v63  }
0xd5: {  	s21 =	rddreg [dreg:$0x8]  }
0xd6: {  	[hbm4b:s21+s6] =	stream.strided.scatter [tilespmem:s18], [sflag:$0x3], $0x2000, s7, s6, $0x38;
	[tilespmem:$0x8A00] =	vst v63  }
0xd7: {  	_ =	swait.ge [sflag:s16], $0x4000  }
0xd8: {  	[sflag:s16] =	ssyncset.done $0x0  }
0xd9: {  	[sflag:s16] =	ssyncadd.s32 $0xFFFFC000  }
0xda: {  	_ =	swait.ge [sflag:s11], $0x2000  }
0xdb: {  	[sflag:s11] =	ssyncset.done $0x0  }
0xdc: {  	[sflag:s11] =	ssyncadd.s32 $0xFFFFE000  }
0xdd: {  	_ =	swait.ge [sflag:s11], $0x2000  }
0xde: {  	[sflag:s11] =	ssyncset.done $0x0  }
0xdf: {  	[sflag:s11] =	ssyncadd.s32 $0xFFFFE000  }
0xe0: {  	[tilespmem:s14], [sflag:$0x1] =	stream.indirect.gather [hbm4b:s2+s13], $0x40, s29, s13, $0xb8;
	[tilespmem:$0x8A00] =	vst v63  }
0xe1: {  	s0 =	rddreg [dreg:$0x9]  }
0xe2: {  	[hbm4b:s0+s6] =	stream.strided.scatter [tilespmem:s5], [sflag:$0x4], $0x2000, s7, s6, $0x38;
	[tilespmem:$0x8A00] =	vst v63  }
0xe3: {  	s21 =	rddreg [dreg:$0xa]  }
0xe4: {  	[hbm4b:s21+s6] =	stream.strided.scatter [tilespmem:s12], [sflag:$0x4], $0x2000, s7, s6, $0x38;
	[tilespmem:$0x8A00] =	vst v63  }
0xe5: {  	_ =	swait.ge [sflag:s19], $0x4000  }
0xe6: {  	[sflag:s19] =	ssyncset.done $0x0  }
0xe7: {  	[sflag:s19] =	ssyncadd.s32 $0xFFFFC000  }
0xe8: {  	_ =	swait.ge [sflag:s8], $0x2000  }
0xe9: {  	[sflag:s8] =	ssyncset.done $0x0  }
0xea: {  	[sflag:s8] =	ssyncadd.s32 $0xFFFFE000  }
0xeb: {  	_ =	swait.ge [sflag:s8], $0x2000  }
0xec: {  	[sflag:s8] =	ssyncset.done $0x0  }
0xed: {  	[sflag:s8] =	ssyncadd.s32 $0xFFFFE000  }
0xee: {  	[tilespmem:s5], [sflag:$0x2] =	stream.indirect.gather [hbm4b:s2+s13], $0x40, s28, s13, $0xb8;
	[tilespmem:$0x8A00] =	vst v63  }
0xef: {  	s0 =	rddreg [dreg:$0xb]  }
0xf0: {  	[hbm4b:s0+s6] =	stream.strided.scatter [tilespmem:s14], [sflag:$0x3], $0x2000, s7, s6, $0x38;
	[tilespmem:$0x8A00] =	vst v63  }
0xf1: {  	s21 =	rddreg [dreg:$0xc]  }
0xf2: {  	[hbm4b:s21+s6] =	stream.strided.scatter [tilespmem:s18], [sflag:$0x3], $0x2000, s7, s6, $0x38;
	[tilespmem:$0x8A00] =	vst v63  }
0xf3: {  	_ =	swait.ge [sflag:s16], $0x4000  }
0xf4: {  	[sflag:s16] =	ssyncset.done $0x0  }
0xf5: {  	[sflag:s16] =	ssyncadd.s32 $0xFFFFC000  }
0xf6: {  	_ =	swait.ge [sflag:s11], $0x2000  }
0xf7: {  	[sflag:s11] =	ssyncset.done $0x0  }
0xf8: {  	[sflag:s11] =	ssyncadd.s32 $0xFFFFE000  }
0xf9: {  	_ =	swait.ge [sflag:s11], $0x2000  }
0xfa: {  	[sflag:s11] =	ssyncset.done $0x0  }
0xfb: {  	[sflag:s11] =	ssyncadd.s32 $0xFFFFE000  }
0xfc: {  	[tilespmem:s14], [sflag:$0x1] =	stream.indirect.gather [hbm4b:s2+s13], $0x40, s26, s13, $0xb8;
	[tilespmem:$0x8A00] =	vst v63  }
0xfd: {  	s0 =	rddreg [dreg:$0xd]  }
0xfe: {  	[hbm4b:s0+s6] =	stream.strided.scatter [tilespmem:s5], [sflag:$0x4], $0x2000, s7, s6, $0x38;
	[tilespmem:$0x8A00] =	vst v63  }
0xff: {  	s21 =	rddreg [dreg:$0xe]  }
0x100: {  	[hbm4b:s21+s6] =	stream.strided.scatter [tilespmem:s12], [sflag:$0x4], $0x2000, s7, s6, $0x38;
	[tilespmem:$0x8A00] =	vst v63  }
0x101: {  	_ =	swait.ge [sflag:s19], $0x4000  }
0x102: {  	[sflag:s19] =	ssyncset.done $0x0  }
0x103: {  	[sflag:s19] =	ssyncadd.s32 $0xFFFFC000  }
0x104: {  	_ =	swait.ge [sflag:s8], $0x2000  }
0x105: {  	[sflag:s8] =	ssyncset.done $0x0  }
0x106: {  	[sflag:s8] =	ssyncadd.s32 $0xFFFFE000  }
0x107: {  	_ =	swait.ge [sflag:s8], $0x2000  }
0x108: {  	[sflag:s8] =	ssyncset.done $0x0  }
0x109: {  	[sflag:s8] =	ssyncadd.s32 $0xFFFFE000  }
0x10a: {  	[tilespmem:s5], [sflag:$0x2] =	stream.indirect.gather [hbm4b:s2+s13], $0x40, s25, s13, $0xb8;
	[tilespmem:$0x8A00] =	vst v63  }
0x10b: {  	s21 =	rddreg [dreg:$0xf]  }
0x10c: {  	[hbm4b:s21+s6] =	stream.strided.scatter [tilespmem:s14], [sflag:$0x3], $0x2000, s7, s6, $0x38;
	[tilespmem:$0x8A00] =	vst v63  }
0x10d: {  	_ = 	snop  }
0x10e: {  	[hbm4b:s20+s6] =	stream.strided.scatter [tilespmem:s18], [sflag:$0x3], $0x2000, s7, s6, $0x38;
	[tilespmem:$0x8A00] =	vst v63  }
0x10f: {  	_ =	swait.ge [sflag:s16], $0x4000  }
0x110: {  	[sflag:s16] =	ssyncset.done $0x0  }
0x111: {  	[sflag:s16] =	ssyncadd.s32 $0xFFFFC000  }
0x112: {  	_ =	swait.ge [sflag:s11], $0x2000  }
0x113: {  	[sflag:s11] =	ssyncset.done $0x0  }
0x114: {  	[sflag:s11] =	ssyncadd.s32 $0xFFFFE000  }
0x115: {  	_ =	swait.ge [sflag:s11], $0x2000  }
0x116: {  	[sflag:s11] =	ssyncset.done $0x0  }
0x117: {  	[sflag:s11] =	ssyncadd.s32 $0xFFFFE000  }
0x118: {  	[tilespmem:s14], [sflag:$0x1] =	stream.indirect.gather [hbm4b:s2+s13], $0x40, s23, s13, $0xb8;
	[tilespmem:$0x8A00] =	vst v63  }
0x119: {  	_ = 	snop  }
0x11a: {  	[hbm4b:s15+s6] =	stream.strided.scatter [tilespmem:s5], [sflag:$0x4], $0x2000, s7, s6, $0x38;
	[tilespmem:$0x8A00] =	vst v63  }
0x11b: {  	_ = 	snop  }
0x11c: {  	[hbm4b:s17+s6] =	stream.strided.scatter [tilespmem:s12], [sflag:$0x4], $0x2000, s7, s6, $0x38;
	[tilespmem:$0x8A00] =	vst v63  }
0x11d: {  	_ =	swait.ge [sflag:s19], $0x4000  }
0x11e: {  	[sflag:s19] =	ssyncset.done $0x0  }
0x11f: {  	[sflag:s19] =	ssyncadd.s32 $0xFFFFC000  }
0x120: {  	_ =	swait.ge [sflag:s8], $0x2000  }
0x121: {  	[sflag:s8] =	ssyncset.done $0x0  }
0x122: {  	[sflag:s8] =	ssyncadd.s32 $0xFFFFE000  }
0x123: {  	_ =	swait.ge [sflag:s8], $0x2000  }
0x124: {  	[sflag:s8] =	ssyncset.done $0x0  }
0x125: {  	[sflag:s8] =	ssyncadd.s32 $0xFFFFE000  }
0x126: {  	[tilespmem:s5], [sflag:$0x2] =	stream.indirect.gather [hbm4b:s2+s13], $0x40, s22, s13, $0xb8;
	[tilespmem:$0x8A00] =	vst v63  }
0x127: {  	_ = 	snop  }
0x128: {  	[hbm4b:s9+s6] =	stream.strided.scatter [tilespmem:s14], [sflag:$0x3], $0x2000, s7, s6, $0x38;
	[tilespmem:$0x8A00] =	vst v63  }
0x129: {  	_ = 	snop  }
0x12a: {  	[hbm4b:s10+s6] =	stream.strided.scatter [tilespmem:s18], [sflag:$0x3], $0x2000, s7, s6, $0x38;
	[tilespmem:$0x8A00] =	vst v63  }
0x12b: {  	_ =	swait.ge [sflag:s16], $0x4000  }
0x12c: {  	[sflag:s16] =	ssyncset.done $0x0  }
0x12d: {  	[sflag:s16] =	ssyncadd.s32 $0xFFFFC000  }
0x12e: {  	_ =	swait.ge [sflag:s11], $0x2000  }
0x12f: {  	[sflag:s11] =	ssyncset.done $0x0  }
0x130: {  	[sflag:s11] =	ssyncadd.s32 $0xFFFFE000  }
0x131: {  	_ =	swait.ge [sflag:s11], $0x2000  }
0x132: {  	[sflag:s11] =	ssyncset.done $0x0  }
0x133: {  	[sflag:s11] =	ssyncadd.s32 $0xFFFFE000  }
0x134: {  	[hbm4b:s3+s6] =	stream.strided.scatter [tilespmem:s5], [sflag:$0x4], $0x2000, s7, s6, $0x38;
	[tilespmem:$0x8A00] =	vst v63  }
0x135: {  	p1 =	sne.s32 s1, $0x1  }
0x136: {  	[hbm4b:s4+s6] =	stream.strided.scatter [tilespmem:s12], [sflag:$0x4], $0x2000, s7, s6, $0x38;
	[tilespmem:$0x8A00] =	vst v63  }
.Ltmp2:
0x137: {  	_ =	swait.ge [sflag:s8], $0x2000;
	(pc) =	sbr.rel @p1 .LBB2_4-.Ltmp2, $4  }
0x138: {  	[sflag:s8] =	ssyncset.done $0x0  }
0x139: {  	[sflag:s8] =	ssyncadd.s32 $0xFFFFE000  }
0x13a: {  	_ =	swait.ge [sflag:s8], $0x2000  }
0x13b: {  	s1 =	sadd.s32 $0xFFFFFFFF, s1;
	s0 =	rddreg [dreg:$0x2];
	[sflag:s8] =	ssyncset.done $0x0  }
0x13c: {  	s22 =	simm.s32 $0x200;
	s30 =	simm.s32 $0x300  }
0x13d: {  	s29 =	simm.s32 $0x400;
	s28 =	simm.s32 $0x500;
	s26 =	simm.s32 $0x600  }
0x13e: {  	s25 =	simm.s32 $0x700;
	s23 =	simm.s32 $0x800;
	s21 =	stileid.u32  }
.LBB2_6:
0x13f: {  	[sflag:s8] =	ssyncadd.s32 @p0 $0xFFFFE000  }
0x140: {  	[tilespmem:s24], [sflag:$0x5] =	stream.linear.gather [hbm4b:s0+s24], $0xA00, $0x38;
	[tilespmem:$0x8A00] =	vst v63  }
0x141: {  	_ =	swait.ge [sflag:s31], $0xA00  }
0x142: {  	[sflag:s31] =	ssyncset.done $0x0  }
0x143: {  	[sflag:s31] =	ssyncadd.s32 $0xFFFFF600  }
0x144: {  	[tilespmem:s14], [sflag:$0x1] =	stream.indirect.gather [hbm4b:s2+s13], $0x40, s24, s13, $0xb8;
	[tilespmem:$0x8A00] =	vst v63  }
0x145: {  	_ =	swait.ge [sflag:s19], $0x4000  }
0x146: {  	[sflag:s19] =	ssyncset.done $0x0  }
0x147: {  	[sflag:s19] =	ssyncadd.s32 $0xFFFFC000  }
0x148: {  	[tilespmem:s5], [sflag:$0x2] =	stream.indirect.gather [hbm4b:s2+s13], $0x40, s13, s13, $0xb8;
	[tilespmem:$0x8A00] =	vst v63  }
0x149: {  	s31 =	rddreg [dreg:$0x3]  }
0x14a: {  	[hbm4b:s31+s6] =	stream.strided.scatter [tilespmem:s14], [sflag:$0x3], $0x2000, s7, s6, $0x38;
	[tilespmem:$0x8A00] =	vst v63  }
0x14b: {  	s1 =	rddreg [dreg:$0x4]  }
0x14c: {  	[hbm4b:s1+s6] =	stream.strided.scatter [tilespmem:s18], [sflag:$0x3], $0x2000, s7, s6, $0x38;
	[tilespmem:$0x8A00] =	vst v63  }
0x14d: {  	_ =	swait.ge [sflag:s16], $0x4000  }
0x14e: {  	[sflag:s16] =	ssyncset.done $0x0  }
0x14f: {  	[sflag:s16] =	ssyncadd.s32 $0xFFFFC000  }
0x150: {  	_ =	swait.ge [sflag:s11], $0x2000  }
0x151: {  	[sflag:s11] =	ssyncset.done $0x0  }
0x152: {  	[sflag:s11] =	ssyncadd.s32 $0xFFFFE000  }
0x153: {  	_ =	swait.ge [sflag:s11], $0x2000  }
0x154: {  	[sflag:s11] =	ssyncset.done $0x0  }
0x155: {  	[sflag:s11] =	ssyncadd.s32 $0xFFFFE000  }
0x156: {  	[tilespmem:s14], [sflag:$0x1] =	stream.indirect.gather [hbm4b:s2+s13], $0x40, s22, s13, $0xb8;
	[tilespmem:$0x8A00] =	vst v63  }
0x157: {  	s24 =	rddreg [dreg:$0x5]  }
0x158: {  	[hbm4b:s24+s6] =	stream.strided.scatter [tilespmem:s5], [sflag:$0x4], $0x2000, s7, s6, $0x38;
	[tilespmem:$0x8A00] =	vst v63  }
0x159: {  	s31 =	rddreg [dreg:$0x6]  }
0x15a: {  	[hbm4b:s31+s6] =	stream.strided.scatter [tilespmem:s12], [sflag:$0x4], $0x2000, s7, s6, $0x38;
	[tilespmem:$0x8A00] =	vst v63  }
0x15b: {  	_ =	swait.ge [sflag:s19], $0x4000  }
0x15c: {  	[sflag:s19] =	ssyncset.done $0x0  }
0x15d: {  	[sflag:s19] =	ssyncadd.s32 $0xFFFFC000  }
0x15e: {  	_ =	swait.ge [sflag:s8], $0x2000  }
0x15f: {  	[sflag:s8] =	ssyncset.done $0x0  }
0x160: {  	[sflag:s8] =	ssyncadd.s32 $0xFFFFE000  }
0x161: {  	_ =	swait.ge [sflag:s8], $0x2000  }
0x162: {  	[sflag:s8] =	ssyncset.done $0x0  }
0x163: {  	[sflag:s8] =	ssyncadd.s32 $0xFFFFE000  }
0x164: {  	[tilespmem:s5], [sflag:$0x2] =	stream.indirect.gather [hbm4b:s2+s13], $0x40, s30, s13, $0xb8;
	[tilespmem:$0x8A00] =	vst v63  }
0x165: {  	s22 =	rddreg [dreg:$0x7]  }
0x166: {  	[hbm4b:s22+s6] =	stream.strided.scatter [tilespmem:s14], [sflag:$0x3], $0x2000, s7, s6, $0x38;
	[tilespmem:$0x8A00] =	vst v63  }
0x167: {  	s24 =	rddreg [dreg:$0x8]  }
0x168: {  	[hbm4b:s24+s6] =	stream.strided.scatter [tilespmem:s18], [sflag:$0x3], $0x2000, s7, s6, $0x38;
	[tilespmem:$0x8A00] =	vst v63  }
0x169: {  	_ =	swait.ge [sflag:s16], $0x4000  }
0x16a: {  	[sflag:s16] =	ssyncset.done $0x0  }
0x16b: {  	[sflag:s16] =	ssyncadd.s32 $0xFFFFC000  }
0x16c: {  	_ =	swait.ge [sflag:s11], $0x2000  }
0x16d: {  	[sflag:s11] =	ssyncset.done $0x0  }
0x16e: {  	[sflag:s11] =	ssyncadd.s32 $0xFFFFE000  }
0x16f: {  	_ =	swait.ge [sflag:s11], $0x2000  }
0x170: {  	[sflag:s11] =	ssyncset.done $0x0  }
0x171: {  	[sflag:s11] =	ssyncadd.s32 $0xFFFFE000  }
0x172: {  	[tilespmem:s14], [sflag:$0x1] =	stream.indirect.gather [hbm4b:s2+s13], $0x40, s29, s13, $0xb8;
	[tilespmem:$0x8A00] =	vst v63  }
0x173: {  	s30 =	rddreg [dreg:$0x9]  }
0x174: {  	[hbm4b:s30+s6] =	stream.strided.scatter [tilespmem:s5], [sflag:$0x4], $0x2000, s7, s6, $0x38;
	[tilespmem:$0x8A00] =	vst v63  }
0x175: {  	s31 =	rddreg [dreg:$0xa]  }
0x176: {  	[hbm4b:s31+s6] =	stream.strided.scatter [tilespmem:s12], [sflag:$0x4], $0x2000, s7, s6, $0x38;
	[tilespmem:$0x8A00] =	vst v63  }
0x177: {  	_ =	swait.ge [sflag:s19], $0x4000  }
0x178: {  	[sflag:s19] =	ssyncset.done $0x0  }
0x179: {  	[sflag:s19] =	ssyncadd.s32 $0xFFFFC000  }
0x17a: {  	_ =	swait.ge [sflag:s8], $0x2000  }
0x17b: {  	[sflag:s8] =	ssyncset.done $0x0  }
0x17c: {  	[sflag:s8] =	ssyncadd.s32 $0xFFFFE000  }
0x17d: {  	_ =	swait.ge [sflag:s8], $0x2000  }
0x17e: {  	[sflag:s8] =	ssyncset.done $0x0  }
0x17f: {  	[sflag:s8] =	ssyncadd.s32 $0xFFFFE000  }
0x180: {  	[tilespmem:s5], [sflag:$0x2] =	stream.indirect.gather [hbm4b:s2+s13], $0x40, s28, s13, $0xb8;
	[tilespmem:$0x8A00] =	vst v63  }
0x181: {  	s22 =	rddreg [dreg:$0xb]  }
0x182: {  	[hbm4b:s22+s6] =	stream.strided.scatter [tilespmem:s14], [sflag:$0x3], $0x2000, s7, s6, $0x38;
	[tilespmem:$0x8A00] =	vst v63  }
0x183: {  	s24 =	rddreg [dreg:$0xc]  }
0x184: {  	[hbm4b:s24+s6] =	stream.strided.scatter [tilespmem:s18], [sflag:$0x3], $0x2000, s7, s6, $0x38;
	[tilespmem:$0x8A00] =	vst v63  }
0x185: {  	_ =	swait.ge [sflag:s16], $0x4000  }
0x186: {  	[sflag:s16] =	ssyncset.done $0x0  }
0x187: {  	[sflag:s16] =	ssyncadd.s32 $0xFFFFC000  }
0x188: {  	_ =	swait.ge [sflag:s11], $0x2000  }
0x189: {  	[sflag:s11] =	ssyncset.done $0x0  }
0x18a: {  	[sflag:s11] =	ssyncadd.s32 $0xFFFFE000  }
0x18b: {  	_ =	swait.ge [sflag:s11], $0x2000  }
0x18c: {  	[sflag:s11] =	ssyncset.done $0x0  }
0x18d: {  	[sflag:s11] =	ssyncadd.s32 $0xFFFFE000  }
0x18e: {  	[tilespmem:s14], [sflag:$0x1] =	stream.indirect.gather [hbm4b:s2+s13], $0x40, s26, s13, $0xb8;
	[tilespmem:$0x8A00] =	vst v63  }
0x18f: {  	s28 =	rddreg [dreg:$0xd]  }
0x190: {  	[hbm4b:s28+s6] =	stream.strided.scatter [tilespmem:s5], [sflag:$0x4], $0x2000, s7, s6, $0x38;
	[tilespmem:$0x8A00] =	vst v63  }
0x191: {  	s29 =	rddreg [dreg:$0xe]  }
0x192: {  	[hbm4b:s29+s6] =	stream.strided.scatter [tilespmem:s12], [sflag:$0x4], $0x2000, s7, s6, $0x38;
	[tilespmem:$0x8A00] =	vst v63  }
0x193: {  	_ =	swait.ge [sflag:s19], $0x4000  }
0x194: {  	[sflag:s19] =	ssyncset.done $0x0  }
0x195: {  	[sflag:s19] =	ssyncadd.s32 $0xFFFFC000  }
0x196: {  	_ =	swait.ge [sflag:s8], $0x2000  }
0x197: {  	[sflag:s8] =	ssyncset.done $0x0  }
0x198: {  	[sflag:s8] =	ssyncadd.s32 $0xFFFFE000  }
0x199: {  	_ =	swait.ge [sflag:s8], $0x2000  }
0x19a: {  	[sflag:s8] =	ssyncset.done $0x0  }
0x19b: {  	[sflag:s8] =	ssyncadd.s32 $0xFFFFE000  }
0x19c: {  	[tilespmem:s5], [sflag:$0x2] =	stream.indirect.gather [hbm4b:s2+s13], $0x40, s25, s13, $0xb8;
	[tilespmem:$0x8A00] =	vst v63  }
0x19d: {  	s30 =	rddreg [dreg:$0xf]  }
0x19e: {  	[hbm4b:s30+s6] =	stream.strided.scatter [tilespmem:s14], [sflag:$0x3], $0x2000, s7, s6, $0x38;
	[tilespmem:$0x8A00] =	vst v63  }
0x19f: {  	_ = 	snop  }
0x1a0: {  	[hbm4b:s20+s6] =	stream.strided.scatter [tilespmem:s18], [sflag:$0x3], $0x2000, s7, s6, $0x38;
	[tilespmem:$0x8A00] =	vst v63  }
0x1a1: {  	_ =	swait.ge [sflag:s16], $0x4000  }
0x1a2: {  	[sflag:s16] =	ssyncset.done $0x0  }
0x1a3: {  	[sflag:s16] =	ssyncadd.s32 $0xFFFFC000  }
0x1a4: {  	_ =	swait.ge [sflag:s11], $0x2000  }
0x1a5: {  	[sflag:s11] =	ssyncset.done $0x0  }
0x1a6: {  	[sflag:s11] =	ssyncadd.s32 $0xFFFFE000  }
0x1a7: {  	_ =	swait.ge [sflag:s11], $0x2000  }
0x1a8: {  	[sflag:s11] =	ssyncset.done $0x0  }
0x1a9: {  	[sflag:s11] =	ssyncadd.s32 $0xFFFFE000  }
0x1aa: {  	[tilespmem:s14], [sflag:$0x1] =	stream.indirect.gather [hbm4b:s2+s13], $0x40, s23, s13, $0xb8;
	[tilespmem:$0x8A00] =	vst v63  }
0x1ab: {  	_ = 	snop  }
0x1ac: {  	[hbm4b:s15+s6] =	stream.strided.scatter [tilespmem:s5], [sflag:$0x4], $0x2000, s7, s6, $0x38;
	[tilespmem:$0x8A00] =	vst v63  }
0x1ad: {  	_ = 	snop  }
0x1ae: {  	[hbm4b:s17+s6] =	stream.strided.scatter [tilespmem:s12], [sflag:$0x4], $0x2000, s7, s6, $0x38;
	[tilespmem:$0x8A00] =	vst v63  }
0x1af: {  	_ =	swait.ge [sflag:s19], $0x4000  }
0x1b0: {  	[sflag:s19] =	ssyncset.done $0x0  }
0x1b1: {  	[sflag:s19] =	ssyncadd.s32 $0xFFFFC000  }
0x1b2: {  	_ =	swait.ge [sflag:s8], $0x2000  }
0x1b3: {  	[sflag:s8] =	ssyncset.done $0x0  }
0x1b4: {  	[sflag:s8] =	ssyncadd.s32 $0xFFFFE000  }
0x1b5: {  	_ =	swait.ge [sflag:s8], $0x2000  }
0x1b6: {  	[sflag:s8] =	ssyncset.done $0x0  }
0x1b7: {  	s31 =	simm.s32 $0x900;
	[sflag:s8] =	ssyncadd.s32 $0xFFFFE000  }
0x1b8: {  	[tilespmem:s5], [sflag:$0x2] =	stream.indirect.gather [hbm4b:s2+s13], $0x40, s31, s13, $0xb8;
	[tilespmem:$0x8A00] =	vst v63  }
0x1b9: {  	_ = 	snop  }
0x1ba: {  	[hbm4b:s9+s6] =	stream.strided.scatter [tilespmem:s14], [sflag:$0x3], $0x2000, s7, s6, $0x38;
	[tilespmem:$0x8A00] =	vst v63  }
0x1bb: {  	_ = 	snop  }
0x1bc: {  	[hbm4b:s10+s6] =	stream.strided.scatter [tilespmem:s18], [sflag:$0x3], $0x2000, s7, s6, $0x38;
	[tilespmem:$0x8A00] =	vst v63  }
0x1bd: {  	_ =	swait.ge [sflag:s16], $0x4000  }
0x1be: {  	[sflag:s16] =	ssyncset.done $0x0  }
0x1bf: {  	[sflag:s16] =	ssyncadd.s32 $0xFFFFC000  }
0x1c0: {  	_ =	swait.ge [sflag:s11], $0x2000  }
0x1c1: {  	[sflag:s11] =	ssyncset.done $0x0  }
0x1c2: {  	[sflag:s11] =	ssyncadd.s32 $0xFFFFE000  }
0x1c3: {  	_ =	swait.ge [sflag:s11], $0x2000  }
0x1c4: {  	[sflag:s11] =	ssyncset.done $0x0  }
0x1c5: {  	[sflag:s11] =	ssyncadd.s32 $0xFFFFE000  }
0x1c6: {  	[hbm4b:s3+s6] =	stream.strided.scatter [tilespmem:s5], [sflag:$0x4], $0x2000, s7, s6, $0x38;
	[tilespmem:$0x8A00] =	vst v63  }
0x1c7: {  	_ = 	snop  }
0x1c8: {  	[hbm4b:s4+s6] =	stream.strided.scatter [tilespmem:s12], [sflag:$0x4], $0x2000, s7, s6, $0x38;
	[tilespmem:$0x8A00] =	vst v63  }
0x1c9: {  	_ =	swait.ge [sflag:s8], $0x2000  }
0x1ca: {  	[sflag:s8] =	ssyncset.done $0x0  }
0x1cb: {  	[sflag:s8] =	ssyncadd.s32 $0xFFFFE000  }
0x1cc: {  	_ =	swait.ge [sflag:s8], $0x2000  }
0x1cd: {  	[sflag:s8] =	ssyncset.done $0x0  }
0x1ce: {  	[sflag:s8] =	ssyncadd.s32 $0xFFFFE000  }
0x1cf: {  	_ =	sfence.sel $0x180000  }
0x1d0: {  	[bflag:$0x0] =	sbarrier.arrive $0xFFFF  }
0x1d1: {  	_ =	strace $0x90000050  }
0x1d2: {  	[bflag:$0x2] =	sbarrier.arrive $0xFFFF  }
0x1d3: {  	p0 =	sne.s32 s21, $0x0;
	s0 =	rddreg [dreg:$0x1]  }
0x1d4: {  	s0 =	sadd.s32 @!p0 $0x100000, s0  }
0x1d5: {  	[sflag:s0] =	ssyncadd.tile.s32 @!p0 $0x1;
	_ =	shalt  }
.LBB2_1:
.Ltmp3:
0x1d6: {  	(pc) =	sbr.rel .LBB2_6-.Ltmp3, $4  }
0x1d7: {  	_ = 	snop  }
0x1d8: {  	s22 =	simm.s32 $0x200  }
0x1d9: {  	s30 =	simm.s32 $0x300;
	s29 =	simm.s32 $0x400;
	s28 =	simm.s32 $0x500  }
0x1da: {  	s26 =	simm.s32 $0x600;
	s25 =	simm.s32 $0x700;
	s23 =	simm.s32 $0x800  }
.LBB2_3:
.Ltmp4:
0x1db: {  	(pc) =	sbr.rel .LBB2_6-.Ltmp4, $4  }
0x1dc: {  	_ = 	snop  }
0x1dd: {  	s22 =	simm.s32 $0x200;
	s30 =	simm.s32 $0x300  }
0x1de: {  	s29 =	simm.s32 $0x400;
	s28 =	simm.s32 $0x500;
	s26 =	simm.s32 $0x600  }
0x1df: {  	s25 =	simm.s32 $0x700;
	s23 =	simm.s32 $0x800;
	s21 =	stileid.u32  }
.Lfunc_end2:
_tile_overlayer_lowered:
.L_overlay_start_2:
0x1e0: {  	(tag) =	ssettag $0x2  }
0x1e1: {  	s0 =	rddreg [dreg:$0x0];
	s2 =	stileid.u32  }
0x1e2: {  	s1 =	rddreg [dreg:$0x1];
	p0 =	sne.s32 s2, $0x0  }
0x1e3: {  	s3 =	rddreg [dreg:$0x2];
	[bflag:$0x3] =	sbarrier.arrive $0xFFFF;
	s2 =	simm.s32 @!p0 $0x1C05  }
0x1e4: {  	[timem:s3], [sflag:s2] =	dma.local @!p0 [hbm:s0], s1  }
0x1e5: {  	s0 =	simm.s32 @!p0 $0x5  }
0x1e6: {  	_ =	swait.ge @!p0 [sflag:s0], s1  }
0x1e7: {  	s1 =	ssub.s32 @!p0 $0x0, s1;
	[sflag:s0] =	ssyncset.done @!p0 $0x0  }
0x1e8: {  	[sflag:s0] =	ssyncadd.s32 @!p0 s1  }
0x1e9: {  	[bflag:$0x3] =	sbarrier.arrive $0xFFFF  }
0x1ea: {  	_ =	shalt  }

// kernel: kernel.20.cloned.1.call-start
scs
__scs_entry_jumppad:
0x0: {  	(pc) =	sbr.rel $0x88, $3  }
0x1: {  	(tag) =	ssettag $0x0;
	lr =	simm.s32 $0x1  }
0x2: {  	[smem:$0x3F97] =	sst lr;
	_ =	strace $0xD0000000  }
0x3: {  	_ = 	snop  }
0x4: {  	_ = 	snop  }
0x5: {  	_ = 	snop  }
0x6: {  	_ = 	snop  }
0x7: {  	_ = 	snop  }
__scs_overlays_trampoline_lowered:
0x8: {  	[smem:$0x3FA6] =	sst s0  }
0x9: {  	[smem:$0x3FA7] =	sst s1  }
0xa: {  	[smem:$0x3FA8] =	sst s2  }
0xb: {  	[smem:$0x3FA9] =	sst s3  }
0xc: {  	[smem:$0x3FAA] =	sst s4  }
0xd: {  	[smem:$0x3FAB] =	sst s5  }
0xe: {  	[smem:$0x3FAC] =	sst s6  }
0xf: {  	[smem:$0x3FAD] =	sst s7  }
0x10: {  	[smem:$0x3FAE] =	sst s8  }
0x11: {  	[smem:$0x3FAF] =	sst s9;
	s0 =	simm.s32 @!p0 $0x0  }
0x12: {  	s1 =	sld [smem:$0x3F95];
	s0 =	simm.s32 @p0 $0x1  }
0x13: {  	[smem:$0x3FB0] =	sst s0;
	s0 =	simm.s32 @!p1 $0x0  }
0x14: {  	s2 =	sld [smem:$0x3F94];
	s0 =	simm.s32 @p1 $0x1  }
0x15: {  	[smem:$0x3FB1] =	sst s0;
	s0 =	simm.s32 @!p2 $0x0  }
0x16: {  	s3 =	sld [smem:$0x3FDB];
	s0 =	simm.s32 @p2 $0x1  }
0x17: {  	s4 =	simm.s32 $0x1BF5;
	[smem:$0x3FB3] =	sst s0  }
0x18: {  	s0 =	sld [smem:$0x3F96];
	_ =	swait.ge [sflag:s4], $0x0  }
0x19: {  	s7 =	sld [smem:$0x3F97]  }
0x1a: {  	s8 =	sadd.s32 $0xFFFFE003, lr  }
0x1b: {  	s9 =	sadd.s32 $0xFFFFFEF7, lr;
	s5 =	simm.s32 $0xFFFFFFFF;
	p2 =	slt.u32 s8, $0xFFFFF086  }
0x1c: {  	p1 =	slt.u32 s9, $0xF7A;
	s5 =	simm.s32 @!p2 $0x0  }
0x1d: {  	s5 =	simm.s32 @p1 $0x1;
	p0 =	seq.s32 s7, s2  }
0x1e: {  	s7 =	smul.u32 @!p0 $0xF7A, s2;
	p2 =	seq.s32 @!p0 s5, $0x0  }
0x1f: {  	s9 =	smul.u32 $0xF7A, s1;
	s8 =	simm.s32 @!p0 $0x1BF5;
	p2 =	por !p2, p0  }
0x20: {  	[sflag:s8] =	ssyncset.s32 @!p0 $0xFFFFF086;
	s6 =	sadd.s32 @!p0 s3, s7;
	s7 =	simm.s32 @!p0 $0x108  }
0x21: {  	s3 =	sadd.s32 s3, s9;
	s6 =	sadd.s32 @!p0 $0x88, s6;
	s7 =	simm.s32 @p2 $0x1082  }
0x22: {  	[simem:s7], [sflag:s8] =	dma.local @!p0 [hbm:s6], $0xF7A  }
0x23: {  	s9 =	sor.u32 $0xD0000000, s2;
	s6 =	simm.s32 $0x108;
	_ =	swait.ge @!p0 [sflag:s8], $0x0  }
0x24: {  	s3 =	sadd.s32 $0x88, s3;
	s6 =	simm.s32 @!p1 $0x1082;
	[sflag:s4] =	ssyncset.s32 $0xFFFFF086  }
0x25: {  	[simem:s6], [sflag:s4] =	dma.local [hbm:s3], $0xF7A  }
0x26: {  	[smem:$0x3F97] =	sst s1;
	(tag) =	ssettag s2;
	_ =	strace s9  }
0x27: {  	s1 =	sld [smem:$0x3FA7]  }
0x28: {  	s2 =	sld [smem:$0x3FA8]  }
0x29: {  	s4 =	sld [smem:$0x3FAA]  }
0x2a: {  	p0 =	seq.s32 s5, $0x0;
	s5 =	sld [smem:$0x3FAB]  }
0x2b: {  	s6 =	sld [smem:$0x3FAC]  }
0x2c: {  	s7 =	sld [smem:$0x3FAD]  }
0x2d: {  	s3 =	simm.s32 $0x108;
	s8 =	sld [smem:$0x3FAE]  }
0x2e: {  	s3 =	simm.s32 @!p0 $0x1082;
	s9 =	sld [smem:$0x3FAF]  }
0x2f: {  	lr =	sadd.s32 s0, s3;
	s0 =	sld [smem:$0x3FA6]  }
0x30: {  	s3 =	sld [smem:$0x3FA9]  }
0x31: {  	[smem:$0x3FB2] =	sst s10  }
0x32: {  	s10 =	sld [smem:$0x3FB0];
	_ =	sdelay $0x3  }
0x33: {  	p0 =	seq.s32 s10, $0x1;
	s10 =	sld [smem:$0x3FB2];
	_ =	sdelay $0x3  }
0x34: {  	[smem:$0x3FB2] =	sst s10  }
0x35: {  	s10 =	sld [smem:$0x3FB1];
	_ =	sdelay $0x3  }
0x36: {  	p1 =	seq.s32 s10, $0x1;
	s10 =	sld [smem:$0x3FB2];
	_ =	sdelay $0x3  }
0x37: {  	[smem:$0x3FB2] =	sst s10  }
0x38: {  	s10 =	sld [smem:$0x3FB3]  }
0x39: {  	_ = 	snop;
	(pc) =	sbr.ind lr, $3  }
0x3a: {  	_ = 	snop  }
0x3b: {  	_ = 	snop  }
0x3c: {  	p2 =	seq.s32 s10, $0x1;
	s10 =	sld [smem:$0x3FB2]  }
0x3d: {  	_ =	shalt  }
0x3e: {  	_ =	shalt  }
0x3f: {  	_ =	shalt  }
0x40: {  	_ =	shalt  }
0x41: {  	_ =	shalt  }
0x42: {  	_ =	shalt  }
0x43: {  	_ =	shalt  }
0x44: {  	_ =	shalt  }
0x45: {  	_ =	shalt  }
0x46: {  	_ =	shalt  }
0x47: {  	_ =	shalt  }
0x48: {  	_ =	shalt  }
0x49: {  	_ =	shalt  }
0x4a: {  	_ =	shalt  }
0x4b: {  	_ =	shalt  }
0x4c: {  	_ =	shalt  }
0x4d: {  	_ =	shalt  }
0x4e: {  	_ =	shalt  }
0x4f: {  	_ =	shalt  }
0x50: {  	_ =	shalt  }
0x51: {  	_ =	shalt  }
0x52: {  	_ =	shalt  }
0x53: {  	_ =	shalt  }
0x54: {  	_ =	shalt  }
0x55: {  	_ =	shalt  }
0x56: {  	_ =	shalt  }
0x57: {  	_ =	shalt  }
0x58: {  	_ =	shalt  }
0x59: {  	_ =	shalt  }
0x5a: {  	_ =	shalt  }
0x5b: {  	_ =	shalt  }
0x5c: {  	_ =	shalt  }
0x5d: {  	_ =	shalt  }
0x5e: {  	_ =	shalt  }
0x5f: {  	_ =	shalt  }
0x60: {  	_ =	shalt  }
0x61: {  	_ =	shalt  }
0x62: {  	_ =	shalt  }
0x63: {  	_ =	shalt  }
0x64: {  	_ =	shalt  }
0x65: {  	_ =	shalt  }
0x66: {  	_ =	shalt  }
0x67: {  	_ =	shalt  }
0x68: {  	_ =	shalt  }
0x69: {  	_ =	shalt  }
0x6a: {  	_ =	shalt  }
0x6b: {  	_ =	shalt  }
0x6c: {  	_ =	shalt  }
0x6d: {  	_ =	shalt  }
0x6e: {  	_ =	shalt  }
0x6f: {  	_ =	shalt  }
0x70: {  	_ =	shalt  }
0x71: {  	_ =	shalt  }
0x72: {  	_ =	shalt  }
0x73: {  	_ =	shalt  }
0x74: {  	_ =	shalt  }
0x75: {  	_ =	shalt  }
0x76: {  	_ =	shalt  }
0x77: {  	_ =	shalt  }
0x78: {  	_ =	shalt  }
0x79: {  	_ =	shalt  }
0x7a: {  	_ =	shalt  }
0x7b: {  	_ =	shalt  }
0x7c: {  	_ =	shalt  }
0x7d: {  	_ =	shalt  }
0x7e: {  	_ =	shalt  }
0x7f: {  	_ =	shalt  }
0x80: {  	_ =	shalt  }
0x81: {  	_ =	shalt  }
0x82: {  	_ =	shalt  }
0x83: {  	_ =	shalt  }
0x84: {  	_ =	shalt  }
0x85: {  	_ =	shalt  }
0x86: {  	_ =	shalt  }
0x87: {  	_ =	shalt  }
.Lfunc_end0:
.L_simem_size_0:
called_computation.2_lowered:
.L_overlay_start_0:
0x88: {  	s2 =	sld [smem:$0x3FD9]  }
0x89: {  	s3 =	sld [smem:$0x3FFE];
	_ =	sdelay $0x1  }
0x8a: {  	s1 =	srdreg.scid  }
0x8b: {  	s0 =	sand.u32 $0x1, s1  }
0x8c: {  	s17 =	sshll.u32 s0, $0xA;
	s2 =	sadd.s32 s3, s2  }
0x8d: {  	s2 =	sadd.s32 s2, s17  }
0x8e: {  	[smem:$0x3FBE] =	sst s2  }
0x8f: {  	_ = 	snop  }
0x90: {  	s18 =	sld [smem:$0x3FD0];
	(tm) =	ssettm $0x1  }
0x91: {  	s19 =	sld [smem:$0x3FFB];
	_ =	sdelay $0x3  }
0x92: {  	_ =	strace s19  }
0x93: {  	s2 =	sld [smem:$0x3FFC];
	_ =	sdelay $0x3  }
0x94: {  	_ =	strace s2  }
0x95: {  	s2 =	sld [smem:$0x3FFD];
	_ =	sdelay $0x3  }
0x96: {  	_ =	strace s2  }
0x97: {  	_ =	strace $0x8FFFFFFF  }
0x98: {  	s20 =	sld [smem:$0x3FDB];
	_ =	sdelay $0x1  }
0x99: {  	s4 =	simm.s32 $_scs_section_size  }
0x9a: {  	s5 =	simm.s32 $_size__tile_overlayer_lowered;
	s6 =	simm.s32 $_tile_overlayer_lowered  }
0x9b: {  	s7 =	simm.s32 $0x1BFF;
	s21 =	sshll.u32 s6, $0x1;
	s4 =	sadd.s32 s4, s20  }
0x9c: {  	s22 =	simm.s32 $0x0;
	s5 =	sshll.u32 s5, $0x1;
	s6 =	sadd.s32 s21, s4  }
0x9d: {  	[timem:s22], [sflag:s7] =	dma.local [hbm:s6], s5  }
0x9e: {  	_ =	swait.ge [sflag:s7], s5  }
0x9f: {  	s5 =	ssub.s32 $0x0, s5;
	[sflag:s7] =	ssyncset.done $0x0  }
0xa0: {  	[sflag:s7] =	ssyncadd.s32 s5;
	_ =	sdelay $0x1  }
0xa1: {  	s23 =	simm.s32 $0x1B8B  }
0xa2: {  	_ =	swait.ge [sflag:s23], $0x1  }
0xa3: {  	[sflag:s23] =	ssyncset.done $0x0  }
0xa4: {  	[sflag:s23] =	ssyncadd.s32 $0xFFFFFFFF  }
0xa5: {  	s5 =	sld [smem:$0x0]  }
0xa6: {  	s6 =	sand.u32 $0xFFFFFFFE, s1  }
0xa7: {  	p0 =	sne.s32 s1, s6  }
0xa8: {  	s6 =	sshll.u32 @p0 s6, $0xE  }
0xa9: {  	s6 =	sadd.s32 @p0 $0x11B8D, s6;
	s7 =	sshll.u32 @p0 s5, $0x11  }
0xaa: {  	s6 =	sor.u32 @p0 s7, s6  }
0xab: {  	[sflag:s6] =	ssyncadd.remote.s32 @p0 $0x1;
	_ =	sdelay $0x1  }
0xac: {  	s6 =	simm.s32 @p0 $0x1B8D  }
0xad: {  	_ =	swait.eq @p0 [sflag:s6], $0x1  }
0xae: {  	[sflag:s6] =	ssyncadd.s32 @p0 $0xFFFFFFFF  }
0xaf: {  	s7 =	sshll.u32 @!p0 s1, $0xE  }
0xb0: {  	s7 =	sor.u32 @!p0 $0x4000, s7;
	s6 =	simm.s32 @!p0 $0x1B8D  }
0xb1: {  	s5 =	sshll.u32 @!p0 s5, $0x11;
	s7 =	sadd.s32 @!p0 $0x11B8D, s7;
	_ =	swait.eq @!p0 [sflag:s6], $0x1  }
0xb2: {  	s5 =	sor.u32 @!p0 s5, s7;
	[sflag:s6] =	ssyncadd.s32 @!p0 $0xFFFFFFFF  }
0xb3: {  	s25 =	simm.s32 $0x1B8E;
	s24 =	sld [smem:$0x3FFE];
	[sflag:s5] =	ssyncadd.remote.s32 @!p0 $0x1  }
0xb4: {  	s26 =	simm.s32 $execute0_lowered;
	[smem:$0x3FD2] =	sst s25  }
0xb5: {  	s6 =	sshll.u32 s26, $0x1;
	_ =	strace $0x8000004C;
	[dreg:$0x1] =	wrdreg $0xFFFFFFFF  }
0xb6: {  	s28 =	simm.s32 $_size_execute0_lowered;
	s4 =	sadd.s32 s4, s6;
	[dreg:$0x0] =	wrdreg $0x0  }
0xb7: {  	s6 =	sshll.u32 s28, $0x1;
	[dreg:$0x2] =	wrdreg s4  }
0xb8: {  	[dreg:$0x3] =	wrdreg s6  }
0xb9: {  	[dreg:$0x4] =	wrdreg $0xC0  }
0xba: {  	_ =	task [dreg:s22], $0x5FFFF  }
0xbb: {  	[dreg:$0x1] =	wrdreg $0xFFFFFFFF  }
0xbc: {  	[dreg:$0x0] =	wrdreg $0x60  }
0xbd: {  	[dreg:$0x2] =	wrdreg s24  }
0xbe: {  	[dreg:$0x3] =	wrdreg s18  }
0xbf: {  	[dreg:$0x4] =	wrdreg $0xA  }
0xc0: {  	_ =	task.clear_ibuf [dreg:s22], $0x5FFFF;
	_ =	strace $0x9000004C  }
0xc1: {  	s29 =	simm.s32 $0xA;
	_ =	strace $0x8000004E  }
0xc2: {  	_ =	swait.ge [sflag:s29], $0x1  }
0xc3: {  	[sflag:s29] =	ssyncadd.s32 $0xFFFFFFFF  }
0xc4: {  	_ =	strace $0x9000004E  }
0xc5: {  	_ =	sfence  }
0xc6: {  	s30 =	sld [smem:$0x0];
	_ =	sdelay $0x2  }
0xc7: {  	s31 =	sshll.u32 s1, $0xD;
	s1 =	sshrl.u32 s1, $0x2  }
0xc8: {  	s4 =	sand.u32 $0x4000, s31;
	s1 =	sadd.s32 s1, s30  }
0xc9: {  	s0 =	sor.u32 s4, s0;
	s1 =	sshll.u32 s1, $0x11  }
0xca: {  	s0 =	sor.u32 s1, s0  }
0xcb: {  	s0 =	sadd.s32 $0x8F2B, s0  }
0xcc: {  	[sflag:s0] =	ssyncadd.remote.s32 $0x1  }
0xcd: {  	_ =	sfence.sel $0xFFFF  }
0xce: {  	[dreg:$0x0] =	wrdreg $0xFFFFFFFF;
	(pc) =	sbr.abs _section_cstart, $3  }
0xcf: {  	[dreg:$0x1] =	wrdreg $0xFFFFFFFF  }
0xd0: {  	_ =	task.clear_ibuf [dreg:s22], $0x2FFFF;
	_ =	strace $0x9FFFFFFF  }
0xd1: {  	(tm) =	ssettm $0x7FFFFFFF  }
tec
execute0_lowered:
.L_overlay_start_1:
0x0: {  	(tag) =	ssettag $0x1  }
0x1: {  	s0 =	srdreg.scid;
	s1 =	rddreg [dreg:$0x0]  }
0x2: {  	s21 =	stileid.u32;
	s3 =	rddreg [dreg:$0x1]  }
0x3: {  	s24 =	simm.s32 $0x0;
	s31 =	simm.s32 $0x5;
	s0 =	sand.u32 $0x1, s0  }
0x4: {  	s30 =	simm.s32 $0x300;
	p0 =	por $0x0, $0x0;
	s2 =	sshll.u32 s0, $0x4  }
0x5: {  	s29 =	simm.s32 $0x400;
	s28 =	simm.s32 $0x500;
	s2 =	sor.u32 s21, s2  }
0x6: {  	[smem:$0x7FF] =	sst s24;
	s0 =	ssub.s32 $0x2, s0;
	s4 =	smul.u32 $0x140, s2  }
0x7: {  	s5 =	sadd.s32 $0x170600, s1;
	s17 =	sshrl.u32 s0, $0x1;
	s2 =	smul.u32 $0x28000, s2  }
0x8: {  	s6 =	sadd.s32 $0x170608, s1;
	_ =	strace $0x8000004D;
	s0 =	ssub.s32 s0, s17  }
0x9: {  	s0 =	smax.u32 s0, $0x1;
	s3 =	sadd.s32 s3, s4;
	s4 =	sshrl.u32 s2, $0x3  }
0xa: {  	p1 =	sne.s32 s0, $0x1;
	[dreg:$0x3] =	wrdreg s3;
	s2 =	sadd.s32 s5, s4  }
0xb: {  	s25 =	sadd.s32 s4, s6;
	s26 =	sor.u32 $0x800, s4;
	s9 =	sadd.s32 $0x1000, s4  }
0xc: {  	s13 =	sadd.s32 $0x2000, s4;
	s16 =	sadd.s32 $0x2800, s4;
	[dreg:$0x4] =	wrdreg s2  }
0xd: {  	s20 =	sadd.s32 $0x3000, s4;
	[dreg:$0x5] =	wrdreg s25;
	s7 =	sadd.s32 s5, s26  }
0xe: {  	s2 =	sadd.s32 $0x1CC00, s1;
	s1 =	sadd.s32 $0xFFFFFFFF, s0;
	s0 =	rddreg [dreg:$0x3]  }
0xf: {  	s23 =	sadd.s32 $0x3800, s4;
	s8 =	sadd.s32 s26, s6;
	[dreg:$0x6] =	wrdreg s7  }
0x10: {  	s10 =	sadd.s32 s5, s9;
	s3 =	sadd.s32 s9, s6;
	[dreg:$0x7] =	wrdreg s8  }
0x11: {  	s14 =	sadd.s32 s5, s13;
	s15 =	sadd.s32 s13, s6;
	[dreg:$0x8] =	wrdreg s10  }
0x12: {  	s18 =	sadd.s32 s5, s16;
	s19 =	sadd.s32 s16, s6;
	[dreg:$0x9] =	wrdreg s3  }
0x13: {  	s22 =	sadd.s32 s5, s20;
	s20 =	sadd.s32 s20, s6;
	[dreg:$0xc] =	wrdreg s14  }
0x14: {  	s25 =	sadd.s32 $0x4000, s4;
	s17 =	sadd.s32 s23, s6;
	[dreg:$0xd] =	wrdreg s15  }
0x15: {  	s26 =	sadd.s32 $0x4800, s4;
	s13 =	simm.s32 $0x100;
	[dreg:$0xe] =	wrdreg s18  }
0x16: {  	s16 =	simm.s32 $0x2;
	s7 =	sadd.s32 $0x1800, s4;
	[dreg:$0xf] =	wrdreg s19  }
0x17: {  	[dreg:$0x10] =	wrdreg s22;
	s15 =	sadd.s32 s5, s23;
	s9 =	sadd.s32 s5, s25  }
0x18: {  	s10 =	sadd.s32 s25, s6;
	s3 =	sadd.s32 s5, s26;
	s4 =	sadd.s32 s26, s6  }
0x19: {  	s14 =	simm.s32 $0xA00;
	s19 =	simm.s32 $0x1;
	s18 =	simm.s32 $0x2A00  }
.Ltmp0:
0x1a: {  	s8 =	simm.s32 $0x4;
	s26 =	simm.s32 $0x600;
	(pc) =	sbr.rel @!p1 .LBB2_1-.Ltmp0, $4  }
0x1b: {  	s25 =	simm.s32 $0x700;
	s23 =	simm.s32 $0x800;
	s22 =	simm.s32 $0x900  }
0x1c: {  	s11 =	sadd.s32 s5, s7;
	s12 =	sadd.s32 s7, s6;
	s5 =	simm.s32 $0x4A00  }
0x1d: {  	s6 =	simm.s32 $0x40;
	s7 =	simm.s32 $0x80;
	[dreg:$0xa] =	wrdreg s11  }
0x1e: {  	[dreg:$0xb] =	wrdreg s12;
	s11 =	simm.s32 $0x3;
	s12 =	simm.s32 $0x6A00  }
0x1f: {  	[tilespmem:s24], [sflag:$0x5] =	stream.linear.gather [hbm4b:s0+s24], $0xA00, $0x38;
	[tilespmem:$0x8A00] =	vst v63  }
0x20: {  	_ =	swait.ge [sflag:s31], $0xA00  }
0x21: {  	[sflag:s31] =	ssyncset.done $0x0  }
0x22: {  	[sflag:s31] =	ssyncadd.s32 $0xFFFFF600  }
0x23: {  	[tilespmem:s14], [sflag:$0x1] =	stream.indirect.gather [hbm4b:s2+s13], $0x40, s24, s13, $0xb8;
	[tilespmem:$0x8A00] =	vst v63  }
0x24: {  	_ =	swait.ge [sflag:s19], $0x4000  }
0x25: {  	[sflag:s19] =	ssyncset.done $0x0  }
0x26: {  	[sflag:s19] =	ssyncadd.s32 $0xFFFFC000  }
0x27: {  	[tilespmem:s5], [sflag:$0x2] =	stream.indirect.gather [hbm4b:s2+s13], $0x40, s13, s13, $0xb8;
	[tilespmem:$0x8A00] =	vst v63  }
0x28: {  	s0 =	rddreg [dreg:$0x4]  }
0x29: {  	[hbm4b:s0+s6] =	stream.strided.scatter [tilespmem:s14], [sflag:$0x3], $0x2000, s7, s6, $0x38;
	[tilespmem:$0x8A00] =	vst v63  }
0x2a: {  	s21 =	smov.u32 s1;
	s1 =	rddreg [dreg:$0x5]  }
0x2b: {  	[hbm4b:s1+s6] =	stream.strided.scatter [tilespmem:s18], [sflag:$0x3], $0x2000, s7, s6, $0x38;
	[tilespmem:$0x8A00] =	vst v63  }
0x2c: {  	_ =	swait.ge [sflag:s16], $0x4000  }
0x2d: {  	[sflag:s16] =	ssyncset.done $0x0  }
0x2e: {  	[sflag:s16] =	ssyncadd.s32 $0xFFFFC000  }
0x2f: {  	_ =	swait.ge [sflag:s11], $0x2000  }
0x30: {  	[sflag:s11] =	ssyncset.done $0x0  }
0x31: {  	[sflag:s11] =	ssyncadd.s32 $0xFFFFE000  }
0x32: {  	_ =	swait.ge [sflag:s11], $0x2000  }
0x33: {  	[sflag:s11] =	ssyncset.done $0x0  }
0x34: {  	s1 =	simm.s32 $0x200;
	[sflag:s11] =	ssyncadd.s32 $0xFFFFE000  }
0x35: {  	[tilespmem:s14], [sflag:$0x1] =	stream.indirect.gather [hbm4b:s2+s13], $0x40, s1, s13, $0xb8;
	[tilespmem:$0x8A00] =	vst v63  }
0x36: {  	s0 =	rddreg [dreg:$0x6]  }
0x37: {  	[hbm4b:s0+s6] =	stream.strided.scatter [tilespmem:s5], [sflag:$0x4], $0x2000, s7, s6, $0x38;
	[tilespmem:$0x8A00] =	vst v63  }
0x38: {  	s1 =	rddreg [dreg:$0x7]  }
0x39: {  	[hbm4b:s1+s6] =	stream.strided.scatter [tilespmem:s12], [sflag:$0x4], $0x2000, s7, s6, $0x38;
	[tilespmem:$0x8A00] =	vst v63  }
0x3a: {  	_ =	swait.ge [sflag:s19], $0x4000  }
0x3b: {  	[sflag:s19] =	ssyncset.done $0x0  }
0x3c: {  	[sflag:s19] =	ssyncadd.s32 $0xFFFFC000  }
0x3d: {  	_ =	swait.ge [sflag:s8], $0x2000  }
0x3e: {  	[sflag:s8] =	ssyncset.done $0x0  }
0x3f: {  	[sflag:s8] =	ssyncadd.s32 $0xFFFFE000  }
0x40: {  	_ =	swait.ge [sflag:s8], $0x2000  }
0x41: {  	[sflag:s8] =	ssyncset.done $0x0  }
0x42: {  	[sflag:s8] =	ssyncadd.s32 $0xFFFFE000  }
0x43: {  	[tilespmem:s5], [sflag:$0x2] =	stream.indirect.gather [hbm4b:s2+s13], $0x40, s30, s13, $0xb8;
	[tilespmem:$0x8A00] =	vst v63  }
0x44: {  	s0 =	rddreg [dreg:$0x8]  }
0x45: {  	[hbm4b:s0+s6] =	stream.strided.scatter [tilespmem:s14], [sflag:$0x3], $0x2000, s7, s6, $0x38;
	[tilespmem:$0x8A00] =	vst v63  }
0x46: {  	s1 =	rddreg [dreg:$0x9]  }
0x47: {  	[hbm4b:s1+s6] =	stream.strided.scatter [tilespmem:s18], [sflag:$0x3], $0x2000, s7, s6, $0x38;
	[tilespmem:$0x8A00] =	vst v63  }
0x48: {  	_ =	swait.ge [sflag:s16], $0x4000  }
0x49: {  	[sflag:s16] =	ssyncset.done $0x0  }
0x4a: {  	[sflag:s16] =	ssyncadd.s32 $0xFFFFC000  }
0x4b: {  	_ =	swait.ge [sflag:s11], $0x2000  }
0x4c: {  	[sflag:s11] =	ssyncset.done $0x0  }
0x4d: {  	[sflag:s11] =	ssyncadd.s32 $0xFFFFE000  }
0x4e: {  	_ =	swait.ge [sflag:s11], $0x2000  }
0x4f: {  	[sflag:s11] =	ssyncset.done $0x0  }
0x50: {  	[sflag:s11] =	ssyncadd.s32 $0xFFFFE000  }
0x51: {  	[tilespmem:s14], [sflag:$0x1] =	stream.indirect.gather [hbm4b:s2+s13], $0x40, s29, s13, $0xb8;
	[tilespmem:$0x8A00] =	vst v63  }
0x52: {  	s0 =	rddreg [dreg:$0xa]  }
0x53: {  	[hbm4b:s0+s6] =	stream.strided.scatter [tilespmem:s5], [sflag:$0x4], $0x2000, s7, s6, $0x38;
	[tilespmem:$0x8A00] =	vst v63  }
0x54: {  	s1 =	rddreg [dreg:$0xb]  }
0x55: {  	[hbm4b:s1+s6] =	stream.strided.scatter [tilespmem:s12], [sflag:$0x4], $0x2000, s7, s6, $0x38;
	[tilespmem:$0x8A00] =	vst v63  }
0x56: {  	_ =	swait.ge [sflag:s19], $0x4000  }
0x57: {  	[sflag:s19] =	ssyncset.done $0x0  }
0x58: {  	[sflag:s19] =	ssyncadd.s32 $0xFFFFC000  }
0x59: {  	_ =	swait.ge [sflag:s8], $0x2000  }
0x5a: {  	[sflag:s8] =	ssyncset.done $0x0  }
0x5b: {  	[sflag:s8] =	ssyncadd.s32 $0xFFFFE000  }
0x5c: {  	_ =	swait.ge [sflag:s8], $0x2000  }
0x5d: {  	[sflag:s8] =	ssyncset.done $0x0  }
0x5e: {  	[sflag:s8] =	ssyncadd.s32 $0xFFFFE000  }
0x5f: {  	[tilespmem:s5], [sflag:$0x2] =	stream.indirect.gather [hbm4b:s2+s13], $0x40, s28, s13, $0xb8;
	[tilespmem:$0x8A00] =	vst v63  }
0x60: {  	s0 =	rddreg [dreg:$0xc]  }
0x61: {  	[hbm4b:s0+s6] =	stream.strided.scatter [tilespmem:s14], [sflag:$0x3], $0x2000, s7, s6, $0x38;
	[tilespmem:$0x8A00] =	vst v63  }
0x62: {  	s1 =	rddreg [dreg:$0xd]  }
0x63: {  	[hbm4b:s1+s6] =	stream.strided.scatter [tilespmem:s18], [sflag:$0x3], $0x2000, s7, s6, $0x38;
	[tilespmem:$0x8A00] =	vst v63  }
0x64: {  	_ =	swait.ge [sflag:s16], $0x4000  }
0x65: {  	[sflag:s16] =	ssyncset.done $0x0  }
0x66: {  	[sflag:s16] =	ssyncadd.s32 $0xFFFFC000  }
0x67: {  	_ =	swait.ge [sflag:s11], $0x2000  }
0x68: {  	[sflag:s11] =	ssyncset.done $0x0  }
0x69: {  	[sflag:s11] =	ssyncadd.s32 $0xFFFFE000  }
0x6a: {  	_ =	swait.ge [sflag:s11], $0x2000  }
0x6b: {  	[sflag:s11] =	ssyncset.done $0x0  }
0x6c: {  	[sflag:s11] =	ssyncadd.s32 $0xFFFFE000  }
0x6d: {  	[tilespmem:s14], [sflag:$0x1] =	stream.indirect.gather [hbm4b:s2+s13], $0x40, s26, s13, $0xb8;
	[tilespmem:$0x8A00] =	vst v63  }
0x6e: {  	s0 =	rddreg [dreg:$0xe]  }
0x6f: {  	[hbm4b:s0+s6] =	stream.strided.scatter [tilespmem:s5], [sflag:$0x4], $0x2000, s7, s6, $0x38;
	[tilespmem:$0x8A00] =	vst v63  }
0x70: {  	s1 =	rddreg [dreg:$0xf]  }
0x71: {  	[hbm4b:s1+s6] =	stream.strided.scatter [tilespmem:s12], [sflag:$0x4], $0x2000, s7, s6, $0x38;
	[tilespmem:$0x8A00] =	vst v63  }
0x72: {  	_ =	swait.ge [sflag:s19], $0x4000  }
0x73: {  	[sflag:s19] =	ssyncset.done $0x0  }
0x74: {  	[sflag:s19] =	ssyncadd.s32 $0xFFFFC000  }
0x75: {  	_ =	swait.ge [sflag:s8], $0x2000  }
0x76: {  	[sflag:s8] =	ssyncset.done $0x0  }
0x77: {  	[sflag:s8] =	ssyncadd.s32 $0xFFFFE000  }
0x78: {  	_ =	swait.ge [sflag:s8], $0x2000  }
0x79: {  	[sflag:s8] =	ssyncset.done $0x0  }
0x7a: {  	[sflag:s8] =	ssyncadd.s32 $0xFFFFE000  }
0x7b: {  	[tilespmem:s5], [sflag:$0x2] =	stream.indirect.gather [hbm4b:s2+s13], $0x40, s25, s13, $0xb8;
	[tilespmem:$0x8A00] =	vst v63  }
0x7c: {  	s1 =	rddreg [dreg:$0x10]  }
0x7d: {  	[hbm4b:s1+s6] =	stream.strided.scatter [tilespmem:s14], [sflag:$0x3], $0x2000, s7, s6, $0x38;
	[tilespmem:$0x8A00] =	vst v63  }
0x7e: {  	_ = 	snop  }
0x7f: {  	[hbm4b:s20+s6] =	stream.strided.scatter [tilespmem:s18], [sflag:$0x3], $0x2000, s7, s6, $0x38;
	[tilespmem:$0x8A00] =	vst v63  }
0x80: {  	_ =	swait.ge [sflag:s16], $0x4000  }
0x81: {  	[sflag:s16] =	ssyncset.done $0x0  }
0x82: {  	[sflag:s16] =	ssyncadd.s32 $0xFFFFC000  }
0x83: {  	_ =	swait.ge [sflag:s11], $0x2000  }
0x84: {  	[sflag:s11] =	ssyncset.done $0x0  }
0x85: {  	[sflag:s11] =	ssyncadd.s32 $0xFFFFE000  }
0x86: {  	_ =	swait.ge [sflag:s11], $0x2000  }
0x87: {  	[sflag:s11] =	ssyncset.done $0x0  }
0x88: {  	[sflag:s11] =	ssyncadd.s32 $0xFFFFE000  }
0x89: {  	[tilespmem:s14], [sflag:$0x1] =	stream.indirect.gather [hbm4b:s2+s13], $0x40, s23, s13, $0xb8;
	[tilespmem:$0x8A00] =	vst v63  }
0x8a: {  	_ = 	snop  }
0x8b: {  	[hbm4b:s15+s6] =	stream.strided.scatter [tilespmem:s5], [sflag:$0x4], $0x2000, s7, s6, $0x38;
	[tilespmem:$0x8A00] =	vst v63  }
0x8c: {  	_ = 	snop  }
0x8d: {  	[hbm4b:s17+s6] =	stream.strided.scatter [tilespmem:s12], [sflag:$0x4], $0x2000, s7, s6, $0x38;
	[tilespmem:$0x8A00] =	vst v63  }
0x8e: {  	_ =	swait.ge [sflag:s19], $0x4000  }
0x8f: {  	[sflag:s19] =	ssyncset.done $0x0  }
0x90: {  	[sflag:s19] =	ssyncadd.s32 $0xFFFFC000  }
0x91: {  	_ =	swait.ge [sflag:s8], $0x2000  }
0x92: {  	[sflag:s8] =	ssyncset.done $0x0  }
0x93: {  	[sflag:s8] =	ssyncadd.s32 $0xFFFFE000  }
0x94: {  	_ =	swait.ge [sflag:s8], $0x2000  }
0x95: {  	[sflag:s8] =	ssyncset.done $0x0  }
0x96: {  	[sflag:s8] =	ssyncadd.s32 $0xFFFFE000  }
0x97: {  	[tilespmem:s5], [sflag:$0x2] =	stream.indirect.gather [hbm4b:s2+s13], $0x40, s22, s13, $0xb8;
	[tilespmem:$0x8A00] =	vst v63  }
0x98: {  	_ = 	snop  }
0x99: {  	[hbm4b:s9+s6] =	stream.strided.scatter [tilespmem:s14], [sflag:$0x3], $0x2000, s7, s6, $0x38;
	[tilespmem:$0x8A00] =	vst v63  }
0x9a: {  	_ = 	snop  }
0x9b: {  	[hbm4b:s10+s6] =	stream.strided.scatter [tilespmem:s18], [sflag:$0x3], $0x2000, s7, s6, $0x38;
	[tilespmem:$0x8A00] =	vst v63  }
0x9c: {  	_ =	swait.ge [sflag:s16], $0x4000  }
0x9d: {  	[sflag:s16] =	ssyncset.done $0x0  }
0x9e: {  	[sflag:s16] =	ssyncadd.s32 $0xFFFFC000  }
0x9f: {  	_ =	swait.ge [sflag:s11], $0x2000  }
0xa0: {  	[sflag:s11] =	ssyncset.done $0x0  }
0xa1: {  	[sflag:s11] =	ssyncadd.s32 $0xFFFFE000  }
0xa2: {  	_ =	swait.ge [sflag:s11], $0x2000  }
0xa3: {  	[sflag:s11] =	ssyncset.done $0x0  }
0xa4: {  	[sflag:s11] =	ssyncadd.s32 $0xFFFFE000  }
0xa5: {  	[hbm4b:s3+s6] =	stream.strided.scatter [tilespmem:s5], [sflag:$0x4], $0x2000, s7, s6, $0x38;
	[tilespmem:$0x8A00] =	vst v63  }
0xa6: {  	p1 =	sne.s32 s21, $0x1  }
0xa7: {  	[hbm4b:s4+s6] =	stream.strided.scatter [tilespmem:s12], [sflag:$0x4], $0x2000, s7, s6, $0x38;
	[tilespmem:$0x8A00] =	vst v63  }
.Ltmp1:
0xa8: {  	_ =	swait.ge [sflag:s8], $0x2000;
	(pc) =	sbr.rel @!p1 .LBB2_3-.Ltmp1, $4  }
0xa9: {  	[sflag:s8] =	ssyncset.done $0x0  }
0xaa: {  	[sflag:s8] =	ssyncadd.s32 $0xFFFFE000  }
0xab: {  	p0 =	por $0x1, $0x1;
	_ =	swait.ge [sflag:s8], $0x2000  }
0xac: {  	s1 =	sadd.s32 $0xFFFFFFFF, s21;
	s0 =	rddreg [dreg:$0x3];
	[sflag:s8] =	ssyncset.done $0x0  }
.LBB2_4:
0xad: {  	[sflag:s8] =	ssyncadd.s32 $0xFFFFE000  }
0xae: {  	[tilespmem:s24], [sflag:$0x5] =	stream.linear.gather [hbm4b:s0+s24], $0xA00, $0x38;
	[tilespmem:$0x8A00] =	vst v63  }
0xaf: {  	_ =	swait.ge [sflag:s31], $0xA00  }
0xb0: {  	[sflag:s31] =	ssyncset.done $0x0  }
0xb1: {  	[sflag:s31] =	ssyncadd.s32 $0xFFFFF600  }
0xb2: {  	[tilespmem:s14], [sflag:$0x1] =	stream.indirect.gather [hbm4b:s2+s13], $0x40, s24, s13, $0xb8;
	[tilespmem:$0x8A00] =	vst v63  }
0xb3: {  	_ =	swait.ge [sflag:s19], $0x4000  }
0xb4: {  	[sflag:s19] =	ssyncset.done $0x0  }
0xb5: {  	[sflag:s19] =	ssyncadd.s32 $0xFFFFC000  }
0xb6: {  	[tilespmem:s5], [sflag:$0x2] =	stream.indirect.gather [hbm4b:s2+s13], $0x40, s13, s13, $0xb8;
	[tilespmem:$0x8A00] =	vst v63  }
0xb7: {  	s0 =	rddreg [dreg:$0x4]  }
0xb8: {  	[hbm4b:s0+s6] =	stream.strided.scatter [tilespmem:s14], [sflag:$0x3], $0x2000, s7, s6, $0x38;
	[tilespmem:$0x8A00] =	vst v63  }
0xb9: {  	s21 =	rddreg [dreg:$0x5]  }
0xba: {  	[hbm4b:s21+s6] =	stream.strided.scatter [tilespmem:s18], [sflag:$0x3], $0x2000, s7, s6, $0x38;
	[tilespmem:$0x8A00] =	vst v63  }
0xbb: {  	_ =	swait.ge [sflag:s16], $0x4000  }
0xbc: {  	[sflag:s16] =	ssyncset.done $0x0  }
0xbd: {  	[sflag:s16] =	ssyncadd.s32 $0xFFFFC000  }
0xbe: {  	_ =	swait.ge [sflag:s11], $0x2000  }
0xbf: {  	[sflag:s11] =	ssyncset.done $0x0  }
0xc0: {  	[sflag:s11] =	ssyncadd.s32 $0xFFFFE000  }
0xc1: {  	_ =	swait.ge [sflag:s11], $0x2000  }
0xc2: {  	[sflag:s11] =	ssyncset.done $0x0  }
0xc3: {  	s21 =	simm.s32 $0x200;
	[sflag:s11] =	ssyncadd.s32 $0xFFFFE000  }
0xc4: {  	[tilespmem:s14], [sflag:$0x1] =	stream.indirect.gather [hbm4b:s2+s13], $0x40, s21, s13, $0xb8;
	[tilespmem:$0x8A00] =	vst v63  }
0xc5: {  	s0 =	rddreg [dreg:$0x6]  }
0xc6: {  	[hbm4b:s0+s6] =	stream.strided.scatter [tilespmem:s5], [sflag:$0x4], $0x2000, s7, s6, $0x38;
	[tilespmem:$0x8A00] =	vst v63  }
0xc7: {  	s21 =	rddreg [dreg:$0x7]  }
0xc8: {  	[hbm4b:s21+s6] =	stream.strided.scatter [tilespmem:s12], [sflag:$0x4], $0x2000, s7, s6, $0x38;
	[tilespmem:$0x8A00] =	vst v63  }
0xc9: {  	_ =	swait.ge [sflag:s19], $0x4000  }
0xca: {  	[sflag:s19] =	ssyncset.done $0x0  }
0xcb: {  	[sflag:s19] =	ssyncadd.s32 $0xFFFFC000  }
0xcc: {  	_ =	swait.ge [sflag:s8], $0x2000  }
0xcd: {  	[sflag:s8] =	ssyncset.done $0x0  }
0xce: {  	[sflag:s8] =	ssyncadd.s32 $0xFFFFE000  }
0xcf: {  	_ =	swait.ge [sflag:s8], $0x2000  }
0xd0: {  	[sflag:s8] =	ssyncset.done $0x0  }
0xd1: {  	[sflag:s8] =	ssyncadd.s32 $0xFFFFE000  }
0xd2: {  	[tilespmem:s5], [sflag:$0x2] =	stream.indirect.gather [hbm4b:s2+s13], $0x40, s30, s13, $0xb8;
	[tilespmem:$0x8A00] =	vst v63  }
0xd3: {  	s0 =	rddreg [dreg:$0x8]  }
0xd4: {  	[hbm4b:s0+s6] =	stream.strided.scatter [tilespmem:s14], [sflag:$0x3], $0x2000, s7, s6, $0x38;
	[tilespmem:$0x8A00] =	vst v63  }
0xd5: {  	s21 =	rddreg [dreg:$0x9]  }
0xd6: {  	[hbm4b:s21+s6] =	stream.strided.scatter [tilespmem:s18], [sflag:$0x3], $0x2000, s7, s6, $0x38;
	[tilespmem:$0x8A00] =	vst v63  }
0xd7: {  	_ =	swait.ge [sflag:s16], $0x4000  }
0xd8: {  	[sflag:s16] =	ssyncset.done $0x0  }
0xd9: {  	[sflag:s16] =	ssyncadd.s32 $0xFFFFC000  }
0xda: {  	_ =	swait.ge [sflag:s11], $0x2000  }
0xdb: {  	[sflag:s11] =	ssyncset.done $0x0  }
0xdc: {  	[sflag:s11] =	ssyncadd.s32 $0xFFFFE000  }
0xdd: {  	_ =	swait.ge [sflag:s11], $0x2000  }
0xde: {  	[sflag:s11] =	ssyncset.done $0x0  }
0xdf: {  	[sflag:s11] =	ssyncadd.s32 $0xFFFFE000  }
0xe0: {  	[tilespmem:s14], [sflag:$0x1] =	stream.indirect.gather [hbm4b:s2+s13], $0x40, s29, s13, $0xb8;
	[tilespmem:$0x8A00] =	vst v63  }
0xe1: {  	s0 =	rddreg [dreg:$0xa]  }
0xe2: {  	[hbm4b:s0+s6] =	stream.strided.scatter [tilespmem:s5], [sflag:$0x4], $0x2000, s7, s6, $0x38;
	[tilespmem:$0x8A00] =	vst v63  }
0xe3: {  	s21 =	rddreg [dreg:$0xb]  }
0xe4: {  	[hbm4b:s21+s6] =	stream.strided.scatter [tilespmem:s12], [sflag:$0x4], $0x2000, s7, s6, $0x38;
	[tilespmem:$0x8A00] =	vst v63  }
0xe5: {  	_ =	swait.ge [sflag:s19], $0x4000  }
0xe6: {  	[sflag:s19] =	ssyncset.done $0x0  }
0xe7: {  	[sflag:s19] =	ssyncadd.s32 $0xFFFFC000  }
0xe8: {  	_ =	swait.ge [sflag:s8], $0x2000  }
0xe9: {  	[sflag:s8] =	ssyncset.done $0x0  }
0xea: {  	[sflag:s8] =	ssyncadd.s32 $0xFFFFE000  }
0xeb: {  	_ =	swait.ge [sflag:s8], $0x2000  }
0xec: {  	[sflag:s8] =	ssyncset.done $0x0  }
0xed: {  	[sflag:s8] =	ssyncadd.s32 $0xFFFFE000  }
0xee: {  	[tilespmem:s5], [sflag:$0x2] =	stream.indirect.gather [hbm4b:s2+s13], $0x40, s28, s13, $0xb8;
	[tilespmem:$0x8A00] =	vst v63  }
0xef: {  	s0 =	rddreg [dreg:$0xc]  }
0xf0: {  	[hbm4b:s0+s6] =	stream.strided.scatter [tilespmem:s14], [sflag:$0x3], $0x2000, s7, s6, $0x38;
	[tilespmem:$0x8A00] =	vst v63  }
0xf1: {  	s21 =	rddreg [dreg:$0xd]  }
0xf2: {  	[hbm4b:s21+s6] =	stream.strided.scatter [tilespmem:s18], [sflag:$0x3], $0x2000, s7, s6, $0x38;
	[tilespmem:$0x8A00] =	vst v63  }
0xf3: {  	_ =	swait.ge [sflag:s16], $0x4000  }
0xf4: {  	[sflag:s16] =	ssyncset.done $0x0  }
0xf5: {  	[sflag:s16] =	ssyncadd.s32 $0xFFFFC000  }
0xf6: {  	_ =	swait.ge [sflag:s11], $0x2000  }
0xf7: {  	[sflag:s11] =	ssyncset.done $0x0  }
0xf8: {  	[sflag:s11] =	ssyncadd.s32 $0xFFFFE000  }
0xf9: {  	_ =	swait.ge [sflag:s11], $0x2000  }
0xfa: {  	[sflag:s11] =	ssyncset.done $0x0  }
0xfb: {  	[sflag:s11] =	ssyncadd.s32 $0xFFFFE000  }
0xfc: {  	[tilespmem:s14], [sflag:$0x1] =	stream.indirect.gather [hbm4b:s2+s13], $0x40, s26, s13, $0xb8;
	[tilespmem:$0x8A00] =	vst v63  }
0xfd: {  	s0 =	rddreg [dreg:$0xe]  }
0xfe: {  	[hbm4b:s0+s6] =	stream.strided.scatter [tilespmem:s5], [sflag:$0x4], $0x2000, s7, s6, $0x38;
	[tilespmem:$0x8A00] =	vst v63  }
0xff: {  	s21 =	rddreg [dreg:$0xf]  }
0x100: {  	[hbm4b:s21+s6] =	stream.strided.scatter [tilespmem:s12], [sflag:$0x4], $0x2000, s7, s6, $0x38;
	[tilespmem:$0x8A00] =	vst v63  }
0x101: {  	_ =	swait.ge [sflag:s19], $0x4000  }
0x102: {  	[sflag:s19] =	ssyncset.done $0x0  }
0x103: {  	[sflag:s19] =	ssyncadd.s32 $0xFFFFC000  }
0x104: {  	_ =	swait.ge [sflag:s8], $0x2000  }
0x105: {  	[sflag:s8] =	ssyncset.done $0x0  }
0x106: {  	[sflag:s8] =	ssyncadd.s32 $0xFFFFE000  }
0x107: {  	_ =	swait.ge [sflag:s8], $0x2000  }
0x108: {  	[sflag:s8] =	ssyncset.done $0x0  }
0x109: {  	[sflag:s8] =	ssyncadd.s32 $0xFFFFE000  }
0x10a: {  	[tilespmem:s5], [sflag:$0x2] =	stream.indirect.gather [hbm4b:s2+s13], $0x40, s25, s13, $0xb8;
	[tilespmem:$0x8A00] =	vst v63  }
0x10b: {  	s21 =	rddreg [dreg:$0x10]  }
0x10c: {  	[hbm4b:s21+s6] =	stream.strided.scatter [tilespmem:s14], [sflag:$0x3], $0x2000, s7, s6, $0x38;
	[tilespmem:$0x8A00] =	vst v63  }
0x10d: {  	_ = 	snop  }
0x10e: {  	[hbm4b:s20+s6] =	stream.strided.scatter [tilespmem:s18], [sflag:$0x3], $0x2000, s7, s6, $0x38;
	[tilespmem:$0x8A00] =	vst v63  }
0x10f: {  	_ =	swait.ge [sflag:s16], $0x4000  }
0x110: {  	[sflag:s16] =	ssyncset.done $0x0  }
0x111: {  	[sflag:s16] =	ssyncadd.s32 $0xFFFFC000  }
0x112: {  	_ =	swait.ge [sflag:s11], $0x2000  }
0x113: {  	[sflag:s11] =	ssyncset.done $0x0  }
0x114: {  	[sflag:s11] =	ssyncadd.s32 $0xFFFFE000  }
0x115: {  	_ =	swait.ge [sflag:s11], $0x2000  }
0x116: {  	[sflag:s11] =	ssyncset.done $0x0  }
0x117: {  	[sflag:s11] =	ssyncadd.s32 $0xFFFFE000  }
0x118: {  	[tilespmem:s14], [sflag:$0x1] =	stream.indirect.gather [hbm4b:s2+s13], $0x40, s23, s13, $0xb8;
	[tilespmem:$0x8A00] =	vst v63  }
0x119: {  	_ = 	snop  }
0x11a: {  	[hbm4b:s15+s6] =	stream.strided.scatter [tilespmem:s5], [sflag:$0x4], $0x2000, s7, s6, $0x38;
	[tilespmem:$0x8A00] =	vst v63  }
0x11b: {  	_ = 	snop  }
0x11c: {  	[hbm4b:s17+s6] =	stream.strided.scatter [tilespmem:s12], [sflag:$0x4], $0x2000, s7, s6, $0x38;
	[tilespmem:$0x8A00] =	vst v63  }
0x11d: {  	_ =	swait.ge [sflag:s19], $0x4000  }
0x11e: {  	[sflag:s19] =	ssyncset.done $0x0  }
0x11f: {  	[sflag:s19] =	ssyncadd.s32 $0xFFFFC000  }
0x120: {  	_ =	swait.ge [sflag:s8], $0x2000  }
0x121: {  	[sflag:s8] =	ssyncset.done $0x0  }
0x122: {  	[sflag:s8] =	ssyncadd.s32 $0xFFFFE000  }
0x123: {  	_ =	swait.ge [sflag:s8], $0x2000  }
0x124: {  	[sflag:s8] =	ssyncset.done $0x0  }
0x125: {  	[sflag:s8] =	ssyncadd.s32 $0xFFFFE000  }
0x126: {  	[tilespmem:s5], [sflag:$0x2] =	stream.indirect.gather [hbm4b:s2+s13], $0x40, s22, s13, $0xb8;
	[tilespmem:$0x8A00] =	vst v63  }
0x127: {  	_ = 	snop  }
0x128: {  	[hbm4b:s9+s6] =	stream.strided.scatter [tilespmem:s14], [sflag:$0x3], $0x2000, s7, s6, $0x38;
	[tilespmem:$0x8A00] =	vst v63  }
0x129: {  	_ = 	snop  }
0x12a: {  	[hbm4b:s10+s6] =	stream.strided.scatter [tilespmem:s18], [sflag:$0x3], $0x2000, s7, s6, $0x38;
	[tilespmem:$0x8A00] =	vst v63  }
0x12b: {  	_ =	swait.ge [sflag:s16], $0x4000  }
0x12c: {  	[sflag:s16] =	ssyncset.done $0x0  }
0x12d: {  	[sflag:s16] =	ssyncadd.s32 $0xFFFFC000  }
0x12e: {  	_ =	swait.ge [sflag:s11], $0x2000  }
0x12f: {  	[sflag:s11] =	ssyncset.done $0x0  }
0x130: {  	[sflag:s11] =	ssyncadd.s32 $0xFFFFE000  }
0x131: {  	_ =	swait.ge [sflag:s11], $0x2000  }
0x132: {  	[sflag:s11] =	ssyncset.done $0x0  }
0x133: {  	[sflag:s11] =	ssyncadd.s32 $0xFFFFE000  }
0x134: {  	[hbm4b:s3+s6] =	stream.strided.scatter [tilespmem:s5], [sflag:$0x4], $0x2000, s7, s6, $0x38;
	[tilespmem:$0x8A00] =	vst v63  }
0x135: {  	p1 =	sne.s32 s1, $0x1  }
0x136: {  	[hbm4b:s4+s6] =	stream.strided.scatter [tilespmem:s12], [sflag:$0x4], $0x2000, s7, s6, $0x38;
	[tilespmem:$0x8A00] =	vst v63  }
.Ltmp2:
0x137: {  	_ =	swait.ge [sflag:s8], $0x2000;
	(pc) =	sbr.rel @p1 .LBB2_4-.Ltmp2, $4  }
0x138: {  	[sflag:s8] =	ssyncset.done $0x0  }
0x139: {  	[sflag:s8] =	ssyncadd.s32 $0xFFFFE000  }
0x13a: {  	_ =	swait.ge [sflag:s8], $0x2000  }
0x13b: {  	s1 =	sadd.s32 $0xFFFFFFFF, s1;
	s0 =	rddreg [dreg:$0x3];
	[sflag:s8] =	ssyncset.done $0x0  }
0x13c: {  	s22 =	simm.s32 $0x200;
	s30 =	simm.s32 $0x300  }
0x13d: {  	s29 =	simm.s32 $0x400;
	s28 =	simm.s32 $0x500;
	s26 =	simm.s32 $0x600  }
0x13e: {  	s25 =	simm.s32 $0x700;
	s23 =	simm.s32 $0x800;
	s21 =	stileid.u32  }
.LBB2_6:
0x13f: {  	[sflag:s8] =	ssyncadd.s32 @p0 $0xFFFFE000  }
0x140: {  	[tilespmem:s24], [sflag:$0x5] =	stream.linear.gather [hbm4b:s0+s24], $0xA00, $0x38;
	[tilespmem:$0x8A00] =	vst v63  }
0x141: {  	_ =	swait.ge [sflag:s31], $0xA00  }
0x142: {  	[sflag:s31] =	ssyncset.done $0x0  }
0x143: {  	[sflag:s31] =	ssyncadd.s32 $0xFFFFF600  }
0x144: {  	[tilespmem:s14], [sflag:$0x1] =	stream.indirect.gather [hbm4b:s2+s13], $0x40, s24, s13, $0xb8;
	[tilespmem:$0x8A00] =	vst v63  }
0x145: {  	_ =	swait.ge [sflag:s19], $0x4000  }
0x146: {  	[sflag:s19] =	ssyncset.done $0x0  }
0x147: {  	[sflag:s19] =	ssyncadd.s32 $0xFFFFC000  }
0x148: {  	[tilespmem:s5], [sflag:$0x2] =	stream.indirect.gather [hbm4b:s2+s13], $0x40, s13, s13, $0xb8;
	[tilespmem:$0x8A00] =	vst v63  }
0x149: {  	s31 =	rddreg [dreg:$0x4]  }
0x14a: {  	[hbm4b:s31+s6] =	stream.strided.scatter [tilespmem:s14], [sflag:$0x3], $0x2000, s7, s6, $0x38;
	[tilespmem:$0x8A00] =	vst v63  }
0x14b: {  	s1 =	rddreg [dreg:$0x5]  }
0x14c: {  	[hbm4b:s1+s6] =	stream.strided.scatter [tilespmem:s18], [sflag:$0x3], $0x2000, s7, s6, $0x38;
	[tilespmem:$0x8A00] =	vst v63  }
0x14d: {  	_ =	swait.ge [sflag:s16], $0x4000  }
0x14e: {  	[sflag:s16] =	ssyncset.done $0x0  }
0x14f: {  	[sflag:s16] =	ssyncadd.s32 $0xFFFFC000  }
0x150: {  	_ =	swait.ge [sflag:s11], $0x2000  }
0x151: {  	[sflag:s11] =	ssyncset.done $0x0  }
0x152: {  	[sflag:s11] =	ssyncadd.s32 $0xFFFFE000  }
0x153: {  	_ =	swait.ge [sflag:s11], $0x2000  }
0x154: {  	[sflag:s11] =	ssyncset.done $0x0  }
0x155: {  	[sflag:s11] =	ssyncadd.s32 $0xFFFFE000  }
0x156: {  	[tilespmem:s14], [sflag:$0x1] =	stream.indirect.gather [hbm4b:s2+s13], $0x40, s22, s13, $0xb8;
	[tilespmem:$0x8A00] =	vst v63  }
0x157: {  	s24 =	rddreg [dreg:$0x6]  }
0x158: {  	[hbm4b:s24+s6] =	stream.strided.scatter [tilespmem:s5], [sflag:$0x4], $0x2000, s7, s6, $0x38;
	[tilespmem:$0x8A00] =	vst v63  }
0x159: {  	s31 =	rddreg [dreg:$0x7]  }
0x15a: {  	[hbm4b:s31+s6] =	stream.strided.scatter [tilespmem:s12], [sflag:$0x4], $0x2000, s7, s6, $0x38;
	[tilespmem:$0x8A00] =	vst v63  }
0x15b: {  	_ =	swait.ge [sflag:s19], $0x4000  }
0x15c: {  	[sflag:s19] =	ssyncset.done $0x0  }
0x15d: {  	[sflag:s19] =	ssyncadd.s32 $0xFFFFC000  }
0x15e: {  	_ =	swait.ge [sflag:s8], $0x2000  }
0x15f: {  	[sflag:s8] =	ssyncset.done $0x0  }
0x160: {  	[sflag:s8] =	ssyncadd.s32 $0xFFFFE000  }
0x161: {  	_ =	swait.ge [sflag:s8], $0x2000  }
0x162: {  	[sflag:s8] =	ssyncset.done $0x0  }
0x163: {  	[sflag:s8] =	ssyncadd.s32 $0xFFFFE000  }
0x164: {  	[tilespmem:s5], [sflag:$0x2] =	stream.indirect.gather [hbm4b:s2+s13], $0x40, s30, s13, $0xb8;
	[tilespmem:$0x8A00] =	vst v63  }
0x165: {  	s22 =	rddreg [dreg:$0x8]  }
0x166: {  	[hbm4b:s22+s6] =	stream.strided.scatter [tilespmem:s14], [sflag:$0x3], $0x2000, s7, s6, $0x38;
	[tilespmem:$0x8A00] =	vst v63  }
0x167: {  	s24 =	rddreg [dreg:$0x9]  }
0x168: {  	[hbm4b:s24+s6] =	stream.strided.scatter [tilespmem:s18], [sflag:$0x3], $0x2000, s7, s6, $0x38;
	[tilespmem:$0x8A00] =	vst v63  }
0x169: {  	_ =	swait.ge [sflag:s16], $0x4000  }
0x16a: {  	[sflag:s16] =	ssyncset.done $0x0  }
0x16b: {  	[sflag:s16] =	ssyncadd.s32 $0xFFFFC000  }
0x16c: {  	_ =	swait.ge [sflag:s11], $0x2000  }
0x16d: {  	[sflag:s11] =	ssyncset.done $0x0  }
0x16e: {  	[sflag:s11] =	ssyncadd.s32 $0xFFFFE000  }
0x16f: {  	_ =	swait.ge [sflag:s11], $0x2000  }
0x170: {  	[sflag:s11] =	ssyncset.done $0x0  }
0x171: {  	[sflag:s11] =	ssyncadd.s32 $0xFFFFE000  }
0x172: {  	[tilespmem:s14], [sflag:$0x1] =	stream.indirect.gather [hbm4b:s2+s13], $0x40, s29, s13, $0xb8;
	[tilespmem:$0x8A00] =	vst v63  }
0x173: {  	s30 =	rddreg [dreg:$0xa]  }
0x174: {  	[hbm4b:s30+s6] =	stream.strided.scatter [tilespmem:s5], [sflag:$0x4], $0x2000, s7, s6, $0x38;
	[tilespmem:$0x8A00] =	vst v63  }
0x175: {  	s31 =	rddreg [dreg:$0xb]  }
0x176: {  	[hbm4b:s31+s6] =	stream.strided.scatter [tilespmem:s12], [sflag:$0x4], $0x2000, s7, s6, $0x38;
	[tilespmem:$0x8A00] =	vst v63  }
0x177: {  	_ =	swait.ge [sflag:s19], $0x4000  }
0x178: {  	[sflag:s19] =	ssyncset.done $0x0  }
0x179: {  	[sflag:s19] =	ssyncadd.s32 $0xFFFFC000  }
0x17a: {  	_ =	swait.ge [sflag:s8], $0x2000  }
0x17b: {  	[sflag:s8] =	ssyncset.done $0x0  }
0x17c: {  	[sflag:s8] =	ssyncadd.s32 $0xFFFFE000  }
0x17d: {  	_ =	swait.ge [sflag:s8], $0x2000  }
0x17e: {  	[sflag:s8] =	ssyncset.done $0x0  }
0x17f: {  	[sflag:s8] =	ssyncadd.s32 $0xFFFFE000  }
0x180: {  	[tilespmem:s5], [sflag:$0x2] =	stream.indirect.gather [hbm4b:s2+s13], $0x40, s28, s13, $0xb8;
	[tilespmem:$0x8A00] =	vst v63  }
0x181: {  	s22 =	rddreg [dreg:$0xc]  }
0x182: {  	[hbm4b:s22+s6] =	stream.strided.scatter [tilespmem:s14], [sflag:$0x3], $0x2000, s7, s6, $0x38;
	[tilespmem:$0x8A00] =	vst v63  }
0x183: {  	s24 =	rddreg [dreg:$0xd]  }
0x184: {  	[hbm4b:s24+s6] =	stream.strided.scatter [tilespmem:s18], [sflag:$0x3], $0x2000, s7, s6, $0x38;
	[tilespmem:$0x8A00] =	vst v63  }
0x185: {  	_ =	swait.ge [sflag:s16], $0x4000  }
0x186: {  	[sflag:s16] =	ssyncset.done $0x0  }
0x187: {  	[sflag:s16] =	ssyncadd.s32 $0xFFFFC000  }
0x188: {  	_ =	swait.ge [sflag:s11], $0x2000  }
0x189: {  	[sflag:s11] =	ssyncset.done $0x0  }
0x18a: {  	[sflag:s11] =	ssyncadd.s32 $0xFFFFE000  }
0x18b: {  	_ =	swait.ge [sflag:s11], $0x2000  }
0x18c: {  	[sflag:s11] =	ssyncset.done $0x0  }
0x18d: {  	[sflag:s11] =	ssyncadd.s32 $0xFFFFE000  }
0x18e: {  	[tilespmem:s14], [sflag:$0x1] =	stream.indirect.gather [hbm4b:s2+s13], $0x40, s26, s13, $0xb8;
	[tilespmem:$0x8A00] =	vst v63  }
0x18f: {  	s28 =	rddreg [dreg:$0xe]  }
0x190: {  	[hbm4b:s28+s6] =	stream.strided.scatter [tilespmem:s5], [sflag:$0x4], $0x2000, s7, s6, $0x38;
	[tilespmem:$0x8A00] =	vst v63  }
0x191: {  	s29 =	rddreg [dreg:$0xf]  }
0x192: {  	[hbm4b:s29+s6] =	stream.strided.scatter [tilespmem:s12], [sflag:$0x4], $0x2000, s7, s6, $0x38;
	[tilespmem:$0x8A00] =	vst v63  }
0x193: {  	_ =	swait.ge [sflag:s19], $0x4000  }
0x194: {  	[sflag:s19] =	ssyncset.done $0x0  }
0x195: {  	[sflag:s19] =	ssyncadd.s32 $0xFFFFC000  }
0x196: {  	_ =	swait.ge [sflag:s8], $0x2000  }
0x197: {  	[sflag:s8] =	ssyncset.done $0x0  }
0x198: {  	[sflag:s8] =	ssyncadd.s32 $0xFFFFE000  }
0x199: {  	_ =	swait.ge [sflag:s8], $0x2000  }
0x19a: {  	[sflag:s8] =	ssyncset.done $0x0  }
0x19b: {  	[sflag:s8] =	ssyncadd.s32 $0xFFFFE000  }
0x19c: {  	[tilespmem:s5], [sflag:$0x2] =	stream.indirect.gather [hbm4b:s2+s13], $0x40, s25, s13, $0xb8;
	[tilespmem:$0x8A00] =	vst v63  }
0x19d: {  	s30 =	rddreg [dreg:$0x10]  }
0x19e: {  	[hbm4b:s30+s6] =	stream.strided.scatter [tilespmem:s14], [sflag:$0x3], $0x2000, s7, s6, $0x38;
	[tilespmem:$0x8A00] =	vst v63  }
0x19f: {  	_ = 	snop  }
0x1a0: {  	[hbm4b:s20+s6] =	stream.strided.scatter [tilespmem:s18], [sflag:$0x3], $0x2000, s7, s6, $0x38;
	[tilespmem:$0x8A00] =	vst v63  }
0x1a1: {  	_ =	swait.ge [sflag:s16], $0x4000  }
0x1a2: {  	[sflag:s16] =	ssyncset.done $0x0  }
0x1a3: {  	[sflag:s16] =	ssyncadd.s32 $0xFFFFC000  }
0x1a4: {  	_ =	swait.ge [sflag:s11], $0x2000  }
0x1a5: {  	[sflag:s11] =	ssyncset.done $0x0  }
0x1a6: {  	[sflag:s11] =	ssyncadd.s32 $0xFFFFE000  }
0x1a7: {  	_ =	swait.ge [sflag:s11], $0x2000  }
0x1a8: {  	[sflag:s11] =	ssyncset.done $0x0  }
0x1a9: {  	[sflag:s11] =	ssyncadd.s32 $0xFFFFE000  }
0x1aa: {  	[tilespmem:s14], [sflag:$0x1] =	stream.indirect.gather [hbm4b:s2+s13], $0x40, s23, s13, $0xb8;
	[tilespmem:$0x8A00] =	vst v63  }
0x1ab: {  	_ = 	snop  }
0x1ac: {  	[hbm4b:s15+s6] =	stream.strided.scatter [tilespmem:s5], [sflag:$0x4], $0x2000, s7, s6, $0x38;
	[tilespmem:$0x8A00] =	vst v63  }
0x1ad: {  	_ = 	snop  }
0x1ae: {  	[hbm4b:s17+s6] =	stream.strided.scatter [tilespmem:s12], [sflag:$0x4], $0x2000, s7, s6, $0x38;
	[tilespmem:$0x8A00] =	vst v63  }
0x1af: {  	_ =	swait.ge [sflag:s19], $0x4000  }
0x1b0: {  	[sflag:s19] =	ssyncset.done $0x0  }
0x1b1: {  	[sflag:s19] =	ssyncadd.s32 $0xFFFFC000  }
0x1b2: {  	_ =	swait.ge [sflag:s8], $0x2000  }
0x1b3: {  	[sflag:s8] =	ssyncset.done $0x0  }
0x1b4: {  	[sflag:s8] =	ssyncadd.s32 $0xFFFFE000  }
0x1b5: {  	_ =	swait.ge [sflag:s8], $0x2000  }
0x1b6: {  	[sflag:s8] =	ssyncset.done $0x0  }
0x1b7: {  	s31 =	simm.s32 $0x900;
	[sflag:s8] =	ssyncadd.s32 $0xFFFFE000  }
0x1b8: {  	[tilespmem:s5], [sflag:$0x2] =	stream.indirect.gather [hbm4b:s2+s13], $0x40, s31, s13, $0xb8;
	[tilespmem:$0x8A00] =	vst v63  }
0x1b9: {  	_ = 	snop  }
0x1ba: {  	[hbm4b:s9+s6] =	stream.strided.scatter [tilespmem:s14], [sflag:$0x3], $0x2000, s7, s6, $0x38;
	[tilespmem:$0x8A00] =	vst v63  }
0x1bb: {  	_ = 	snop  }
0x1bc: {  	[hbm4b:s10+s6] =	stream.strided.scatter [tilespmem:s18], [sflag:$0x3], $0x2000, s7, s6, $0x38;
	[tilespmem:$0x8A00] =	vst v63  }
0x1bd: {  	_ =	swait.ge [sflag:s16], $0x4000  }
0x1be: {  	[sflag:s16] =	ssyncset.done $0x0  }
0x1bf: {  	[sflag:s16] =	ssyncadd.s32 $0xFFFFC000  }
0x1c0: {  	_ =	swait.ge [sflag:s11], $0x2000  }
0x1c1: {  	[sflag:s11] =	ssyncset.done $0x0  }
0x1c2: {  	[sflag:s11] =	ssyncadd.s32 $0xFFFFE000  }
0x1c3: {  	_ =	swait.ge [sflag:s11], $0x2000  }
0x1c4: {  	[sflag:s11] =	ssyncset.done $0x0  }
0x1c5: {  	[sflag:s11] =	ssyncadd.s32 $0xFFFFE000  }
0x1c6: {  	[hbm4b:s3+s6] =	stream.strided.scatter [tilespmem:s5], [sflag:$0x4], $0x2000, s7, s6, $0x38;
	[tilespmem:$0x8A00] =	vst v63  }
0x1c7: {  	_ = 	snop  }
0x1c8: {  	[hbm4b:s4+s6] =	stream.strided.scatter [tilespmem:s12], [sflag:$0x4], $0x2000, s7, s6, $0x38;
	[tilespmem:$0x8A00] =	vst v63  }
0x1c9: {  	_ =	swait.ge [sflag:s8], $0x2000  }
0x1ca: {  	[sflag:s8] =	ssyncset.done $0x0  }
0x1cb: {  	[sflag:s8] =	ssyncadd.s32 $0xFFFFE000  }
0x1cc: {  	_ =	swait.ge [sflag:s8], $0x2000  }
0x1cd: {  	[sflag:s8] =	ssyncset.done $0x0  }
0x1ce: {  	[sflag:s8] =	ssyncadd.s32 $0xFFFFE000  }
0x1cf: {  	_ =	sfence.sel $0x180000  }
0x1d0: {  	[bflag:$0x0] =	sbarrier.arrive $0xFFFF  }
0x1d1: {  	_ =	strace $0x9000004D  }
0x1d2: {  	[bflag:$0x2] =	sbarrier.arrive $0xFFFF  }
0x1d3: {  	p0 =	sne.s32 s21, $0x0;
	s0 =	rddreg [dreg:$0x2]  }
0x1d4: {  	s0 =	sadd.s32 @!p0 $0x100000, s0  }
0x1d5: {  	[sflag:s0] =	ssyncadd.tile.s32 @!p0 $0x1;
	_ =	shalt  }
.LBB2_1:
.Ltmp3:
0x1d6: {  	(pc) =	sbr.rel .LBB2_6-.Ltmp3, $4  }
0x1d7: {  	_ = 	snop  }
0x1d8: {  	s22 =	simm.s32 $0x200  }
0x1d9: {  	s30 =	simm.s32 $0x300;
	s29 =	simm.s32 $0x400;
	s28 =	simm.s32 $0x500  }
0x1da: {  	s26 =	simm.s32 $0x600;
	s25 =	simm.s32 $0x700;
	s23 =	simm.s32 $0x800  }
.LBB2_3:
.Ltmp4:
0x1db: {  	(pc) =	sbr.rel .LBB2_6-.Ltmp4, $4  }
0x1dc: {  	_ = 	snop  }
0x1dd: {  	s22 =	simm.s32 $0x200;
	s30 =	simm.s32 $0x300  }
0x1de: {  	s29 =	simm.s32 $0x400;
	s28 =	simm.s32 $0x500;
	s26 =	simm.s32 $0x600  }
0x1df: {  	s25 =	simm.s32 $0x700;
	s23 =	simm.s32 $0x800;
	s21 =	stileid.u32  }
.Lfunc_end2:
_tile_overlayer_lowered:
.L_overlay_start_2:
0x1e0: {  	(tag) =	ssettag $0x2  }
0x1e1: {  	s0 =	rddreg [dreg:$0x0];
	s2 =	stileid.u32  }
0x1e2: {  	s1 =	rddreg [dreg:$0x1];
	p0 =	sne.s32 s2, $0x0  }
0x1e3: {  	s3 =	rddreg [dreg:$0x2];
	[bflag:$0x3] =	sbarrier.arrive $0xFFFF;
	s2 =	simm.s32 @!p0 $0x1C05  }
0x1e4: {  	[timem:s3], [sflag:s2] =	dma.local @!p0 [hbm:s0], s1  }
0x1e5: {  	s0 =	simm.s32 @!p0 $0x5  }
0x1e6: {  	_ =	swait.ge @!p0 [sflag:s0], s1  }
0x1e7: {  	s1 =	ssub.s32 @!p0 $0x0, s1;
	[sflag:s0] =	ssyncset.done @!p0 $0x0  }
0x1e8: {  	[sflag:s0] =	ssyncadd.s32 @!p0 s1  }
0x1e9: {  	[bflag:$0x3] =	sbarrier.arrive $0xFFFF  }
0x1ea: {  	_ =	shalt  }

// kernel: kernel.23.cloned.1.call-start
scs
__scs_entry_jumppad:
0x0: {  	(pc) =	sbr.rel $0x88, $3  }
0x1: {  	(tag) =	ssettag $0x0;
	lr =	simm.s32 $0x1  }
0x2: {  	[smem:$0x3F97] =	sst lr;
	_ =	strace $0xD0000000  }
0x3: {  	_ = 	snop  }
0x4: {  	_ = 	snop  }
0x5: {  	_ = 	snop  }
0x6: {  	_ = 	snop  }
0x7: {  	_ = 	snop  }
__scs_overlays_trampoline_lowered:
0x8: {  	[smem:$0x3FA6] =	sst s0  }
0x9: {  	[smem:$0x3FA7] =	sst s1  }
0xa: {  	[smem:$0x3FA8] =	sst s2  }
0xb: {  	[smem:$0x3FA9] =	sst s3  }
0xc: {  	[smem:$0x3FAA] =	sst s4  }
0xd: {  	[smem:$0x3FAB] =	sst s5  }
0xe: {  	[smem:$0x3FAC] =	sst s6  }
0xf: {  	[smem:$0x3FAD] =	sst s7  }
0x10: {  	[smem:$0x3FAE] =	sst s8  }
0x11: {  	[smem:$0x3FAF] =	sst s9;
	s0 =	simm.s32 @!p0 $0x0  }
0x12: {  	s1 =	sld [smem:$0x3F95];
	s0 =	simm.s32 @p0 $0x1  }
0x13: {  	[smem:$0x3FB0] =	sst s0;
	s0 =	simm.s32 @!p1 $0x0  }
0x14: {  	s2 =	sld [smem:$0x3F94];
	s0 =	simm.s32 @p1 $0x1  }
0x15: {  	[smem:$0x3FB1] =	sst s0;
	s0 =	simm.s32 @!p2 $0x0  }
0x16: {  	s3 =	sld [smem:$0x3FDB];
	s0 =	simm.s32 @p2 $0x1  }
0x17: {  	s4 =	simm.s32 $0x1BF5;
	[smem:$0x3FB3] =	sst s0  }
0x18: {  	s0 =	sld [smem:$0x3F96];
	_ =	swait.ge [sflag:s4], $0x0  }
0x19: {  	s7 =	sld [smem:$0x3F97]  }
0x1a: {  	s8 =	sadd.s32 $0xFFFFE003, lr  }
0x1b: {  	s9 =	sadd.s32 $0xFFFFFEF7, lr;
	s5 =	simm.s32 $0xFFFFFFFF;
	p2 =	slt.u32 s8, $0xFFFFF086  }
0x1c: {  	p1 =	slt.u32 s9, $0xF7A;
	s5 =	simm.s32 @!p2 $0x0  }
0x1d: {  	s5 =	simm.s32 @p1 $0x1;
	p0 =	seq.s32 s7, s2  }
0x1e: {  	s7 =	smul.u32 @!p0 $0xF7A, s2;
	p2 =	seq.s32 @!p0 s5, $0x0  }
0x1f: {  	s9 =	smul.u32 $0xF7A, s1;
	s8 =	simm.s32 @!p0 $0x1BF5;
	p2 =	por !p2, p0  }
0x20: {  	[sflag:s8] =	ssyncset.s32 @!p0 $0xFFFFF086;
	s6 =	sadd.s32 @!p0 s3, s7;
	s7 =	simm.s32 @!p0 $0x108  }
0x21: {  	s3 =	sadd.s32 s3, s9;
	s6 =	sadd.s32 @!p0 $0x88, s6;
	s7 =	simm.s32 @p2 $0x1082  }
0x22: {  	[simem:s7], [sflag:s8] =	dma.local @!p0 [hbm:s6], $0xF7A  }
0x23: {  	s9 =	sor.u32 $0xD0000000, s2;
	s6 =	simm.s32 $0x108;
	_ =	swait.ge @!p0 [sflag:s8], $0x0  }
0x24: {  	s3 =	sadd.s32 $0x88, s3;
	s6 =	simm.s32 @!p1 $0x1082;
	[sflag:s4] =	ssyncset.s32 $0xFFFFF086  }
0x25: {  	[simem:s6], [sflag:s4] =	dma.local [hbm:s3], $0xF7A  }
0x26: {  	[smem:$0x3F97] =	sst s1;
	(tag) =	ssettag s2;
	_ =	strace s9  }
0x27: {  	s1 =	sld [smem:$0x3FA7]  }
0x28: {  	s2 =	sld [smem:$0x3FA8]  }
0x29: {  	s4 =	sld [smem:$0x3FAA]  }
0x2a: {  	p0 =	seq.s32 s5, $0x0;
	s5 =	sld [smem:$0x3FAB]  }
0x2b: {  	s6 =	sld [smem:$0x3FAC]  }
0x2c: {  	s7 =	sld [smem:$0x3FAD]  }
0x2d: {  	s3 =	simm.s32 $0x108;
	s8 =	sld [smem:$0x3FAE]  }
0x2e: {  	s3 =	simm.s32 @!p0 $0x1082;
	s9 =	sld [smem:$0x3FAF]  }
0x2f: {  	lr =	sadd.s32 s0, s3;
	s0 =	sld [smem:$0x3FA6]  }
0x30: {  	s3 =	sld [smem:$0x3FA9]  }
0x31: {  	[smem:$0x3FB2] =	sst s10  }
0x32: {  	s10 =	sld [smem:$0x3FB0];
	_ =	sdelay $0x3  }
0x33: {  	p0 =	seq.s32 s10, $0x1;
	s10 =	sld [smem:$0x3FB2];
	_ =	sdelay $0x3  }
0x34: {  	[smem:$0x3FB2] =	sst s10  }
0x35: {  	s10 =	sld [smem:$0x3FB1];
	_ =	sdelay $0x3  }
0x36: {  	p1 =	seq.s32 s10, $0x1;
	s10 =	sld [smem:$0x3FB2];
	_ =	sdelay $0x3  }
0x37: {  	[smem:$0x3FB2] =	sst s10  }
0x38: {  	s10 =	sld [smem:$0x3FB3]  }
0x39: {  	_ = 	snop;
	(pc) =	sbr.ind lr, $3  }
0x3a: {  	_ = 	snop  }
0x3b: {  	_ = 	snop  }
0x3c: {  	p2 =	seq.s32 s10, $0x1;
	s10 =	sld [smem:$0x3FB2]  }
0x3d: {  	_ =	shalt  }
0x3e: {  	_ =	shalt  }
0x3f: {  	_ =	shalt  }
0x40: {  	_ =	shalt  }
0x41: {  	_ =	shalt  }
0x42: {  	_ =	shalt  }
0x43: {  	_ =	shalt  }
0x44: {  	_ =	shalt  }
0x45: {  	_ =	shalt  }
0x46: {  	_ =	shalt  }
0x47: {  	_ =	shalt  }
0x48: {  	_ =	shalt  }
0x49: {  	_ =	shalt  }
0x4a: {  	_ =	shalt  }
0x4b: {  	_ =	shalt  }
0x4c: {  	_ =	shalt  }
0x4d: {  	_ =	shalt  }
0x4e: {  	_ =	shalt  }
0x4f: {  	_ =	shalt  }
0x50: {  	_ =	shalt  }
0x51: {  	_ =	shalt  }
0x52: {  	_ =	shalt  }
0x53: {  	_ =	shalt  }
0x54: {  	_ =	shalt  }
0x55: {  	_ =	shalt  }
0x56: {  	_ =	shalt  }
0x57: {  	_ =	shalt  }
0x58: {  	_ =	shalt  }
0x59: {  	_ =	shalt  }
0x5a: {  	_ =	shalt  }
0x5b: {  	_ =	shalt  }
0x5c: {  	_ =	shalt  }
0x5d: {  	_ =	shalt  }
0x5e: {  	_ =	shalt  }
0x5f: {  	_ =	shalt  }
0x60: {  	_ =	shalt  }
0x61: {  	_ =	shalt  }
0x62: {  	_ =	shalt  }
0x63: {  	_ =	shalt  }
0x64: {  	_ =	shalt  }
0x65: {  	_ =	shalt  }
0x66: {  	_ =	shalt  }
0x67: {  	_ =	shalt  }
0x68: {  	_ =	shalt  }
0x69: {  	_ =	shalt  }
0x6a: {  	_ =	shalt  }
0x6b: {  	_ =	shalt  }
0x6c: {  	_ =	shalt  }
0x6d: {  	_ =	shalt  }
0x6e: {  	_ =	shalt  }
0x6f: {  	_ =	shalt  }
0x70: {  	_ =	shalt  }
0x71: {  	_ =	shalt  }
0x72: {  	_ =	shalt  }
0x73: {  	_ =	shalt  }
0x74: {  	_ =	shalt  }
0x75: {  	_ =	shalt  }
0x76: {  	_ =	shalt  }
0x77: {  	_ =	shalt  }
0x78: {  	_ =	shalt  }
0x79: {  	_ =	shalt  }
0x7a: {  	_ =	shalt  }
0x7b: {  	_ =	shalt  }
0x7c: {  	_ =	shalt  }
0x7d: {  	_ =	shalt  }
0x7e: {  	_ =	shalt  }
0x7f: {  	_ =	shalt  }
0x80: {  	_ =	shalt  }
0x81: {  	_ =	shalt  }
0x82: {  	_ =	shalt  }
0x83: {  	_ =	shalt  }
0x84: {  	_ =	shalt  }
0x85: {  	_ =	shalt  }
0x86: {  	_ =	shalt  }
0x87: {  	_ =	shalt  }
.Lfunc_end0:
.L_simem_size_0:
called_computation.3_lowered:
.L_overlay_start_0:
0x88: {  	s2 =	sld [smem:$0x3FD9]  }
0x89: {  	s3 =	sld [smem:$0x3FFE];
	_ =	sdelay $0x1  }
0x8a: {  	s1 =	srdreg.scid  }
0x8b: {  	s0 =	sand.u32 $0x1, s1  }
0x8c: {  	s17 =	sshll.u32 s0, $0xA;
	s2 =	sadd.s32 s3, s2  }
0x8d: {  	s2 =	sadd.s32 s2, s17  }
0x8e: {  	[smem:$0x3FBE] =	sst s2  }
0x8f: {  	_ = 	snop  }
0x90: {  	(tm) =	ssettm $0x1  }
0x91: {  	s18 =	sld [smem:$0x3FFB];
	_ =	sdelay $0x3  }
0x92: {  	_ =	strace s18  }
0x93: {  	s2 =	sld [smem:$0x3FFC];
	_ =	sdelay $0x3  }
0x94: {  	_ =	strace s2  }
0x95: {  	s2 =	sld [smem:$0x3FFD];
	_ =	sdelay $0x3  }
0x96: {  	_ =	strace s2  }
0x97: {  	_ =	strace $0x8FFFFFFF  }
0x98: {  	s19 =	sld [smem:$0x3FDB];
	_ =	sdelay $0x1  }
0x99: {  	s20 =	simm.s32 $_scs_section_size  }
0x9a: {  	s4 =	simm.s32 $_size__tile_overlayer_lowered;
	s5 =	simm.s32 $_tile_overlayer_lowered  }
0x9b: {  	s6 =	simm.s32 $0x1BFF;
	s21 =	sshll.u32 s5, $0x1;
	s3 =	sadd.s32 s20, s19  }
0x9c: {  	s22 =	simm.s32 $0x0;
	s4 =	sshll.u32 s4, $0x1;
	s5 =	sadd.s32 s21, s3  }
0x9d: {  	[timem:s22], [sflag:s6] =	dma.local [hbm:s5], s4  }
0x9e: {  	_ =	swait.ge [sflag:s6], s4  }
0x9f: {  	s4 =	ssub.s32 $0x0, s4;
	[sflag:s6] =	ssyncset.done $0x0  }
0xa0: {  	[sflag:s6] =	ssyncadd.s32 s4;
	_ =	sdelay $0x1  }
0xa1: {  	s23 =	simm.s32 $0x1B8B  }
0xa2: {  	_ =	swait.ge [sflag:s23], $0x1  }
0xa3: {  	[sflag:s23] =	ssyncset.done $0x0  }
0xa4: {  	[sflag:s23] =	ssyncadd.s32 $0xFFFFFFFF  }
0xa5: {  	s4 =	sld [smem:$0x0]  }
0xa6: {  	s5 =	sand.u32 $0xFFFFFFFE, s1  }
0xa7: {  	p0 =	sne.s32 s1, s5  }
0xa8: {  	s5 =	sshll.u32 @p0 s5, $0xE  }
0xa9: {  	s5 =	sadd.s32 @p0 $0x11B8D, s5;
	s6 =	sshll.u32 @p0 s4, $0x11  }
0xaa: {  	s5 =	sor.u32 @p0 s6, s5  }
0xab: {  	[sflag:s5] =	ssyncadd.remote.s32 @p0 $0x1;
	_ =	sdelay $0x1  }
0xac: {  	s5 =	simm.s32 @p0 $0x1B8D  }
0xad: {  	_ =	swait.eq @p0 [sflag:s5], $0x1  }
0xae: {  	[sflag:s5] =	ssyncadd.s32 @p0 $0xFFFFFFFF  }
0xaf: {  	s6 =	sshll.u32 @!p0 s1, $0xE  }
0xb0: {  	s6 =	sor.u32 @!p0 $0x4000, s6;
	s5 =	simm.s32 @!p0 $0x1B8D  }
0xb1: {  	s4 =	sshll.u32 @!p0 s4, $0x11;
	s6 =	sadd.s32 @!p0 $0x11B8D, s6;
	_ =	swait.eq @!p0 [sflag:s5], $0x1  }
0xb2: {  	s4 =	sor.u32 @!p0 s4, s6;
	[sflag:s5] =	ssyncadd.s32 @!p0 $0xFFFFFFFF  }
0xb3: {  	s25 =	simm.s32 $0x1B8E;
	s24 =	sld [smem:$0x3FFE];
	[sflag:s4] =	ssyncadd.remote.s32 @!p0 $0x1  }
0xb4: {  	s26 =	simm.s32 $execute0_lowered;
	[smem:$0x3FD2] =	sst s25  }
0xb5: {  	s5 =	sshll.u32 s26, $0x1;
	_ =	strace $0x80000049;
	[dreg:$0x1] =	wrdreg $0xFFFFFFFF  }
0xb6: {  	s28 =	simm.s32 $_size_execute0_lowered;
	s3 =	sadd.s32 s3, s5;
	[dreg:$0x0] =	wrdreg $0x0  }
0xb7: {  	s5 =	sshll.u32 s28, $0x1;
	[dreg:$0x2] =	wrdreg s3  }
0xb8: {  	[dreg:$0x3] =	wrdreg s5  }
0xb9: {  	[dreg:$0x4] =	wrdreg $0xC0  }
0xba: {  	_ =	task [dreg:s22], $0x5FFFF  }
0xbb: {  	[dreg:$0x1] =	wrdreg $0xFFFFFFFF  }
0xbc: {  	[dreg:$0x0] =	wrdreg $0x60  }
0xbd: {  	[dreg:$0x2] =	wrdreg s24  }
0xbe: {  	[dreg:$0x3] =	wrdreg $0xB  }
0xbf: {  	_ =	task.clear_ibuf [dreg:s22], $0x4FFFF;
	_ =	strace $0x90000049  }
0xc0: {  	s29 =	simm.s32 $0xB;
	_ =	strace $0x8000004B  }
0xc1: {  	_ =	swait.ge [sflag:s29], $0x1  }
0xc2: {  	[sflag:s29] =	ssyncadd.s32 $0xFFFFFFFF  }
0xc3: {  	_ =	strace $0x9000004B  }
0xc4: {  	_ =	sfence  }
0xc5: {  	s30 =	sld [smem:$0x0];
	_ =	sdelay $0x2  }
0xc6: {  	s31 =	sshll.u32 s1, $0xD;
	s1 =	sshrl.u32 s1, $0x2  }
0xc7: {  	s4 =	sand.u32 $0x4000, s31;
	s1 =	sadd.s32 s1, s30  }
0xc8: {  	s0 =	sor.u32 s4, s0;
	s1 =	sshll.u32 s1, $0x11  }
0xc9: {  	s0 =	sor.u32 s1, s0  }
0xca: {  	s0 =	sadd.s32 $0x8F2B, s0  }
0xcb: {  	[sflag:s0] =	ssyncadd.remote.s32 $0x1  }
0xcc: {  	_ =	sfence.sel $0xFFFF  }
0xcd: {  	[dreg:$0x0] =	wrdreg $0xFFFFFFFF;
	(pc) =	sbr.abs _section_cstart, $3  }
0xce: {  	[dreg:$0x1] =	wrdreg $0xFFFFFFFF  }
0xcf: {  	_ =	task.clear_ibuf [dreg:s22], $0x2FFFF;
	_ =	strace $0x9FFFFFFF  }
0xd0: {  	(tm) =	ssettm $0x7FFFFFFF  }
0xd1: {  	_ =	shalt  }
tec
execute0_lowered:
.L_overlay_start_1:
0x0: {  	(tag) =	ssettag $0x1  }
0x1: {  	s0 =	srdreg.scid  }
0x2: {  	s21 =	stileid.u32;
	s2 =	rddreg [dreg:$0x0];
	s0 =	sand.u32 $0x1, s0  }
0x3: {  	s24 =	simm.s32 $0x0;
	s31 =	simm.s32 $0x5;
	s1 =	sshll.u32 s0, $0x4  }
0x4: {  	s30 =	simm.s32 $0x300;
	p0 =	por $0x0, $0x0;
	s1 =	sor.u32 s21, s1  }
0x5: {  	s29 =	simm.s32 $0x400;
	s28 =	simm.s32 $0x500;
	s3 =	smul.u32 $0x140, s1  }
0x6: {  	[smem:$0x7FF] =	sst s24;
	s4 =	sadd.s32 $0xD0600, s2;
	s1 =	smul.u32 $0x28000, s1  }
0x7: {  	s5 =	sadd.s32 $0xD0608, s2;
	_ =	strace $0x8000004A;
	s3 =	sadd.s32 s3, s2  }
0x8: {  	s0 =	ssub.s32 $0x2, s0;
	s1 =	sshrl.u32 s1, $0x3;
	s3 =	sadd.s32 $0x1A400, s3  }
0x9: {  	s2 =	sadd.s32 $0x1CC00, s2;
	s25 =	sadd.s32 s4, s1;
	[dreg:$0x2] =	wrdreg s3  }
0xa: {  	s26 =	sadd.s32 s1, s5;
	s6 =	sor.u32 $0x800, s1;
	[dreg:$0x3] =	wrdreg s25  }
0xb: {  	s9 =	sadd.s32 $0x1000, s1;
	[dreg:$0x4] =	wrdreg s26;
	s7 =	sadd.s32 s4, s6  }
0xc: {  	s12 =	sadd.s32 $0x1800, s1;
	s8 =	sadd.s32 s6, s5;
	[dreg:$0x5] =	wrdreg s7  }
0xd: {  	s15 =	sadd.s32 $0x2000, s1;
	s10 =	sadd.s32 s4, s9;
	[dreg:$0x6] =	wrdreg s8  }
0xe: {  	s18 =	sadd.s32 $0x2800, s1;
	s11 =	sadd.s32 s9, s5;
	[dreg:$0x7] =	wrdreg s10  }
0xf: {  	s22 =	sadd.s32 $0x3000, s1;
	s13 =	sadd.s32 s4, s12;
	[dreg:$0x8] =	wrdreg s11  }
0x10: {  	s14 =	sadd.s32 s12, s5;
	s16 =	sadd.s32 s4, s15;
	[dreg:$0x9] =	wrdreg s13  }
0x11: {  	s17 =	sadd.s32 s15, s5;
	s19 =	sadd.s32 s4, s18;
	[dreg:$0xa] =	wrdreg s14  }
0x12: {  	s20 =	sadd.s32 s18, s5;
	s23 =	sadd.s32 s4, s22;
	[dreg:$0xb] =	wrdreg s16  }
0x13: {  	s25 =	sadd.s32 $0x3800, s1;
	s26 =	sadd.s32 $0x4000, s1;
	[dreg:$0xc] =	wrdreg s17  }
0x14: {  	s1 =	sadd.s32 $0x4800, s1;
	s6 =	simm.s32 $0x40;
	[dreg:$0xd] =	wrdreg s19  }
0x15: {  	s18 =	simm.s32 $0x2A00;
	s12 =	simm.s32 $0x6A00;
	[dreg:$0xe] =	wrdreg s20  }
0x16: {  	s7 =	sshrl.u32 s0, $0x1;
	[dreg:$0xf] =	wrdreg s23;
	s20 =	sadd.s32 s22, s5  }
0x17: {  	s15 =	sadd.s32 s4, s25;
	s17 =	sadd.s32 s25, s5;
	s0 =	ssub.s32 s0, s7  }
0x18: {  	s9 =	sadd.s32 s4, s26;
	s10 =	sadd.s32 s26, s5;
	s0 =	smax.u32 s0, $0x1  }
0x19: {  	s3 =	sadd.s32 s4, s1;
	s4 =	sadd.s32 s1, s5;
	p1 =	sne.s32 s0, $0x1  }
.Ltmp0:
0x1a: {  	s13 =	simm.s32 $0x100;
	s14 =	simm.s32 $0xA00;
	(pc) =	sbr.rel @!p1 .LBB2_1-.Ltmp0, $4  }
0x1b: {  	s19 =	simm.s32 $0x1;
	s5 =	simm.s32 $0x4A00;
	s16 =	simm.s32 $0x2  }
0x1c: {  	s11 =	simm.s32 $0x3;
	s8 =	simm.s32 $0x4;
	s26 =	simm.s32 $0x600  }
0x1d: {  	s25 =	simm.s32 $0x700;
	s23 =	simm.s32 $0x800;
	s22 =	simm.s32 $0x900  }
0x1e: {  	s7 =	simm.s32 $0x80;
	s1 =	sadd.s32 $0xFFFFFFFF, s0;
	s0 =	rddreg [dreg:$0x2]  }
0x1f: {  	[tilespmem:s24], [sflag:$0x5] =	stream.linear.gather [hbm4b:s0+s24], $0xA00, $0x38;
	[tilespmem:$0x8A00] =	vst v63  }
0x20: {  	_ =	swait.ge [sflag:s31], $0xA00  }
0x21: {  	[sflag:s31] =	ssyncset.done $0x0  }
0x22: {  	[sflag:s31] =	ssyncadd.s32 $0xFFFFF600  }
0x23: {  	[tilespmem:s14], [sflag:$0x1] =	stream.indirect.gather [hbm4b:s2+s13], $0x40, s24, s13, $0xb8;
	[tilespmem:$0x8A00] =	vst v63  }
0x24: {  	_ =	swait.ge [sflag:s19], $0x4000  }
0x25: {  	[sflag:s19] =	ssyncset.done $0x0  }
0x26: {  	[sflag:s19] =	ssyncadd.s32 $0xFFFFC000  }
0x27: {  	[tilespmem:s5], [sflag:$0x2] =	stream.indirect.gather [hbm4b:s2+s13], $0x40, s13, s13, $0xb8;
	[tilespmem:$0x8A00] =	vst v63  }
0x28: {  	s0 =	rddreg [dreg:$0x3]  }
0x29: {  	[hbm4b:s0+s6] =	stream.strided.scatter [tilespmem:s14], [sflag:$0x3], $0x2000, s7, s6, $0x38;
	[tilespmem:$0x8A00] =	vst v63  }
0x2a: {  	s21 =	smov.u32 s1;
	s1 =	rddreg [dreg:$0x4]  }
0x2b: {  	[hbm4b:s1+s6] =	stream.strided.scatter [tilespmem:s18], [sflag:$0x3], $0x2000, s7, s6, $0x38;
	[tilespmem:$0x8A00] =	vst v63  }
0x2c: {  	_ =	swait.ge [sflag:s16], $0x4000  }
0x2d: {  	[sflag:s16] =	ssyncset.done $0x0  }
0x2e: {  	[sflag:s16] =	ssyncadd.s32 $0xFFFFC000  }
0x2f: {  	_ =	swait.ge [sflag:s11], $0x2000  }
0x30: {  	[sflag:s11] =	ssyncset.done $0x0  }
0x31: {  	[sflag:s11] =	ssyncadd.s32 $0xFFFFE000  }
0x32: {  	_ =	swait.ge [sflag:s11], $0x2000  }
0x33: {  	[sflag:s11] =	ssyncset.done $0x0  }
0x34: {  	s1 =	simm.s32 $0x200;
	[sflag:s11] =	ssyncadd.s32 $0xFFFFE000  }
0x35: {  	[tilespmem:s14], [sflag:$0x1] =	stream.indirect.gather [hbm4b:s2+s13], $0x40, s1, s13, $0xb8;
	[tilespmem:$0x8A00] =	vst v63  }
0x36: {  	s0 =	rddreg [dreg:$0x5]  }
0x37: {  	[hbm4b:s0+s6] =	stream.strided.scatter [tilespmem:s5], [sflag:$0x4], $0x2000, s7, s6, $0x38;
	[tilespmem:$0x8A00] =	vst v63  }
0x38: {  	s1 =	rddreg [dreg:$0x6]  }
0x39: {  	[hbm4b:s1+s6] =	stream.strided.scatter [tilespmem:s12], [sflag:$0x4], $0x2000, s7, s6, $0x38;
	[tilespmem:$0x8A00] =	vst v63  }
0x3a: {  	_ =	swait.ge [sflag:s19], $0x4000  }
0x3b: {  	[sflag:s19] =	ssyncset.done $0x0  }
0x3c: {  	[sflag:s19] =	ssyncadd.s32 $0xFFFFC000  }
0x3d: {  	_ =	swait.ge [sflag:s8], $0x2000  }
0x3e: {  	[sflag:s8] =	ssyncset.done $0x0  }
0x3f: {  	[sflag:s8] =	ssyncadd.s32 $0xFFFFE000  }
0x40: {  	_ =	swait.ge [sflag:s8], $0x2000  }
0x41: {  	[sflag:s8] =	ssyncset.done $0x0  }
0x42: {  	[sflag:s8] =	ssyncadd.s32 $0xFFFFE000  }
0x43: {  	[tilespmem:s5], [sflag:$0x2] =	stream.indirect.gather [hbm4b:s2+s13], $0x40, s30, s13, $0xb8;
	[tilespmem:$0x8A00] =	vst v63  }
0x44: {  	s0 =	rddreg [dreg:$0x7]  }
0x45: {  	[hbm4b:s0+s6] =	stream.strided.scatter [tilespmem:s14], [sflag:$0x3], $0x2000, s7, s6, $0x38;
	[tilespmem:$0x8A00] =	vst v63  }
0x46: {  	s1 =	rddreg [dreg:$0x8]  }
0x47: {  	[hbm4b:s1+s6] =	stream.strided.scatter [tilespmem:s18], [sflag:$0x3], $0x2000, s7, s6, $0x38;
	[tilespmem:$0x8A00] =	vst v63  }
0x48: {  	_ =	swait.ge [sflag:s16], $0x4000  }
0x49: {  	[sflag:s16] =	ssyncset.done $0x0  }
0x4a: {  	[sflag:s16] =	ssyncadd.s32 $0xFFFFC000  }
0x4b: {  	_ =	swait.ge [sflag:s11], $0x2000  }
0x4c: {  	[sflag:s11] =	ssyncset.done $0x0  }
0x4d: {  	[sflag:s11] =	ssyncadd.s32 $0xFFFFE000  }
0x4e: {  	_ =	swait.ge [sflag:s11], $0x2000  }
0x4f: {  	[sflag:s11] =	ssyncset.done $0x0  }
0x50: {  	[sflag:s11] =	ssyncadd.s32 $0xFFFFE000  }
0x51: {  	[tilespmem:s14], [sflag:$0x1] =	stream.indirect.gather [hbm4b:s2+s13], $0x40, s29, s13, $0xb8;
	[tilespmem:$0x8A00] =	vst v63  }
0x52: {  	s0 =	rddreg [dreg:$0x9]  }
0x53: {  	[hbm4b:s0+s6] =	stream.strided.scatter [tilespmem:s5], [sflag:$0x4], $0x2000, s7, s6, $0x38;
	[tilespmem:$0x8A00] =	vst v63  }
0x54: {  	s1 =	rddreg [dreg:$0xa]  }
0x55: {  	[hbm4b:s1+s6] =	stream.strided.scatter [tilespmem:s12], [sflag:$0x4], $0x2000, s7, s6, $0x38;
	[tilespmem:$0x8A00] =	vst v63  }
0x56: {  	_ =	swait.ge [sflag:s19], $0x4000  }
0x57: {  	[sflag:s19] =	ssyncset.done $0x0  }
0x58: {  	[sflag:s19] =	ssyncadd.s32 $0xFFFFC000  }
0x59: {  	_ =	swait.ge [sflag:s8], $0x2000  }
0x5a: {  	[sflag:s8] =	ssyncset.done $0x0  }
0x5b: {  	[sflag:s8] =	ssyncadd.s32 $0xFFFFE000  }
0x5c: {  	_ =	swait.ge [sflag:s8], $0x2000  }
0x5d: {  	[sflag:s8] =	ssyncset.done $0x0  }
0x5e: {  	[sflag:s8] =	ssyncadd.s32 $0xFFFFE000  }
0x5f: {  	[tilespmem:s5], [sflag:$0x2] =	stream.indirect.gather [hbm4b:s2+s13], $0x40, s28, s13, $0xb8;
	[tilespmem:$0x8A00] =	vst v63  }
0x60: {  	s0 =	rddreg [dreg:$0xb]  }
0x61: {  	[hbm4b:s0+s6] =	stream.strided.scatter [tilespmem:s14], [sflag:$0x3], $0x2000, s7, s6, $0x38;
	[tilespmem:$0x8A00] =	vst v63  }
0x62: {  	s1 =	rddreg [dreg:$0xc]  }
0x63: {  	[hbm4b:s1+s6] =	stream.strided.scatter [tilespmem:s18], [sflag:$0x3], $0x2000, s7, s6, $0x38;
	[tilespmem:$0x8A00] =	vst v63  }
0x64: {  	_ =	swait.ge [sflag:s16], $0x4000  }
0x65: {  	[sflag:s16] =	ssyncset.done $0x0  }
0x66: {  	[sflag:s16] =	ssyncadd.s32 $0xFFFFC000  }
0x67: {  	_ =	swait.ge [sflag:s11], $0x2000  }
0x68: {  	[sflag:s11] =	ssyncset.done $0x0  }
0x69: {  	[sflag:s11] =	ssyncadd.s32 $0xFFFFE000  }
0x6a: {  	_ =	swait.ge [sflag:s11], $0x2000  }
0x6b: {  	[sflag:s11] =	ssyncset.done $0x0  }
0x6c: {  	[sflag:s11] =	ssyncadd.s32 $0xFFFFE000  }
0x6d: {  	[tilespmem:s14], [sflag:$0x1] =	stream.indirect.gather [hbm4b:s2+s13], $0x40, s26, s13, $0xb8;
	[tilespmem:$0x8A00] =	vst v63  }
0x6e: {  	s0 =	rddreg [dreg:$0xd]  }
0x6f: {  	[hbm4b:s0+s6] =	stream.strided.scatter [tilespmem:s5], [sflag:$0x4], $0x2000, s7, s6, $0x38;
	[tilespmem:$0x8A00] =	vst v63  }
0x70: {  	s1 =	rddreg [dreg:$0xe]  }
0x71: {  	[hbm4b:s1+s6] =	stream.strided.scatter [tilespmem:s12], [sflag:$0x4], $0x2000, s7, s6, $0x38;
	[tilespmem:$0x8A00] =	vst v63  }
0x72: {  	_ =	swait.ge [sflag:s19], $0x4000  }
0x73: {  	[sflag:s19] =	ssyncset.done $0x0  }
0x74: {  	[sflag:s19] =	ssyncadd.s32 $0xFFFFC000  }
0x75: {  	_ =	swait.ge [sflag:s8], $0x2000  }
0x76: {  	[sflag:s8] =	ssyncset.done $0x0  }
0x77: {  	[sflag:s8] =	ssyncadd.s32 $0xFFFFE000  }
0x78: {  	_ =	swait.ge [sflag:s8], $0x2000  }
0x79: {  	[sflag:s8] =	ssyncset.done $0x0  }
0x7a: {  	[sflag:s8] =	ssyncadd.s32 $0xFFFFE000  }
0x7b: {  	[tilespmem:s5], [sflag:$0x2] =	stream.indirect.gather [hbm4b:s2+s13], $0x40, s25, s13, $0xb8;
	[tilespmem:$0x8A00] =	vst v63  }
0x7c: {  	s1 =	rddreg [dreg:$0xf]  }
0x7d: {  	[hbm4b:s1+s6] =	stream.strided.scatter [tilespmem:s14], [sflag:$0x3], $0x2000, s7, s6, $0x38;
	[tilespmem:$0x8A00] =	vst v63  }
0x7e: {  	_ = 	snop  }
0x7f: {  	[hbm4b:s20+s6] =	stream.strided.scatter [tilespmem:s18], [sflag:$0x3], $0x2000, s7, s6, $0x38;
	[tilespmem:$0x8A00] =	vst v63  }
0x80: {  	_ =	swait.ge [sflag:s16], $0x4000  }
0x81: {  	[sflag:s16] =	ssyncset.done $0x0  }
0x82: {  	[sflag:s16] =	ssyncadd.s32 $0xFFFFC000  }
0x83: {  	_ =	swait.ge [sflag:s11], $0x2000  }
0x84: {  	[sflag:s11] =	ssyncset.done $0x0  }
0x85: {  	[sflag:s11] =	ssyncadd.s32 $0xFFFFE000  }
0x86: {  	_ =	swait.ge [sflag:s11], $0x2000  }
0x87: {  	[sflag:s11] =	ssyncset.done $0x0  }
0x88: {  	[sflag:s11] =	ssyncadd.s32 $0xFFFFE000  }
0x89: {  	[tilespmem:s14], [sflag:$0x1] =	stream.indirect.gather [hbm4b:s2+s13], $0x40, s23, s13, $0xb8;
	[tilespmem:$0x8A00] =	vst v63  }
0x8a: {  	_ = 	snop  }
0x8b: {  	[hbm4b:s15+s6] =	stream.strided.scatter [tilespmem:s5], [sflag:$0x4], $0x2000, s7, s6, $0x38;
	[tilespmem:$0x8A00] =	vst v63  }
0x8c: {  	_ = 	snop  }
0x8d: {  	[hbm4b:s17+s6] =	stream.strided.scatter [tilespmem:s12], [sflag:$0x4], $0x2000, s7, s6, $0x38;
	[tilespmem:$0x8A00] =	vst v63  }
0x8e: {  	_ =	swait.ge [sflag:s19], $0x4000  }
0x8f: {  	[sflag:s19] =	ssyncset.done $0x0  }
0x90: {  	[sflag:s19] =	ssyncadd.s32 $0xFFFFC000  }
0x91: {  	_ =	swait.ge [sflag:s8], $0x2000  }
0x92: {  	[sflag:s8] =	ssyncset.done $0x0  }
0x93: {  	[sflag:s8] =	ssyncadd.s32 $0xFFFFE000  }
0x94: {  	_ =	swait.ge [sflag:s8], $0x2000  }
0x95: {  	[sflag:s8] =	ssyncset.done $0x0  }
0x96: {  	[sflag:s8] =	ssyncadd.s32 $0xFFFFE000  }
0x97: {  	[tilespmem:s5], [sflag:$0x2] =	stream.indirect.gather [hbm4b:s2+s13], $0x40, s22, s13, $0xb8;
	[tilespmem:$0x8A00] =	vst v63  }
0x98: {  	_ = 	snop  }
0x99: {  	[hbm4b:s9+s6] =	stream.strided.scatter [tilespmem:s14], [sflag:$0x3], $0x2000, s7, s6, $0x38;
	[tilespmem:$0x8A00] =	vst v63  }
0x9a: {  	_ = 	snop  }
0x9b: {  	[hbm4b:s10+s6] =	stream.strided.scatter [tilespmem:s18], [sflag:$0x3], $0x2000, s7, s6, $0x38;
	[tilespmem:$0x8A00] =	vst v63  }
0x9c: {  	_ =	swait.ge [sflag:s16], $0x4000  }
0x9d: {  	[sflag:s16] =	ssyncset.done $0x0  }
0x9e: {  	[sflag:s16] =	ssyncadd.s32 $0xFFFFC000  }
0x9f: {  	_ =	swait.ge [sflag:s11], $0x2000  }
0xa0: {  	[sflag:s11] =	ssyncset.done $0x0  }
0xa1: {  	[sflag:s11] =	ssyncadd.s32 $0xFFFFE000  }
0xa2: {  	_ =	swait.ge [sflag:s11], $0x2000  }
0xa3: {  	[sflag:s11] =	ssyncset.done $0x0  }
0xa4: {  	[sflag:s11] =	ssyncadd.s32 $0xFFFFE000  }
0xa5: {  	[hbm4b:s3+s6] =	stream.strided.scatter [tilespmem:s5], [sflag:$0x4], $0x2000, s7, s6, $0x38;
	[tilespmem:$0x8A00] =	vst v63  }
0xa6: {  	p1 =	sne.s32 s21, $0x1  }
0xa7: {  	[hbm4b:s4+s6] =	stream.strided.scatter [tilespmem:s12], [sflag:$0x4], $0x2000, s7, s6, $0x38;
	[tilespmem:$0x8A00] =	vst v63  }
.Ltmp1:
0xa8: {  	_ =	swait.ge [sflag:s8], $0x2000;
	(pc) =	sbr.rel @!p1 .LBB2_3-.Ltmp1, $4  }
0xa9: {  	[sflag:s8] =	ssyncset.done $0x0  }
0xaa: {  	[sflag:s8] =	ssyncadd.s32 $0xFFFFE000  }
0xab: {  	p0 =	por $0x1, $0x1;
	_ =	swait.ge [sflag:s8], $0x2000  }
0xac: {  	s1 =	sadd.s32 $0xFFFFFFFF, s21;
	s0 =	rddreg [dreg:$0x2];
	[sflag:s8] =	ssyncset.done $0x0  }
.LBB2_4:
0xad: {  	[sflag:s8] =	ssyncadd.s32 $0xFFFFE000  }
0xae: {  	[tilespmem:s24], [sflag:$0x5] =	stream.linear.gather [hbm4b:s0+s24], $0xA00, $0x38;
	[tilespmem:$0x8A00] =	vst v63  }
0xaf: {  	_ =	swait.ge [sflag:s31], $0xA00  }
0xb0: {  	[sflag:s31] =	ssyncset.done $0x0  }
0xb1: {  	[sflag:s31] =	ssyncadd.s32 $0xFFFFF600  }
0xb2: {  	[tilespmem:s14], [sflag:$0x1] =	stream.indirect.gather [hbm4b:s2+s13], $0x40, s24, s13, $0xb8;
	[tilespmem:$0x8A00] =	vst v63  }
0xb3: {  	_ =	swait.ge [sflag:s19], $0x4000  }
0xb4: {  	[sflag:s19] =	ssyncset.done $0x0  }
0xb5: {  	[sflag:s19] =	ssyncadd.s32 $0xFFFFC000  }
0xb6: {  	[tilespmem:s5], [sflag:$0x2] =	stream.indirect.gather [hbm4b:s2+s13], $0x40, s13, s13, $0xb8;
	[tilespmem:$0x8A00] =	vst v63  }
0xb7: {  	s0 =	rddreg [dreg:$0x3]  }
0xb8: {  	[hbm4b:s0+s6] =	stream.strided.scatter [tilespmem:s14], [sflag:$0x3], $0x2000, s7, s6, $0x38;
	[tilespmem:$0x8A00] =	vst v63  }
0xb9: {  	s21 =	rddreg [dreg:$0x4]  }
0xba: {  	[hbm4b:s21+s6] =	stream.strided.scatter [tilespmem:s18], [sflag:$0x3], $0x2000, s7, s6, $0x38;
	[tilespmem:$0x8A00] =	vst v63  }
0xbb: {  	_ =	swait.ge [sflag:s16], $0x4000  }
0xbc: {  	[sflag:s16] =	ssyncset.done $0x0  }
0xbd: {  	[sflag:s16] =	ssyncadd.s32 $0xFFFFC000  }
0xbe: {  	_ =	swait.ge [sflag:s11], $0x2000  }
0xbf: {  	[sflag:s11] =	ssyncset.done $0x0  }
0xc0: {  	[sflag:s11] =	ssyncadd.s32 $0xFFFFE000  }
0xc1: {  	_ =	swait.ge [sflag:s11], $0x2000  }
0xc2: {  	[sflag:s11] =	ssyncset.done $0x0  }
0xc3: {  	s21 =	simm.s32 $0x200;
	[sflag:s11] =	ssyncadd.s32 $0xFFFFE000  }
0xc4: {  	[tilespmem:s14], [sflag:$0x1] =	stream.indirect.gather [hbm4b:s2+s13], $0x40, s21, s13, $0xb8;
	[tilespmem:$0x8A00] =	vst v63  }
0xc5: {  	s0 =	rddreg [dreg:$0x5]  }
0xc6: {  	[hbm4b:s0+s6] =	stream.strided.scatter [tilespmem:s5], [sflag:$0x4], $0x2000, s7, s6, $0x38;
	[tilespmem:$0x8A00] =	vst v63  }
0xc7: {  	s21 =	rddreg [dreg:$0x6]  }
0xc8: {  	[hbm4b:s21+s6] =	stream.strided.scatter [tilespmem:s12], [sflag:$0x4], $0x2000, s7, s6, $0x38;
	[tilespmem:$0x8A00] =	vst v63  }
0xc9: {  	_ =	swait.ge [sflag:s19], $0x4000  }
0xca: {  	[sflag:s19] =	ssyncset.done $0x0  }
0xcb: {  	[sflag:s19] =	ssyncadd.s32 $0xFFFFC000  }
0xcc: {  	_ =	swait.ge [sflag:s8], $0x2000  }
0xcd: {  	[sflag:s8] =	ssyncset.done $0x0  }
0xce: {  	[sflag:s8] =	ssyncadd.s32 $0xFFFFE000  }
0xcf: {  	_ =	swait.ge [sflag:s8], $0x2000  }
0xd0: {  	[sflag:s8] =	ssyncset.done $0x0  }
0xd1: {  	[sflag:s8] =	ssyncadd.s32 $0xFFFFE000  }
0xd2: {  	[tilespmem:s5], [sflag:$0x2] =	stream.indirect.gather [hbm4b:s2+s13], $0x40, s30, s13, $0xb8;
	[tilespmem:$0x8A00] =	vst v63  }
0xd3: {  	s0 =	rddreg [dreg:$0x7]  }
0xd4: {  	[hbm4b:s0+s6] =	stream.strided.scatter [tilespmem:s14], [sflag:$0x3], $0x2000, s7, s6, $0x38;
	[tilespmem:$0x8A00] =	vst v63  }
0xd5: {  	s21 =	rddreg [dreg:$0x8]  }
0xd6: {  	[hbm4b:s21+s6] =	stream.strided.scatter [tilespmem:s18], [sflag:$0x3], $0x2000, s7, s6, $0x38;
	[tilespmem:$0x8A00] =	vst v63  }
0xd7: {  	_ =	swait.ge [sflag:s16], $0x4000  }
0xd8: {  	[sflag:s16] =	ssyncset.done $0x0  }
0xd9: {  	[sflag:s16] =	ssyncadd.s32 $0xFFFFC000  }
0xda: {  	_ =	swait.ge [sflag:s11], $0x2000  }
0xdb: {  	[sflag:s11] =	ssyncset.done $0x0  }
0xdc: {  	[sflag:s11] =	ssyncadd.s32 $0xFFFFE000  }
0xdd: {  	_ =	swait.ge [sflag:s11], $0x2000  }
0xde: {  	[sflag:s11] =	ssyncset.done $0x0  }
0xdf: {  	[sflag:s11] =	ssyncadd.s32 $0xFFFFE000  }
0xe0: {  	[tilespmem:s14], [sflag:$0x1] =	stream.indirect.gather [hbm4b:s2+s13], $0x40, s29, s13, $0xb8;
	[tilespmem:$0x8A00] =	vst v63  }
0xe1: {  	s0 =	rddreg [dreg:$0x9]  }
0xe2: {  	[hbm4b:s0+s6] =	stream.strided.scatter [tilespmem:s5], [sflag:$0x4], $0x2000, s7, s6, $0x38;
	[tilespmem:$0x8A00] =	vst v63  }
0xe3: {  	s21 =	rddreg [dreg:$0xa]  }
0xe4: {  	[hbm4b:s21+s6] =	stream.strided.scatter [tilespmem:s12], [sflag:$0x4], $0x2000, s7, s6, $0x38;
	[tilespmem:$0x8A00] =	vst v63  }
0xe5: {  	_ =	swait.ge [sflag:s19], $0x4000  }
0xe6: {  	[sflag:s19] =	ssyncset.done $0x0  }
0xe7: {  	[sflag:s19] =	ssyncadd.s32 $0xFFFFC000  }
0xe8: {  	_ =	swait.ge [sflag:s8], $0x2000  }
0xe9: {  	[sflag:s8] =	ssyncset.done $0x0  }
0xea: {  	[sflag:s8] =	ssyncadd.s32 $0xFFFFE000  }
0xeb: {  	_ =	swait.ge [sflag:s8], $0x2000  }
0xec: {  	[sflag:s8] =	ssyncset.done $0x0  }
0xed: {  	[sflag:s8] =	ssyncadd.s32 $0xFFFFE000  }
0xee: {  	[tilespmem:s5], [sflag:$0x2] =	stream.indirect.gather [hbm4b:s2+s13], $0x40, s28, s13, $0xb8;
	[tilespmem:$0x8A00] =	vst v63  }
0xef: {  	s0 =	rddreg [dreg:$0xb]  }
0xf0: {  	[hbm4b:s0+s6] =	stream.strided.scatter [tilespmem:s14], [sflag:$0x3], $0x2000, s7, s6, $0x38;
	[tilespmem:$0x8A00] =	vst v63  }
0xf1: {  	s21 =	rddreg [dreg:$0xc]  }
0xf2: {  	[hbm4b:s21+s6] =	stream.strided.scatter [tilespmem:s18], [sflag:$0x3], $0x2000, s7, s6, $0x38;
	[tilespmem:$0x8A00] =	vst v63  }
0xf3: {  	_ =	swait.ge [sflag:s16], $0x4000  }
0xf4: {  	[sflag:s16] =	ssyncset.done $0x0  }
0xf5: {  	[sflag:s16] =	ssyncadd.s32 $0xFFFFC000  }
0xf6: {  	_ =	swait.ge [sflag:s11], $0x2000  }
0xf7: {  	[sflag:s11] =	ssyncset.done $0x0  }
0xf8: {  	[sflag:s11] =	ssyncadd.s32 $0xFFFFE000  }
0xf9: {  	_ =	swait.ge [sflag:s11], $0x2000  }
0xfa: {  	[sflag:s11] =	ssyncset.done $0x0  }
0xfb: {  	[sflag:s11] =	ssyncadd.s32 $0xFFFFE000  }
0xfc: {  	[tilespmem:s14], [sflag:$0x1] =	stream.indirect.gather [hbm4b:s2+s13], $0x40, s26, s13, $0xb8;
	[tilespmem:$0x8A00] =	vst v63  }
0xfd: {  	s0 =	rddreg [dreg:$0xd]  }
0xfe: {  	[hbm4b:s0+s6] =	stream.strided.scatter [tilespmem:s5], [sflag:$0x4], $0x2000, s7, s6, $0x38;
	[tilespmem:$0x8A00] =	vst v63  }
0xff: {  	s21 =	rddreg [dreg:$0xe]  }
0x100: {  	[hbm4b:s21+s6] =	stream.strided.scatter [tilespmem:s12], [sflag:$0x4], $0x2000, s7, s6, $0x38;
	[tilespmem:$0x8A00] =	vst v63  }
0x101: {  	_ =	swait.ge [sflag:s19], $0x4000  }
0x102: {  	[sflag:s19] =	ssyncset.done $0x0  }
0x103: {  	[sflag:s19] =	ssyncadd.s32 $0xFFFFC000  }
0x104: {  	_ =	swait.ge [sflag:s8], $0x2000  }
0x105: {  	[sflag:s8] =	ssyncset.done $0x0  }
0x106: {  	[sflag:s8] =	ssyncadd.s32 $0xFFFFE000  }
0x107: {  	_ =	swait.ge [sflag:s8], $0x2000  }
0x108: {  	[sflag:s8] =	ssyncset.done $0x0  }
0x109: {  	[sflag:s8] =	ssyncadd.s32 $0xFFFFE000  }
0x10a: {  	[tilespmem:s5], [sflag:$0x2] =	stream.indirect.gather [hbm4b:s2+s13], $0x40, s25, s13, $0xb8;
	[tilespmem:$0x8A00] =	vst v63  }
0x10b: {  	s21 =	rddreg [dreg:$0xf]  }
0x10c: {  	[hbm4b:s21+s6] =	stream.strided.scatter [tilespmem:s14], [sflag:$0x3], $0x2000, s7, s6, $0x38;
	[tilespmem:$0x8A00] =	vst v63  }
0x10d: {  	_ = 	snop  }
0x10e: {  	[hbm4b:s20+s6] =	stream.strided.scatter [tilespmem:s18], [sflag:$0x3], $0x2000, s7, s6, $0x38;
	[tilespmem:$0x8A00] =	vst v63  }
0x10f: {  	_ =	swait.ge [sflag:s16], $0x4000  }
0x110: {  	[sflag:s16] =	ssyncset.done $0x0  }
0x111: {  	[sflag:s16] =	ssyncadd.s32 $0xFFFFC000  }
0x112: {  	_ =	swait.ge [sflag:s11], $0x2000  }
0x113: {  	[sflag:s11] =	ssyncset.done $0x0  }
0x114: {  	[sflag:s11] =	ssyncadd.s32 $0xFFFFE000  }
0x115: {  	_ =	swait.ge [sflag:s11], $0x2000  }
0x116: {  	[sflag:s11] =	ssyncset.done $0x0  }
0x117: {  	[sflag:s11] =	ssyncadd.s32 $0xFFFFE000  }
0x118: {  	[tilespmem:s14], [sflag:$0x1] =	stream.indirect.gather [hbm4b:s2+s13], $0x40, s23, s13, $0xb8;
	[tilespmem:$0x8A00] =	vst v63  }
0x119: {  	_ = 	snop  }
0x11a: {  	[hbm4b:s15+s6] =	stream.strided.scatter [tilespmem:s5], [sflag:$0x4], $0x2000, s7, s6, $0x38;
	[tilespmem:$0x8A00] =	vst v63  }
0x11b: {  	_ = 	snop  }
0x11c: {  	[hbm4b:s17+s6] =	stream.strided.scatter [tilespmem:s12], [sflag:$0x4], $0x2000, s7, s6, $0x38;
	[tilespmem:$0x8A00] =	vst v63  }
0x11d: {  	_ =	swait.ge [sflag:s19], $0x4000  }
0x11e: {  	[sflag:s19] =	ssyncset.done $0x0  }
0x11f: {  	[sflag:s19] =	ssyncadd.s32 $0xFFFFC000  }
0x120: {  	_ =	swait.ge [sflag:s8], $0x2000  }
0x121: {  	[sflag:s8] =	ssyncset.done $0x0  }
0x122: {  	[sflag:s8] =	ssyncadd.s32 $0xFFFFE000  }
0x123: {  	_ =	swait.ge [sflag:s8], $0x2000  }
0x124: {  	[sflag:s8] =	ssyncset.done $0x0  }
0x125: {  	[sflag:s8] =	ssyncadd.s32 $0xFFFFE000  }
0x126: {  	[tilespmem:s5], [sflag:$0x2] =	stream.indirect.gather [hbm4b:s2+s13], $0x40, s22, s13, $0xb8;
	[tilespmem:$0x8A00] =	vst v63  }
0x127: {  	_ = 	snop  }
0x128: {  	[hbm4b:s9+s6] =	stream.strided.scatter [tilespmem:s14], [sflag:$0x3], $0x2000, s7, s6, $0x38;
	[tilespmem:$0x8A00] =	vst v63  }
0x129: {  	_ = 	snop  }
0x12a: {  	[hbm4b:s10+s6] =	stream.strided.scatter [tilespmem:s18], [sflag:$0x3], $0x2000, s7, s6, $0x38;
	[tilespmem:$0x8A00] =	vst v63  }
0x12b: {  	_ =	swait.ge [sflag:s16], $0x4000  }
0x12c: {  	[sflag:s16] =	ssyncset.done $0x0  }
0x12d: {  	[sflag:s16] =	ssyncadd.s32 $0xFFFFC000  }
0x12e: {  	_ =	swait.ge [sflag:s11], $0x2000  }
0x12f: {  	[sflag:s11] =	ssyncset.done $0x0  }
0x130: {  	[sflag:s11] =	ssyncadd.s32 $0xFFFFE000  }
0x131: {  	_ =	swait.ge [sflag:s11], $0x2000  }
0x132: {  	[sflag:s11] =	ssyncset.done $0x0  }
0x133: {  	[sflag:s11] =	ssyncadd.s32 $0xFFFFE000  }
0x134: {  	[hbm4b:s3+s6] =	stream.strided.scatter [tilespmem:s5], [sflag:$0x4], $0x2000, s7, s6, $0x38;
	[tilespmem:$0x8A00] =	vst v63  }
0x135: {  	p1 =	sne.s32 s1, $0x1  }
0x136: {  	[hbm4b:s4+s6] =	stream.strided.scatter [tilespmem:s12], [sflag:$0x4], $0x2000, s7, s6, $0x38;
	[tilespmem:$0x8A00] =	vst v63  }
.Ltmp2:
0x137: {  	_ =	swait.ge [sflag:s8], $0x2000;
	(pc) =	sbr.rel @p1 .LBB2_4-.Ltmp2, $4  }
0x138: {  	[sflag:s8] =	ssyncset.done $0x0  }
0x139: {  	[sflag:s8] =	ssyncadd.s32 $0xFFFFE000  }
0x13a: {  	_ =	swait.ge [sflag:s8], $0x2000  }
0x13b: {  	s1 =	sadd.s32 $0xFFFFFFFF, s1;
	s0 =	rddreg [dreg:$0x2];
	[sflag:s8] =	ssyncset.done $0x0  }
0x13c: {  	s22 =	simm.s32 $0x200;
	s30 =	simm.s32 $0x300  }
0x13d: {  	s29 =	simm.s32 $0x400;
	s28 =	simm.s32 $0x500;
	s26 =	simm.s32 $0x600  }
0x13e: {  	s25 =	simm.s32 $0x700;
	s23 =	simm.s32 $0x800;
	s21 =	stileid.u32  }
.LBB2_6:
0x13f: {  	[sflag:s8] =	ssyncadd.s32 @p0 $0xFFFFE000  }
0x140: {  	[tilespmem:s24], [sflag:$0x5] =	stream.linear.gather [hbm4b:s0+s24], $0xA00, $0x38;
	[tilespmem:$0x8A00] =	vst v63  }
0x141: {  	_ =	swait.ge [sflag:s31], $0xA00  }
0x142: {  	[sflag:s31] =	ssyncset.done $0x0  }
0x143: {  	[sflag:s31] =	ssyncadd.s32 $0xFFFFF600  }
0x144: {  	[tilespmem:s14], [sflag:$0x1] =	stream.indirect.gather [hbm4b:s2+s13], $0x40, s24, s13, $0xb8;
	[tilespmem:$0x8A00] =	vst v63  }
0x145: {  	_ =	swait.ge [sflag:s19], $0x4000  }
0x146: {  	[sflag:s19] =	ssyncset.done $0x0  }
0x147: {  	[sflag:s19] =	ssyncadd.s32 $0xFFFFC000  }
0x148: {  	[tilespmem:s5], [sflag:$0x2] =	stream.indirect.gather [hbm4b:s2+s13], $0x40, s13, s13, $0xb8;
	[tilespmem:$0x8A00] =	vst v63  }
0x149: {  	s31 =	rddreg [dreg:$0x3]  }
0x14a: {  	[hbm4b:s31+s6] =	stream.strided.scatter [tilespmem:s14], [sflag:$0x3], $0x2000, s7, s6, $0x38;
	[tilespmem:$0x8A00] =	vst v63  }
0x14b: {  	s1 =	rddreg [dreg:$0x4]  }
0x14c: {  	[hbm4b:s1+s6] =	stream.strided.scatter [tilespmem:s18], [sflag:$0x3], $0x2000, s7, s6, $0x38;
	[tilespmem:$0x8A00] =	vst v63  }
0x14d: {  	_ =	swait.ge [sflag:s16], $0x4000  }
0x14e: {  	[sflag:s16] =	ssyncset.done $0x0  }
0x14f: {  	[sflag:s16] =	ssyncadd.s32 $0xFFFFC000  }
0x150: {  	_ =	swait.ge [sflag:s11], $0x2000  }
0x151: {  	[sflag:s11] =	ssyncset.done $0x0  }
0x152: {  	[sflag:s11] =	ssyncadd.s32 $0xFFFFE000  }
0x153: {  	_ =	swait.ge [sflag:s11], $0x2000  }
0x154: {  	[sflag:s11] =	ssyncset.done $0x0  }
0x155: {  	[sflag:s11] =	ssyncadd.s32 $0xFFFFE000  }
0x156: {  	[tilespmem:s14], [sflag:$0x1] =	stream.indirect.gather [hbm4b:s2+s13], $0x40, s22, s13, $0xb8;
	[tilespmem:$0x8A00] =	vst v63  }
0x157: {  	s24 =	rddreg [dreg:$0x5]  }
0x158: {  	[hbm4b:s24+s6] =	stream.strided.scatter [tilespmem:s5], [sflag:$0x4], $0x2000, s7, s6, $0x38;
	[tilespmem:$0x8A00] =	vst v63  }
0x159: {  	s31 =	rddreg [dreg:$0x6]  }
0x15a: {  	[hbm4b:s31+s6] =	stream.strided.scatter [tilespmem:s12], [sflag:$0x4], $0x2000, s7, s6, $0x38;
	[tilespmem:$0x8A00] =	vst v63  }
0x15b: {  	_ =	swait.ge [sflag:s19], $0x4000  }
0x15c: {  	[sflag:s19] =	ssyncset.done $0x0  }
0x15d: {  	[sflag:s19] =	ssyncadd.s32 $0xFFFFC000  }
0x15e: {  	_ =	swait.ge [sflag:s8], $0x2000  }
0x15f: {  	[sflag:s8] =	ssyncset.done $0x0  }
0x160: {  	[sflag:s8] =	ssyncadd.s32 $0xFFFFE000  }
0x161: {  	_ =	swait.ge [sflag:s8], $0x2000  }
0x162: {  	[sflag:s8] =	ssyncset.done $0x0  }
0x163: {  	[sflag:s8] =	ssyncadd.s32 $0xFFFFE000  }
0x164: {  	[tilespmem:s5], [sflag:$0x2] =	stream.indirect.gather [hbm4b:s2+s13], $0x40, s30, s13, $0xb8;
	[tilespmem:$0x8A00] =	vst v63  }
0x165: {  	s22 =	rddreg [dreg:$0x7]  }
0x166: {  	[hbm4b:s22+s6] =	stream.strided.scatter [tilespmem:s14], [sflag:$0x3], $0x2000, s7, s6, $0x38;
	[tilespmem:$0x8A00] =	vst v63  }
0x167: {  	s24 =	rddreg [dreg:$0x8]  }
0x168: {  	[hbm4b:s24+s6] =	stream.strided.scatter [tilespmem:s18], [sflag:$0x3], $0x2000, s7, s6, $0x38;
	[tilespmem:$0x8A00] =	vst v63  }
0x169: {  	_ =	swait.ge [sflag:s16], $0x4000  }
0x16a: {  	[sflag:s16] =	ssyncset.done $0x0  }
0x16b: {  	[sflag:s16] =	ssyncadd.s32 $0xFFFFC000  }
0x16c: {  	_ =	swait.ge [sflag:s11], $0x2000  }
0x16d: {  	[sflag:s11] =	ssyncset.done $0x0  }
0x16e: {  	[sflag:s11] =	ssyncadd.s32 $0xFFFFE000  }
0x16f: {  	_ =	swait.ge [sflag:s11], $0x2000  }
0x170: {  	[sflag:s11] =	ssyncset.done $0x0  }
0x171: {  	[sflag:s11] =	ssyncadd.s32 $0xFFFFE000  }
0x172: {  	[tilespmem:s14], [sflag:$0x1] =	stream.indirect.gather [hbm4b:s2+s13], $0x40, s29, s13, $0xb8;
	[tilespmem:$0x8A00] =	vst v63  }
0x173: {  	s30 =	rddreg [dreg:$0x9]  }
0x174: {  	[hbm4b:s30+s6] =	stream.strided.scatter [tilespmem:s5], [sflag:$0x4], $0x2000, s7, s6, $0x38;
	[tilespmem:$0x8A00] =	vst v63  }
0x175: {  	s31 =	rddreg [dreg:$0xa]  }
0x176: {  	[hbm4b:s31+s6] =	stream.strided.scatter [tilespmem:s12], [sflag:$0x4], $0x2000, s7, s6, $0x38;
	[tilespmem:$0x8A00] =	vst v63  }
0x177: {  	_ =	swait.ge [sflag:s19], $0x4000  }
0x178: {  	[sflag:s19] =	ssyncset.done $0x0  }
0x179: {  	[sflag:s19] =	ssyncadd.s32 $0xFFFFC000  }
0x17a: {  	_ =	swait.ge [sflag:s8], $0x2000  }
0x17b: {  	[sflag:s8] =	ssyncset.done $0x0  }
0x17c: {  	[sflag:s8] =	ssyncadd.s32 $0xFFFFE000  }
0x17d: {  	_ =	swait.ge [sflag:s8], $0x2000  }
0x17e: {  	[sflag:s8] =	ssyncset.done $0x0  }
0x17f: {  	[sflag:s8] =	ssyncadd.s32 $0xFFFFE000  }
0x180: {  	[tilespmem:s5], [sflag:$0x2] =	stream.indirect.gather [hbm4b:s2+s13], $0x40, s28, s13, $0xb8;
	[tilespmem:$0x8A00] =	vst v63  }
0x181: {  	s22 =	rddreg [dreg:$0xb]  }
0x182: {  	[hbm4b:s22+s6] =	stream.strided.scatter [tilespmem:s14], [sflag:$0x3], $0x2000, s7, s6, $0x38;
	[tilespmem:$0x8A00] =	vst v63  }
0x183: {  	s24 =	rddreg [dreg:$0xc]  }
0x184: {  	[hbm4b:s24+s6] =	stream.strided.scatter [tilespmem:s18], [sflag:$0x3], $0x2000, s7, s6, $0x38;
	[tilespmem:$0x8A00] =	vst v63  }
0x185: {  	_ =	swait.ge [sflag:s16], $0x4000  }
0x186: {  	[sflag:s16] =	ssyncset.done $0x0  }
0x187: {  	[sflag:s16] =	ssyncadd.s32 $0xFFFFC000  }
0x188: {  	_ =	swait.ge [sflag:s11], $0x2000  }
0x189: {  	[sflag:s11] =	ssyncset.done $0x0  }
0x18a: {  	[sflag:s11] =	ssyncadd.s32 $0xFFFFE000  }
0x18b: {  	_ =	swait.ge [sflag:s11], $0x2000  }
0x18c: {  	[sflag:s11] =	ssyncset.done $0x0  }
0x18d: {  	[sflag:s11] =	ssyncadd.s32 $0xFFFFE000  }
0x18e: {  	[tilespmem:s14], [sflag:$0x1] =	stream.indirect.gather [hbm4b:s2+s13], $0x40, s26, s13, $0xb8;
	[tilespmem:$0x8A00] =	vst v63  }
0x18f: {  	s28 =	rddreg [dreg:$0xd]  }
0x190: {  	[hbm4b:s28+s6] =	stream.strided.scatter [tilespmem:s5], [sflag:$0x4], $0x2000, s7, s6, $0x38;
	[tilespmem:$0x8A00] =	vst v63  }
0x191: {  	s29 =	rddreg [dreg:$0xe]  }
0x192: {  	[hbm4b:s29+s6] =	stream.strided.scatter [tilespmem:s12], [sflag:$0x4], $0x2000, s7, s6, $0x38;
	[tilespmem:$0x8A00] =	vst v63  }
0x193: {  	_ =	swait.ge [sflag:s19], $0x4000  }
0x194: {  	[sflag:s19] =	ssyncset.done $0x0  }
0x195: {  	[sflag:s19] =	ssyncadd.s32 $0xFFFFC000  }
0x196: {  	_ =	swait.ge [sflag:s8], $0x2000  }
0x197: {  	[sflag:s8] =	ssyncset.done $0x0  }
0x198: {  	[sflag:s8] =	ssyncadd.s32 $0xFFFFE000  }
0x199: {  	_ =	swait.ge [sflag:s8], $0x2000  }
0x19a: {  	[sflag:s8] =	ssyncset.done $0x0  }
0x19b: {  	[sflag:s8] =	ssyncadd.s32 $0xFFFFE000  }
0x19c: {  	[tilespmem:s5], [sflag:$0x2] =	stream.indirect.gather [hbm4b:s2+s13], $0x40, s25, s13, $0xb8;
	[tilespmem:$0x8A00] =	vst v63  }
0x19d: {  	s30 =	rddreg [dreg:$0xf]  }
0x19e: {  	[hbm4b:s30+s6] =	stream.strided.scatter [tilespmem:s14], [sflag:$0x3], $0x2000, s7, s6, $0x38;
	[tilespmem:$0x8A00] =	vst v63  }
0x19f: {  	_ = 	snop  }
0x1a0: {  	[hbm4b:s20+s6] =	stream.strided.scatter [tilespmem:s18], [sflag:$0x3], $0x2000, s7, s6, $0x38;
	[tilespmem:$0x8A00] =	vst v63  }
0x1a1: {  	_ =	swait.ge [sflag:s16], $0x4000  }
0x1a2: {  	[sflag:s16] =	ssyncset.done $0x0  }
0x1a3: {  	[sflag:s16] =	ssyncadd.s32 $0xFFFFC000  }
0x1a4: {  	_ =	swait.ge [sflag:s11], $0x2000  }
0x1a5: {  	[sflag:s11] =	ssyncset.done $0x0  }
0x1a6: {  	[sflag:s11] =	ssyncadd.s32 $0xFFFFE000  }
0x1a7: {  	_ =	swait.ge [sflag:s11], $0x2000  }
0x1a8: {  	[sflag:s11] =	ssyncset.done $0x0  }
0x1a9: {  	[sflag:s11] =	ssyncadd.s32 $0xFFFFE000  }
0x1aa: {  	[tilespmem:s14], [sflag:$0x1] =	stream.indirect.gather [hbm4b:s2+s13], $0x40, s23, s13, $0xb8;
	[tilespmem:$0x8A00] =	vst v63  }
0x1ab: {  	_ = 	snop  }
0x1ac: {  	[hbm4b:s15+s6] =	stream.strided.scatter [tilespmem:s5], [sflag:$0x4], $0x2000, s7, s6, $0x38;
	[tilespmem:$0x8A00] =	vst v63  }
0x1ad: {  	_ = 	snop  }
0x1ae: {  	[hbm4b:s17+s6] =	stream.strided.scatter [tilespmem:s12], [sflag:$0x4], $0x2000, s7, s6, $0x38;
	[tilespmem:$0x8A00] =	vst v63  }
0x1af: {  	_ =	swait.ge [sflag:s19], $0x4000  }
0x1b0: {  	[sflag:s19] =	ssyncset.done $0x0  }
0x1b1: {  	[sflag:s19] =	ssyncadd.s32 $0xFFFFC000  }
0x1b2: {  	_ =	swait.ge [sflag:s8], $0x2000  }
0x1b3: {  	[sflag:s8] =	ssyncset.done $0x0  }
0x1b4: {  	[sflag:s8] =	ssyncadd.s32 $0xFFFFE000  }
0x1b5: {  	_ =	swait.ge [sflag:s8], $0x2000  }
0x1b6: {  	[sflag:s8] =	ssyncset.done $0x0  }
0x1b7: {  	s31 =	simm.s32 $0x900;
	[sflag:s8] =	ssyncadd.s32 $0xFFFFE000  }
0x1b8: {  	[tilespmem:s5], [sflag:$0x2] =	stream.indirect.gather [hbm4b:s2+s13], $0x40, s31, s13, $0xb8;
	[tilespmem:$0x8A00] =	vst v63  }
0x1b9: {  	_ = 	snop  }
0x1ba: {  	[hbm4b:s9+s6] =	stream.strided.scatter [tilespmem:s14], [sflag:$0x3], $0x2000, s7, s6, $0x38;
	[tilespmem:$0x8A00] =	vst v63  }
0x1bb: {  	_ = 	snop  }
0x1bc: {  	[hbm4b:s10+s6] =	stream.strided.scatter [tilespmem:s18], [sflag:$0x3], $0x2000, s7, s6, $0x38;
	[tilespmem:$0x8A00] =	vst v63  }
0x1bd: {  	_ =	swait.ge [sflag:s16], $0x4000  }
0x1be: {  	[sflag:s16] =	ssyncset.done $0x0  }
0x1bf: {  	[sflag:s16] =	ssyncadd.s32 $0xFFFFC000  }
0x1c0: {  	_ =	swait.ge [sflag:s11], $0x2000  }
0x1c1: {  	[sflag:s11] =	ssyncset.done $0x0  }
0x1c2: {  	[sflag:s11] =	ssyncadd.s32 $0xFFFFE000  }
0x1c3: {  	_ =	swait.ge [sflag:s11], $0x2000  }
0x1c4: {  	[sflag:s11] =	ssyncset.done $0x0  }
0x1c5: {  	[sflag:s11] =	ssyncadd.s32 $0xFFFFE000  }
0x1c6: {  	[hbm4b:s3+s6] =	stream.strided.scatter [tilespmem:s5], [sflag:$0x4], $0x2000, s7, s6, $0x38;
	[tilespmem:$0x8A00] =	vst v63  }
0x1c7: {  	_ = 	snop  }
0x1c8: {  	[hbm4b:s4+s6] =	stream.strided.scatter [tilespmem:s12], [sflag:$0x4], $0x2000, s7, s6, $0x38;
	[tilespmem:$0x8A00] =	vst v63  }
0x1c9: {  	_ =	swait.ge [sflag:s8], $0x2000  }
0x1ca: {  	[sflag:s8] =	ssyncset.done $0x0  }
0x1cb: {  	[sflag:s8] =	ssyncadd.s32 $0xFFFFE000  }
0x1cc: {  	_ =	swait.ge [sflag:s8], $0x2000  }
0x1cd: {  	[sflag:s8] =	ssyncset.done $0x0  }
0x1ce: {  	[sflag:s8] =	ssyncadd.s32 $0xFFFFE000  }
0x1cf: {  	_ =	sfence.sel $0x180000  }
0x1d0: {  	[bflag:$0x0] =	sbarrier.arrive $0xFFFF  }
0x1d1: {  	_ =	strace $0x9000004A  }
0x1d2: {  	[bflag:$0x2] =	sbarrier.arrive $0xFFFF  }
0x1d3: {  	p0 =	sne.s32 s21, $0x0;
	s0 =	rddreg [dreg:$0x1]  }
0x1d4: {  	s0 =	sadd.s32 @!p0 $0x100000, s0  }
0x1d5: {  	[sflag:s0] =	ssyncadd.tile.s32 @!p0 $0x1;
	_ =	shalt  }
.LBB2_1:
.Ltmp3:
0x1d6: {  	(pc) =	sbr.rel .LBB2_6-.Ltmp3, $4  }
0x1d7: {  	_ = 	snop  }
0x1d8: {  	s22 =	simm.s32 $0x200  }
0x1d9: {  	s30 =	simm.s32 $0x300;
	s29 =	simm.s32 $0x400;
	s28 =	simm.s32 $0x500  }
0x1da: {  	s26 =	simm.s32 $0x600;
	s25 =	simm.s32 $0x700;
	s23 =	simm.s32 $0x800  }
.LBB2_3:
.Ltmp4:
0x1db: {  	(pc) =	sbr.rel .LBB2_6-.Ltmp4, $4  }
0x1dc: {  	_ = 	snop  }
0x1dd: {  	s22 =	simm.s32 $0x200;
	s30 =	simm.s32 $0x300  }
0x1de: {  	s29 =	simm.s32 $0x400;
	s28 =	simm.s32 $0x500;
	s26 =	simm.s32 $0x600  }
0x1df: {  	s25 =	simm.s32 $0x700;
	s23 =	simm.s32 $0x800;
	s21 =	stileid.u32  }
.Lfunc_end2:
_tile_overlayer_lowered:
.L_overlay_start_2:
0x1e0: {  	(tag) =	ssettag $0x2  }
0x1e1: {  	s0 =	rddreg [dreg:$0x0];
	s2 =	stileid.u32  }
0x1e2: {  	s1 =	rddreg [dreg:$0x1];
	p0 =	sne.s32 s2, $0x0  }
0x1e3: {  	s3 =	rddreg [dreg:$0x2];
	[bflag:$0x3] =	sbarrier.arrive $0xFFFF;
	s2 =	simm.s32 @!p0 $0x1C05  }
0x1e4: {  	[timem:s3], [sflag:s2] =	dma.local @!p0 [hbm:s0], s1  }
0x1e5: {  	s0 =	simm.s32 @!p0 $0x5  }
0x1e6: {  	_ =	swait.ge @!p0 [sflag:s0], s1  }
0x1e7: {  	s1 =	ssub.s32 @!p0 $0x0, s1;
	[sflag:s0] =	ssyncset.done @!p0 $0x0  }
0x1e8: {  	[sflag:s0] =	ssyncadd.s32 @!p0 s1  }
0x1e9: {  	[bflag:$0x3] =	sbarrier.arrive $0xFFFF  }
0x1ea: {  	_ =	shalt  }

// kernel: kernel.26.cloned.1.call-start
scs
__scs_entry_jumppad:
0x0: {  	(pc) =	sbr.rel $0x88, $3  }
0x1: {  	(tag) =	ssettag $0x0;
	lr =	simm.s32 $0x1  }
0x2: {  	[smem:$0x3F97] =	sst lr;
	_ =	strace $0xD0000000  }
0x3: {  	_ = 	snop  }
0x4: {  	_ = 	snop  }
0x5: {  	_ = 	snop  }
0x6: {  	_ = 	snop  }
0x7: {  	_ = 	snop  }
__scs_overlays_trampoline_lowered:
0x8: {  	[smem:$0x3FA6] =	sst s0  }
0x9: {  	[smem:$0x3FA7] =	sst s1  }
0xa: {  	[smem:$0x3FA8] =	sst s2  }
0xb: {  	[smem:$0x3FA9] =	sst s3  }
0xc: {  	[smem:$0x3FAA] =	sst s4  }
0xd: {  	[smem:$0x3FAB] =	sst s5  }
0xe: {  	[smem:$0x3FAC] =	sst s6  }
0xf: {  	[smem:$0x3FAD] =	sst s7  }
0x10: {  	[smem:$0x3FAE] =	sst s8  }
0x11: {  	[smem:$0x3FAF] =	sst s9;
	s0 =	simm.s32 @!p0 $0x0  }
0x12: {  	s1 =	sld [smem:$0x3F95];
	s0 =	simm.s32 @p0 $0x1  }
0x13: {  	[smem:$0x3FB0] =	sst s0;
	s0 =	simm.s32 @!p1 $0x0  }
0x14: {  	s2 =	sld [smem:$0x3F94];
	s0 =	simm.s32 @p1 $0x1  }
0x15: {  	[smem:$0x3FB1] =	sst s0;
	s0 =	simm.s32 @!p2 $0x0  }
0x16: {  	s3 =	sld [smem:$0x3FDB];
	s0 =	simm.s32 @p2 $0x1  }
0x17: {  	s4 =	simm.s32 $0x1BF5;
	[smem:$0x3FB3] =	sst s0  }
0x18: {  	s0 =	sld [smem:$0x3F96];
	_ =	swait.ge [sflag:s4], $0x0  }
0x19: {  	s7 =	sld [smem:$0x3F97]  }
0x1a: {  	s8 =	sadd.s32 $0xFFFFE003, lr  }
0x1b: {  	s9 =	sadd.s32 $0xFFFFFEF7, lr;
	s5 =	simm.s32 $0xFFFFFFFF;
	p2 =	slt.u32 s8, $0xFFFFF086  }
0x1c: {  	p1 =	slt.u32 s9, $0xF7A;
	s5 =	simm.s32 @!p2 $0x0  }
0x1d: {  	s5 =	simm.s32 @p1 $0x1;
	p0 =	seq.s32 s7, s2  }
0x1e: {  	s7 =	smul.u32 @!p0 $0xF7A, s2;
	p2 =	seq.s32 @!p0 s5, $0x0  }
0x1f: {  	s9 =	smul.u32 $0xF7A, s1;
	s8 =	simm.s32 @!p0 $0x1BF5;
	p2 =	por !p2, p0  }
0x20: {  	[sflag:s8] =	ssyncset.s32 @!p0 $0xFFFFF086;
	s6 =	sadd.s32 @!p0 s3, s7;
	s7 =	simm.s32 @!p0 $0x108  }
0x21: {  	s3 =	sadd.s32 s3, s9;
	s6 =	sadd.s32 @!p0 $0x88, s6;
	s7 =	simm.s32 @p2 $0x1082  }
0x22: {  	[simem:s7], [sflag:s8] =	dma.local @!p0 [hbm:s6], $0xF7A  }
0x23: {  	s9 =	sor.u32 $0xD0000000, s2;
	s6 =	simm.s32 $0x108;
	_ =	swait.ge @!p0 [sflag:s8], $0x0  }
0x24: {  	s3 =	sadd.s32 $0x88, s3;
	s6 =	simm.s32 @!p1 $0x1082;
	[sflag:s4] =	ssyncset.s32 $0xFFFFF086  }
0x25: {  	[simem:s6], [sflag:s4] =	dma.local [hbm:s3], $0xF7A  }
0x26: {  	[smem:$0x3F97] =	sst s1;
	(tag) =	ssettag s2;
	_ =	strace s9  }
0x27: {  	s1 =	sld [smem:$0x3FA7]  }
0x28: {  	s2 =	sld [smem:$0x3FA8]  }
0x29: {  	s4 =	sld [smem:$0x3FAA]  }
0x2a: {  	p0 =	seq.s32 s5, $0x0;
	s5 =	sld [smem:$0x3FAB]  }
0x2b: {  	s6 =	sld [smem:$0x3FAC]  }
0x2c: {  	s7 =	sld [smem:$0x3FAD]  }
0x2d: {  	s3 =	simm.s32 $0x108;
	s8 =	sld [smem:$0x3FAE]  }
0x2e: {  	s3 =	simm.s32 @!p0 $0x1082;
	s9 =	sld [smem:$0x3FAF]  }
0x2f: {  	lr =	sadd.s32 s0, s3;
	s0 =	sld [smem:$0x3FA6]  }
0x30: {  	s3 =	sld [smem:$0x3FA9]  }
0x31: {  	[smem:$0x3FB2] =	sst s10  }
0x32: {  	s10 =	sld [smem:$0x3FB0];
	_ =	sdelay $0x3  }
0x33: {  	p0 =	seq.s32 s10, $0x1;
	s10 =	sld [smem:$0x3FB2];
	_ =	sdelay $0x3  }
0x34: {  	[smem:$0x3FB2] =	sst s10  }
0x35: {  	s10 =	sld [smem:$0x3FB1];
	_ =	sdelay $0x3  }
0x36: {  	p1 =	seq.s32 s10, $0x1;
	s10 =	sld [smem:$0x3FB2];
	_ =	sdelay $0x3  }
0x37: {  	[smem:$0x3FB2] =	sst s10  }
0x38: {  	s10 =	sld [smem:$0x3FB3]  }
0x39: {  	_ = 	snop;
	(pc) =	sbr.ind lr, $3  }
0x3a: {  	_ = 	snop  }
0x3b: {  	_ = 	snop  }
0x3c: {  	p2 =	seq.s32 s10, $0x1;
	s10 =	sld [smem:$0x3FB2]  }
0x3d: {  	_ =	shalt  }
0x3e: {  	_ =	shalt  }
0x3f: {  	_ =	shalt  }
0x40: {  	_ =	shalt  }
0x41: {  	_ =	shalt  }
0x42: {  	_ =	shalt  }
0x43: {  	_ =	shalt  }
0x44: {  	_ =	shalt  }
0x45: {  	_ =	shalt  }
0x46: {  	_ =	shalt  }
0x47: {  	_ =	shalt  }
0x48: {  	_ =	shalt  }
0x49: {  	_ =	shalt  }
0x4a: {  	_ =	shalt  }
0x4b: {  	_ =	shalt  }
0x4c: {  	_ =	shalt  }
0x4d: {  	_ =	shalt  }
0x4e: {  	_ =	shalt  }
0x4f: {  	_ =	shalt  }
0x50: {  	_ =	shalt  }
0x51: {  	_ =	shalt  }
0x52: {  	_ =	shalt  }
0x53: {  	_ =	shalt  }
0x54: {  	_ =	shalt  }
0x55: {  	_ =	shalt  }
0x56: {  	_ =	shalt  }
0x57: {  	_ =	shalt  }
0x58: {  	_ =	shalt  }
0x59: {  	_ =	shalt  }
0x5a: {  	_ =	shalt  }
0x5b: {  	_ =	shalt  }
0x5c: {  	_ =	shalt  }
0x5d: {  	_ =	shalt  }
0x5e: {  	_ =	shalt  }
0x5f: {  	_ =	shalt  }
0x60: {  	_ =	shalt  }
0x61: {  	_ =	shalt  }
0x62: {  	_ =	shalt  }
0x63: {  	_ =	shalt  }
0x64: {  	_ =	shalt  }
0x65: {  	_ =	shalt  }
0x66: {  	_ =	shalt  }
0x67: {  	_ =	shalt  }
0x68: {  	_ =	shalt  }
0x69: {  	_ =	shalt  }
0x6a: {  	_ =	shalt  }
0x6b: {  	_ =	shalt  }
0x6c: {  	_ =	shalt  }
0x6d: {  	_ =	shalt  }
0x6e: {  	_ =	shalt  }
0x6f: {  	_ =	shalt  }
0x70: {  	_ =	shalt  }
0x71: {  	_ =	shalt  }
0x72: {  	_ =	shalt  }
0x73: {  	_ =	shalt  }
0x74: {  	_ =	shalt  }
0x75: {  	_ =	shalt  }
0x76: {  	_ =	shalt  }
0x77: {  	_ =	shalt  }
0x78: {  	_ =	shalt  }
0x79: {  	_ =	shalt  }
0x7a: {  	_ =	shalt  }
0x7b: {  	_ =	shalt  }
0x7c: {  	_ =	shalt  }
0x7d: {  	_ =	shalt  }
0x7e: {  	_ =	shalt  }
0x7f: {  	_ =	shalt  }
0x80: {  	_ =	shalt  }
0x81: {  	_ =	shalt  }
0x82: {  	_ =	shalt  }
0x83: {  	_ =	shalt  }
0x84: {  	_ =	shalt  }
0x85: {  	_ =	shalt  }
0x86: {  	_ =	shalt  }
0x87: {  	_ =	shalt  }
.Lfunc_end0:
.L_simem_size_0:
called_computation.4_lowered:
.L_overlay_start_0:
0x88: {  	s2 =	sld [smem:$0x3FD9]  }
0x89: {  	s3 =	sld [smem:$0x3FFE];
	_ =	sdelay $0x1  }
0x8a: {  	s1 =	srdreg.scid  }
0x8b: {  	s0 =	sand.u32 $0x1, s1  }
0x8c: {  	s16 =	sshll.u32 s0, $0xA;
	s2 =	sadd.s32 s3, s2  }
0x8d: {  	s2 =	sadd.s32 s2, s16  }
0x8e: {  	[smem:$0x3FBE] =	sst s2  }
0x8f: {  	_ = 	snop  }
0x90: {  	(tm) =	ssettm $0x1  }
0x91: {  	s17 =	sld [smem:$0x3FFB];
	_ =	sdelay $0x3  }
0x92: {  	_ =	strace s17  }
0x93: {  	s2 =	sld [smem:$0x3FFC];
	_ =	sdelay $0x3  }
0x94: {  	_ =	strace s2  }
0x95: {  	s2 =	sld [smem:$0x3FFD];
	_ =	sdelay $0x3  }
0x96: {  	_ =	strace s2  }
0x97: {  	_ =	strace $0x8FFFFFFF  }
0x98: {  	s18 =	sld [smem:$0x3FDB];
	_ =	sdelay $0x1  }
0x99: {  	s19 =	simm.s32 $_scs_section_size  }
0x9a: {  	s4 =	simm.s32 $_size__tile_overlayer_lowered;
	s5 =	simm.s32 $_tile_overlayer_lowered  }
0x9b: {  	s22 =	simm.s32 $0x1BFF;
	s21 =	sshll.u32 s5, $0x1;
	s2 =	sadd.s32 s19, s18  }
0x9c: {  	s6 =	simm.s32 $0x0;
	s20 =	sshll.u32 s4, $0x1;
	s4 =	sadd.s32 s21, s2  }
0x9d: {  	[timem:s6], [sflag:s22] =	dma.local [hbm:s4], s20  }
0x9e: {  	_ =	swait.ge [sflag:s22], s20  }
0x9f: {  	s3 =	ssub.s32 $0x0, s20;
	[sflag:s22] =	ssyncset.done $0x0  }
0xa0: {  	[sflag:s22] =	ssyncadd.s32 s3;
	_ =	sdelay $0x1  }
0xa1: {  	s23 =	simm.s32 $0x1B8B  }
0xa2: {  	_ =	swait.ge [sflag:s23], $0x1  }
0xa3: {  	[sflag:s23] =	ssyncset.done $0x0  }
0xa4: {  	s25 =	simm.s32 $0x1B8E;
	s24 =	sld [smem:$0x3FFE];
	[sflag:s23] =	ssyncadd.s32 $0xFFFFFFFF  }
0xa5: {  	s26 =	simm.s32 $execute0_lowered;
	[smem:$0x3FD2] =	sst s25  }
0xa6: {  	s4 =	sshll.u32 s26, $0x1;
	_ =	strace $0x80000046;
	[dreg:$0x1] =	wrdreg $0xFFFFFFFF  }
0xa7: {  	s28 =	simm.s32 $_size_execute0_lowered;
	s2 =	sadd.s32 s2, s4;
	[dreg:$0x0] =	wrdreg $0x0  }
0xa8: {  	s4 =	sshll.u32 s28, $0x1;
	[dreg:$0x2] =	wrdreg s2  }
0xa9: {  	[dreg:$0x3] =	wrdreg s4  }
0xaa: {  	[dreg:$0x4] =	wrdreg $0xC0  }
0xab: {  	_ =	task [dreg:s6], $0x5FFFF  }
0xac: {  	[dreg:$0x1] =	wrdreg $0xFFFFFFFF  }
0xad: {  	[dreg:$0x0] =	wrdreg $0x60  }
0xae: {  	[dreg:$0x2] =	wrdreg s24  }
0xaf: {  	[dreg:$0x3] =	wrdreg $0xC  }
0xb0: {  	_ =	task.clear_ibuf [dreg:s6], $0x4FFFF;
	_ =	strace $0x90000046  }
0xb1: {  	s29 =	simm.s32 $0xC;
	_ =	strace $0x80000048  }
0xb2: {  	_ =	swait.ge [sflag:s29], $0x1  }
0xb3: {  	[sflag:s29] =	ssyncadd.s32 $0xFFFFFFFF  }
0xb4: {  	_ =	strace $0x90000048  }
0xb5: {  	_ =	sfence  }
0xb6: {  	s30 =	sld [smem:$0x0];
	_ =	sdelay $0x2  }
0xb7: {  	s31 =	sshll.u32 s1, $0xD;
	s1 =	sshrl.u32 s1, $0x2  }
0xb8: {  	s3 =	sand.u32 $0x4000, s31;
	s1 =	sadd.s32 s1, s30  }
0xb9: {  	s0 =	sor.u32 s3, s0;
	s1 =	sshll.u32 s1, $0x11  }
0xba: {  	s0 =	sor.u32 s1, s0  }
0xbb: {  	s0 =	sadd.s32 $0x8F2B, s0  }
0xbc: {  	[sflag:s0] =	ssyncadd.remote.s32 $0x1  }
0xbd: {  	_ =	sfence.sel $0xFFFF  }
0xbe: {  	[dreg:$0x0] =	wrdreg $0xFFFFFFFF;
	(pc) =	sbr.abs _section_cstart, $3  }
0xbf: {  	[dreg:$0x1] =	wrdreg $0xFFFFFFFF  }
0xc0: {  	_ =	task.clear_ibuf [dreg:s6], $0x2FFFF;
	_ =	strace $0x9FFFFFFF  }
0xc1: {  	(tm) =	ssettm $0x7FFFFFFF  }
tec
execute0_lowered:
.L_overlay_start_1:
0x0: {  	(tag) =	ssettag $0x1  }
0x1: {  	s0 =	srdreg.scid  }
0x2: {  	s21 =	stileid.u32;
	s2 =	rddreg [dreg:$0x0];
	s0 =	sand.u32 $0x1, s0  }
0x3: {  	s24 =	simm.s32 $0x0;
	s31 =	simm.s32 $0x5;
	s1 =	sshll.u32 s0, $0x4  }
0x4: {  	s30 =	simm.s32 $0x300;
	p0 =	por $0x0, $0x0;
	s1 =	sor.u32 s21, s1  }
0x5: {  	s29 =	simm.s32 $0x400;
	s28 =	simm.s32 $0x500;
	s3 =	smul.u32 $0x140, s1  }
0x6: {  	[smem:$0x7FF] =	sst s24;
	s4 =	sadd.s32 $0x30600, s2;
	s1 =	smul.u32 $0x28000, s1  }
0x7: {  	s5 =	sadd.s32 $0x30608, s2;
	_ =	strace $0x80000047;
	s3 =	sadd.s32 s3, s2  }
0x8: {  	s0 =	ssub.s32 $0x2, s0;
	s1 =	sshrl.u32 s1, $0x3;
	s3 =	sadd.s32 $0x17C00, s3  }
0x9: {  	s2 =	sadd.s32 $0x1CC00, s2;
	s25 =	sadd.s32 s4, s1;
	[dreg:$0x2] =	wrdreg s3  }
0xa: {  	s26 =	sadd.s32 s1, s5;
	s6 =	sor.u32 $0x800, s1;
	[dreg:$0x3] =	wrdreg s25  }
0xb: {  	s9 =	sadd.s32 $0x1000, s1;
	[dreg:$0x4] =	wrdreg s26;
	s7 =	sadd.s32 s4, s6  }
0xc: {  	s12 =	sadd.s32 $0x1800, s1;
	s8 =	sadd.s32 s6, s5;
	[dreg:$0x5] =	wrdreg s7  }
0xd: {  	s15 =	sadd.s32 $0x2000, s1;
	s10 =	sadd.s32 s4, s9;
	[dreg:$0x6] =	wrdreg s8  }
0xe: {  	s18 =	sadd.s32 $0x2800, s1;
	s11 =	sadd.s32 s9, s5;
	[dreg:$0x7] =	wrdreg s10  }
0xf: {  	s22 =	sadd.s32 $0x3000, s1;
	s13 =	sadd.s32 s4, s12;
	[dreg:$0x8] =	wrdreg s11  }
0x10: {  	s14 =	sadd.s32 s12, s5;
	s16 =	sadd.s32 s4, s15;
	[dreg:$0x9] =	wrdreg s13  }
0x11: {  	s17 =	sadd.s32 s15, s5;
	s19 =	sadd.s32 s4, s18;
	[dreg:$0xa] =	wrdreg s14  }
0x12: {  	s20 =	sadd.s32 s18, s5;
	s23 =	sadd.s32 s4, s22;
	[dreg:$0xb] =	wrdreg s16  }
0x13: {  	s25 =	sadd.s32 $0x3800, s1;
	s26 =	sadd.s32 $0x4000, s1;
	[dreg:$0xc] =	wrdreg s17  }
0x14: {  	s1 =	sadd.s32 $0x4800, s1;
	s6 =	simm.s32 $0x40;
	[dreg:$0xd] =	wrdreg s19  }
0x15: {  	s18 =	simm.s32 $0x2A00;
	s12 =	simm.s32 $0x6A00;
	[dreg:$0xe] =	wrdreg s20  }
0x16: {  	s7 =	sshrl.u32 s0, $0x1;
	[dreg:$0xf] =	wrdreg s23;
	s20 =	sadd.s32 s22, s5  }
0x17: {  	s15 =	sadd.s32 s4, s25;
	s17 =	sadd.s32 s25, s5;
	s0 =	ssub.s32 s0, s7  }
0x18: {  	s9 =	sadd.s32 s4, s26;
	s10 =	sadd.s32 s26, s5;
	s0 =	smax.u32 s0, $0x1  }
0x19: {  	s3 =	sadd.s32 s4, s1;
	s4 =	sadd.s32 s1, s5;
	p1 =	sne.s32 s0, $0x1  }
.Ltmp0:
0x1a: {  	s13 =	simm.s32 $0x100;
	s14 =	simm.s32 $0xA00;
	(pc) =	sbr.rel @!p1 .LBB2_1-.Ltmp0, $4  }
0x1b: {  	s19 =	simm.s32 $0x1;
	s5 =	simm.s32 $0x4A00;
	s16 =	simm.s32 $0x2  }
0x1c: {  	s11 =	simm.s32 $0x3;
	s8 =	simm.s32 $0x4;
	s26 =	simm.s32 $0x600  }
0x1d: {  	s25 =	simm.s32 $0x700;
	s23 =	simm.s32 $0x800;
	s22 =	simm.s32 $0x900  }
0x1e: {  	s7 =	simm.s32 $0x80;
	s1 =	sadd.s32 $0xFFFFFFFF, s0;
	s0 =	rddreg [dreg:$0x2]  }
0x1f: {  	[tilespmem:s24], [sflag:$0x5] =	stream.linear.gather [hbm4b:s0+s24], $0xA00, $0x38;
	[tilespmem:$0x8A00] =	vst v63  }
0x20: {  	_ =	swait.ge [sflag:s31], $0xA00  }
0x21: {  	[sflag:s31] =	ssyncset.done $0x0  }
0x22: {  	[sflag:s31] =	ssyncadd.s32 $0xFFFFF600  }
0x23: {  	[tilespmem:s14], [sflag:$0x1] =	stream.indirect.gather [hbm4b:s2+s13], $0x40, s24, s13, $0xb8;
	[tilespmem:$0x8A00] =	vst v63  }
0x24: {  	_ =	swait.ge [sflag:s19], $0x4000  }
0x25: {  	[sflag:s19] =	ssyncset.done $0x0  }
0x26: {  	[sflag:s19] =	ssyncadd.s32 $0xFFFFC000  }
0x27: {  	[tilespmem:s5], [sflag:$0x2] =	stream.indirect.gather [hbm4b:s2+s13], $0x40, s13, s13, $0xb8;
	[tilespmem:$0x8A00] =	vst v63  }
0x28: {  	s0 =	rddreg [dreg:$0x3]  }
0x29: {  	[hbm4b:s0+s6] =	stream.strided.scatter [tilespmem:s14], [sflag:$0x3], $0x2000, s7, s6, $0x38;
	[tilespmem:$0x8A00] =	vst v63  }
0x2a: {  	s21 =	smov.u32 s1;
	s1 =	rddreg [dreg:$0x4]  }
0x2b: {  	[hbm4b:s1+s6] =	stream.strided.scatter [tilespmem:s18], [sflag:$0x3], $0x2000, s7, s6, $0x38;
	[tilespmem:$0x8A00] =	vst v63  }
0x2c: {  	_ =	swait.ge [sflag:s16], $0x4000  }
0x2d: {  	[sflag:s16] =	ssyncset.done $0x0  }
0x2e: {  	[sflag:s16] =	ssyncadd.s32 $0xFFFFC000  }
0x2f: {  	_ =	swait.ge [sflag:s11], $0x2000  }
0x30: {  	[sflag:s11] =	ssyncset.done $0x0  }
0x31: {  	[sflag:s11] =	ssyncadd.s32 $0xFFFFE000  }
0x32: {  	_ =	swait.ge [sflag:s11], $0x2000  }
0x33: {  	[sflag:s11] =	ssyncset.done $0x0  }
0x34: {  	s1 =	simm.s32 $0x200;
	[sflag:s11] =	ssyncadd.s32 $0xFFFFE000  }
0x35: {  	[tilespmem:s14], [sflag:$0x1] =	stream.indirect.gather [hbm4b:s2+s13], $0x40, s1, s13, $0xb8;
	[tilespmem:$0x8A00] =	vst v63  }
0x36: {  	s0 =	rddreg [dreg:$0x5]  }
0x37: {  	[hbm4b:s0+s6] =	stream.strided.scatter [tilespmem:s5], [sflag:$0x4], $0x2000, s7, s6, $0x38;
	[tilespmem:$0x8A00] =	vst v63  }
0x38: {  	s1 =	rddreg [dreg:$0x6]  }
0x39: {  	[hbm4b:s1+s6] =	stream.strided.scatter [tilespmem:s12], [sflag:$0x4], $0x2000, s7, s6, $0x38;
	[tilespmem:$0x8A00] =	vst v63  }
0x3a: {  	_ =	swait.ge [sflag:s19], $0x4000  }
0x3b: {  	[sflag:s19] =	ssyncset.done $0x0  }
0x3c: {  	[sflag:s19] =	ssyncadd.s32 $0xFFFFC000  }
0x3d: {  	_ =	swait.ge [sflag:s8], $0x2000  }
0x3e: {  	[sflag:s8] =	ssyncset.done $0x0  }
0x3f: {  	[sflag:s8] =	ssyncadd.s32 $0xFFFFE000  }
0x40: {  	_ =	swait.ge [sflag:s8], $0x2000  }
0x41: {  	[sflag:s8] =	ssyncset.done $0x0  }
0x42: {  	[sflag:s8] =	ssyncadd.s32 $0xFFFFE000  }
0x43: {  	[tilespmem:s5], [sflag:$0x2] =	stream.indirect.gather [hbm4b:s2+s13], $0x40, s30, s13, $0xb8;
	[tilespmem:$0x8A00] =	vst v63  }
0x44: {  	s0 =	rddreg [dreg:$0x7]  }
0x45: {  	[hbm4b:s0+s6] =	stream.strided.scatter [tilespmem:s14], [sflag:$0x3], $0x2000, s7, s6, $0x38;
	[tilespmem:$0x8A00] =	vst v63  }
0x46: {  	s1 =	rddreg [dreg:$0x8]  }
0x47: {  	[hbm4b:s1+s6] =	stream.strided.scatter [tilespmem:s18], [sflag:$0x3], $0x2000, s7, s6, $0x38;
	[tilespmem:$0x8A00] =	vst v63  }
0x48: {  	_ =	swait.ge [sflag:s16], $0x4000  }
0x49: {  	[sflag:s16] =	ssyncset.done $0x0  }
0x4a: {  	[sflag:s16] =	ssyncadd.s32 $0xFFFFC000  }
0x4b: {  	_ =	swait.ge [sflag:s11], $0x2000  }
0x4c: {  	[sflag:s11] =	ssyncset.done $0x0  }
0x4d: {  	[sflag:s11] =	ssyncadd.s32 $0xFFFFE000  }
0x4e: {  	_ =	swait.ge [sflag:s11], $0x2000  }
0x4f: {  	[sflag:s11] =	ssyncset.done $0x0  }
0x50: {  	[sflag:s11] =	ssyncadd.s32 $0xFFFFE000  }
0x51: {  	[tilespmem:s14], [sflag:$0x1] =	stream.indirect.gather [hbm4b:s2+s13], $0x40, s29, s13, $0xb8;
	[tilespmem:$0x8A00] =	vst v63  }
0x52: {  	s0 =	rddreg [dreg:$0x9]  }
0x53: {  	[hbm4b:s0+s6] =	stream.strided.scatter [tilespmem:s5], [sflag:$0x4], $0x2000, s7, s6, $0x38;
	[tilespmem:$0x8A00] =	vst v63  }
0x54: {  	s1 =	rddreg [dreg:$0xa]  }
0x55: {  	[hbm4b:s1+s6] =	stream.strided.scatter [tilespmem:s12], [sflag:$0x4], $0x2000, s7, s6, $0x38;
	[tilespmem:$0x8A00] =	vst v63  }
0x56: {  	_ =	swait.ge [sflag:s19], $0x4000  }
0x57: {  	[sflag:s19] =	ssyncset.done $0x0  }
0x58: {  	[sflag:s19] =	ssyncadd.s32 $0xFFFFC000  }
0x59: {  	_ =	swait.ge [sflag:s8], $0x2000  }
0x5a: {  	[sflag:s8] =	ssyncset.done $0x0  }
0x5b: {  	[sflag:s8] =	ssyncadd.s32 $0xFFFFE000  }
0x5c: {  	_ =	swait.ge [sflag:s8], $0x2000  }
0x5d: {  	[sflag:s8] =	ssyncset.done $0x0  }
0x5e: {  	[sflag:s8] =	ssyncadd.s32 $0xFFFFE000  }
0x5f: {  	[tilespmem:s5], [sflag:$0x2] =	stream.indirect.gather [hbm4b:s2+s13], $0x40, s28, s13, $0xb8;
	[tilespmem:$0x8A00] =	vst v63  }
0x60: {  	s0 =	rddreg [dreg:$0xb]  }
0x61: {  	[hbm4b:s0+s6] =	stream.strided.scatter [tilespmem:s14], [sflag:$0x3], $0x2000, s7, s6, $0x38;
	[tilespmem:$0x8A00] =	vst v63  }
0x62: {  	s1 =	rddreg [dreg:$0xc]  }
0x63: {  	[hbm4b:s1+s6] =	stream.strided.scatter [tilespmem:s18], [sflag:$0x3], $0x2000, s7, s6, $0x38;
	[tilespmem:$0x8A00] =	vst v63  }
0x64: {  	_ =	swait.ge [sflag:s16], $0x4000  }
0x65: {  	[sflag:s16] =	ssyncset.done $0x0  }
0x66: {  	[sflag:s16] =	ssyncadd.s32 $0xFFFFC000  }
0x67: {  	_ =	swait.ge [sflag:s11], $0x2000  }
0x68: {  	[sflag:s11] =	ssyncset.done $0x0  }
0x69: {  	[sflag:s11] =	ssyncadd.s32 $0xFFFFE000  }
0x6a: {  	_ =	swait.ge [sflag:s11], $0x2000  }
0x6b: {  	[sflag:s11] =	ssyncset.done $0x0  }
0x6c: {  	[sflag:s11] =	ssyncadd.s32 $0xFFFFE000  }
0x6d: {  	[tilespmem:s14], [sflag:$0x1] =	stream.indirect.gather [hbm4b:s2+s13], $0x40, s26, s13, $0xb8;
	[tilespmem:$0x8A00] =	vst v63  }
0x6e: {  	s0 =	rddreg [dreg:$0xd]  }
0x6f: {  	[hbm4b:s0+s6] =	stream.strided.scatter [tilespmem:s5], [sflag:$0x4], $0x2000, s7, s6, $0x38;
	[tilespmem:$0x8A00] =	vst v63  }
0x70: {  	s1 =	rddreg [dreg:$0xe]  }
0x71: {  	[hbm4b:s1+s6] =	stream.strided.scatter [tilespmem:s12], [sflag:$0x4], $0x2000, s7, s6, $0x38;
	[tilespmem:$0x8A00] =	vst v63  }
0x72: {  	_ =	swait.ge [sflag:s19], $0x4000  }
0x73: {  	[sflag:s19] =	ssyncset.done $0x0  }
0x74: {  	[sflag:s19] =	ssyncadd.s32 $0xFFFFC000  }
0x75: {  	_ =	swait.ge [sflag:s8], $0x2000  }
0x76: {  	[sflag:s8] =	ssyncset.done $0x0  }
0x77: {  	[sflag:s8] =	ssyncadd.s32 $0xFFFFE000  }
0x78: {  	_ =	swait.ge [sflag:s8], $0x2000  }
0x79: {  	[sflag:s8] =	ssyncset.done $0x0  }
0x7a: {  	[sflag:s8] =	ssyncadd.s32 $0xFFFFE000  }
0x7b: {  	[tilespmem:s5], [sflag:$0x2] =	stream.indirect.gather [hbm4b:s2+s13], $0x40, s25, s13, $0xb8;
	[tilespmem:$0x8A00] =	vst v63  }
0x7c: {  	s1 =	rddreg [dreg:$0xf]  }
0x7d: {  	[hbm4b:s1+s6] =	stream.strided.scatter [tilespmem:s14], [sflag:$0x3], $0x2000, s7, s6, $0x38;
	[tilespmem:$0x8A00] =	vst v63  }
0x7e: {  	_ = 	snop  }
0x7f: {  	[hbm4b:s20+s6] =	stream.strided.scatter [tilespmem:s18], [sflag:$0x3], $0x2000, s7, s6, $0x38;
	[tilespmem:$0x8A00] =	vst v63  }
0x80: {  	_ =	swait.ge [sflag:s16], $0x4000  }
0x81: {  	[sflag:s16] =	ssyncset.done $0x0  }
0x82: {  	[sflag:s16] =	ssyncadd.s32 $0xFFFFC000  }
0x83: {  	_ =	swait.ge [sflag:s11], $0x2000  }
0x84: {  	[sflag:s11] =	ssyncset.done $0x0  }
0x85: {  	[sflag:s11] =	ssyncadd.s32 $0xFFFFE000  }
0x86: {  	_ =	swait.ge [sflag:s11], $0x2000  }
0x87: {  	[sflag:s11] =	ssyncset.done $0x0  }
0x88: {  	[sflag:s11] =	ssyncadd.s32 $0xFFFFE000  }
0x89: {  	[tilespmem:s14], [sflag:$0x1] =	stream.indirect.gather [hbm4b:s2+s13], $0x40, s23, s13, $0xb8;
	[tilespmem:$0x8A00] =	vst v63  }
0x8a: {  	_ = 	snop  }
0x8b: {  	[hbm4b:s15+s6] =	stream.strided.scatter [tilespmem:s5], [sflag:$0x4], $0x2000, s7, s6, $0x38;
	[tilespmem:$0x8A00] =	vst v63  }
0x8c: {  	_ = 	snop  }
0x8d: {  	[hbm4b:s17+s6] =	stream.strided.scatter [tilespmem:s12], [sflag:$0x4], $0x2000, s7, s6, $0x38;
	[tilespmem:$0x8A00] =	vst v63  }
0x8e: {  	_ =	swait.ge [sflag:s19], $0x4000  }
0x8f: {  	[sflag:s19] =	ssyncset.done $0x0  }
0x90: {  	[sflag:s19] =	ssyncadd.s32 $0xFFFFC000  }
0x91: {  	_ =	swait.ge [sflag:s8], $0x2000  }
0x92: {  	[sflag:s8] =	ssyncset.done $0x0  }
0x93: {  	[sflag:s8] =	ssyncadd.s32 $0xFFFFE000  }
0x94: {  	_ =	swait.ge [sflag:s8], $0x2000  }
0x95: {  	[sflag:s8] =	ssyncset.done $0x0  }
0x96: {  	[sflag:s8] =	ssyncadd.s32 $0xFFFFE000  }
0x97: {  	[tilespmem:s5], [sflag:$0x2] =	stream.indirect.gather [hbm4b:s2+s13], $0x40, s22, s13, $0xb8;
	[tilespmem:$0x8A00] =	vst v63  }
0x98: {  	_ = 	snop  }
0x99: {  	[hbm4b:s9+s6] =	stream.strided.scatter [tilespmem:s14], [sflag:$0x3], $0x2000, s7, s6, $0x38;
	[tilespmem:$0x8A00] =	vst v63  }
0x9a: {  	_ = 	snop  }
0x9b: {  	[hbm4b:s10+s6] =	stream.strided.scatter [tilespmem:s18], [sflag:$0x3], $0x2000, s7, s6, $0x38;
	[tilespmem:$0x8A00] =	vst v63  }
0x9c: {  	_ =	swait.ge [sflag:s16], $0x4000  }
0x9d: {  	[sflag:s16] =	ssyncset.done $0x0  }
0x9e: {  	[sflag:s16] =	ssyncadd.s32 $0xFFFFC000  }
0x9f: {  	_ =	swait.ge [sflag:s11], $0x2000  }
0xa0: {  	[sflag:s11] =	ssyncset.done $0x0  }
0xa1: {  	[sflag:s11] =	ssyncadd.s32 $0xFFFFE000  }
0xa2: {  	_ =	swait.ge [sflag:s11], $0x2000  }
0xa3: {  	[sflag:s11] =	ssyncset.done $0x0  }
0xa4: {  	[sflag:s11] =	ssyncadd.s32 $0xFFFFE000  }
0xa5: {  	[hbm4b:s3+s6] =	stream.strided.scatter [tilespmem:s5], [sflag:$0x4], $0x2000, s7, s6, $0x38;
	[tilespmem:$0x8A00] =	vst v63  }
0xa6: {  	p1 =	sne.s32 s21, $0x1  }
0xa7: {  	[hbm4b:s4+s6] =	stream.strided.scatter [tilespmem:s12], [sflag:$0x4], $0x2000, s7, s6, $0x38;
	[tilespmem:$0x8A00] =	vst v63  }
.Ltmp1:
0xa8: {  	_ =	swait.ge [sflag:s8], $0x2000;
	(pc) =	sbr.rel @!p1 .LBB2_3-.Ltmp1, $4  }
0xa9: {  	[sflag:s8] =	ssyncset.done $0x0  }
0xaa: {  	[sflag:s8] =	ssyncadd.s32 $0xFFFFE000  }
0xab: {  	p0 =	por $0x1, $0x1;
	_ =	swait.ge [sflag:s8], $0x2000  }
0xac: {  	s1 =	sadd.s32 $0xFFFFFFFF, s21;
	s0 =	rddreg [dreg:$0x2];
	[sflag:s8] =	ssyncset.done $0x0  }
.LBB2_4:
0xad: {  	[sflag:s8] =	ssyncadd.s32 $0xFFFFE000  }
0xae: {  	[tilespmem:s24], [sflag:$0x5] =	stream.linear.gather [hbm4b:s0+s24], $0xA00, $0x38;
	[tilespmem:$0x8A00] =	vst v63  }
0xaf: {  	_ =	swait.ge [sflag:s31], $0xA00  }
0xb0: {  	[sflag:s31] =	ssyncset.done $0x0  }
0xb1: {  	[sflag:s31] =	ssyncadd.s32 $0xFFFFF600  }
0xb2: {  	[tilespmem:s14], [sflag:$0x1] =	stream.indirect.gather [hbm4b:s2+s13], $0x40, s24, s13, $0xb8;
	[tilespmem:$0x8A00] =	vst v63  }
0xb3: {  	_ =	swait.ge [sflag:s19], $0x4000  }
0xb4: {  	[sflag:s19] =	ssyncset.done $0x0  }
0xb5: {  	[sflag:s19] =	ssyncadd.s32 $0xFFFFC000  }
0xb6: {  	[tilespmem:s5], [sflag:$0x2] =	stream.indirect.gather [hbm4b:s2+s13], $0x40, s13, s13, $0xb8;
	[tilespmem:$0x8A00] =	vst v63  }
0xb7: {  	s0 =	rddreg [dreg:$0x3]  }
0xb8: {  	[hbm4b:s0+s6] =	stream.strided.scatter [tilespmem:s14], [sflag:$0x3], $0x2000, s7, s6, $0x38;
	[tilespmem:$0x8A00] =	vst v63  }
0xb9: {  	s21 =	rddreg [dreg:$0x4]  }
0xba: {  	[hbm4b:s21+s6] =	stream.strided.scatter [tilespmem:s18], [sflag:$0x3], $0x2000, s7, s6, $0x38;
	[tilespmem:$0x8A00] =	vst v63  }
0xbb: {  	_ =	swait.ge [sflag:s16], $0x4000  }
0xbc: {  	[sflag:s16] =	ssyncset.done $0x0  }
0xbd: {  	[sflag:s16] =	ssyncadd.s32 $0xFFFFC000  }
0xbe: {  	_ =	swait.ge [sflag:s11], $0x2000  }
0xbf: {  	[sflag:s11] =	ssyncset.done $0x0  }
0xc0: {  	[sflag:s11] =	ssyncadd.s32 $0xFFFFE000  }
0xc1: {  	_ =	swait.ge [sflag:s11], $0x2000  }
0xc2: {  	[sflag:s11] =	ssyncset.done $0x0  }
0xc3: {  	s21 =	simm.s32 $0x200;
	[sflag:s11] =	ssyncadd.s32 $0xFFFFE000  }
0xc4: {  	[tilespmem:s14], [sflag:$0x1] =	stream.indirect.gather [hbm4b:s2+s13], $0x40, s21, s13, $0xb8;
	[tilespmem:$0x8A00] =	vst v63  }
0xc5: {  	s0 =	rddreg [dreg:$0x5]  }
0xc6: {  	[hbm4b:s0+s6] =	stream.strided.scatter [tilespmem:s5], [sflag:$0x4], $0x2000, s7, s6, $0x38;
	[tilespmem:$0x8A00] =	vst v63  }
0xc7: {  	s21 =	rddreg [dreg:$0x6]  }
0xc8: {  	[hbm4b:s21+s6] =	stream.strided.scatter [tilespmem:s12], [sflag:$0x4], $0x2000, s7, s6, $0x38;
	[tilespmem:$0x8A00] =	vst v63  }
0xc9: {  	_ =	swait.ge [sflag:s19], $0x4000  }
0xca: {  	[sflag:s19] =	ssyncset.done $0x0  }
0xcb: {  	[sflag:s19] =	ssyncadd.s32 $0xFFFFC000  }
0xcc: {  	_ =	swait.ge [sflag:s8], $0x2000  }
0xcd: {  	[sflag:s8] =	ssyncset.done $0x0  }
0xce: {  	[sflag:s8] =	ssyncadd.s32 $0xFFFFE000  }
0xcf: {  	_ =	swait.ge [sflag:s8], $0x2000  }
0xd0: {  	[sflag:s8] =	ssyncset.done $0x0  }
0xd1: {  	[sflag:s8] =	ssyncadd.s32 $0xFFFFE000  }
0xd2: {  	[tilespmem:s5], [sflag:$0x2] =	stream.indirect.gather [hbm4b:s2+s13], $0x40, s30, s13, $0xb8;
	[tilespmem:$0x8A00] =	vst v63  }
0xd3: {  	s0 =	rddreg [dreg:$0x7]  }
0xd4: {  	[hbm4b:s0+s6] =	stream.strided.scatter [tilespmem:s14], [sflag:$0x3], $0x2000, s7, s6, $0x38;
	[tilespmem:$0x8A00] =	vst v63  }
0xd5: {  	s21 =	rddreg [dreg:$0x8]  }
0xd6: {  	[hbm4b:s21+s6] =	stream.strided.scatter [tilespmem:s18], [sflag:$0x3], $0x2000, s7, s6, $0x38;
	[tilespmem:$0x8A00] =	vst v63  }
0xd7: {  	_ =	swait.ge [sflag:s16], $0x4000  }
0xd8: {  	[sflag:s16] =	ssyncset.done $0x0  }
0xd9: {  	[sflag:s16] =	ssyncadd.s32 $0xFFFFC000  }
0xda: {  	_ =	swait.ge [sflag:s11], $0x2000  }
0xdb: {  	[sflag:s11] =	ssyncset.done $0x0  }
0xdc: {  	[sflag:s11] =	ssyncadd.s32 $0xFFFFE000  }
0xdd: {  	_ =	swait.ge [sflag:s11], $0x2000  }
0xde: {  	[sflag:s11] =	ssyncset.done $0x0  }
0xdf: {  	[sflag:s11] =	ssyncadd.s32 $0xFFFFE000  }
0xe0: {  	[tilespmem:s14], [sflag:$0x1] =	stream.indirect.gather [hbm4b:s2+s13], $0x40, s29, s13, $0xb8;
	[tilespmem:$0x8A00] =	vst v63  }
0xe1: {  	s0 =	rddreg [dreg:$0x9]  }
0xe2: {  	[hbm4b:s0+s6] =	stream.strided.scatter [tilespmem:s5], [sflag:$0x4], $0x2000, s7, s6, $0x38;
	[tilespmem:$0x8A00] =	vst v63  }
0xe3: {  	s21 =	rddreg [dreg:$0xa]  }
0xe4: {  	[hbm4b:s21+s6] =	stream.strided.scatter [tilespmem:s12], [sflag:$0x4], $0x2000, s7, s6, $0x38;
	[tilespmem:$0x8A00] =	vst v63  }
0xe5: {  	_ =	swait.ge [sflag:s19], $0x4000  }
0xe6: {  	[sflag:s19] =	ssyncset.done $0x0  }
0xe7: {  	[sflag:s19] =	ssyncadd.s32 $0xFFFFC000  }
0xe8: {  	_ =	swait.ge [sflag:s8], $0x2000  }
0xe9: {  	[sflag:s8] =	ssyncset.done $0x0  }
0xea: {  	[sflag:s8] =	ssyncadd.s32 $0xFFFFE000  }
0xeb: {  	_ =	swait.ge [sflag:s8], $0x2000  }
0xec: {  	[sflag:s8] =	ssyncset.done $0x0  }
0xed: {  	[sflag:s8] =	ssyncadd.s32 $0xFFFFE000  }
0xee: {  	[tilespmem:s5], [sflag:$0x2] =	stream.indirect.gather [hbm4b:s2+s13], $0x40, s28, s13, $0xb8;
	[tilespmem:$0x8A00] =	vst v63  }
0xef: {  	s0 =	rddreg [dreg:$0xb]  }
0xf0: {  	[hbm4b:s0+s6] =	stream.strided.scatter [tilespmem:s14], [sflag:$0x3], $0x2000, s7, s6, $0x38;
	[tilespmem:$0x8A00] =	vst v63  }
0xf1: {  	s21 =	rddreg [dreg:$0xc]  }
0xf2: {  	[hbm4b:s21+s6] =	stream.strided.scatter [tilespmem:s18], [sflag:$0x3], $0x2000, s7, s6, $0x38;
	[tilespmem:$0x8A00] =	vst v63  }
0xf3: {  	_ =	swait.ge [sflag:s16], $0x4000  }
0xf4: {  	[sflag:s16] =	ssyncset.done $0x0  }
0xf5: {  	[sflag:s16] =	ssyncadd.s32 $0xFFFFC000  }
0xf6: {  	_ =	swait.ge [sflag:s11], $0x2000  }
0xf7: {  	[sflag:s11] =	ssyncset.done $0x0  }
0xf8: {  	[sflag:s11] =	ssyncadd.s32 $0xFFFFE000  }
0xf9: {  	_ =	swait.ge [sflag:s11], $0x2000  }
0xfa: {  	[sflag:s11] =	ssyncset.done $0x0  }
0xfb: {  	[sflag:s11] =	ssyncadd.s32 $0xFFFFE000  }
0xfc: {  	[tilespmem:s14], [sflag:$0x1] =	stream.indirect.gather [hbm4b:s2+s13], $0x40, s26, s13, $0xb8;
	[tilespmem:$0x8A00] =	vst v63  }
0xfd: {  	s0 =	rddreg [dreg:$0xd]  }
0xfe: {  	[hbm4b:s0+s6] =	stream.strided.scatter [tilespmem:s5], [sflag:$0x4], $0x2000, s7, s6, $0x38;
	[tilespmem:$0x8A00] =	vst v63  }
0xff: {  	s21 =	rddreg [dreg:$0xe]  }
0x100: {  	[hbm4b:s21+s6] =	stream.strided.scatter [tilespmem:s12], [sflag:$0x4], $0x2000, s7, s6, $0x38;
	[tilespmem:$0x8A00] =	vst v63  }
0x101: {  	_ =	swait.ge [sflag:s19], $0x4000  }
0x102: {  	[sflag:s19] =	ssyncset.done $0x0  }
0x103: {  	[sflag:s19] =	ssyncadd.s32 $0xFFFFC000  }
0x104: {  	_ =	swait.ge [sflag:s8], $0x2000  }
0x105: {  	[sflag:s8] =	ssyncset.done $0x0  }
0x106: {  	[sflag:s8] =	ssyncadd.s32 $0xFFFFE000  }
0x107: {  	_ =	swait.ge [sflag:s8], $0x2000  }
0x108: {  	[sflag:s8] =	ssyncset.done $0x0  }
0x109: {  	[sflag:s8] =	ssyncadd.s32 $0xFFFFE000  }
0x10a: {  	[tilespmem:s5], [sflag:$0x2] =	stream.indirect.gather [hbm4b:s2+s13], $0x40, s25, s13, $0xb8;
	[tilespmem:$0x8A00] =	vst v63  }
0x10b: {  	s21 =	rddreg [dreg:$0xf]  }
0x10c: {  	[hbm4b:s21+s6] =	stream.strided.scatter [tilespmem:s14], [sflag:$0x3], $0x2000, s7, s6, $0x38;
	[tilespmem:$0x8A00] =	vst v63  }
0x10d: {  	_ = 	snop  }
0x10e: {  	[hbm4b:s20+s6] =	stream.strided.scatter [tilespmem:s18], [sflag:$0x3], $0x2000, s7, s6, $0x38;
	[tilespmem:$0x8A00] =	vst v63  }
0x10f: {  	_ =	swait.ge [sflag:s16], $0x4000  }
0x110: {  	[sflag:s16] =	ssyncset.done $0x0  }
0x111: {  	[sflag:s16] =	ssyncadd.s32 $0xFFFFC000  }
0x112: {  	_ =	swait.ge [sflag:s11], $0x2000  }
0x113: {  	[sflag:s11] =	ssyncset.done $0x0  }
0x114: {  	[sflag:s11] =	ssyncadd.s32 $0xFFFFE000  }
0x115: {  	_ =	swait.ge [sflag:s11], $0x2000  }
0x116: {  	[sflag:s11] =	ssyncset.done $0x0  }
0x117: {  	[sflag:s11] =	ssyncadd.s32 $0xFFFFE000  }
0x118: {  	[tilespmem:s14], [sflag:$0x1] =	stream.indirect.gather [hbm4b:s2+s13], $0x40, s23, s13, $0xb8;
	[tilespmem:$0x8A00] =	vst v63  }
0x119: {  	_ = 	snop  }
0x11a: {  	[hbm4b:s15+s6] =	stream.strided.scatter [tilespmem:s5], [sflag:$0x4], $0x2000, s7, s6, $0x38;
	[tilespmem:$0x8A00] =	vst v63  }
0x11b: {  	_ = 	snop  }
0x11c: {  	[hbm4b:s17+s6] =	stream.strided.scatter [tilespmem:s12], [sflag:$0x4], $0x2000, s7, s6, $0x38;
	[tilespmem:$0x8A00] =	vst v63  }
0x11d: {  	_ =	swait.ge [sflag:s19], $0x4000  }
0x11e: {  	[sflag:s19] =	ssyncset.done $0x0  }
0x11f: {  	[sflag:s19] =	ssyncadd.s32 $0xFFFFC000  }
0x120: {  	_ =	swait.ge [sflag:s8], $0x2000  }
0x121: {  	[sflag:s8] =	ssyncset.done $0x0  }
0x122: {  	[sflag:s8] =	ssyncadd.s32 $0xFFFFE000  }
0x123: {  	_ =	swait.ge [sflag:s8], $0x2000  }
0x124: {  	[sflag:s8] =	ssyncset.done $0x0  }
0x125: {  	[sflag:s8] =	ssyncadd.s32 $0xFFFFE000  }
0x126: {  	[tilespmem:s5], [sflag:$0x2] =	stream.indirect.gather [hbm4b:s2+s13], $0x40, s22, s13, $0xb8;
	[tilespmem:$0x8A00] =	vst v63  }
0x127: {  	_ = 	snop  }
0x128: {  	[hbm4b:s9+s6] =	stream.strided.scatter [tilespmem:s14], [sflag:$0x3], $0x2000, s7, s6, $0x38;
	[tilespmem:$0x8A00] =	vst v63  }
0x129: {  	_ = 	snop  }
0x12a: {  	[hbm4b:s10+s6] =	stream.strided.scatter [tilespmem:s18], [sflag:$0x3], $0x2000, s7, s6, $0x38;
	[tilespmem:$0x8A00] =	vst v63  }
0x12b: {  	_ =	swait.ge [sflag:s16], $0x4000  }
0x12c: {  	[sflag:s16] =	ssyncset.done $0x0  }
0x12d: {  	[sflag:s16] =	ssyncadd.s32 $0xFFFFC000  }
0x12e: {  	_ =	swait.ge [sflag:s11], $0x2000  }
0x12f: {  	[sflag:s11] =	ssyncset.done $0x0  }
0x130: {  	[sflag:s11] =	ssyncadd.s32 $0xFFFFE000  }
0x131: {  	_ =	swait.ge [sflag:s11], $0x2000  }
0x132: {  	[sflag:s11] =	ssyncset.done $0x0  }
0x133: {  	[sflag:s11] =	ssyncadd.s32 $0xFFFFE000  }
0x134: {  	[hbm4b:s3+s6] =	stream.strided.scatter [tilespmem:s5], [sflag:$0x4], $0x2000, s7, s6, $0x38;
	[tilespmem:$0x8A00] =	vst v63  }
0x135: {  	p1 =	sne.s32 s1, $0x1  }
0x136: {  	[hbm4b:s4+s6] =	stream.strided.scatter [tilespmem:s12], [sflag:$0x4], $0x2000, s7, s6, $0x38;
	[tilespmem:$0x8A00] =	vst v63  }
.Ltmp2:
0x137: {  	_ =	swait.ge [sflag:s8], $0x2000;
	(pc) =	sbr.rel @p1 .LBB2_4-.Ltmp2, $4  }
0x138: {  	[sflag:s8] =	ssyncset.done $0x0  }
0x139: {  	[sflag:s8] =	ssyncadd.s32 $0xFFFFE000  }
0x13a: {  	_ =	swait.ge [sflag:s8], $0x2000  }
0x13b: {  	s1 =	sadd.s32 $0xFFFFFFFF, s1;
	s0 =	rddreg [dreg:$0x2];
	[sflag:s8] =	ssyncset.done $0x0  }
0x13c: {  	s22 =	simm.s32 $0x200;
	s30 =	simm.s32 $0x300  }
0x13d: {  	s29 =	simm.s32 $0x400;
	s28 =	simm.s32 $0x500;
	s26 =	simm.s32 $0x600  }
0x13e: {  	s25 =	simm.s32 $0x700;
	s23 =	simm.s32 $0x800;
	s21 =	stileid.u32  }
.LBB2_6:
0x13f: {  	[sflag:s8] =	ssyncadd.s32 @p0 $0xFFFFE000  }
0x140: {  	[tilespmem:s24], [sflag:$0x5] =	stream.linear.gather [hbm4b:s0+s24], $0xA00, $0x38;
	[tilespmem:$0x8A00] =	vst v63  }
0x141: {  	_ =	swait.ge [sflag:s31], $0xA00  }
0x142: {  	[sflag:s31] =	ssyncset.done $0x0  }
0x143: {  	[sflag:s31] =	ssyncadd.s32 $0xFFFFF600  }
0x144: {  	[tilespmem:s14], [sflag:$0x1] =	stream.indirect.gather [hbm4b:s2+s13], $0x40, s24, s13, $0xb8;
	[tilespmem:$0x8A00] =	vst v63  }
0x145: {  	_ =	swait.ge [sflag:s19], $0x4000  }
0x146: {  	[sflag:s19] =	ssyncset.done $0x0  }
0x147: {  	[sflag:s19] =	ssyncadd.s32 $0xFFFFC000  }
0x148: {  	[tilespmem:s5], [sflag:$0x2] =	stream.indirect.gather [hbm4b:s2+s13], $0x40, s13, s13, $0xb8;
	[tilespmem:$0x8A00] =	vst v63  }
0x149: {  	s31 =	rddreg [dreg:$0x3]  }
0x14a: {  	[hbm4b:s31+s6] =	stream.strided.scatter [tilespmem:s14], [sflag:$0x3], $0x2000, s7, s6, $0x38;
	[tilespmem:$0x8A00] =	vst v63  }
0x14b: {  	s1 =	rddreg [dreg:$0x4]  }
0x14c: {  	[hbm4b:s1+s6] =	stream.strided.scatter [tilespmem:s18], [sflag:$0x3], $0x2000, s7, s6, $0x38;
	[tilespmem:$0x8A00] =	vst v63  }
0x14d: {  	_ =	swait.ge [sflag:s16], $0x4000  }
0x14e: {  	[sflag:s16] =	ssyncset.done $0x0  }
0x14f: {  	[sflag:s16] =	ssyncadd.s32 $0xFFFFC000  }
0x150: {  	_ =	swait.ge [sflag:s11], $0x2000  }
0x151: {  	[sflag:s11] =	ssyncset.done $0x0  }
0x152: {  	[sflag:s11] =	ssyncadd.s32 $0xFFFFE000  }
0x153: {  	_ =	swait.ge [sflag:s11], $0x2000  }
0x154: {  	[sflag:s11] =	ssyncset.done $0x0  }
0x155: {  	[sflag:s11] =	ssyncadd.s32 $0xFFFFE000  }
0x156: {  	[tilespmem:s14], [sflag:$0x1] =	stream.indirect.gather [hbm4b:s2+s13], $0x40, s22, s13, $0xb8;
	[tilespmem:$0x8A00] =	vst v63  }
0x157: {  	s24 =	rddreg [dreg:$0x5]  }
0x158: {  	[hbm4b:s24+s6] =	stream.strided.scatter [tilespmem:s5], [sflag:$0x4], $0x2000, s7, s6, $0x38;
	[tilespmem:$0x8A00] =	vst v63  }
0x159: {  	s31 =	rddreg [dreg:$0x6]  }
0x15a: {  	[hbm4b:s31+s6] =	stream.strided.scatter [tilespmem:s12], [sflag:$0x4], $0x2000, s7, s6, $0x38;
	[tilespmem:$0x8A00] =	vst v63  }
0x15b: {  	_ =	swait.ge [sflag:s19], $0x4000  }
0x15c: {  	[sflag:s19] =	ssyncset.done $0x0  }
0x15d: {  	[sflag:s19] =	ssyncadd.s32 $0xFFFFC000  }
0x15e: {  	_ =	swait.ge [sflag:s8], $0x2000  }
0x15f: {  	[sflag:s8] =	ssyncset.done $0x0  }
0x160: {  	[sflag:s8] =	ssyncadd.s32 $0xFFFFE000  }
0x161: {  	_ =	swait.ge [sflag:s8], $0x2000  }
0x162: {  	[sflag:s8] =	ssyncset.done $0x0  }
0x163: {  	[sflag:s8] =	ssyncadd.s32 $0xFFFFE000  }
0x164: {  	[tilespmem:s5], [sflag:$0x2] =	stream.indirect.gather [hbm4b:s2+s13], $0x40, s30, s13, $0xb8;
	[tilespmem:$0x8A00] =	vst v63  }
0x165: {  	s22 =	rddreg [dreg:$0x7]  }
0x166: {  	[hbm4b:s22+s6] =	stream.strided.scatter [tilespmem:s14], [sflag:$0x3], $0x2000, s7, s6, $0x38;
	[tilespmem:$0x8A00] =	vst v63  }
0x167: {  	s24 =	rddreg [dreg:$0x8]  }
0x168: {  	[hbm4b:s24+s6] =	stream.strided.scatter [tilespmem:s18], [sflag:$0x3], $0x2000, s7, s6, $0x38;
	[tilespmem:$0x8A00] =	vst v63  }
0x169: {  	_ =	swait.ge [sflag:s16], $0x4000  }
0x16a: {  	[sflag:s16] =	ssyncset.done $0x0  }
0x16b: {  	[sflag:s16] =	ssyncadd.s32 $0xFFFFC000  }
0x16c: {  	_ =	swait.ge [sflag:s11], $0x2000  }
0x16d: {  	[sflag:s11] =	ssyncset.done $0x0  }
0x16e: {  	[sflag:s11] =	ssyncadd.s32 $0xFFFFE000  }
0x16f: {  	_ =	swait.ge [sflag:s11], $0x2000  }
0x170: {  	[sflag:s11] =	ssyncset.done $0x0  }
0x171: {  	[sflag:s11] =	ssyncadd.s32 $0xFFFFE000  }
0x172: {  	[tilespmem:s14], [sflag:$0x1] =	stream.indirect.gather [hbm4b:s2+s13], $0x40, s29, s13, $0xb8;
	[tilespmem:$0x8A00] =	vst v63  }
0x173: {  	s30 =	rddreg [dreg:$0x9]  }
0x174: {  	[hbm4b:s30+s6] =	stream.strided.scatter [tilespmem:s5], [sflag:$0x4], $0x2000, s7, s6, $0x38;
	[tilespmem:$0x8A00] =	vst v63  }
0x175: {  	s31 =	rddreg [dreg:$0xa]  }
0x176: {  	[hbm4b:s31+s6] =	stream.strided.scatter [tilespmem:s12], [sflag:$0x4], $0x2000, s7, s6, $0x38;
	[tilespmem:$0x8A00] =	vst v63  }
0x177: {  	_ =	swait.ge [sflag:s19], $0x4000  }
0x178: {  	[sflag:s19] =	ssyncset.done $0x0  }
0x179: {  	[sflag:s19] =	ssyncadd.s32 $0xFFFFC000  }
0x17a: {  	_ =	swait.ge [sflag:s8], $0x2000  }
0x17b: {  	[sflag:s8] =	ssyncset.done $0x0  }
0x17c: {  	[sflag:s8] =	ssyncadd.s32 $0xFFFFE000  }
0x17d: {  	_ =	swait.ge [sflag:s8], $0x2000  }
0x17e: {  	[sflag:s8] =	ssyncset.done $0x0  }
0x17f: {  	[sflag:s8] =	ssyncadd.s32 $0xFFFFE000  }
0x180: {  	[tilespmem:s5], [sflag:$0x2] =	stream.indirect.gather [hbm4b:s2+s13], $0x40, s28, s13, $0xb8;
	[tilespmem:$0x8A00] =	vst v63  }
0x181: {  	s22 =	rddreg [dreg:$0xb]  }
0x182: {  	[hbm4b:s22+s6] =	stream.strided.scatter [tilespmem:s14], [sflag:$0x3], $0x2000, s7, s6, $0x38;
	[tilespmem:$0x8A00] =	vst v63  }
0x183: {  	s24 =	rddreg [dreg:$0xc]  }
0x184: {  	[hbm4b:s24+s6] =	stream.strided.scatter [tilespmem:s18], [sflag:$0x3], $0x2000, s7, s6, $0x38;
	[tilespmem:$0x8A00] =	vst v63  }
0x185: {  	_ =	swait.ge [sflag:s16], $0x4000  }
0x186: {  	[sflag:s16] =	ssyncset.done $0x0  }
0x187: {  	[sflag:s16] =	ssyncadd.s32 $0xFFFFC000  }
0x188: {  	_ =	swait.ge [sflag:s11], $0x2000  }
0x189: {  	[sflag:s11] =	ssyncset.done $0x0  }
0x18a: {  	[sflag:s11] =	ssyncadd.s32 $0xFFFFE000  }
0x18b: {  	_ =	swait.ge [sflag:s11], $0x2000  }
0x18c: {  	[sflag:s11] =	ssyncset.done $0x0  }
0x18d: {  	[sflag:s11] =	ssyncadd.s32 $0xFFFFE000  }
0x18e: {  	[tilespmem:s14], [sflag:$0x1] =	stream.indirect.gather [hbm4b:s2+s13], $0x40, s26, s13, $0xb8;
	[tilespmem:$0x8A00] =	vst v63  }
0x18f: {  	s28 =	rddreg [dreg:$0xd]  }
0x190: {  	[hbm4b:s28+s6] =	stream.strided.scatter [tilespmem:s5], [sflag:$0x4], $0x2000, s7, s6, $0x38;
	[tilespmem:$0x8A00] =	vst v63  }
0x191: {  	s29 =	rddreg [dreg:$0xe]  }
0x192: {  	[hbm4b:s29+s6] =	stream.strided.scatter [tilespmem:s12], [sflag:$0x4], $0x2000, s7, s6, $0x38;
	[tilespmem:$0x8A00] =	vst v63  }
0x193: {  	_ =	swait.ge [sflag:s19], $0x4000  }
0x194: {  	[sflag:s19] =	ssyncset.done $0x0  }
0x195: {  	[sflag:s19] =	ssyncadd.s32 $0xFFFFC000  }
0x196: {  	_ =	swait.ge [sflag:s8], $0x2000  }
0x197: {  	[sflag:s8] =	ssyncset.done $0x0  }
0x198: {  	[sflag:s8] =	ssyncadd.s32 $0xFFFFE000  }
0x199: {  	_ =	swait.ge [sflag:s8], $0x2000  }
0x19a: {  	[sflag:s8] =	ssyncset.done $0x0  }
0x19b: {  	[sflag:s8] =	ssyncadd.s32 $0xFFFFE000  }
0x19c: {  	[tilespmem:s5], [sflag:$0x2] =	stream.indirect.gather [hbm4b:s2+s13], $0x40, s25, s13, $0xb8;
	[tilespmem:$0x8A00] =	vst v63  }
0x19d: {  	s30 =	rddreg [dreg:$0xf]  }
0x19e: {  	[hbm4b:s30+s6] =	stream.strided.scatter [tilespmem:s14], [sflag:$0x3], $0x2000, s7, s6, $0x38;
	[tilespmem:$0x8A00] =	vst v63  }
0x19f: {  	_ = 	snop  }
0x1a0: {  	[hbm4b:s20+s6] =	stream.strided.scatter [tilespmem:s18], [sflag:$0x3], $0x2000, s7, s6, $0x38;
	[tilespmem:$0x8A00] =	vst v63  }
0x1a1: {  	_ =	swait.ge [sflag:s16], $0x4000  }
0x1a2: {  	[sflag:s16] =	ssyncset.done $0x0  }
0x1a3: {  	[sflag:s16] =	ssyncadd.s32 $0xFFFFC000  }
0x1a4: {  	_ =	swait.ge [sflag:s11], $0x2000  }
0x1a5: {  	[sflag:s11] =	ssyncset.done $0x0  }
0x1a6: {  	[sflag:s11] =	ssyncadd.s32 $0xFFFFE000  }
0x1a7: {  	_ =	swait.ge [sflag:s11], $0x2000  }
0x1a8: {  	[sflag:s11] =	ssyncset.done $0x0  }
0x1a9: {  	[sflag:s11] =	ssyncadd.s32 $0xFFFFE000  }
0x1aa: {  	[tilespmem:s14], [sflag:$0x1] =	stream.indirect.gather [hbm4b:s2+s13], $0x40, s23, s13, $0xb8;
	[tilespmem:$0x8A00] =	vst v63  }
0x1ab: {  	_ = 	snop  }
0x1ac: {  	[hbm4b:s15+s6] =	stream.strided.scatter [tilespmem:s5], [sflag:$0x4], $0x2000, s7, s6, $0x38;
	[tilespmem:$0x8A00] =	vst v63  }
0x1ad: {  	_ = 	snop  }
0x1ae: {  	[hbm4b:s17+s6] =	stream.strided.scatter [tilespmem:s12], [sflag:$0x4], $0x2000, s7, s6, $0x38;
	[tilespmem:$0x8A00] =	vst v63  }
0x1af: {  	_ =	swait.ge [sflag:s19], $0x4000  }
0x1b0: {  	[sflag:s19] =	ssyncset.done $0x0  }
0x1b1: {  	[sflag:s19] =	ssyncadd.s32 $0xFFFFC000  }
0x1b2: {  	_ =	swait.ge [sflag:s8], $0x2000  }
0x1b3: {  	[sflag:s8] =	ssyncset.done $0x0  }
0x1b4: {  	[sflag:s8] =	ssyncadd.s32 $0xFFFFE000  }
0x1b5: {  	_ =	swait.ge [sflag:s8], $0x2000  }
0x1b6: {  	[sflag:s8] =	ssyncset.done $0x0  }
0x1b7: {  	s31 =	simm.s32 $0x900;
	[sflag:s8] =	ssyncadd.s32 $0xFFFFE000  }
0x1b8: {  	[tilespmem:s5], [sflag:$0x2] =	stream.indirect.gather [hbm4b:s2+s13], $0x40, s31, s13, $0xb8;
	[tilespmem:$0x8A00] =	vst v63  }
0x1b9: {  	_ = 	snop  }
0x1ba: {  	[hbm4b:s9+s6] =	stream.strided.scatter [tilespmem:s14], [sflag:$0x3], $0x2000, s7, s6, $0x38;
	[tilespmem:$0x8A00] =	vst v63  }
0x1bb: {  	_ = 	snop  }
0x1bc: {  	[hbm4b:s10+s6] =	stream.strided.scatter [tilespmem:s18], [sflag:$0x3], $0x2000, s7, s6, $0x38;
	[tilespmem:$0x8A00] =	vst v63  }
0x1bd: {  	_ =	swait.ge [sflag:s16], $0x4000  }
0x1be: {  	[sflag:s16] =	ssyncset.done $0x0  }
0x1bf: {  	[sflag:s16] =	ssyncadd.s32 $0xFFFFC000  }
0x1c0: {  	_ =	swait.ge [sflag:s11], $0x2000  }
0x1c1: {  	[sflag:s11] =	ssyncset.done $0x0  }
0x1c2: {  	[sflag:s11] =	ssyncadd.s32 $0xFFFFE000  }
0x1c3: {  	_ =	swait.ge [sflag:s11], $0x2000  }
0x1c4: {  	[sflag:s11] =	ssyncset.done $0x0  }
0x1c5: {  	[sflag:s11] =	ssyncadd.s32 $0xFFFFE000  }
0x1c6: {  	[hbm4b:s3+s6] =	stream.strided.scatter [tilespmem:s5], [sflag:$0x4], $0x2000, s7, s6, $0x38;
	[tilespmem:$0x8A00] =	vst v63  }
0x1c7: {  	_ = 	snop  }
0x1c8: {  	[hbm4b:s4+s6] =	stream.strided.scatter [tilespmem:s12], [sflag:$0x4], $0x2000, s7, s6, $0x38;
	[tilespmem:$0x8A00] =	vst v63  }
0x1c9: {  	_ =	swait.ge [sflag:s8], $0x2000  }
0x1ca: {  	[sflag:s8] =	ssyncset.done $0x0  }
0x1cb: {  	[sflag:s8] =	ssyncadd.s32 $0xFFFFE000  }
0x1cc: {  	_ =	swait.ge [sflag:s8], $0x2000  }
0x1cd: {  	[sflag:s8] =	ssyncset.done $0x0  }
0x1ce: {  	[sflag:s8] =	ssyncadd.s32 $0xFFFFE000  }
0x1cf: {  	_ =	sfence.sel $0x180000  }
0x1d0: {  	[bflag:$0x0] =	sbarrier.arrive $0xFFFF  }
0x1d1: {  	_ =	strace $0x90000047  }
0x1d2: {  	[bflag:$0x2] =	sbarrier.arrive $0xFFFF  }
0x1d3: {  	p0 =	sne.s32 s21, $0x0;
	s0 =	rddreg [dreg:$0x1]  }
0x1d4: {  	s0 =	sadd.s32 @!p0 $0x100000, s0  }
0x1d5: {  	[sflag:s0] =	ssyncadd.tile.s32 @!p0 $0x1;
	_ =	shalt  }
.LBB2_1:
.Ltmp3:
0x1d6: {  	(pc) =	sbr.rel .LBB2_6-.Ltmp3, $4  }
0x1d7: {  	_ = 	snop  }
0x1d8: {  	s22 =	simm.s32 $0x200  }
0x1d9: {  	s30 =	simm.s32 $0x300;
	s29 =	simm.s32 $0x400;
	s28 =	simm.s32 $0x500  }
0x1da: {  	s26 =	simm.s32 $0x600;
	s25 =	simm.s32 $0x700;
	s23 =	simm.s32 $0x800  }
.LBB2_3:
.Ltmp4:
0x1db: {  	(pc) =	sbr.rel .LBB2_6-.Ltmp4, $4  }
0x1dc: {  	_ = 	snop  }
0x1dd: {  	s22 =	simm.s32 $0x200;
	s30 =	simm.s32 $0x300  }
0x1de: {  	s29 =	simm.s32 $0x400;
	s28 =	simm.s32 $0x500;
	s26 =	simm.s32 $0x600  }
0x1df: {  	s25 =	simm.s32 $0x700;
	s23 =	simm.s32 $0x800;
	s21 =	stileid.u32  }
.Lfunc_end2:
_tile_overlayer_lowered:
.L_overlay_start_2:
0x1e0: {  	(tag) =	ssettag $0x2  }
0x1e1: {  	s0 =	rddreg [dreg:$0x0];
	s2 =	stileid.u32  }
0x1e2: {  	s1 =	rddreg [dreg:$0x1];
	p0 =	sne.s32 s2, $0x0  }
0x1e3: {  	s3 =	rddreg [dreg:$0x2];
	[bflag:$0x3] =	sbarrier.arrive $0xFFFF;
	s2 =	simm.s32 @!p0 $0x1C05  }
0x1e4: {  	[timem:s3], [sflag:s2] =	dma.local @!p0 [hbm:s0], s1  }
0x1e5: {  	s0 =	simm.s32 @!p0 $0x5  }
0x1e6: {  	_ =	swait.ge @!p0 [sflag:s0], s1  }
0x1e7: {  	s1 =	ssub.s32 @!p0 $0x0, s1;
	[sflag:s0] =	ssyncset.done @!p0 $0x0  }
0x1e8: {  	[sflag:s0] =	ssyncadd.s32 @!p0 s1  }
0x1e9: {  	[bflag:$0x3] =	sbarrier.arrive $0xFFFF  }
0x1ea: {  	_ =	shalt  }

// kernel: kernel.29.cloned.1.call-start
scs
__scs_entry_jumppad:
0x0: {  	(pc) =	sbr.rel $0x88, $3  }
0x1: {  	(tag) =	ssettag $0x0;
	lr =	simm.s32 $0x1  }
0x2: {  	[smem:$0x3F97] =	sst lr;
	_ =	strace $0xD0000000  }
0x3: {  	_ = 	snop  }
0x4: {  	_ = 	snop  }
0x5: {  	_ = 	snop  }
0x6: {  	_ = 	snop  }
0x7: {  	_ = 	snop  }
__scs_overlays_trampoline_lowered:
0x8: {  	[smem:$0x3FA6] =	sst s0  }
0x9: {  	[smem:$0x3FA7] =	sst s1  }
0xa: {  	[smem:$0x3FA8] =	sst s2  }
0xb: {  	[smem:$0x3FA9] =	sst s3  }
0xc: {  	[smem:$0x3FAA] =	sst s4  }
0xd: {  	[smem:$0x3FAB] =	sst s5  }
0xe: {  	[smem:$0x3FAC] =	sst s6  }
0xf: {  	[smem:$0x3FAD] =	sst s7  }
0x10: {  	[smem:$0x3FAE] =	sst s8  }
0x11: {  	[smem:$0x3FAF] =	sst s9;
	s0 =	simm.s32 @!p0 $0x0  }
0x12: {  	s1 =	sld [smem:$0x3F95];
	s0 =	simm.s32 @p0 $0x1  }
0x13: {  	[smem:$0x3FB0] =	sst s0;
	s0 =	simm.s32 @!p1 $0x0  }
0x14: {  	s2 =	sld [smem:$0x3F94];
	s0 =	simm.s32 @p1 $0x1  }
0x15: {  	[smem:$0x3FB1] =	sst s0;
	s0 =	simm.s32 @!p2 $0x0  }
0x16: {  	s3 =	sld [smem:$0x3FDB];
	s0 =	simm.s32 @p2 $0x1  }
0x17: {  	s4 =	simm.s32 $0x1BF5;
	[smem:$0x3FB3] =	sst s0  }
0x18: {  	s0 =	sld [smem:$0x3F96];
	_ =	swait.ge [sflag:s4], $0x0  }
0x19: {  	s7 =	sld [smem:$0x3F97]  }
0x1a: {  	s8 =	sadd.s32 $0xFFFFE003, lr  }
0x1b: {  	s9 =	sadd.s32 $0xFFFFFEF7, lr;
	s5 =	simm.s32 $0xFFFFFFFF;
	p2 =	slt.u32 s8, $0xFFFFF086  }
0x1c: {  	p1 =	slt.u32 s9, $0xF7A;
	s5 =	simm.s32 @!p2 $0x0  }
0x1d: {  	s5 =	simm.s32 @p1 $0x1;
	p0 =	seq.s32 s7, s2  }
0x1e: {  	s7 =	smul.u32 @!p0 $0xF7A, s2;
	p2 =	seq.s32 @!p0 s5, $0x0  }
0x1f: {  	s9 =	smul.u32 $0xF7A, s1;
	s8 =	simm.s32 @!p0 $0x1BF5;
	p2 =	por !p2, p0  }
0x20: {  	[sflag:s8] =	ssyncset.s32 @!p0 $0xFFFFF086;
	s6 =	sadd.s32 @!p0 s3, s7;
	s7 =	simm.s32 @!p0 $0x108  }
0x21: {  	s3 =	sadd.s32 s3, s9;
	s6 =	sadd.s32 @!p0 $0x88, s6;
	s7 =	simm.s32 @p2 $0x1082  }
0x22: {  	[simem:s7], [sflag:s8] =	dma.local @!p0 [hbm:s6], $0xF7A  }
0x23: {  	s9 =	sor.u32 $0xD0000000, s2;
	s6 =	simm.s32 $0x108;
	_ =	swait.ge @!p0 [sflag:s8], $0x0  }
0x24: {  	s3 =	sadd.s32 $0x88, s3;
	s6 =	simm.s32 @!p1 $0x1082;
	[sflag:s4] =	ssyncset.s32 $0xFFFFF086  }
0x25: {  	[simem:s6], [sflag:s4] =	dma.local [hbm:s3], $0xF7A  }
0x26: {  	[smem:$0x3F97] =	sst s1;
	(tag) =	ssettag s2;
	_ =	strace s9  }
0x27: {  	s1 =	sld [smem:$0x3FA7]  }
0x28: {  	s2 =	sld [smem:$0x3FA8]  }
0x29: {  	s4 =	sld [smem:$0x3FAA]  }
0x2a: {  	p0 =	seq.s32 s5, $0x0;
	s5 =	sld [smem:$0x3FAB]  }
0x2b: {  	s6 =	sld [smem:$0x3FAC]  }
0x2c: {  	s7 =	sld [smem:$0x3FAD]  }
0x2d: {  	s3 =	simm.s32 $0x108;
	s8 =	sld [smem:$0x3FAE]  }
0x2e: {  	s3 =	simm.s32 @!p0 $0x1082;
	s9 =	sld [smem:$0x3FAF]  }
0x2f: {  	lr =	sadd.s32 s0, s3;
	s0 =	sld [smem:$0x3FA6]  }
0x30: {  	s3 =	sld [smem:$0x3FA9]  }
0x31: {  	[smem:$0x3FB2] =	sst s10  }
0x32: {  	s10 =	sld [smem:$0x3FB0];
	_ =	sdelay $0x3  }
0x33: {  	p0 =	seq.s32 s10, $0x1;
	s10 =	sld [smem:$0x3FB2];
	_ =	sdelay $0x3  }
0x34: {  	[smem:$0x3FB2] =	sst s10  }
0x35: {  	s10 =	sld [smem:$0x3FB1];
	_ =	sdelay $0x3  }
0x36: {  	p1 =	seq.s32 s10, $0x1;
	s10 =	sld [smem:$0x3FB2];
	_ =	sdelay $0x3  }
0x37: {  	[smem:$0x3FB2] =	sst s10  }
0x38: {  	s10 =	sld [smem:$0x3FB3]  }
0x39: {  	_ = 	snop;
	(pc) =	sbr.ind lr, $3  }
0x3a: {  	_ = 	snop  }
0x3b: {  	_ = 	snop  }
0x3c: {  	p2 =	seq.s32 s10, $0x1;
	s10 =	sld [smem:$0x3FB2]  }
0x3d: {  	_ =	shalt  }
0x3e: {  	_ =	shalt  }
0x3f: {  	_ =	shalt  }
0x40: {  	_ =	shalt  }
0x41: {  	_ =	shalt  }
0x42: {  	_ =	shalt  }
0x43: {  	_ =	shalt  }
0x44: {  	_ =	shalt  }
0x45: {  	_ =	shalt  }
0x46: {  	_ =	shalt  }
0x47: {  	_ =	shalt  }
0x48: {  	_ =	shalt  }
0x49: {  	_ =	shalt  }
0x4a: {  	_ =	shalt  }
0x4b: {  	_ =	shalt  }
0x4c: {  	_ =	shalt  }
0x4d: {  	_ =	shalt  }
0x4e: {  	_ =	shalt  }
0x4f: {  	_ =	shalt  }
0x50: {  	_ =	shalt  }
0x51: {  	_ =	shalt  }
0x52: {  	_ =	shalt  }
0x53: {  	_ =	shalt  }
0x54: {  	_ =	shalt  }
0x55: {  	_ =	shalt  }
0x56: {  	_ =	shalt  }
0x57: {  	_ =	shalt  }
0x58: {  	_ =	shalt  }
0x59: {  	_ =	shalt  }
0x5a: {  	_ =	shalt  }
0x5b: {  	_ =	shalt  }
0x5c: {  	_ =	shalt  }
0x5d: {  	_ =	shalt  }
0x5e: {  	_ =	shalt  }
0x5f: {  	_ =	shalt  }
0x60: {  	_ =	shalt  }
0x61: {  	_ =	shalt  }
0x62: {  	_ =	shalt  }
0x63: {  	_ =	shalt  }
0x64: {  	_ =	shalt  }
0x65: {  	_ =	shalt  }
0x66: {  	_ =	shalt  }
0x67: {  	_ =	shalt  }
0x68: {  	_ =	shalt  }
0x69: {  	_ =	shalt  }
0x6a: {  	_ =	shalt  }
0x6b: {  	_ =	shalt  }
0x6c: {  	_ =	shalt  }
0x6d: {  	_ =	shalt  }
0x6e: {  	_ =	shalt  }
0x6f: {  	_ =	shalt  }
0x70: {  	_ =	shalt  }
0x71: {  	_ =	shalt  }
0x72: {  	_ =	shalt  }
0x73: {  	_ =	shalt  }
0x74: {  	_ =	shalt  }
0x75: {  	_ =	shalt  }
0x76: {  	_ =	shalt  }
0x77: {  	_ =	shalt  }
0x78: {  	_ =	shalt  }
0x79: {  	_ =	shalt  }
0x7a: {  	_ =	shalt  }
0x7b: {  	_ =	shalt  }
0x7c: {  	_ =	shalt  }
0x7d: {  	_ =	shalt  }
0x7e: {  	_ =	shalt  }
0x7f: {  	_ =	shalt  }
0x80: {  	_ =	shalt  }
0x81: {  	_ =	shalt  }
0x82: {  	_ =	shalt  }
0x83: {  	_ =	shalt  }
0x84: {  	_ =	shalt  }
0x85: {  	_ =	shalt  }
0x86: {  	_ =	shalt  }
0x87: {  	_ =	shalt  }
.Lfunc_end0:
.L_simem_size_0:
called_computation.5_lowered:
.L_overlay_start_0:
0x88: {  	s2 =	sld [smem:$0x3FD9]  }
0x89: {  	s3 =	sld [smem:$0x3FFE];
	_ =	sdelay $0x1  }
0x8a: {  	s1 =	srdreg.scid  }
0x8b: {  	s0 =	sand.u32 $0x1, s1  }
0x8c: {  	s17 =	sshll.u32 s0, $0xA;
	s2 =	sadd.s32 s3, s2  }
0x8d: {  	s2 =	sadd.s32 s2, s17  }
0x8e: {  	[smem:$0x3FBE] =	sst s2  }
0x8f: {  	_ = 	snop  }
0x90: {  	s2 =	sld [smem:$0x3FD0];
	(tm) =	ssettm $0x1  }
0x91: {  	s18 =	sld [smem:$0x3FFB];
	_ =	sdelay $0x3  }
0x92: {  	_ =	strace s18  }
0x93: {  	s3 =	sld [smem:$0x3FFC];
	_ =	sdelay $0x3  }
0x94: {  	_ =	strace s3  }
0x95: {  	s3 =	sld [smem:$0x3FFD];
	_ =	sdelay $0x3  }
0x96: {  	_ =	strace s3  }
0x97: {  	_ =	strace $0x8FFFFFFF  }
0x98: {  	s19 =	sld [smem:$0x3FDB];
	_ =	sdelay $0x1  }
0x99: {  	s4 =	simm.s32 $_scs_section_size  }
0x9a: {  	s5 =	simm.s32 $_size__tile_overlayer_lowered;
	s6 =	simm.s32 $_tile_overlayer_lowered  }
0x9b: {  	s22 =	simm.s32 $0x1BFF;
	s21 =	sshll.u32 s6, $0x1;
	s3 =	sadd.s32 s4, s19  }
0x9c: {  	s7 =	simm.s32 $0x0;
	s20 =	sshll.u32 s5, $0x1;
	s5 =	sadd.s32 s21, s3  }
0x9d: {  	[timem:s7], [sflag:s22] =	dma.local [hbm:s5], s20  }
0x9e: {  	_ =	swait.ge [sflag:s22], s20  }
0x9f: {  	s4 =	ssub.s32 $0x0, s20;
	[sflag:s22] =	ssyncset.done $0x0  }
0xa0: {  	[sflag:s22] =	ssyncadd.s32 s4;
	_ =	sdelay $0x1  }
0xa1: {  	s23 =	simm.s32 $0x1B8B  }
0xa2: {  	_ =	swait.ge [sflag:s23], $0x1  }
0xa3: {  	[sflag:s23] =	ssyncset.done $0x0  }
0xa4: {  	s25 =	simm.s32 $0x1B8E;
	s24 =	sld [smem:$0x3FFE];
	[sflag:s23] =	ssyncadd.s32 $0xFFFFFFFF  }
0xa5: {  	s26 =	simm.s32 $execute0_lowered;
	[smem:$0x3FD2] =	sst s25  }
0xa6: {  	s5 =	sshll.u32 s26, $0x1;
	_ =	strace $0x80000052;
	[dreg:$0x1] =	wrdreg $0xFFFFFFFF  }
0xa7: {  	s28 =	simm.s32 $_size_execute0_lowered;
	s3 =	sadd.s32 s3, s5;
	[dreg:$0x0] =	wrdreg $0x0  }
0xa8: {  	s5 =	sshll.u32 s28, $0x1;
	[dreg:$0x2] =	wrdreg s3  }
0xa9: {  	[dreg:$0x3] =	wrdreg s5  }
0xaa: {  	[dreg:$0x4] =	wrdreg $0xC0  }
0xab: {  	_ =	task [dreg:s7], $0x5FFFF  }
0xac: {  	[dreg:$0x1] =	wrdreg $0xFFFFFFFF  }
0xad: {  	[dreg:$0x0] =	wrdreg $0x60  }
0xae: {  	[dreg:$0x2] =	wrdreg s24  }
0xaf: {  	[dreg:$0x3] =	wrdreg s2  }
0xb0: {  	[dreg:$0x4] =	wrdreg $0x52800  }
0xb1: {  	[dreg:$0x5] =	wrdreg $0x9  }
0xb2: {  	_ =	task.clear_ibuf [dreg:s7], $0x6FFFF;
	_ =	strace $0x90000052  }
0xb3: {  	s29 =	simm.s32 $0x9;
	_ =	strace $0x80000054  }
0xb4: {  	_ =	swait.ge [sflag:s29], $0x1  }
0xb5: {  	[sflag:s29] =	ssyncadd.s32 $0xFFFFFFFF  }
0xb6: {  	_ =	strace $0x90000054  }
0xb7: {  	_ =	sfence  }
0xb8: {  	s30 =	sld [smem:$0x0];
	_ =	sdelay $0x2  }
0xb9: {  	s31 =	sshll.u32 s1, $0xD;
	s1 =	sshrl.u32 s1, $0x2  }
0xba: {  	s3 =	sand.u32 $0x4000, s31;
	s1 =	sadd.s32 s1, s30  }
0xbb: {  	s0 =	sor.u32 s3, s0;
	s1 =	sshll.u32 s1, $0x11  }
0xbc: {  	s0 =	sor.u32 s1, s0  }
0xbd: {  	s0 =	sadd.s32 $0x8F2B, s0  }
0xbe: {  	[sflag:s0] =	ssyncadd.remote.s32 $0x1  }
0xbf: {  	_ =	sfence.sel $0xFFFF  }
0xc0: {  	[dreg:$0x0] =	wrdreg $0xFFFFFFFF;
	(pc) =	sbr.abs _section_cstart, $3  }
0xc1: {  	[dreg:$0x1] =	wrdreg $0xFFFFFFFF  }
0xc2: {  	_ =	task.clear_ibuf [dreg:s7], $0x2FFFF;
	_ =	strace $0x9FFFFFFF  }
0xc3: {  	(tm) =	ssettm $0x7FFFFFFF  }
tec
execute0_lowered:
.L_overlay_start_1:
0x0: {  	(tag) =	ssettag $0x1  }
0x1: {  	s4 =	rddreg [dreg:$0x0]  }
0x2: {  	s7 =	rddreg [dreg:$0x1]  }
0x3: {  	s0 =	srdreg.scid;
	s2 =	rddreg [dreg:$0x2]  }
0x4: {  	s1 =	rddreg [dreg:$0x3];
	s5 =	sand.u32 $0x1, s0  }
0x5: {  	s0 =	stileid.u32;
	s6 =	smul.u32 $0x500, s5  }
0x6: {  	s3 =	simm.s32 $0x0;
	s11 =	simm.s32 $0x2800;
	s8 =	smul.u32 $0x50, s0  }
0x7: {  	s12 =	simm.s32 $0x80;
	s13 =	simm.s32 $0x0;
	s9 =	smul.u32 $0x280, s0  }
0x8: {  	[smem:$0x7FF] =	sst s3;
	s30 =	smul.u32 $0x2800, s5;
	s5 =	ssub.s32 $0x2, s5  }
0x9: {  	_ =	strace $0x80000053;
	s31 =	sshrl.u32 s5, $0x1;
	s6 =	sadd.s32 s8, s6  }
0xa: {  	s8 =	sadd.s32 s9, s30;
	s10 =	ssub.s32 s5, s31;
	s6 =	sshll.u32 s6, $0x4  }
0xb: {  	s8 =	sshrl.u32 s8, $0x3;
	s6 =	sadd.s32 s6, s4;
	s4 =	sadd.s32 s9, s2  }
0xc: {  	s7 =	sadd.s32 s7, s8;
	s8 =	smax.u32 s10, $0x1;
	s9 =	simm.s32 $0x5000  }
0xd: {  	v0 =	vimm.f32 $0.0e+00;
	s10 =	simm.s32 $0x1;
	s5 =	sadd.s32 $0x3C00, s6;
	s6 =	sadd.s32 $0x17C00, s6  }
.LBB2_1:
0xe: {  	[tilespmem:$0x5000] =	vst v0  }
0xf: {  	[tilespmem:$0x5010] =	vst v0  }
0x10: {  	[tilespmem:$0x5020] =	vst v0  }
0x11: {  	[tilespmem:$0x5030] =	vst v0  }
0x12: {  	[tilespmem:$0x5040] =	vst v0  }
0x13: {  	[tilespmem:$0x5050] =	vst v0  }
0x14: {  	[tilespmem:$0x5060] =	vst v0  }
0x15: {  	[tilespmem:$0x5070] =	vst v0  }
0x16: {  	[tilespmem:$0x5080] =	vst v0  }
0x17: {  	[tilespmem:$0x5090] =	vst v0  }
0x18: {  	[tilespmem:$0x50A0] =	vst v0  }
0x19: {  	[tilespmem:$0x50B0] =	vst v0  }
0x1a: {  	[tilespmem:$0x50C0] =	vst v0  }
0x1b: {  	[tilespmem:$0x50D0] =	vst v0  }
0x1c: {  	[tilespmem:$0x50E0] =	vst v0  }
0x1d: {  	[tilespmem:$0x50F0] =	vst v0  }
0x1e: {  	[tilespmem:$0x5100] =	vst v0  }
0x1f: {  	[tilespmem:$0x5110] =	vst v0  }
0x20: {  	[tilespmem:$0x5120] =	vst v0  }
0x21: {  	[tilespmem:$0x5130] =	vst v0  }
0x22: {  	[tilespmem:$0x5140] =	vst v0  }
0x23: {  	[tilespmem:$0x5150] =	vst v0  }
0x24: {  	[tilespmem:$0x5160] =	vst v0  }
0x25: {  	[tilespmem:$0x5170] =	vst v0  }
0x26: {  	[tilespmem:$0x5180] =	vst v0  }
0x27: {  	[tilespmem:$0x5190] =	vst v0  }
0x28: {  	[tilespmem:$0x51A0] =	vst v0  }
0x29: {  	[tilespmem:$0x51B0] =	vst v0  }
0x2a: {  	[tilespmem:$0x51C0] =	vst v0  }
0x2b: {  	[tilespmem:$0x51D0] =	vst v0  }
0x2c: {  	[tilespmem:$0x51E0] =	vst v0  }
0x2d: {  	[tilespmem:$0x51F0] =	vst v0  }
0x2e: {  	[tilespmem:$0x5200] =	vst v0  }
0x2f: {  	[tilespmem:$0x5210] =	vst v0  }
0x30: {  	[tilespmem:$0x5220] =	vst v0  }
0x31: {  	[tilespmem:$0x5230] =	vst v0  }
0x32: {  	[tilespmem:$0x5240] =	vst v0  }
0x33: {  	[tilespmem:$0x5250] =	vst v0  }
0x34: {  	[tilespmem:$0x5260] =	vst v0  }
0x35: {  	[tilespmem:$0x5270] =	vst v0  }
0x36: {  	[spmem:s4] =	stream.linear.scatter [tilespmem:s9], [sflag:$0x1], $0x280, $0x38;
	[tilespmem:$0x5500] =	vst v63  }
0x37: {  	_ =	swait.ge [sflag:s10], $0x280  }
0x38: {  	[sflag:s10] =	ssyncset.done $0x0  }
0x39: {  	[sflag:s10] =	ssyncadd.s32 $0xFFFFFD80  }
0x3a: {  	[bflag:$0x0] =	sbarrier.arrive $0xFFFF  }
0x3b: {  	[tilespmem:s3], [sflag:$0x1] =	stream.linear.gather [hbm4b:s5+s3], $0x2800, $0x38;
	[tilespmem:$0x5500] =	vst v63  }
0x3c: {  	_ =	swait.ge [sflag:s10], $0x2800  }
0x3d: {  	[sflag:s10] =	ssyncset.done $0x0  }
0x3e: {  	[sflag:s10] =	ssyncadd.s32 $0xFFFFD800  }
0x3f: {  	[tilespmem:s11], [sflag:$0x1] =	stream.linear.gather [hbm4b:s6+s3], $0x2800, $0x38;
	[tilespmem:$0x5500] =	vst v63  }
0x40: {  	s14 =	sand.u32 $0xFE00, s3;
	_ =	swait.ge [sflag:s10], $0x2800  }
0x41: {  	s15 =	sand.u32 $0x70, s3;
	s14 =	sshrl.u32 s14, $0x2;
	[sflag:s10] =	ssyncset.done $0x0  }
0x42: {  	s14 =	sor.u32 s15, s14;
	[sflag:s10] =	ssyncadd.s32 $0xFFFFD800  }
0x43: {  	v1 =	vld [tilespmem:s14+$0x2800];
	_ =	sdelay $0x4  }
0x44: {  	v1 =	vmul.f32 $1.442695020e+00, v1;
	_ =	sdelay $0x1  }
0x45: {  	(erf) = vpow2.f32 v1;
	_ =	sdelay $0x6  }
0x46: {  	s31 =	simm.s32 $0x40  }
0x47: {  	s16 =	simm.s32 $0x80;
	s17 =	sand.u32 $0xFE00, s31;
	s15 =	simm.s32 $0x10  }
.LBB2_2:
0x48: {  	p0 =	sne.s32 s16, $0x9FC0;
	s18 =	sand.u32 $0x70, s15;
	s17 =	sshrl.u32 s17, $0x2;
	v1 =	vpop (erf)  }
0x49: {  	[tilespmem:s14+$0x2800] =	vst v1;
	s14 =	sor.u32 s18, s17  }
0x4a: {  	v1 =	vld [tilespmem:s14+$0x2800];
	_ =	sdelay $0x4  }
0x4b: {  	v1 =	vmul.f32 $1.442695020e+00, v1;
	_ =	sdelay $0x1  }
0x4c: {  	(erf) = vpow2.f32 v1;
	_ =	sdelay $0x3  }
.Ltmp0:
0x4d: {  	(pc) =	sbr.rel @p0 .LBB2_2-.Ltmp0, $2  }
0x4e: {  	_ =	sdelay $0x2  }
0x4f: {  	s15 =	sadd.s32 $0x10, s15;
	s17 =	sand.u32 $0xFE00, s16;
	s16 =	sadd.s32 $0x40, s16  }
0x50: {  	s15 =	sand.u32 $0x70, s15;
	s16 =	sshrl.u32 s17, $0x2;
	v1 =	vpop (erf)  }
0x51: {  	s15 =	sor.u32 s15, s16;
	[tilespmem:s14+$0x2800] =	vst v1  }
0x52: {  	v1 =	vld [tilespmem:s15+$0x2800];
	_ =	sdelay $0x4  }
0x53: {  	v1 =	vmul.f32 $1.442695020e+00, v1;
	_ =	sdelay $0x1  }
0x54: {  	(erf) = vpow2.f32 v1;
	_ =	sdelay $0x8  }
0x55: {  	v1 =	vpop (erf)  }
0x56: {  	s30 =	simm.s32 $0x0;
	s31 =	simm.s32 $0x2800;
	[tilespmem:s15+$0x2800] =	vst v1  }
0x57: {  	[spmem:s2] =	stream.indirect.scatter.add.f32 [tilespmem:s31], [sflag:$0x1], $0x1, s30, s12, $0xb8;
	[tilespmem:$0x5500] =	vst v63  }
0x58: {  	s14 =	simm.s32 $0x200;
	_ =	swait.ge [sflag:s10], $0x80  }
.LBB2_4:
0x59: {  	s15 =	sshra.s32 s14, $0x2;
	[sflag:s10] =	ssyncset.done $0x0;
	p0 =	sne.s32 s14, $0x9E00  }
.Ltmp1:
0x5a: {  	s16 =	sadd.s32 $0x2800, s15;
	[sflag:s10] =	ssyncadd.s32 $0xFFFFFF80;
	(pc) =	sbr.rel @p0 .LBB2_4-.Ltmp1, $3  }
0x5b: {  	[spmem:s2] =	stream.indirect.scatter.add.f32 [tilespmem:s16], [sflag:$0x1], $0x1, s15, s12, $0xb8;
	[tilespmem:$0x5500] =	vst v63  }
0x5c: {  	s14 =	sadd.s32 $0x200, s14;
	_ =	sdelay $0x1  }
0x5d: {  	_ =	swait.ge [sflag:s10], $0x80  }
0x5e: {  	[sflag:s10] =	ssyncset.done $0x0  }
0x5f: {  	[sflag:s10] =	ssyncadd.s32 $0xFFFFFF80  }
0x60: {  	[bflag:$0x0] =	sbarrier.arrive $0xFFFF  }
0x61: {  	[tilespmem:s9], [sflag:$0x1] =	stream.linear.gather [spmem:s4], $0x280, $0x38;
	[tilespmem:$0x5500] =	vst v63  }
0x62: {  	s13 =	sadd.s32 $0x1, s13;
	_ =	swait.ge [sflag:s10], $0x280  }
0x63: {  	p0 =	sne.s32 s13, s8;
	[sflag:s10] =	ssyncset.done $0x0  }
.Ltmp2:
0x64: {  	[sflag:s10] =	ssyncadd.s32 $0xFFFFFD80;
	(pc) =	sbr.rel @p0 .LBB2_1-.Ltmp2, $4  }
0x65: {  	[hbm4b:s7+s3] =	stream.linear.scatter [tilespmem:s9], [sflag:$0x1], $0x280, $0x38;
	[tilespmem:$0x5500] =	vst v63  }
0x66: {  	_ =	swait.ge [sflag:s10], $0x280  }
0x67: {  	[sflag:s10] =	ssyncset.done $0x0  }
0x68: {  	[sflag:s10] =	ssyncadd.s32 $0xFFFFFD80  }
0x69: {  	_ =	sfence.sel $0x180000  }
0x6a: {  	[bflag:$0x0] =	sbarrier.arrive $0xFFFF  }
0x6b: {  	p0 =	sne.s32 s0, $0x0;
	_ =	strace $0x90000053  }
0x6c: {  	s0 =	sadd.s32 @!p0 $0x100000, s1;
	[bflag:$0x2] =	sbarrier.arrive $0xFFFF  }
0x6d: {  	[sflag:s0] =	ssyncadd.tile.s32 @!p0 $0x1;
	_ =	shalt  }
.Lfunc_end2:
_tile_overlayer_lowered:
.L_overlay_start_2:
0x6e: {  	(tag) =	ssettag $0x2  }
0x6f: {  	s0 =	rddreg [dreg:$0x0];
	s2 =	stileid.u32  }
0x70: {  	s1 =	rddreg [dreg:$0x1];
	p0 =	sne.s32 s2, $0x0  }
0x71: {  	s3 =	rddreg [dreg:$0x2];
	[bflag:$0x3] =	sbarrier.arrive $0xFFFF;
	s2 =	simm.s32 @!p0 $0x1C01  }
0x72: {  	[timem:s3], [sflag:s2] =	dma.local @!p0 [hbm:s0], s1  }
0x73: {  	s0 =	simm.s32 @!p0 $0x1  }
0x74: {  	_ =	swait.ge @!p0 [sflag:s0], s1  }
0x75: {  	s1 =	ssub.s32 @!p0 $0x0, s1;
	[sflag:s0] =	ssyncset.done @!p0 $0x0  }
0x76: {  	[sflag:s0] =	ssyncadd.s32 @!p0 s1  }
0x77: {  	[bflag:$0x3] =	sbarrier.arrive $0xFFFF  }
0x78: {  	_ =	shalt  }

// kernel: kernel.32.cloned.1.call-start
scs
__scs_entry_jumppad:
0x0: {  	(pc) =	sbr.rel $0x88, $3  }
0x1: {  	(tag) =	ssettag $0x0;
	lr =	simm.s32 $0x1  }
0x2: {  	[smem:$0x3F97] =	sst lr;
	_ =	strace $0xD0000000  }
0x3: {  	_ = 	snop  }
0x4: {  	_ = 	snop  }
0x5: {  	_ = 	snop  }
0x6: {  	_ = 	snop  }
0x7: {  	_ = 	snop  }
__scs_overlays_trampoline_lowered:
0x8: {  	[smem:$0x3FA6] =	sst s0  }
0x9: {  	[smem:$0x3FA7] =	sst s1  }
0xa: {  	[smem:$0x3FA8] =	sst s2  }
0xb: {  	[smem:$0x3FA9] =	sst s3  }
0xc: {  	[smem:$0x3FAA] =	sst s4  }
0xd: {  	[smem:$0x3FAB] =	sst s5  }
0xe: {  	[smem:$0x3FAC] =	sst s6  }
0xf: {  	[smem:$0x3FAD] =	sst s7  }
0x10: {  	[smem:$0x3FAE] =	sst s8  }
0x11: {  	[smem:$0x3FAF] =	sst s9;
	s0 =	simm.s32 @!p0 $0x0  }
0x12: {  	s1 =	sld [smem:$0x3F95];
	s0 =	simm.s32 @p0 $0x1  }
0x13: {  	[smem:$0x3FB0] =	sst s0;
	s0 =	simm.s32 @!p1 $0x0  }
0x14: {  	s2 =	sld [smem:$0x3F94];
	s0 =	simm.s32 @p1 $0x1  }
0x15: {  	[smem:$0x3FB1] =	sst s0;
	s0 =	simm.s32 @!p2 $0x0  }
0x16: {  	s3 =	sld [smem:$0x3FDB];
	s0 =	simm.s32 @p2 $0x1  }
0x17: {  	s4 =	simm.s32 $0x1BF5;
	[smem:$0x3FB3] =	sst s0  }
0x18: {  	s0 =	sld [smem:$0x3F96];
	_ =	swait.ge [sflag:s4], $0x0  }
0x19: {  	s7 =	sld [smem:$0x3F97]  }
0x1a: {  	s8 =	sadd.s32 $0xFFFFE003, lr  }
0x1b: {  	s9 =	sadd.s32 $0xFFFFFEF7, lr;
	s5 =	simm.s32 $0xFFFFFFFF;
	p2 =	slt.u32 s8, $0xFFFFF086  }
0x1c: {  	p1 =	slt.u32 s9, $0xF7A;
	s5 =	simm.s32 @!p2 $0x0  }
0x1d: {  	s5 =	simm.s32 @p1 $0x1;
	p0 =	seq.s32 s7, s2  }
0x1e: {  	s7 =	smul.u32 @!p0 $0xF7A, s2;
	p2 =	seq.s32 @!p0 s5, $0x0  }
0x1f: {  	s9 =	smul.u32 $0xF7A, s1;
	s8 =	simm.s32 @!p0 $0x1BF5;
	p2 =	por !p2, p0  }
0x20: {  	[sflag:s8] =	ssyncset.s32 @!p0 $0xFFFFF086;
	s6 =	sadd.s32 @!p0 s3, s7;
	s7 =	simm.s32 @!p0 $0x108  }
0x21: {  	s3 =	sadd.s32 s3, s9;
	s6 =	sadd.s32 @!p0 $0x88, s6;
	s7 =	simm.s32 @p2 $0x1082  }
0x22: {  	[simem:s7], [sflag:s8] =	dma.local @!p0 [hbm:s6], $0xF7A  }
0x23: {  	s9 =	sor.u32 $0xD0000000, s2;
	s6 =	simm.s32 $0x108;
	_ =	swait.ge @!p0 [sflag:s8], $0x0  }
0x24: {  	s3 =	sadd.s32 $0x88, s3;
	s6 =	simm.s32 @!p1 $0x1082;
	[sflag:s4] =	ssyncset.s32 $0xFFFFF086  }
0x25: {  	[simem:s6], [sflag:s4] =	dma.local [hbm:s3], $0xF7A  }
0x26: {  	[smem:$0x3F97] =	sst s1;
	(tag) =	ssettag s2;
	_ =	strace s9  }
0x27: {  	s1 =	sld [smem:$0x3FA7]  }
0x28: {  	s2 =	sld [smem:$0x3FA8]  }
0x29: {  	s4 =	sld [smem:$0x3FAA]  }
0x2a: {  	p0 =	seq.s32 s5, $0x0;
	s5 =	sld [smem:$0x3FAB]  }
0x2b: {  	s6 =	sld [smem:$0x3FAC]  }
0x2c: {  	s7 =	sld [smem:$0x3FAD]  }
0x2d: {  	s3 =	simm.s32 $0x108;
	s8 =	sld [smem:$0x3FAE]  }
0x2e: {  	s3 =	simm.s32 @!p0 $0x1082;
	s9 =	sld [smem:$0x3FAF]  }
0x2f: {  	lr =	sadd.s32 s0, s3;
	s0 =	sld [smem:$0x3FA6]  }
0x30: {  	s3 =	sld [smem:$0x3FA9]  }
0x31: {  	[smem:$0x3FB2] =	sst s10  }
0x32: {  	s10 =	sld [smem:$0x3FB0];
	_ =	sdelay $0x3  }
0x33: {  	p0 =	seq.s32 s10, $0x1;
	s10 =	sld [smem:$0x3FB2];
	_ =	sdelay $0x3  }
0x34: {  	[smem:$0x3FB2] =	sst s10  }
0x35: {  	s10 =	sld [smem:$0x3FB1];
	_ =	sdelay $0x3  }
0x36: {  	p1 =	seq.s32 s10, $0x1;
	s10 =	sld [smem:$0x3FB2];
	_ =	sdelay $0x3  }
0x37: {  	[smem:$0x3FB2] =	sst s10  }
0x38: {  	s10 =	sld [smem:$0x3FB3]  }
0x39: {  	_ = 	snop;
	(pc) =	sbr.ind lr, $3  }
0x3a: {  	_ = 	snop  }
0x3b: {  	_ = 	snop  }
0x3c: {  	p2 =	seq.s32 s10, $0x1;
	s10 =	sld [smem:$0x3FB2]  }
0x3d: {  	_ =	shalt  }
0x3e: {  	_ =	shalt  }
0x3f: {  	_ =	shalt  }
0x40: {  	_ =	shalt  }
0x41: {  	_ =	shalt  }
0x42: {  	_ =	shalt  }
0x43: {  	_ =	shalt  }
0x44: {  	_ =	shalt  }
0x45: {  	_ =	shalt  }
0x46: {  	_ =	shalt  }
0x47: {  	_ =	shalt  }
0x48: {  	_ =	shalt  }
0x49: {  	_ =	shalt  }
0x4a: {  	_ =	shalt  }
0x4b: {  	_ =	shalt  }
0x4c: {  	_ =	shalt  }
0x4d: {  	_ =	shalt  }
0x4e: {  	_ =	shalt  }
0x4f: {  	_ =	shalt  }
0x50: {  	_ =	shalt  }
0x51: {  	_ =	shalt  }
0x52: {  	_ =	shalt  }
0x53: {  	_ =	shalt  }
0x54: {  	_ =	shalt  }
0x55: {  	_ =	shalt  }
0x56: {  	_ =	shalt  }
0x57: {  	_ =	shalt  }
0x58: {  	_ =	shalt  }
0x59: {  	_ =	shalt  }
0x5a: {  	_ =	shalt  }
0x5b: {  	_ =	shalt  }
0x5c: {  	_ =	shalt  }
0x5d: {  	_ =	shalt  }
0x5e: {  	_ =	shalt  }
0x5f: {  	_ =	shalt  }
0x60: {  	_ =	shalt  }
0x61: {  	_ =	shalt  }
0x62: {  	_ =	shalt  }
0x63: {  	_ =	shalt  }
0x64: {  	_ =	shalt  }
0x65: {  	_ =	shalt  }
0x66: {  	_ =	shalt  }
0x67: {  	_ =	shalt  }
0x68: {  	_ =	shalt  }
0x69: {  	_ =	shalt  }
0x6a: {  	_ =	shalt  }
0x6b: {  	_ =	shalt  }
0x6c: {  	_ =	shalt  }
0x6d: {  	_ =	shalt  }
0x6e: {  	_ =	shalt  }
0x6f: {  	_ =	shalt  }
0x70: {  	_ =	shalt  }
0x71: {  	_ =	shalt  }
0x72: {  	_ =	shalt  }
0x73: {  	_ =	shalt  }
0x74: {  	_ =	shalt  }
0x75: {  	_ =	shalt  }
0x76: {  	_ =	shalt  }
0x77: {  	_ =	shalt  }
0x78: {  	_ =	shalt  }
0x79: {  	_ =	shalt  }
0x7a: {  	_ =	shalt  }
0x7b: {  	_ =	shalt  }
0x7c: {  	_ =	shalt  }
0x7d: {  	_ =	shalt  }
0x7e: {  	_ =	shalt  }
0x7f: {  	_ =	shalt  }
0x80: {  	_ =	shalt  }
0x81: {  	_ =	shalt  }
0x82: {  	_ =	shalt  }
0x83: {  	_ =	shalt  }
0x84: {  	_ =	shalt  }
0x85: {  	_ =	shalt  }
0x86: {  	_ =	shalt  }
0x87: {  	_ =	shalt  }
.Lfunc_end0:
.L_simem_size_0:
called_computation.6_lowered:
.L_overlay_start_0:
0x88: {  	s2 =	sld [smem:$0x3FD9]  }
0x89: {  	s3 =	sld [smem:$0x3FFE];
	_ =	sdelay $0x1  }
0x8a: {  	s1 =	srdreg.scid  }
0x8b: {  	s0 =	sand.u32 $0x1, s1  }
0x8c: {  	s17 =	sshll.u32 s0, $0xA;
	s2 =	sadd.s32 s3, s2  }
0x8d: {  	s2 =	sadd.s32 s2, s17  }
0x8e: {  	[smem:$0x3FBE] =	sst s2  }
0x8f: {  	_ = 	snop  }
0x90: {  	s2 =	sld [smem:$0x3FD0];
	(tm) =	ssettm $0x1  }
0x91: {  	s18 =	sld [smem:$0x3FFB];
	_ =	sdelay $0x3  }
0x92: {  	_ =	strace s18  }
0x93: {  	s3 =	sld [smem:$0x3FFC];
	_ =	sdelay $0x3  }
0x94: {  	_ =	strace s3  }
0x95: {  	s3 =	sld [smem:$0x3FFD];
	_ =	sdelay $0x3  }
0x96: {  	_ =	strace s3  }
0x97: {  	_ =	strace $0x8FFFFFFF  }
0x98: {  	s19 =	sld [smem:$0x3FDB];
	_ =	sdelay $0x1  }
0x99: {  	s4 =	simm.s32 $_scs_section_size  }
0x9a: {  	s5 =	simm.s32 $_size__tile_overlayer_lowered;
	s6 =	simm.s32 $_tile_overlayer_lowered  }
0x9b: {  	s22 =	simm.s32 $0x1BFF;
	s21 =	sshll.u32 s6, $0x1;
	s3 =	sadd.s32 s4, s19  }
0x9c: {  	s7 =	simm.s32 $0x0;
	s20 =	sshll.u32 s5, $0x1;
	s5 =	sadd.s32 s21, s3  }
0x9d: {  	[timem:s7], [sflag:s22] =	dma.local [hbm:s5], s20  }
0x9e: {  	_ =	swait.ge [sflag:s22], s20  }
0x9f: {  	s4 =	ssub.s32 $0x0, s20;
	[sflag:s22] =	ssyncset.done $0x0  }
0xa0: {  	[sflag:s22] =	ssyncadd.s32 s4;
	_ =	sdelay $0x1  }
0xa1: {  	s23 =	simm.s32 $0x1B8B  }
0xa2: {  	_ =	swait.ge [sflag:s23], $0x1  }
0xa3: {  	[sflag:s23] =	ssyncset.done $0x0  }
0xa4: {  	s25 =	simm.s32 $0x1B8E;
	s24 =	sld [smem:$0x3FFE];
	[sflag:s23] =	ssyncadd.s32 $0xFFFFFFFF  }
0xa5: {  	s26 =	simm.s32 $execute0_lowered;
	[smem:$0x3FD2] =	sst s25  }
0xa6: {  	s5 =	sshll.u32 s26, $0x1;
	_ =	strace $0x80000055;
	[dreg:$0x1] =	wrdreg $0xFFFFFFFF  }
0xa7: {  	s28 =	simm.s32 $_size_execute0_lowered;
	s3 =	sadd.s32 s3, s5;
	[dreg:$0x0] =	wrdreg $0x0  }
0xa8: {  	s5 =	sshll.u32 s28, $0x1;
	[dreg:$0x2] =	wrdreg s3  }
0xa9: {  	[dreg:$0x3] =	wrdreg s5  }
0xaa: {  	[dreg:$0x4] =	wrdreg $0xC0  }
0xab: {  	_ =	task [dreg:s7], $0x5FFFF  }
0xac: {  	[dreg:$0x1] =	wrdreg $0xFFFFFFFF  }
0xad: {  	[dreg:$0x0] =	wrdreg $0x60  }
0xae: {  	[dreg:$0x2] =	wrdreg s24  }
0xaf: {  	[dreg:$0x3] =	wrdreg s2  }
0xb0: {  	[dreg:$0x4] =	wrdreg $0xA  }
0xb1: {  	_ =	task.clear_ibuf [dreg:s7], $0x5FFFF;
	_ =	strace $0x90000055  }
0xb2: {  	s29 =	simm.s32 $0xA;
	_ =	strace $0x80000057  }
0xb3: {  	_ =	swait.ge [sflag:s29], $0x1  }
0xb4: {  	[sflag:s29] =	ssyncadd.s32 $0xFFFFFFFF  }
0xb5: {  	_ =	strace $0x90000057  }
0xb6: {  	_ =	sfence  }
0xb7: {  	s30 =	sld [smem:$0x0];
	_ =	sdelay $0x2  }
0xb8: {  	s31 =	sshll.u32 s1, $0xD;
	s1 =	sshrl.u32 s1, $0x2  }
0xb9: {  	s3 =	sand.u32 $0x4000, s31;
	s1 =	sadd.s32 s1, s30  }
0xba: {  	s0 =	sor.u32 s3, s0;
	s1 =	sshll.u32 s1, $0x11  }
0xbb: {  	s0 =	sor.u32 s1, s0  }
0xbc: {  	s0 =	sadd.s32 $0x8F2B, s0  }
0xbd: {  	[sflag:s0] =	ssyncadd.remote.s32 $0x1  }
0xbe: {  	_ =	sfence.sel $0xFFFF  }
0xbf: {  	[dreg:$0x0] =	wrdreg $0xFFFFFFFF;
	(pc) =	sbr.abs _section_cstart, $3  }
0xc0: {  	[dreg:$0x1] =	wrdreg $0xFFFFFFFF  }
0xc1: {  	_ =	task.clear_ibuf [dreg:s7], $0x2FFFF;
	_ =	strace $0x9FFFFFFF  }
0xc2: {  	(tm) =	ssettm $0x7FFFFFFF  }
0xc3: {  	_ =	shalt  }
tec
execute0_lowered:
.L_overlay_start_1:
0x0: {  	(tag) =	ssettag $0x1  }
0x1: {  	s0 =	srdreg.scid;
	s4 =	rddreg [dreg:$0x0]  }
0x2: {  	s2 =	rddreg [dreg:$0x1];
	s1 =	stileid.u32  }
0x3: {  	s8 =	simm.s32 $0x1;
	s9 =	simm.s32 $0x2800;
	s5 =	sand.u32 $0x1, s0  }
0x4: {  	s10 =	simm.s32 $0xC800;
	s11 =	simm.s32 $0x5000;
	s3 =	sshll.u32 s5, $0x4  }
0x5: {  	s0 =	rddreg [dreg:$0x2];
	s5 =	ssub.s32 $0x2, s5;
	s6 =	sor.u32 s1, s3  }
0x6: {  	s3 =	simm.s32 $0x0;
	s7 =	sshrl.u32 s5, $0x1;
	s6 =	smul.u32 $0x500, s6  }
0x7: {  	s12 =	simm.s32 $0x0;
	[smem:$0x7FF] =	sst s3;
	s7 =	ssub.s32 s5, s7  }
0x8: {  	_ =	strace $0x80000056;
	s7 =	smax.u32 s7, $0x1;
	s6 =	sadd.s32 s6, s4  }
0x9: {  	s4 =	sadd.s32 $0xDC00, s6;
	s5 =	sadd.s32 $0x21C00, s6;
	s6 =	sadd.s32 $0x17C00, s6  }
.LBB2_1:
0xa: {  	[tilespmem:s3], [sflag:$0x1] =	stream.linear.gather [hbm4b:s4+s3], $0x2800, $0x38;
	[tilespmem:$0xF000] =	vst v63  }
0xb: {  	_ =	swait.ge [sflag:s8], $0x2800  }
0xc: {  	[sflag:s8] =	ssyncset.done $0x0  }
0xd: {  	[sflag:s8] =	ssyncadd.s32 $0xFFFFD800  }
0xe: {  	[tilespmem:s9], [sflag:$0x1] =	stream.linear.gather [hbm4b:s5+s3], $0x2800, $0x38;
	[tilespmem:$0xF000] =	vst v63  }
0xf: {  	_ =	swait.ge [sflag:s8], $0x2800  }
0x10: {  	[sflag:s8] =	ssyncset.done $0x0  }
0x11: {  	s13 =	simm.s32 $0x7800;
	[sflag:s8] =	ssyncadd.s32 $0xFFFFD800  }
0x12: {  	[tilespmem:s13], [sflag:$0x1] =	stream.linear.gather [hbm4b:s2+s3], $0x5000, $0x38;
	[tilespmem:$0xF000] =	vst v63  }
0x13: {  	_ =	swait.ge [sflag:s8], $0x5000  }
0x14: {  	[sflag:s8] =	ssyncset.done $0x0  }
0x15: {  	s14 =	sand.u32 $0x3FF0, s3;
	[sflag:s8] =	ssyncadd.s32 $0xFFFFB000  }
0x16: {  	v0 =	vld [tilespmem:s14+$0xA000]  }
0x17: {  	v1 =	vld [tilespmem:s13+$0x0];
	_ =	sdelay $0x4  }
0x18: {  	v0 =	vadd.f32 v0, v1  }
0x19: {  	s31 =	simm.s32 $0x10  }
0x1a: {  	s13 =	sand.u32 $0x3FF0, s31;
	[tilespmem:s10+$0x0] =	vst v0  }
0x1b: {  	s15 =	simm.s32 $0x20;
	s14 =	simm.s32 $0x7810;
	v0 =	vld [tilespmem:s13+$0xA000];
	s13 =	simm.s32 $0xC800  }
.LBB2_2:
0x1c: {  	p0 =	sne.s32 s15, $0x27F0;
	v1 =	vld [tilespmem:s14+$0x0];
	_ =	sdelay $0x3  }
.Ltmp0:
0x1d: {  	(pc) =	sbr.rel @p0 .LBB2_2-.Ltmp0, $4  }
0x1e: {  	v0 =	vadd.f32 v0, v1  }
0x1f: {  	s13 =	sadd.s32 $0x10, s13  }
0x20: {  	s16 =	sand.u32 $0x3FF0, s15;
	[tilespmem:s13+$0x0] =	vst v0  }
0x21: {  	s15 =	sadd.s32 $0x10, s15;
	s14 =	sadd.s32 $0x10, s14;
	v0 =	vld [tilespmem:s16+$0xA000]  }
0x22: {  	v1 =	vld [tilespmem:s14+$0x0];
	_ =	sdelay $0x4  }
0x23: {  	v0 =	vadd.f32 v0, v1  }
0x24: {  	s13 =	sadd.s32 $0x10, s13  }
0x25: {  	[tilespmem:s13+$0x0] =	vst v0;
	s13 =	simm.s32 $0x0  }
0x26: {  	v0 =	vld [tilespmem:s13+$0x0];
	_ =	sdelay $0x4  }
0x27: {  	v63 =	vld [tilespmem:s13+$0x2800];
	_ =	sdelay $0x2  }
0x28: {  	v0 =	vld.idx.msk [tilespmem:v0+s10+$0x0], $0xffff;
	_ =	sdelay $0x1  }
0x29: {  	v1 =	vmul.f32 $1.442695020e+00, v63;
	_ =	sdelay $0x1  }
0x2a: {  	(erf) = vpow2.f32 v1  }
0x2b: {  	(erf) = vrcp.f32 v0;
	_ =	sdelay $0x3  }
0x2c: {  	s15 =	simm.s32 $0x10;
	s14 =	simm.s32 $0x80  }
.LBB2_4:
0x2d: {  	p0 =	sne.s32 s14, $0x9FC0;
	v0 =	vld [tilespmem:s15+$0x0];
	_ =	sdelay $0x2  }
0x2e: {  	v1 =	vpop (erf)  }
0x2f: {  	v2 =	vpop (erf)  }
0x30: {  	v1 =	vmul.f32 v2, v1  }
0x31: {  	v2 =	vld [tilespmem:s15+$0x2800]  }
0x32: {  	[tilespmem:s13+$0x5000] =	vst v1;
	s13 =	smov.u32 s15  }
0x33: {  	v0 =	vld.idx.msk [tilespmem:v0+s10+$0x0], $0xffff;
	_ =	sdelay $0x2  }
0x34: {  	v1 =	vmul.f32 $1.442695020e+00, v2;
	_ =	sdelay $0x1  }
0x35: {  	(erf) = vpow2.f32 v1  }
.Ltmp1:
0x36: {  	(erf) = vrcp.f32 v0;
	(pc) =	sbr.rel @p0 .LBB2_4-.Ltmp1, $2  }
0x37: {  	_ =	sdelay $0x2  }
0x38: {  	s15 =	sshra.s32 s14, $0x2;
	s14 =	sadd.s32 $0x40, s14  }
0x39: {  	v0 =	vld [tilespmem:s15+$0x0];
	_ =	sdelay $0x2  }
0x3a: {  	v1 =	vpop (erf)  }
0x3b: {  	v2 =	vpop (erf)  }
0x3c: {  	v60 =	vld [tilespmem:s15+$0x2800];
	v1 =	vmul.f32 v2, v1;
	_ =	sdelay $0x1  }
0x3d: {  	[tilespmem:s13+$0x5000] =	vst v1  }
0x3e: {  	v0 =	vld.idx.msk [tilespmem:v0+s10+$0x0], $0xffff;
	_ =	sdelay $0x1  }
0x3f: {  	v61 =	vmul.f32 $1.442695020e+00, v60;
	_ =	sdelay $0x1  }
0x40: {  	(erf) = vpow2.f32 v61  }
0x41: {  	(erf) = vrcp.f32 v0;
	_ =	sdelay $0x7  }
0x42: {  	v62 =	vpop (erf)  }
0x43: {  	v63 =	vpop (erf)  }
0x44: {  	s12 =	sadd.s32 $0x1, s12;
	v0 =	vmul.f32 v63, v62  }
0x45: {  	p0 =	sne.s32 s12, s7  }
.Ltmp2:
0x46: {  	[tilespmem:s15+$0x5000] =	vst v0;
	(pc) =	sbr.rel @p0 .LBB2_1-.Ltmp2, $4  }
0x47: {  	[hbm4b:s6+s3] =	stream.linear.scatter [tilespmem:s11], [sflag:$0x1], $0x2800, $0x38;
	[tilespmem:$0xF000] =	vst v63  }
0x48: {  	_ =	swait.ge [sflag:s8], $0x2800  }
0x49: {  	[sflag:s8] =	ssyncset.done $0x0  }
0x4a: {  	[sflag:s8] =	ssyncadd.s32 $0xFFFFD800  }
0x4b: {  	_ =	sfence.sel $0x180000  }
0x4c: {  	[bflag:$0x0] =	sbarrier.arrive $0xFFFF  }
0x4d: {  	p0 =	sne.s32 s1, $0x0;
	_ =	strace $0x90000056  }
0x4e: {  	s0 =	sadd.s32 @!p0 $0x100000, s0;
	[bflag:$0x2] =	sbarrier.arrive $0xFFFF  }
0x4f: {  	[sflag:s0] =	ssyncadd.tile.s32 @!p0 $0x1;
	_ =	shalt  }
.Lfunc_end2:
_tile_overlayer_lowered:
.L_overlay_start_2:
0x50: {  	(tag) =	ssettag $0x2  }
0x51: {  	s0 =	rddreg [dreg:$0x0];
	s2 =	stileid.u32  }
0x52: {  	s1 =	rddreg [dreg:$0x1];
	p0 =	sne.s32 s2, $0x0  }
0x53: {  	s3 =	rddreg [dreg:$0x2];
	[bflag:$0x3] =	sbarrier.arrive $0xFFFF;
	s2 =	simm.s32 @!p0 $0x1C01  }
0x54: {  	[timem:s3], [sflag:s2] =	dma.local @!p0 [hbm:s0], s1  }
0x55: {  	s0 =	simm.s32 @!p0 $0x1  }
0x56: {  	_ =	swait.ge @!p0 [sflag:s0], s1  }
0x57: {  	s1 =	ssub.s32 @!p0 $0x0, s1;
	[sflag:s0] =	ssyncset.done @!p0 $0x0  }
0x58: {  	[sflag:s0] =	ssyncadd.s32 @!p0 s1  }
0x59: {  	[bflag:$0x3] =	sbarrier.arrive $0xFFFF  }
0x5a: {  	_ =	shalt  }

</sc_bundles>
